<compile_context>
chip_gen: v7x
topology: tpu7x:2x2x1
jax: 0.10.2.dev20260603
libtpu: 0.0.44.dev20260713+nightly
codegen_flags: <defaults>
</compile_context>

<pallas_src>
import functools

import jax
import jax.numpy as jnp
from jax.experimental import pallas as pl
from jax.experimental.pallas import tpu as pltpu
from jax.experimental.pallas import tpu_sc as plsc

N = 2048
E = 131072
NW = 32
ROWS_PER_W = N // NW
PASS_ROWS = ROWS_PER_W // 2
PASS_WORDS = PASS_ROWS * N
ECHUNK = 8192
BLK = 256
NBLK = N // BLK


NCHUNK = E // ECHUNK
UNROLL = 16


def _sc_counts_body(src_hbm, dst_hbm, c_hbm,
                    cblk, sbuf0, dbuf0, sbuf1, dbuf1, sem0, sem1):
    wid = jax.lax.axis_index("s") * 2 + jax.lax.axis_index("c")
    zeros16 = jnp.zeros((16,), jnp.float32)
    ones16 = jnp.ones((16,), jnp.float32)

    def start(c, sbuf, dbuf, sem):
        off = c * ECHUNK
        pltpu.make_async_copy(src_hbm.at[pl.ds(off, ECHUNK)], sbuf, sem).start()
        pltpu.make_async_copy(dst_hbm.at[pl.ds(off, ECHUNK)], dbuf, sem).start()

    def wait(sbuf, dbuf, sem):
        pltpu.make_async_copy(src_hbm.at[pl.ds(0, ECHUNK)], sbuf, sem).wait()
        pltpu.make_async_copy(dst_hbm.at[pl.ds(0, ECHUNK)], dbuf, sem).wait()

    for p in range(2):
        base = wid * ROWS_PER_W + p * PASS_ROWS
        start(0, sbuf0, dbuf0, sem0)

        def zbody(r, _):
            for u in range(N // (16 * UNROLL)):
                for v in range(UNROLL):
                    cblk[pl.ds(r * N + (u * UNROLL + v) * 16, 16)] = zeros16
            return 0

        jax.lax.fori_loop(0, PASS_ROWS, zbody, 0)

        def process(sbuf, dbuf):
            def ibody(j, _):
                idxs = []
                msks = []
                for u in range(UNROLL):
                    sl = pl.ds(j * (16 * UNROLL) + u * 16, 16)
                    d = dbuf[sl]
                    s = sbuf[sl]
                    rel = d - base
                    msks.append(rel.astype(jnp.uint32) < jnp.uint32(PASS_ROWS))
                    idxs.append((rel << 11) + s)
                for u in range(UNROLL):
                    plsc.addupdate_scatter(cblk, [idxs[u]], ones16,
                                           mask=msks[u])
                return 0

            jax.lax.fori_loop(0, ECHUNK // (16 * UNROLL), ibody, 0)

        def cbody(i, _):
            c = i * 2
            start(c + 1, sbuf1, dbuf1, sem1)
            wait(sbuf0, dbuf0, sem0)
            process(sbuf0, dbuf0)

            @pl.when(c + 2 < NCHUNK)
            def _():
                start(c + 2, sbuf0, dbuf0, sem0)

            wait(sbuf1, dbuf1, sem1)
            process(sbuf1, dbuf1)
            return 0

        jax.lax.fori_loop(0, NCHUNK // 2, cbody, 0)
        pltpu.sync_copy(cblk, c_hbm.at[pl.ds(base * N, PASS_WORDS)])


@functools.lru_cache(maxsize=1)
def _sc_counts():
    return pl.kernel(
        _sc_counts_body,
        out_type=jax.ShapeDtypeStruct((N * N,), jnp.float32),
        mesh=plsc.VectorSubcoreMesh(
            core_axis_name="c", subcore_axis_name="s",
            num_cores=2, num_subcores=16,
        ),
        scratch_types=[
            pltpu.VMEM((PASS_WORDS,), jnp.float32),
            pltpu.VMEM((ECHUNK,), jnp.int32),
            pltpu.VMEM((ECHUNK,), jnp.int32),
            pltpu.VMEM((ECHUNK,), jnp.int32),
            pltpu.VMEM((ECHUNK,), jnp.int32),
            pltpu.SemaphoreType.DMA,
            pltpu.SemaphoreType.DMA,
        ],
        compiler_params=pltpu.CompilerParams(needs_layout_passes=False),
    )




def _b16(x):
    return x.astype(jnp.bfloat16)


def _r16(x):
    return x.astype(jnp.bfloat16).astype(jnp.float32)


def _mm(a, b):
    return jax.lax.dot_general(
        a, b, (((1,), (0,)), ((), ())),
        preferred_element_type=jnp.float32,
    )


def _mmT(a, b):
    return jax.lax.dot_general(
        a, b, (((1,), (1,)), ((), ())),
        preferred_element_type=jnp.float32,
    )


def _mmd(a, b):
    return _mm(_b16(a), _b16(b))


def _mmdT(a, b):
    return _mmT(_b16(a), _b16(b))




def _split16(x):
    hi = _b16(x)
    lo = _b16(x - hi.astype(jnp.float32))
    return hi, lo


def _mmx(a, b):
    ah, al = _split16(a)
    bh, bl = _split16(b)
    return _mm(ah, bh) + (_mm(ah, bl) + _mm(al, bh))


def _mmxT(a, b):
    ah, al = _split16(a)
    bh, bl = _split16(b)
    return _mmT(ah, bh) + (_mmT(ah, bl) + _mmT(al, bh))


def _lnv(x, g, b):
    m = jnp.mean(x, axis=-1, keepdims=True)
    v = jnp.mean((x - m) ** 2, axis=-1, keepdims=True)
    return (x - m) / jnp.sqrt(v + 1e-5) * g + b


def _relu(x):
    return jnp.maximum(x, 0.0)


def _tc_body(*refs):
    (coords, amask, speeds, dist, ttg, C,
     te_W, te_b, te_g, te_be,
     gte_W, gte_b, gte_g, gte_be,
     res0_W, res0_b,
     Wq0, bq0, Wk0, bk0, Wv0, bv0, Ws0, bs0,
     Wq1, bq1, Wk1, bk1, Wv1, bv1, Ws1, bs1,
     Wq2, bq2, Wk2, bk2, Wv2, bv2, Ws2, bs2,
     Wq3, bq3, Wk3, bk3, Wv3, bv3, Ws3, bs3,
     gff_W, gff_b, gff_g, gff_be,
     gout_W, gout_b,
     aWq, abq, aWk, abk, aWv, abv, aWo, abo,
     ff_W, ff_b, ff_g, ff_be,
     as_W, as_b, as_g, as_be,
     ao_W, ao_b,
     cr_W1, cr_b1, cr_g, cr_be,
     cr_W2, cr_b2,
     logits, values,
     cur_a, cur_b, q_s, k_s, v_s, sf_s, res_s, ctx_s, act_s) = refs

    tev = _lnv(
        _relu(_r16(ttg[...]) * _r16(te_W[0:1, :]) + te_b[...]),
        te_g[...], te_be[...],
    )
    combined = jnp.concatenate(
        [coords[...], amask[...], speeds[...], dist[...], ttg[...], tev], axis=1
    )
    tfeat = _lnv(
        _relu(_mmd(tev[:, 61:64], gte_W[...]) + gte_b[...]),
        gte_g[...], gte_be[...],
    )

    def gnn_layer(cur_val, res_ref, nxt_ref, Wq, bq, Wk, bk, Wv, bv, Ws, bs):
        q_s[...] = _mmd(cur_val, Wq[...]) + bq[...]
        k_s[...] = _mmd(cur_val, Wk[...]) + bk[...]
        v_s[...] = _mmd(cur_val, Wv[...]) + bv[...]
        sf_s[...] = _mmd(cur_val, Ws[...]) + bs[...]

        def blk(b, _):
            sl = pl.ds(b * BLK, BLK)
            L = _mmxT(q_s[sl, :], k_s[...]) * 0.125
            Cb = C[sl, :]
            msk = Cb > 0.0
            m = jnp.max(jnp.where(msk, L, -1e30), axis=1, keepdims=True)
            m = jnp.where(m < -9e29, 0.0, m)
            e = Cb * jnp.exp(jnp.minimum(L - m, 0.0))
            ssum = jnp.sum(e, axis=1, keepdims=True) + 1e-16
            agg = _mmx(e, v_s[...]) * (1.0 / ssum)
            nxt_ref[sl, :] = _relu(agg + sf_s[sl, :]) + res_ref[sl, :]
            return 0

        jax.lax.fori_loop(0, NBLK, blk, 0)

    res_s[...] = _mmd(combined, res0_W[...]) + res0_b[...]
    gnn_layer(combined, res_s, cur_b, Wq0, bq0, Wk0, bk0, Wv0, bv0, Ws0, bs0)
    gnn_layer(cur_b[...], cur_b, cur_a, Wq1, bq1, Wk1, bk1, Wv1, bv1, Ws1, bs1)
    gnn_layer(cur_a[...], cur_a, cur_b, Wq2, bq2, Wk2, bk2, Wv2, bv2, Ws2, bs2)
    gnn_layer(cur_b[...], cur_b, cur_a, Wq3, bq3, Wk3, bk3, Wv3, bv3, Ws3, bs3)

    comb2 = jnp.concatenate([cur_a[...], tfeat], axis=1)
    fusedg = _lnv(
        _relu(_mmd(comb2, gff_W[...]) + gff_b[...]), gff_g[...], gff_be[...]
    )
    gnn_out = _mmd(fusedg, gout_W[...]) + gout_b[...]

    q_s[...] = _mmd(tev, aWq[...]) + abq[...]
    k_s[...] = _mmd(tev, aWk[...]) + abk[...]
    v_s[...] = _mmd(tev, aWv[...]) + abv[...]

    def ablk(b, _):
        sl = pl.ds(b * BLK, BLK)
        S = _mmdT(q_s[sl, :], k_s[...]) * 0.125
        m = jnp.max(S, axis=1, keepdims=True)
        e = jnp.exp(S - m)
        ctx_s[sl, :] = _mmd(e * (1.0 / jnp.sum(e, axis=1, keepdims=True)), v_s[...])
        return 0

    jax.lax.fori_loop(0, NBLK, ablk, 0)
    tctx = _mmd(ctx_s[...], aWo[...]) + abo[...]

    fused = _lnv(
        _relu(
            _mmd(jnp.concatenate([gnn_out, tev, tctx], axis=1), ff_W[...])
            + ff_b[...]
        ),
        ff_g[...], ff_be[...],
    )
    act_s[...] = _lnv(
        _relu(_mmd(fused, as_W[...]) + as_b[...]), as_g[...], as_be[...]
    )

    def lblk(b, _):
        sl = pl.ds(b * BLK, BLK)
        logits[sl, :] = _mmd(act_s[sl, :], ao_W[...]) + ao_b[...]
        return 0

    jax.lax.fori_loop(0, NBLK, lblk, 0)

    h = _lnv(
        _relu(_mmd(fused, cr_W1[...]) + cr_b1[...]), cr_g[...], cr_be[...]
    )
    values[...] = _mmd(h, cr_W2[...]) + cr_b2[...]


_TC_SCRATCH = [
    pltpu.VMEM((N, 64), jnp.float32),
    pltpu.VMEM((N, 64), jnp.float32),
    pltpu.VMEM((N, 64), jnp.float32),
    pltpu.VMEM((N, 64), jnp.float32),
    pltpu.VMEM((N, 64), jnp.float32),
    pltpu.VMEM((N, 64), jnp.float32),
    pltpu.VMEM((N, 64), jnp.float32),
    pltpu.VMEM((N, 64), jnp.float32),
    pltpu.VMEM((N, 128), jnp.float32),
]

_TC_OUT = [
    jax.ShapeDtypeStruct((N, N), jnp.float32),
    jax.ShapeDtypeStruct((N, 1), jnp.float32),
]


def _tc_args(coords, amask_f, speeds, dist, ttg, C, p):
    col = lambda v: v.reshape(N, 1)
    row = lambda v: v.reshape(1, -1)
    args = [coords, col(amask_f), col(speeds), col(dist), col(ttg), C,
            p["te_W"], row(p["te_b"]), row(p["te_g"]), row(p["te_beta"]),
            p["gte_W"], row(p["gte_b"]), row(p["gte_g"]), row(p["gte_beta"]),
            p["res0_W"], row(p["res0_b"])]
    for l in range(4):
        args += [p["conv_Wq"][l], row(p["conv_bq"][l]),
                 p["conv_Wk"][l], row(p["conv_bk"][l]),
                 p["conv_Wv"][l], row(p["conv_bv"][l]),
                 p["conv_Ws"][l], row(p["conv_bs"][l])]
    args += [p["gff_W"], row(p["gff_b"]), row(p["gff_g"]), row(p["gff_beta"]),
             p["gout_W"], row(p["gout_b"]),
             p["att_Wq"], row(p["att_bq"]), p["att_Wk"], row(p["att_bk"]),
             p["att_Wv"], row(p["att_bv"]), p["att_Wo"], row(p["att_bo"]),
             p["ff_W"], row(p["ff_b"]), row(p["ff_g"]), row(p["ff_beta"]),
             p["as_W"], row(p["as_b"]), row(p["as_g"]), row(p["as_beta"]),
             p["ao_W"], row(p["ao_b"]),
             p["cr_W1"], row(p["cr_b1"]), row(p["cr_g"]), row(p["cr_beta"]),
             p["cr_W2"], row(p["cr_b2"])]
    return args


_tc_forward = pl.pallas_call(
    _tc_body,
    out_shape=_TC_OUT,
    scratch_shapes=_TC_SCRATCH,
    compiler_params=pltpu.CompilerParams(
        vmem_limit_bytes=100 * 1024 * 1024
    ),
)


def kernel(mission_coords, edge_index, batch, uavs_info, action_mask,
           speeds, dist_matrix, timetogo_matrix, params):
    src = edge_index[0]
    dst = edge_index[1]
    C = _sc_counts()(src, dst).reshape(N, N)
    args = _tc_args(
        mission_coords, action_mask.astype(jnp.float32), speeds,
        dist_matrix, timetogo_matrix, C, params,
    )
    logits, values = _tc_forward(*args)
    return logits, values[:, 0]

# --- scband reference (transcript-rebuilt; emitter-appended) ---
"""Pipeline reference for scband-improved-actor-critic-network-10385230922203 (READ-ONLY COPY).

The authoritative reference and input builder live on the scoring server;
editing this copy changes nothing except your own understanding.
"""

import jax, jax.numpy as jnp
import numpy as np

EMBED = 64
HIDDEN = 64
NUM_LAYERS = 4
N_NODES = 2048
N_EDGES = 131072
NUM_MISSIONS = 2048
ACTOR_HIDDEN = 128
CRITIC_HIDDEN = 128
IN_CH = 6 + EMBED


def setup_inputs(seed: int = 0):
    key = jax.random.key(seed)
    ks = list(jax.random.split(key, 80))

    def nk():
        return ks.pop()

    def lin(fi, fo):
        return 0.02 * jax.random.normal(nk(), (fi, fo), dtype=jnp.float32)

    def zeros(n):
        return jnp.zeros((n,), dtype=jnp.float32)

    def ones(n):
        return jnp.ones((n,), dtype=jnp.float32)

    inp = {}
    inp["mission_coords"] = jax.random.uniform(nk(), (N_NODES, 2), dtype=jnp.float32)
    inp["edge_index"] = jax.random.randint(nk(), (2, N_EDGES), 0, N_NODES, dtype=jnp.int32)
    inp["batch"] = jnp.zeros((N_NODES,), dtype=jnp.int32)
    inp["uavs_info"] = jax.random.normal(nk(), (16, 3), dtype=jnp.float32)
    inp["action_mask"] = jax.random.randint(nk(), (N_NODES,), 0, 2, dtype=jnp.int32).astype(bool)
    inp["speeds"] = jax.random.uniform(nk(), (N_NODES,), dtype=jnp.float32)
    inp["dist_matrix"] = jax.random.uniform(nk(), (N_NODES,), dtype=jnp.float32)
    inp["timetogo_matrix"] = jax.random.uniform(nk(), (N_NODES,), dtype=jnp.float32)
    p = {}
    p["te_W"], p["te_b"], p["te_g"], p["te_beta"] = lin(3, EMBED), zeros(EMBED), ones(EMBED), zeros(EMBED)
    p["gte_W"], p["gte_b"], p["gte_g"], p["gte_beta"] = lin(3, HIDDEN), zeros(HIDDEN), ones(HIDDEN), zeros(HIDDEN)
    p["gsp_W"], p["gsp_b"], p["gsp_g"], p["gsp_beta"] = lin(2, HIDDEN), zeros(HIDDEN), ones(HIDDEN), zeros(HIDDEN)
    p["conv_Wq"], p["conv_bq"] = [], []
    p["conv_Wk"], p["conv_bk"] = [], []
    p["conv_Wv"], p["conv_bv"] = [], []
    p["conv_Ws"], p["conv_bs"] = [], []
    for l in range(NUM_LAYERS):
        fi = IN_CH if l == 0 else HIDDEN
        p["conv_Wq"].append(lin(fi, HIDDEN)); p["conv_bq"].append(zeros(HIDDEN))
        p["conv_Wk"].append(lin(fi, HIDDEN)); p["conv_bk"].append(zeros(HIDDEN))
        p["conv_Wv"].append(lin(fi, HIDDEN)); p["conv_bv"].append(zeros(HIDDEN))
        p["conv_Ws"].append(lin(fi, HIDDEN)); p["conv_bs"].append(zeros(HIDDEN))
    p["res0_W"], p["res0_b"] = lin(IN_CH, HIDDEN), zeros(HIDDEN)
    p["gff_W"], p["gff_b"], p["gff_g"], p["gff_beta"] = lin(2 * HIDDEN, HIDDEN), zeros(HIDDEN), ones(HIDDEN), zeros(HIDDEN)
    p["gout_W"], p["gout_b"] = lin(HIDDEN, EMBED), zeros(EMBED)
    p["att_Wq"], p["att_bq"] = lin(EMBED, EMBED), zeros(EMBED)
    p["att_Wk"], p["att_bk"] = lin(EMBED, EMBED), zeros(EMBED)
    p["att_Wv"], p["att_bv"] = lin(EMBED, EMBED), zeros(EMBED)
    p["att_Wo"], p["att_bo"] = lin(EMBED, EMBED), zeros(EMBED)
    p["ff_W"], p["ff_b"], p["ff_g"], p["ff_beta"] = lin(3 * EMBED, EMBED), zeros(EMBED), ones(EMBED), zeros(EMBED)
    p["as_W"], p["as_b"], p["as_g"], p["as_beta"] = lin(EMBED, ACTOR_HIDDEN), zeros(ACTOR_HIDDEN), ones(ACTOR_HIDDEN), zeros(ACTOR_HIDDEN)
    p["ao_W"], p["ao_b"] = lin(ACTOR_HIDDEN, NUM_MISSIONS), zeros(NUM_MISSIONS)
    p["cr_W1"], p["cr_b1"], p["cr_g"], p["cr_beta"] = lin(EMBED, CRITIC_HIDDEN), zeros(CRITIC_HIDDEN), ones(CRITIC_HIDDEN), zeros(CRITIC_HIDDEN)
    p["cr_W2"], p["cr_b2"] = lin(CRITIC_HIDDEN, 1), zeros(1)
    inp["params"] = p
    return inp


def _ln(x, g, b):
    m = jnp.mean(x, axis=-1, keepdims=True)
    v = jnp.mean((x - m) ** 2, axis=-1, keepdims=True)
    return (x - m) / jnp.sqrt(v + 1e-5) * g + b


def _gnn(x, src, dst, p):
    n = x.shape[0]
    t = _ln(jax.nn.relu(x[:, -3:] @ p["gte_W"] + p["gte_b"]), p["gte_g"], p["gte_beta"])
    sp = _ln(jax.nn.relu(x[:, :2] @ p["gsp_W"] + p["gsp_b"]), p["gsp_g"], p["gsp_beta"])  # computed but unused, as in torch
    cur = x
    for l in range(NUM_LAYERS):
        if l == 0:
            res = cur @ p["res0_W"] + p["res0_b"]
        else:
            res = cur
        q = cur @ p["conv_Wq"][l] + p["conv_bq"][l]
        k = cur @ p["conv_Wk"][l] + p["conv_bk"][l]
        v = cur @ p["conv_Wv"][l] + p["conv_bv"][l]
        logit = jnp.sum(q[dst] * k[src], axis=-1) / jnp.sqrt(float(HIDDEN))
        m = jax.ops.segment_max(logit, dst, num_segments=n)
        e = jnp.exp(logit - m[dst])
        s = jax.ops.segment_sum(e, dst, num_segments=n)
        a = e / (s[dst] + 1e-16)
        agg = jax.ops.segment_sum(a[:, None] * v[src], dst, num_segments=n)
        out = agg + cur @ p["conv_Ws"][l] + p["conv_bs"][l]
        cur = jax.nn.relu(out) + res
    comb = jnp.concatenate([cur, t], axis=-1)
    fused = _ln(jax.nn.relu(comb @ p["gff_W"] + p["gff_b"]), p["gff_g"], p["gff_beta"])
    return fused @ p["gout_W"] + p["gout_b"]


def _forward(mission_coords, edge_index, batch, uavs_info, action_mask, speeds, dist_matrix, timetogo_matrix, params):
    p = params
    ttg = timetogo_matrix[:, None]
    tf = jnp.concatenate([ttg, jnp.zeros_like(ttg), jnp.zeros_like(ttg)], axis=-1)
    te = _ln(jax.nn.relu(tf @ p["te_W"] + p["te_b"]), p["te_g"], p["te_beta"])
    combined = jnp.concatenate([
        mission_coords,
        action_mask.astype(jnp.float32)[:, None],
        speeds[:, None],
        dist_matrix[:, None],
        ttg,
        te,
    ], axis=-1)
    gnn_out = _gnn(combined, edge_index[0], edge_index[1], p)
    q = te @ p["att_Wq"] + p["att_bq"]
    k = te @ p["att_Wk"] + p["att_bk"]
    v = te @ p["att_Wv"] + p["att_bv"]
    scores = q @ k.T / jnp.sqrt(float(EMBED))
    attn = jax.nn.softmax(scores, axis=-1)
    time_context = (attn @ v) @ p["att_Wo"] + p["att_bo"]
    fused = _ln(jax.nn.relu(jnp.concatenate([gnn_out, te, time_context], axis=-1) @ p["ff_W"] + p["ff_b"]), p["ff_g"], p["ff_beta"])
    actor = _ln(jax.nn.relu(fused @ p["as_W"] + p["as_b"]), p["as_g"], p["as_beta"])
    logits = actor @ p["ao_W"] + p["ao_b"]
    h = _ln(jax.nn.relu(fused @ p["cr_W1"] + p["cr_b1"]), p["cr_g"], p["cr_beta"])
    values = (h @ p["cr_W2"] + p["cr_b2"])[:, 0]
    return (logits, values)


def reference(mission_coords, edge_index, batch, uavs_info, action_mask, speeds, dist_matrix, timetogo_matrix, params):
    return _forward(mission_coords, edge_index, batch, uavs_info, action_mask, speeds, dist_matrix, timetogo_matrix, params)

if __name__ == "__main__":
    import jax
    _d = setup_inputs()
    print(jax.jit(kernel)(*tuple(_d.values())))

</pallas_src>

<mosaic_0001>
#map = affine_map<(d0, d1) -> (0)>
module attributes {stable_mosaic.version = 14 : i64} {
  func.func @_sc_counts_body(%arg0: i32, %arg1: i32, %arg2: memref<131072xi32, #tpu.memory_space<hbm>>, %arg3: memref<131072xi32, #tpu.memory_space<hbm>>, %arg4: memref<4194304xf32, #tpu.memory_space<hbm>>, %arg5: memref<65536xf32, #tpu.memory_space<vmem>>, %arg6: memref<8192xi32, #tpu.memory_space<vmem>>, %arg7: memref<8192xi32, #tpu.memory_space<vmem>>, %arg8: memref<8192xi32, #tpu.memory_space<vmem>>, %arg9: memref<8192xi32, #tpu.memory_space<vmem>>, %arg10: memref<!tpu.dma_semaphore, #tpu.memory_space<semaphore_mem>>, %arg11: memref<!tpu.dma_semaphore, #tpu.memory_space<semaphore_mem>>) attributes {dimension_semantics = [#tpu.dimension_semantics<core_parallel>, #tpu.dimension_semantics<subcore_parallel>], iteration_bounds = array<i64: 2, 16>, scalar_prefetch = 0 : i64, scratch_operands = 7 : i64, tpu.core_type = #tpu.core_type<sc_vector_subcore>, window_params = [{transform_indices = #map}, {transform_indices = #map}, {transform_indices = #map}]} {
    %mul3A = arith.constant 2 : i32
    %mul3A_0 = arith.muli %arg1, %mul3A : i32
    %add3A = arith.addi %mul3A_0, %arg0 : i32
    %broadcast_in_dim3A = arith.constant 0.000000e+00 : f32
    %broadcast_in_dim3A_1 = vector.broadcast %broadcast_in_dim3A : f32 to vector<16xf32>
    %broadcast_in_dim3A_2 = arith.constant 1.000000e+00 : f32
    %broadcast_in_dim3A_3 = vector.broadcast %broadcast_in_dim3A_2 : f32 to vector<16xf32>
    %mul3A_4 = arith.constant 64 : i32
    %mul3A_5 = arith.muli %add3A, %mul3A_4 : i32
    %add3A_6 = arith.constant 0 : i32
    %add3A_7 = arith.addi %mul3A_5, %add3A_6 : i32
    %dma_start3A = arith.constant 0 : i32
    %dma_start3A_8 = tpu.memref_slice %arg2[%dma_start3A] : memref<131072xi32, #tpu.memory_space<hbm>> -> memref<8192xi32, #tpu.memory_space<hbm>>
    %dma_start3A_9 = arith.constant 0 : i32
    %dma_start3A_10 = tpu.memref_slice %arg2[%dma_start3A_9] : memref<131072xi32, #tpu.memory_space<hbm>> -> memref<8192xi32, #tpu.memory_space<hbm>>
    tpu.enqueue_dma source(%dma_start3A_10 : memref<8192xi32, #tpu.memory_space<hbm>>) target(%arg6 : memref<8192xi32, #tpu.memory_space<vmem>>) target_semaphore(%arg10 : memref<!tpu.dma_semaphore, #tpu.memory_space<semaphore_mem>>)
    %dma_start3A_11 = arith.constant 0 : i32
    %dma_start3A_12 = tpu.memref_slice %arg3[%dma_start3A_11] : memref<131072xi32, #tpu.memory_space<hbm>> -> memref<8192xi32, #tpu.memory_space<hbm>>
    %dma_start3A_13 = arith.constant 0 : i32
    %dma_start3A_14 = tpu.memref_slice %arg3[%dma_start3A_13] : memref<131072xi32, #tpu.memory_space<hbm>> -> memref<8192xi32, #tpu.memory_space<hbm>>
    tpu.enqueue_dma source(%dma_start3A_14 : memref<8192xi32, #tpu.memory_space<hbm>>) target(%arg7 : memref<8192xi32, #tpu.memory_space<vmem>>) target_semaphore(%arg10 : memref<!tpu.dma_semaphore, #tpu.memory_space<semaphore_mem>>)
    %scan3A = arith.constant 0 : i32
    %scan3A_15 = arith.constant 0 : i32
    %scan3A_16 = arith.constant 32 : i32
    %scan3A_17 = arith.addi %scan3A_15, %scan3A_16 : i32
    %scan3A_18 = arith.constant 1 : i32
    %scan3A_19 = scf.for %scan3A_58 = %scan3A_15 to %scan3A_17 step %scan3A_18 iter_args(%scan3A_59 = %scan3A) -> (i32)  : i32 {
      %mul3A_60 = arith.constant 2048 : i32
      %mul3A_61 = arith.muli %scan3A_58, %mul3A_60 : i32
      %add3A_62 = arith.constant 0 : i32
      %add3A_63 = arith.addi %mul3A_61, %add3A_62 : i32
      %swap3A = arith.index_cast %add3A_63 : i32 to index
      %swap3A_64 = tpu.vector_load %arg5[%swap3A] {strides = array<i32>} : memref<65536xf32, #tpu.memory_space<vmem>>, vector<16xf32>,
      tpu.vector_store %arg5[%swap3A], %broadcast_in_dim3A_1 {strides = array<i32>} : memref<65536xf32, #tpu.memory_space<vmem>>, vector<16xf32>,
      %mul3A_65 = arith.constant 2048 : i32
      %mul3A_66 = arith.muli %scan3A_58, %mul3A_65 : i32
      %add3A_67 = arith.constant 16 : i32
      %add3A_68 = arith.addi %mul3A_66, %add3A_67 : i32
      %swap3A_69 = arith.index_cast %add3A_68 : i32 to index
      %swap3A_70 = tpu.vector_load %arg5[%swap3A_69] {strides = array<i32>} : memref<65536xf32, #tpu.memory_space<vmem>>, vector<16xf32>,
      tpu.vector_store %arg5[%swap3A_69], %broadcast_in_dim3A_1 {strides = array<i32>} : memref<65536xf32, #tpu.memory_space<vmem>>, vector<16xf32>,
      %mul3A_71 = arith.constant 2048 : i32
      %mul3A_72 = arith.muli %scan3A_58, %mul3A_71 : i32
      %add3A_73 = arith.constant 32 : i32
      %add3A_74 = arith.addi %mul3A_72, %add3A_73 : i32
      %swap3A_75 = arith.index_cast %add3A_74 : i32 to index
      %swap3A_76 = tpu.vector_load %arg5[%swap3A_75] {strides = array<i32>} : memref<65536xf32, #tpu.memory_space<vmem>>, vector<16xf32>,
      tpu.vector_store %arg5[%swap3A_75], %broadcast_in_dim3A_1 {strides = array<i32>} : memref<65536xf32, #tpu.memory_space<vmem>>, vector<16xf32>,
      %mul3A_77 = arith.constant 2048 : i32
      %mul3A_78 = arith.muli %scan3A_58, %mul3A_77 : i32
      %add3A_79 = arith.constant 48 : i32
      %add3A_80 = arith.addi %mul3A_78, %add3A_79 : i32
      %swap3A_81 = arith.index_cast %add3A_80 : i32 to index
      %swap3A_82 = tpu.vector_load %arg5[%swap3A_81] {strides = array<i32>} : memref<65536xf32, #tpu.memory_space<vmem>>, vector<16xf32>,
      tpu.vector_store %arg5[%swap3A_81], %broadcast_in_dim3A_1 {strides = array<i32>} : memref<65536xf32, #tpu.memory_space<vmem>>, vector<16xf32>,
      %mul3A_83 = arith.constant 2048 : i32
      %mul3A_84 = arith.muli %scan3A_58, %mul3A_83 : i32
      %add3A_85 = arith.constant 64 : i32
      %add3A_86 = arith.addi %mul3A_84, %add3A_85 : i32
      %swap3A_87 = arith.index_cast %add3A_86 : i32 to index
      %swap3A_88 = tpu.vector_load %arg5[%swap3A_87] {strides = array<i32>} : memref<65536xf32, #tpu.memory_space<vmem>>, vector<16xf32>,
      tpu.vector_store %arg5[%swap3A_87], %broadcast_in_dim3A_1 {strides = array<i32>} : memref<65536xf32, #tpu.memory_space<vmem>>, vector<16xf32>,
      %mul3A_89 = arith.constant 2048 : i32
      %mul3A_90 = arith.muli %scan3A_58, %mul3A_89 : i32
      %add3A_91 = arith.constant 80 : i32
      %add3A_92 = arith.addi %mul3A_90, %add3A_91 : i32
      %swap3A_93 = arith.index_cast %add3A_92 : i32 to index
      %swap3A_94 = tpu.vector_load %arg5[%swap3A_93] {strides = array<i32>} : memref<65536xf32, #tpu.memory_space<vmem>>, vector<16xf32>,
      tpu.vector_store %arg5[%swap3A_93], %broadcast_in_dim3A_1 {strides = array<i32>} : memref<65536xf32, #tpu.memory_space<vmem>>, vector<16xf32>,
      %mul3A_95 = arith.constant 2048 : i32
      %mul3A_96 = arith.muli %scan3A_58, %mul3A_95 : i32
      %add3A_97 = arith.constant 96 : i32
      %add3A_98 = arith.addi %mul3A_96, %add3A_97 : i32
      %swap3A_99 = arith.index_cast %add3A_98 : i32 to index
      %swap3A_100 = tpu.vector_load %arg5[%swap3A_99] {strides = array<i32>} : memref<65536xf32, #tpu.memory_space<vmem>>, vector<16xf32>,
      tpu.vector_store %arg5[%swap3A_99], %broadcast_in_dim3A_1 {strides = array<i32>} : memref<65536xf32, #tpu.memory_space<vmem>>, vector<16xf32>,
      %mul3A_101 = arith.constant 2048 : i32
      %mul3A_102 = arith.muli %scan3A_58, %mul3A_101 : i32
      %add3A_103 = arith.constant 112 : i32
      %add3A_104 = arith.addi %mul3A_102, %add3A_103 : i32
      %swap3A_105 = arith.index_cast %add3A_104 : i32 to index
      %swap3A_106 = tpu.vector_load %arg5[%swap3A_105] {strides = array<i32>} : memref<65536xf32, #tpu.memory_space<vmem>>, vector<16xf32>,
      tpu.vector_store %arg5[%swap3A_105], %broadcast_in_dim3A_1 {strides = array<i32>} : memref<65536xf32, #tpu.memory_space<vmem>>, vector<16xf32>,
      %mul3A_107 = arith.constant 2048 : i32
      %mul3A_108 = arith.muli %scan3A_58, %mul3A_107 : i32
      %add3A_109 = arith.constant 128 : i32
      %add3A_110 = arith.addi %mul3A_108, %add3A_109 : i32
      %swap3A_111 = arith.index_cast %add3A_110 : i32 to index
      %swap3A_112 = tpu.vector_load %arg5[%swap3A_111] {strides = array<i32>} : memref<65536xf32, #tpu.memory_space<vmem>>, vector<16xf32>,
      tpu.vector_store %arg5[%swap3A_111], %broadcast_in_dim3A_1 {strides = array<i32>} : memref<65536xf32, #tpu.memory_space<vmem>>, vector<16xf32>,
      %mul3A_113 = arith.constant 2048 : i32
      %mul3A_114 = arith.muli %scan3A_58, %mul3A_113 : i32
      %add3A_115 = arith.constant 144 : i32
      %add3A_116 = arith.addi %mul3A_114, %add3A_115 : i32
      %swap3A_117 = arith.index_cast %add3A_116 : i32 to index
      %swap3A_118 = tpu.vector_load %arg5[%swap3A_117] {strides = array<i32>} : memref<65536xf32, #tpu.memory_space<vmem>>, vector<16xf32>,
      tpu.vector_store %arg5[%swap3A_117], %broadcast_in_dim3A_1 {strides = array<i32>} : memref<65536xf32, #tpu.memory_space<vmem>>, vector<16xf32>,
      %mul3A_119 = arith.constant 2048 : i32
      %mul3A_120 = arith.muli %scan3A_58, %mul3A_119 : i32
      %add3A_121 = arith.constant 160 : i32
      %add3A_122 = arith.addi %mul3A_120, %add3A_121 : i32
      %swap3A_123 = arith.index_cast %add3A_122 : i32 to index
      %swap3A_124 = tpu.vector_load %arg5[%swap3A_123] {strides = array<i32>} : memref<65536xf32, #tpu.memory_space<vmem>>, vector<16xf32>,
      tpu.vector_store %arg5[%swap3A_123], %broadcast_in_dim3A_1 {strides = array<i32>} : memref<65536xf32, #tpu.memory_space<vmem>>, vector<16xf32>,
      %mul3A_125 = arith.constant 2048 : i32
      %mul3A_126 = arith.muli %scan3A_58, %mul3A_125 : i32
      %add3A_127 = arith.constant 176 : i32
      %add3A_128 = arith.addi %mul3A_126, %add3A_127 : i32
      %swap3A_129 = arith.index_cast %add3A_128 : i32 to index
      %swap3A_130 = tpu.vector_load %arg5[%swap3A_129] {strides = array<i32>} : memref<65536xf32, #tpu.memory_space<vmem>>, vector<16xf32>,
      tpu.vector_store %arg5[%swap3A_129], %broadcast_in_dim3A_1 {strides = array<i32>} : memref<65536xf32, #tpu.memory_space<vmem>>, vector<16xf32>,
      %mul3A_131 = arith.constant 2048 : i32
      %mul3A_132 = arith.muli %scan3A_58, %mul3A_131 : i32
      %add3A_133 = arith.constant 192 : i32
      %add3A_134 = arith.addi %mul3A_132, %add3A_133 : i32
      %swap3A_135 = arith.index_cast %add3A_134 : i32 to index
      %swap3A_136 = tpu.vector_load %arg5[%swap3A_135] {strides = array<i32>} : memref<65536xf32, #tpu.memory_space<vmem>>, vector<16xf32>,
      tpu.vector_store %arg5[%swap3A_135], %broadcast_in_dim3A_1 {strides = array<i32>} : memref<65536xf32, #tpu.memory_space<vmem>>, vector<16xf32>,
      %mul3A_137 = arith.constant 2048 : i32
      %mul3A_138 = arith.muli %scan3A_58, %mul3A_137 : i32
      %add3A_139 = arith.constant 208 : i32
      %add3A_140 = arith.addi %mul3A_138, %add3A_139 : i32
      %swap3A_141 = arith.index_cast %add3A_140 : i32 to index
      %swap3A_142 = tpu.vector_load %arg5[%swap3A_141] {strides = array<i32>} : memref<65536xf32, #tpu.memory_space<vmem>>, vector<16xf32>,
      tpu.vector_store %arg5[%swap3A_141], %broadcast_in_dim3A_1 {strides = array<i32>} : memref<65536xf32, #tpu.memory_space<vmem>>, vector<16xf32>,
      %mul3A_143 = arith.constant 2048 : i32
      %mul3A_144 = arith.muli %scan3A_58, %mul3A_143 : i32
      %add3A_145 = arith.constant 224 : i32
      %add3A_146 = arith.addi %mul3A_144, %add3A_145 : i32
      %swap3A_147 = arith.index_cast %add3A_146 : i32 to index
      %swap3A_148 = tpu.vector_load %arg5[%swap3A_147] {strides = array<i32>} : memref<65536xf32, #tpu.memory_space<vmem>>, vector<16xf32>,
      tpu.vector_store %arg5[%swap3A_147], %broadcast_in_dim3A_1 {strides = array<i32>} : memref<65536xf32, #tpu.memory_space<vmem>>, vector<16xf32>,
      %mul3A_149 = arith.constant 2048 : i32
      %mul3A_150 = arith.muli %scan3A_58, %mul3A_149 : i32
      %add3A_151 = arith.constant 240 : i32
      %add3A_152 = arith.addi %mul3A_150, %add3A_151 : i32
      %swap3A_153 = arith.index_cast %add3A_152 : i32 to index
      %swap3A_154 = tpu.vector_load %arg5[%swap3A_153] {strides = array<i32>} : memref<65536xf32, #tpu.memory_space<vmem>>, vector<16xf32>,
      tpu.vector_store %arg5[%swap3A_153], %broadcast_in_dim3A_1 {strides = array<i32>} : memref<65536xf32, #tpu.memory_space<vmem>>, vector<16xf32>,
      %mul3A_155 = arith.constant 2048 : i32
      %mul3A_156 = arith.muli %scan3A_58, %mul3A_155 : i32
      %add3A_157 = arith.constant 256 : i32
      %add3A_158 = arith.addi %mul3A_156, %add3A_157 : i32
      %swap3A_159 = arith.index_cast %add3A_158 : i32 to index
      %swap3A_160 = tpu.vector_load %arg5[%swap3A_159] {strides = array<i32>} : memref<65536xf32, #tpu.memory_space<vmem>>, vector<16xf32>,
      tpu.vector_store %arg5[%swap3A_159], %broadcast_in_dim3A_1 {strides = array<i32>} : memref<65536xf32, #tpu.memory_space<vmem>>, vector<16xf32>,
      %mul3A_161 = arith.constant 2048 : i32
      %mul3A_162 = arith.muli %scan3A_58, %mul3A_161 : i32
      %add3A_163 = arith.constant 272 : i32
      %add3A_164 = arith.addi %mul3A_162, %add3A_163 : i32
      %swap3A_165 = arith.index_cast %add3A_164 : i32 to index
      %swap3A_166 = tpu.vector_load %arg5[%swap3A_165] {strides = array<i32>} : memref<65536xf32, #tpu.memory_space<vmem>>, vector<16xf32>,
      tpu.vector_store %arg5[%swap3A_165], %broadcast_in_dim3A_1 {strides = array<i32>} : memref<65536xf32, #tpu.memory_space<vmem>>, vector<16xf32>,
      %mul3A_167 = arith.constant 2048 : i32
      %mul3A_168 = arith.muli %scan3A_58, %mul3A_167 : i32
      %add3A_169 = arith.constant 288 : i32
      %add3A_170 = arith.addi %mul3A_168, %add3A_169 : i32
      %swap3A_171 = arith.index_cast %add3A_170 : i32 to index
      %swap3A_172 = tpu.vector_load %arg5[%swap3A_171] {strides = array<i32>} : memref<65536xf32, #tpu.memory_space<vmem>>, vector<16xf32>,
      tpu.vector_store %arg5[%swap3A_171], %broadcast_in_dim3A_1 {strides = array<i32>} : memref<65536xf32, #tpu.memory_space<vmem>>, vector<16xf32>,
      %mul3A_173 = arith.constant 2048 : i32
      %mul3A_174 = arith.muli %scan3A_58, %mul3A_173 : i32
      %add3A_175 = arith.constant 304 : i32
      %add3A_176 = arith.addi %mul3A_174, %add3A_175 : i32
      %swap3A_177 = arith.index_cast %add3A_176 : i32 to index
      %swap3A_178 = tpu.vector_load %arg5[%swap3A_177] {strides = array<i32>} : memref<65536xf32, #tpu.memory_space<vmem>>, vector<16xf32>,
      tpu.vector_store %arg5[%swap3A_177], %broadcast_in_dim3A_1 {strides = array<i32>} : memref<65536xf32, #tpu.memory_space<vmem>>, vector<16xf32>,
      %mul3A_179 = arith.constant 2048 : i32
      %mul3A_180 = arith.muli %scan3A_58, %mul3A_179 : i32
      %add3A_181 = arith.constant 320 : i32
      %add3A_182 = arith.addi %mul3A_180, %add3A_181 : i32
      %swap3A_183 = arith.index_cast %add3A_182 : i32 to index
      %swap3A_184 = tpu.vector_load %arg5[%swap3A_183] {strides = array<i32>} : memref<65536xf32, #tpu.memory_space<vmem>>, vector<16xf32>,
      tpu.vector_store %arg5[%swap3A_183], %broadcast_in_dim3A_1 {strides = array<i32>} : memref<65536xf32, #tpu.memory_space<vmem>>, vector<16xf32>,
      %mul3A_185 = arith.constant 2048 : i32
      %mul3A_186 = arith.muli %scan3A_58, %mul3A_185 : i32
      %add3A_187 = arith.constant 336 : i32
      %add3A_188 = arith.addi %mul3A_186, %add3A_187 : i32
      %swap3A_189 = arith.index_cast %add3A_188 : i32 to index
      %swap3A_190 = tpu.vector_load %arg5[%swap3A_189] {strides = array<i32>} : memref<65536xf32, #tpu.memory_space<vmem>>, vector<16xf32>,
      tpu.vector_store %arg5[%swap3A_189], %broadcast_in_dim3A_1 {strides = array<i32>} : memref<65536xf32, #tpu.memory_space<vmem>>, vector<16xf32>,
      %mul3A_191 = arith.constant 2048 : i32
      %mul3A_192 = arith.muli %scan3A_58, %mul3A_191 : i32
      %add3A_193 = arith.constant 352 : i32
      %add3A_194 = arith.addi %mul3A_192, %add3A_193 : i32
      %swap3A_195 = arith.index_cast %add3A_194 : i32 to index
      %swap3A_196 = tpu.vector_load %arg5[%swap3A_195] {strides = array<i32>} : memref<65536xf32, #tpu.memory_space<vmem>>, vector<16xf32>,
      tpu.vector_store %arg5[%swap3A_195], %broadcast_in_dim3A_1 {strides = array<i32>} : memref<65536xf32, #tpu.memory_space<vmem>>, vector<16xf32>,
      %mul3A_197 = arith.constant 2048 : i32
      %mul3A_198 = arith.muli %scan3A_58, %mul3A_197 : i32
      %add3A_199 = arith.constant 368 : i32
      %add3A_200 = arith.addi %mul3A_198, %add3A_199 : i32
      %swap3A_201 = arith.index_cast %add3A_200 : i32 to index
      %swap3A_202 = tpu.vector_load %arg5[%swap3A_201] {strides = array<i32>} : memref<65536xf32, #tpu.memory_space<vmem>>, vector<16xf32>,
      tpu.vector_store %arg5[%swap3A_201], %broadcast_in_dim3A_1 {strides = array<i32>} : memref<65536xf32, #tpu.memory_space<vmem>>, vector<16xf32>,
      %mul3A_203 = arith.constant 2048 : i32
      %mul3A_204 = arith.muli %scan3A_58, %mul3A_203 : i32
      %add3A_205 = arith.constant 384 : i32
      %add3A_206 = arith.addi %mul3A_204, %add3A_205 : i32
      %swap3A_207 = arith.index_cast %add3A_206 : i32 to index
      %swap3A_208 = tpu.vector_load %arg5[%swap3A_207] {strides = array<i32>} : memref<65536xf32, #tpu.memory_space<vmem>>, vector<16xf32>,
      tpu.vector_store %arg5[%swap3A_207], %broadcast_in_dim3A_1 {strides = array<i32>} : memref<65536xf32, #tpu.memory_space<vmem>>, vector<16xf32>,
      %mul3A_209 = arith.constant 2048 : i32
      %mul3A_210 = arith.muli %scan3A_58, %mul3A_209 : i32
      %add3A_211 = arith.constant 400 : i32
      %add3A_212 = arith.addi %mul3A_210, %add3A_211 : i32
      %swap3A_213 = arith.index_cast %add3A_212 : i32 to index
      %swap3A_214 = tpu.vector_load %arg5[%swap3A_213] {strides = array<i32>} : memref<65536xf32, #tpu.memory_space<vmem>>, vector<16xf32>,
      tpu.vector_store %arg5[%swap3A_213], %broadcast_in_dim3A_1 {strides = array<i32>} : memref<65536xf32, #tpu.memory_space<vmem>>, vector<16xf32>,
      %mul3A_215 = arith.constant 2048 : i32
      %mul3A_216 = arith.muli %scan3A_58, %mul3A_215 : i32
      %add3A_217 = arith.constant 416 : i32
      %add3A_218 = arith.addi %mul3A_216, %add3A_217 : i32
      %swap3A_219 = arith.index_cast %add3A_218 : i32 to index
      %swap3A_220 = tpu.vector_load %arg5[%swap3A_219] {strides = array<i32>} : memref<65536xf32, #tpu.memory_space<vmem>>, vector<16xf32>,
      tpu.vector_store %arg5[%swap3A_219], %broadcast_in_dim3A_1 {strides = array<i32>} : memref<65536xf32, #tpu.memory_space<vmem>>, vector<16xf32>,
      %mul3A_221 = arith.constant 2048 : i32
      %mul3A_222 = arith.muli %scan3A_58, %mul3A_221 : i32
      %add3A_223 = arith.constant 432 : i32
      %add3A_224 = arith.addi %mul3A_222, %add3A_223 : i32
      %swap3A_225 = arith.index_cast %add3A_224 : i32 to index
      %swap3A_226 = tpu.vector_load %arg5[%swap3A_225] {strides = array<i32>} : memref<65536xf32, #tpu.memory_space<vmem>>, vector<16xf32>,
      tpu.vector_store %arg5[%swap3A_225], %broadcast_in_dim3A_1 {strides = array<i32>} : memref<65536xf32, #tpu.memory_space<vmem>>, vector<16xf32>,
      %mul3A_227 = arith.constant 2048 : i32
      %mul3A_228 = arith.muli %scan3A_58, %mul3A_227 : i32
      %add3A_229 = arith.constant 448 : i32
      %add3A_230 = arith.addi %mul3A_228, %add3A_229 : i32
      %swap3A_231 = arith.index_cast %add3A_230 : i32 to index
      %swap3A_232 = tpu.vector_load %arg5[%swap3A_231] {strides = array<i32>} : memref<65536xf32, #tpu.memory_space<vmem>>, vector<16xf32>,
      tpu.vector_store %arg5[%swap3A_231], %broadcast_in_dim3A_1 {strides = array<i32>} : memref<65536xf32, #tpu.memory_space<vmem>>, vector<16xf32>,
      %mul3A_233 = arith.constant 2048 : i32
      %mul3A_234 = arith.muli %scan3A_58, %mul3A_233 : i32
      %add3A_235 = arith.constant 464 : i32
      %add3A_236 = arith.addi %mul3A_234, %add3A_235 : i32
      %swap3A_237 = arith.index_cast %add3A_236 : i32 to index
      %swap3A_238 = tpu.vector_load %arg5[%swap3A_237] {strides = array<i32>} : memref<65536xf32, #tpu.memory_space<vmem>>, vector<16xf32>,
      tpu.vector_store %arg5[%swap3A_237], %broadcast_in_dim3A_1 {strides = array<i32>} : memref<65536xf32, #tpu.memory_space<vmem>>, vector<16xf32>,
      %mul3A_239 = arith.constant 2048 : i32
      %mul3A_240 = arith.muli %scan3A_58, %mul3A_239 : i32
      %add3A_241 = arith.constant 480 : i32
      %add3A_242 = arith.addi %mul3A_240, %add3A_241 : i32
      %swap3A_243 = arith.index_cast %add3A_242 : i32 to index
      %swap3A_244 = tpu.vector_load %arg5[%swap3A_243] {strides = array<i32>} : memref<65536xf32, #tpu.memory_space<vmem>>, vector<16xf32>,
      tpu.vector_store %arg5[%swap3A_243], %broadcast_in_dim3A_1 {strides = array<i32>} : memref<65536xf32, #tpu.memory_space<vmem>>, vector<16xf32>,
      %mul3A_245 = arith.constant 2048 : i32
      %mul3A_246 = arith.muli %scan3A_58, %mul3A_245 : i32
      %add3A_247 = arith.constant 496 : i32
      %add3A_248 = arith.addi %mul3A_246, %add3A_247 : i32
      %swap3A_249 = arith.index_cast %add3A_248 : i32 to index
      %swap3A_250 = tpu.vector_load %arg5[%swap3A_249] {strides = array<i32>} : memref<65536xf32, #tpu.memory_space<vmem>>, vector<16xf32>,
      tpu.vector_store %arg5[%swap3A_249], %broadcast_in_dim3A_1 {strides = array<i32>} : memref<65536xf32, #tpu.memory_space<vmem>>, vector<16xf32>,
      %mul3A_251 = arith.constant 2048 : i32
      %mul3A_252 = arith.muli %scan3A_58, %mul3A_251 : i32
      %add3A_253 = arith.constant 512 : i32
      %add3A_254 = arith.addi %mul3A_252, %add3A_253 : i32
      %swap3A_255 = arith.index_cast %add3A_254 : i32 to index
      %swap3A_256 = tpu.vector_load %arg5[%swap3A_255] {strides = array<i32>} : memref<65536xf32, #tpu.memory_space<vmem>>, vector<16xf32>,
      tpu.vector_store %arg5[%swap3A_255], %broadcast_in_dim3A_1 {strides = array<i32>} : memref<65536xf32, #tpu.memory_space<vmem>>, vector<16xf32>,
      %mul3A_257 = arith.constant 2048 : i32
      %mul3A_258 = arith.muli %scan3A_58, %mul3A_257 : i32
      %add3A_259 = arith.constant 528 : i32
      %add3A_260 = arith.addi %mul3A_258, %add3A_259 : i32
      %swap3A_261 = arith.index_cast %add3A_260 : i32 to index
      %swap3A_262 = tpu.vector_load %arg5[%swap3A_261] {strides = array<i32>} : memref<65536xf32, #tpu.memory_space<vmem>>, vector<16xf32>,
      tpu.vector_store %arg5[%swap3A_261], %broadcast_in_dim3A_1 {strides = array<i32>} : memref<65536xf32, #tpu.memory_space<vmem>>, vector<16xf32>,
      %mul3A_263 = arith.constant 2048 : i32
      %mul3A_264 = arith.muli %scan3A_58, %mul3A_263 : i32
      %add3A_265 = arith.constant 544 : i32
      %add3A_266 = arith.addi %mul3A_264, %add3A_265 : i32
      %swap3A_267 = arith.index_cast %add3A_266 : i32 to index
      %swap3A_268 = tpu.vector_load %arg5[%swap3A_267] {strides = array<i32>} : memref<65536xf32, #tpu.memory_space<vmem>>, vector<16xf32>,
      tpu.vector_store %arg5[%swap3A_267], %broadcast_in_dim3A_1 {strides = array<i32>} : memref<65536xf32, #tpu.memory_space<vmem>>, vector<16xf32>,
      %mul3A_269 = arith.constant 2048 : i32
      %mul3A_270 = arith.muli %scan3A_58, %mul3A_269 : i32
      %add3A_271 = arith.constant 560 : i32
      %add3A_272 = arith.addi %mul3A_270, %add3A_271 : i32
      %swap3A_273 = arith.index_cast %add3A_272 : i32 to index
      %swap3A_274 = tpu.vector_load %arg5[%swap3A_273] {strides = array<i32>} : memref<65536xf32, #tpu.memory_space<vmem>>, vector<16xf32>,
      tpu.vector_store %arg5[%swap3A_273], %broadcast_in_dim3A_1 {strides = array<i32>} : memref<65536xf32, #tpu.memory_space<vmem>>, vector<16xf32>,
      %mul3A_275 = arith.constant 2048 : i32
      %mul3A_276 = arith.muli %scan3A_58, %mul3A_275 : i32
      %add3A_277 = arith.constant 576 : i32
      %add3A_278 = arith.addi %mul3A_276, %add3A_277 : i32
      %swap3A_279 = arith.index_cast %add3A_278 : i32 to index
      %swap3A_280 = tpu.vector_load %arg5[%swap3A_279] {strides = array<i32>} : memref<65536xf32, #tpu.memory_space<vmem>>, vector<16xf32>,
      tpu.vector_store %arg5[%swap3A_279], %broadcast_in_dim3A_1 {strides = array<i32>} : memref<65536xf32, #tpu.memory_space<vmem>>, vector<16xf32>,
      %mul3A_281 = arith.constant 2048 : i32
      %mul3A_282 = arith.muli %scan3A_58, %mul3A_281 : i32
      %add3A_283 = arith.constant 592 : i32
      %add3A_284 = arith.addi %mul3A_282, %add3A_283 : i32
      %swap3A_285 = arith.index_cast %add3A_284 : i32 to index
      %swap3A_286 = tpu.vector_load %arg5[%swap3A_285] {strides = array<i32>} : memref<65536xf32, #tpu.memory_space<vmem>>, vector<16xf32>,
      tpu.vector_store %arg5[%swap3A_285], %broadcast_in_dim3A_1 {strides = array<i32>} : memref<65536xf32, #tpu.memory_space<vmem>>, vector<16xf32>,
      %mul3A_287 = arith.constant 2048 : i32
      %mul3A_288 = arith.muli %scan3A_58, %mul3A_287 : i32
      %add3A_289 = arith.constant 608 : i32
      %add3A_290 = arith.addi %mul3A_288, %add3A_289 : i32
      %swap3A_291 = arith.index_cast %add3A_290 : i32 to index
      %swap3A_292 = tpu.vector_load %arg5[%swap3A_291] {strides = array<i32>} : memref<65536xf32, #tpu.memory_space<vmem>>, vector<16xf32>,
      tpu.vector_store %arg5[%swap3A_291], %broadcast_in_dim3A_1 {strides = array<i32>} : memref<65536xf32, #tpu.memory_space<vmem>>, vector<16xf32>,
      %mul3A_293 = arith.constant 2048 : i32
      %mul3A_294 = arith.muli %scan3A_58, %mul3A_293 : i32
      %add3A_295 = arith.constant 624 : i32
      %add3A_296 = arith.addi %mul3A_294, %add3A_295 : i32
      %swap3A_297 = arith.index_cast %add3A_296 : i32 to index
      %swap3A_298 = tpu.vector_load %arg5[%swap3A_297] {strides = array<i32>} : memref<65536xf32, #tpu.memory_space<vmem>>, vector<16xf32>,
      tpu.vector_store %arg5[%swap3A_297], %broadcast_in_dim3A_1 {strides = array<i32>} : memref<65536xf32, #tpu.memory_space<vmem>>, vector<16xf32>,
      %mul3A_299 = arith.constant 2048 : i32
      %mul3A_300 = arith.muli %scan3A_58, %mul3A_299 : i32
      %add3A_301 = arith.constant 640 : i32
      %add3A_302 = arith.addi %mul3A_300, %add3A_301 : i32
      %swap3A_303 = arith.index_cast %add3A_302 : i32 to index
      %swap3A_304 = tpu.vector_load %arg5[%swap3A_303] {strides = array<i32>} : memref<65536xf32, #tpu.memory_space<vmem>>, vector<16xf32>,
      tpu.vector_store %arg5[%swap3A_303], %broadcast_in_dim3A_1 {strides = array<i32>} : memref<65536xf32, #tpu.memory_space<vmem>>, vector<16xf32>,
      %mul3A_305 = arith.constant 2048 : i32
      %mul3A_306 = arith.muli %scan3A_58, %mul3A_305 : i32
      %add3A_307 = arith.constant 656 : i32
      %add3A_308 = arith.addi %mul3A_306, %add3A_307 : i32
      %swap3A_309 = arith.index_cast %add3A_308 : i32 to index
      %swap3A_310 = tpu.vector_load %arg5[%swap3A_309] {strides = array<i32>} : memref<65536xf32, #tpu.memory_space<vmem>>, vector<16xf32>,
      tpu.vector_store %arg5[%swap3A_309], %broadcast_in_dim3A_1 {strides = array<i32>} : memref<65536xf32, #tpu.memory_space<vmem>>, vector<16xf32>,
      %mul3A_311 = arith.constant 2048 : i32
      %mul3A_312 = arith.muli %scan3A_58, %mul3A_311 : i32
      %add3A_313 = arith.constant 672 : i32
      %add3A_314 = arith.addi %mul3A_312, %add3A_313 : i32
      %swap3A_315 = arith.index_cast %add3A_314 : i32 to index
      %swap3A_316 = tpu.vector_load %arg5[%swap3A_315] {strides = array<i32>} : memref<65536xf32, #tpu.memory_space<vmem>>, vector<16xf32>,
      tpu.vector_store %arg5[%swap3A_315], %broadcast_in_dim3A_1 {strides = array<i32>} : memref<65536xf32, #tpu.memory_space<vmem>>, vector<16xf32>,
      %mul3A_317 = arith.constant 2048 : i32
      %mul3A_318 = arith.muli %scan3A_58, %mul3A_317 : i32
      %add3A_319 = arith.constant 688 : i32
      %add3A_320 = arith.addi %mul3A_318, %add3A_319 : i32
      %swap3A_321 = arith.index_cast %add3A_320 : i32 to index
      %swap3A_322 = tpu.vector_load %arg5[%swap3A_321] {strides = array<i32>} : memref<65536xf32, #tpu.memory_space<vmem>>, vector<16xf32>,
      tpu.vector_store %arg5[%swap3A_321], %broadcast_in_dim3A_1 {strides = array<i32>} : memref<65536xf32, #tpu.memory_space<vmem>>, vector<16xf32>,
      %mul3A_323 = arith.constant 2048 : i32
      %mul3A_324 = arith.muli %scan3A_58, %mul3A_323 : i32
      %add3A_325 = arith.constant 704 : i32
      %add3A_326 = arith.addi %mul3A_324, %add3A_325 : i32
      %swap3A_327 = arith.index_cast %add3A_326 : i32 to index
      %swap3A_328 = tpu.vector_load %arg5[%swap3A_327] {strides = array<i32>} : memref<65536xf32, #tpu.memory_space<vmem>>, vector<16xf32>,
      tpu.vector_store %arg5[%swap3A_327], %broadcast_in_dim3A_1 {strides = array<i32>} : memref<65536xf32, #tpu.memory_space<vmem>>, vector<16xf32>,
      %mul3A_329 = arith.constant 2048 : i32
      %mul3A_330 = arith.muli %scan3A_58, %mul3A_329 : i32
      %add3A_331 = arith.constant 720 : i32
      %add3A_332 = arith.addi %mul3A_330, %add3A_331 : i32
      %swap3A_333 = arith.index_cast %add3A_332 : i32 to index
      %swap3A_334 = tpu.vector_load %arg5[%swap3A_333] {strides = array<i32>} : memref<65536xf32, #tpu.memory_space<vmem>>, vector<16xf32>,
      tpu.vector_store %arg5[%swap3A_333], %broadcast_in_dim3A_1 {strides = array<i32>} : memref<65536xf32, #tpu.memory_space<vmem>>, vector<16xf32>,
      %mul3A_335 = arith.constant 2048 : i32
      %mul3A_336 = arith.muli %scan3A_58, %mul3A_335 : i32
      %add3A_337 = arith.constant 736 : i32
      %add3A_338 = arith.addi %mul3A_336, %add3A_337 : i32
      %swap3A_339 = arith.index_cast %add3A_338 : i32 to index
      %swap3A_340 = tpu.vector_load %arg5[%swap3A_339] {strides = array<i32>} : memref<65536xf32, #tpu.memory_space<vmem>>, vector<16xf32>,
      tpu.vector_store %arg5[%swap3A_339], %broadcast_in_dim3A_1 {strides = array<i32>} : memref<65536xf32, #tpu.memory_space<vmem>>, vector<16xf32>,
      %mul3A_341 = arith.constant 2048 : i32
      %mul3A_342 = arith.muli %scan3A_58, %mul3A_341 : i32
      %add3A_343 = arith.constant 752 : i32
      %add3A_344 = arith.addi %mul3A_342, %add3A_343 : i32
      %swap3A_345 = arith.index_cast %add3A_344 : i32 to index
      %swap3A_346 = tpu.vector_load %arg5[%swap3A_345] {strides = array<i32>} : memref<65536xf32, #tpu.memory_space<vmem>>, vector<16xf32>,
      tpu.vector_store %arg5[%swap3A_345], %broadcast_in_dim3A_1 {strides = array<i32>} : memref<65536xf32, #tpu.memory_space<vmem>>, vector<16xf32>,
      %mul3A_347 = arith.constant 2048 : i32
      %mul3A_348 = arith.muli %scan3A_58, %mul3A_347 : i32
      %add3A_349 = arith.constant 768 : i32
      %add3A_350 = arith.addi %mul3A_348, %add3A_349 : i32
      %swap3A_351 = arith.index_cast %add3A_350 : i32 to index
      %swap3A_352 = tpu.vector_load %arg5[%swap3A_351] {strides = array<i32>} : memref<65536xf32, #tpu.memory_space<vmem>>, vector<16xf32>,
      tpu.vector_store %arg5[%swap3A_351], %broadcast_in_dim3A_1 {strides = array<i32>} : memref<65536xf32, #tpu.memory_space<vmem>>, vector<16xf32>,
      %mul3A_353 = arith.constant 2048 : i32
      %mul3A_354 = arith.muli %scan3A_58, %mul3A_353 : i32
      %add3A_355 = arith.constant 784 : i32
      %add3A_356 = arith.addi %mul3A_354, %add3A_355 : i32
      %swap3A_357 = arith.index_cast %add3A_356 : i32 to index
      %swap3A_358 = tpu.vector_load %arg5[%swap3A_357] {strides = array<i32>} : memref<65536xf32, #tpu.memory_space<vmem>>, vector<16xf32>,
      tpu.vector_store %arg5[%swap3A_357], %broadcast_in_dim3A_1 {strides = array<i32>} : memref<65536xf32, #tpu.memory_space<vmem>>, vector<16xf32>,
      %mul3A_359 = arith.constant 2048 : i32
      %mul3A_360 = arith.muli %scan3A_58, %mul3A_359 : i32
      %add3A_361 = arith.constant 800 : i32
      %add3A_362 = arith.addi %mul3A_360, %add3A_361 : i32
      %swap3A_363 = arith.index_cast %add3A_362 : i32 to index
      %swap3A_364 = tpu.vector_load %arg5[%swap3A_363] {strides = array<i32>} : memref<65536xf32, #tpu.memory_space<vmem>>, vector<16xf32>,
      tpu.vector_store %arg5[%swap3A_363], %broadcast_in_dim3A_1 {strides = array<i32>} : memref<65536xf32, #tpu.memory_space<vmem>>, vector<16xf32>,
      %mul3A_365 = arith.constant 2048 : i32
      %mul3A_366 = arith.muli %scan3A_58, %mul3A_365 : i32
      %add3A_367 = arith.constant 816 : i32
      %add3A_368 = arith.addi %mul3A_366, %add3A_367 : i32
      %swap3A_369 = arith.index_cast %add3A_368 : i32 to index
      %swap3A_370 = tpu.vector_load %arg5[%swap3A_369] {strides = array<i32>} : memref<65536xf32, #tpu.memory_space<vmem>>, vector<16xf32>,
      tpu.vector_store %arg5[%swap3A_369], %broadcast_in_dim3A_1 {strides = array<i32>} : memref<65536xf32, #tpu.memory_space<vmem>>, vector<16xf32>,
      %mul3A_371 = arith.constant 2048 : i32
      %mul3A_372 = arith.muli %scan3A_58, %mul3A_371 : i32
      %add3A_373 = arith.constant 832 : i32
      %add3A_374 = arith.addi %mul3A_372, %add3A_373 : i32
      %swap3A_375 = arith.index_cast %add3A_374 : i32 to index
      %swap3A_376 = tpu.vector_load %arg5[%swap3A_375] {strides = array<i32>} : memref<65536xf32, #tpu.memory_space<vmem>>, vector<16xf32>,
      tpu.vector_store %arg5[%swap3A_375], %broadcast_in_dim3A_1 {strides = array<i32>} : memref<65536xf32, #tpu.memory_space<vmem>>, vector<16xf32>,
      %mul3A_377 = arith.constant 2048 : i32
      %mul3A_378 = arith.muli %scan3A_58, %mul3A_377 : i32
      %add3A_379 = arith.constant 848 : i32
      %add3A_380 = arith.addi %mul3A_378, %add3A_379 : i32
      %swap3A_381 = arith.index_cast %add3A_380 : i32 to index
      %swap3A_382 = tpu.vector_load %arg5[%swap3A_381] {strides = array<i32>} : memref<65536xf32, #tpu.memory_space<vmem>>, vector<16xf32>,
      tpu.vector_store %arg5[%swap3A_381], %broadcast_in_dim3A_1 {strides = array<i32>} : memref<65536xf32, #tpu.memory_space<vmem>>, vector<16xf32>,
      %mul3A_383 = arith.constant 2048 : i32
      %mul3A_384 = arith.muli %scan3A_58, %mul3A_383 : i32
      %add3A_385 = arith.constant 864 : i32
      %add3A_386 = arith.addi %mul3A_384, %add3A_385 : i32
      %swap3A_387 = arith.index_cast %add3A_386 : i32 to index
      %swap3A_388 = tpu.vector_load %arg5[%swap3A_387] {strides = array<i32>} : memref<65536xf32, #tpu.memory_space<vmem>>, vector<16xf32>,
      tpu.vector_store %arg5[%swap3A_387], %broadcast_in_dim3A_1 {strides = array<i32>} : memref<65536xf32, #tpu.memory_space<vmem>>, vector<16xf32>,
      %mul3A_389 = arith.constant 2048 : i32
      %mul3A_390 = arith.muli %scan3A_58, %mul3A_389 : i32
      %add3A_391 = arith.constant 880 : i32
      %add3A_392 = arith.addi %mul3A_390, %add3A_391 : i32
      %swap3A_393 = arith.index_cast %add3A_392 : i32 to index
      %swap3A_394 = tpu.vector_load %arg5[%swap3A_393] {strides = array<i32>} : memref<65536xf32, #tpu.memory_space<vmem>>, vector<16xf32>,
      tpu.vector_store %arg5[%swap3A_393], %broadcast_in_dim3A_1 {strides = array<i32>} : memref<65536xf32, #tpu.memory_space<vmem>>, vector<16xf32>,
      %mul3A_395 = arith.constant 2048 : i32
      %mul3A_396 = arith.muli %scan3A_58, %mul3A_395 : i32
      %add3A_397 = arith.constant 896 : i32
      %add3A_398 = arith.addi %mul3A_396, %add3A_397 : i32
      %swap3A_399 = arith.index_cast %add3A_398 : i32 to index
      %swap3A_400 = tpu.vector_load %arg5[%swap3A_399] {strides = array<i32>} : memref<65536xf32, #tpu.memory_space<vmem>>, vector<16xf32>,
      tpu.vector_store %arg5[%swap3A_399], %broadcast_in_dim3A_1 {strides = array<i32>} : memref<65536xf32, #tpu.memory_space<vmem>>, vector<16xf32>,
      %mul3A_401 = arith.constant 2048 : i32
      %mul3A_402 = arith.muli %scan3A_58, %mul3A_401 : i32
      %add3A_403 = arith.constant 912 : i32
      %add3A_404 = arith.addi %mul3A_402, %add3A_403 : i32
      %swap3A_405 = arith.index_cast %add3A_404 : i32 to index
      %swap3A_406 = tpu.vector_load %arg5[%swap3A_405] {strides = array<i32>} : memref<65536xf32, #tpu.memory_space<vmem>>, vector<16xf32>,
      tpu.vector_store %arg5[%swap3A_405], %broadcast_in_dim3A_1 {strides = array<i32>} : memref<65536xf32, #tpu.memory_space<vmem>>, vector<16xf32>,
      %mul3A_407 = arith.constant 2048 : i32
      %mul3A_408 = arith.muli %scan3A_58, %mul3A_407 : i32
      %add3A_409 = arith.constant 928 : i32
      %add3A_410 = arith.addi %mul3A_408, %add3A_409 : i32
      %swap3A_411 = arith.index_cast %add3A_410 : i32 to index
      %swap3A_412 = tpu.vector_load %arg5[%swap3A_411] {strides = array<i32>} : memref<65536xf32, #tpu.memory_space<vmem>>, vector<16xf32>,
      tpu.vector_store %arg5[%swap3A_411], %broadcast_in_dim3A_1 {strides = array<i32>} : memref<65536xf32, #tpu.memory_space<vmem>>, vector<16xf32>,
      %mul3A_413 = arith.constant 2048 : i32
      %mul3A_414 = arith.muli %scan3A_58, %mul3A_413 : i32
      %add3A_415 = arith.constant 944 : i32
      %add3A_416 = arith.addi %mul3A_414, %add3A_415 : i32
      %swap3A_417 = arith.index_cast %add3A_416 : i32 to index
      %swap3A_418 = tpu.vector_load %arg5[%swap3A_417] {strides = array<i32>} : memref<65536xf32, #tpu.memory_space<vmem>>, vector<16xf32>,
      tpu.vector_store %arg5[%swap3A_417], %broadcast_in_dim3A_1 {strides = array<i32>} : memref<65536xf32, #tpu.memory_space<vmem>>, vector<16xf32>,
      %mul3A_419 = arith.constant 2048 : i32
      %mul3A_420 = arith.muli %scan3A_58, %mul3A_419 : i32
      %add3A_421 = arith.constant 960 : i32
      %add3A_422 = arith.addi %mul3A_420, %add3A_421 : i32
      %swap3A_423 = arith.index_cast %add3A_422 : i32 to index
      %swap3A_424 = tpu.vector_load %arg5[%swap3A_423] {strides = array<i32>} : memref<65536xf32, #tpu.memory_space<vmem>>, vector<16xf32>,
      tpu.vector_store %arg5[%swap3A_423], %broadcast_in_dim3A_1 {strides = array<i32>} : memref<65536xf32, #tpu.memory_space<vmem>>, vector<16xf32>,
      %mul3A_425 = arith.constant 2048 : i32
      %mul3A_426 = arith.muli %scan3A_58, %mul3A_425 : i32
      %add3A_427 = arith.constant 976 : i32
      %add3A_428 = arith.addi %mul3A_426, %add3A_427 : i32
      %swap3A_429 = arith.index_cast %add3A_428 : i32 to index
      %swap3A_430 = tpu.vector_load %arg5[%swap3A_429] {strides = array<i32>} : memref<65536xf32, #tpu.memory_space<vmem>>, vector<16xf32>,
      tpu.vector_store %arg5[%swap3A_429], %broadcast_in_dim3A_1 {strides = array<i32>} : memref<65536xf32, #tpu.memory_space<vmem>>, vector<16xf32>,
      %mul3A_431 = arith.constant 2048 : i32
      %mul3A_432 = arith.muli %scan3A_58, %mul3A_431 : i32
      %add3A_433 = arith.constant 992 : i32
      %add3A_434 = arith.addi %mul3A_432, %add3A_433 : i32
      %swap3A_435 = arith.index_cast %add3A_434 : i32 to index
      %swap3A_436 = tpu.vector_load %arg5[%swap3A_435] {strides = array<i32>} : memref<65536xf32, #tpu.memory_space<vmem>>, vector<16xf32>,
      tpu.vector_store %arg5[%swap3A_435], %broadcast_in_dim3A_1 {strides = array<i32>} : memref<65536xf32, #tpu.memory_space<vmem>>, vector<16xf32>,
      %mul3A_437 = arith.constant 2048 : i32
      %mul3A_438 = arith.muli %scan3A_58, %mul3A_437 : i32
      %add3A_439 = arith.constant 1008 : i32
      %add3A_440 = arith.addi %mul3A_438, %add3A_439 : i32
      %swap3A_441 = arith.index_cast %add3A_440 : i32 to index
      %swap3A_442 = tpu.vector_load %arg5[%swap3A_441] {strides = array<i32>} : memref<65536xf32, #tpu.memory_space<vmem>>, vector<16xf32>,
      tpu.vector_store %arg5[%swap3A_441], %broadcast_in_dim3A_1 {strides = array<i32>} : memref<65536xf32, #tpu.memory_space<vmem>>, vector<16xf32>,
      %mul3A_443 = arith.constant 2048 : i32
      %mul3A_444 = arith.muli %scan3A_58, %mul3A_443 : i32
      %add3A_445 = arith.constant 1024 : i32
      %add3A_446 = arith.addi %mul3A_444, %add3A_445 : i32
      %swap3A_447 = arith.index_cast %add3A_446 : i32 to index
      %swap3A_448 = tpu.vector_load %arg5[%swap3A_447] {strides = array<i32>} : memref<65536xf32, #tpu.memory_space<vmem>>, vector<16xf32>,
      tpu.vector_store %arg5[%swap3A_447], %broadcast_in_dim3A_1 {strides = array<i32>} : memref<65536xf32, #tpu.memory_space<vmem>>, vector<16xf32>,
      %mul3A_449 = arith.constant 2048 : i32
      %mul3A_450 = arith.muli %scan3A_58, %mul3A_449 : i32
      %add3A_451 = arith.constant 1040 : i32
      %add3A_452 = arith.addi %mul3A_450, %add3A_451 : i32
      %swap3A_453 = arith.index_cast %add3A_452 : i32 to index
      %swap3A_454 = tpu.vector_load %arg5[%swap3A_453] {strides = array<i32>} : memref<65536xf32, #tpu.memory_space<vmem>>, vector<16xf32>,
      tpu.vector_store %arg5[%swap3A_453], %broadcast_in_dim3A_1 {strides = array<i32>} : memref<65536xf32, #tpu.memory_space<vmem>>, vector<16xf32>,
      %mul3A_455 = arith.constant 2048 : i32
      %mul3A_456 = arith.muli %scan3A_58, %mul3A_455 : i32
      %add3A_457 = arith.constant 1056 : i32
      %add3A_458 = arith.addi %mul3A_456, %add3A_457 : i32
      %swap3A_459 = arith.index_cast %add3A_458 : i32 to index
      %swap3A_460 = tpu.vector_load %arg5[%swap3A_459] {strides = array<i32>} : memref<65536xf32, #tpu.memory_space<vmem>>, vector<16xf32>,
      tpu.vector_store %arg5[%swap3A_459], %broadcast_in_dim3A_1 {strides = array<i32>} : memref<65536xf32, #tpu.memory_space<vmem>>, vector<16xf32>,
      %mul3A_461 = arith.constant 2048 : i32
      %mul3A_462 = arith.muli %scan3A_58, %mul3A_461 : i32
      %add3A_463 = arith.constant 1072 : i32
      %add3A_464 = arith.addi %mul3A_462, %add3A_463 : i32
      %swap3A_465 = arith.index_cast %add3A_464 : i32 to index
      %swap3A_466 = tpu.vector_load %arg5[%swap3A_465] {strides = array<i32>} : memref<65536xf32, #tpu.memory_space<vmem>>, vector<16xf32>,
      tpu.vector_store %arg5[%swap3A_465], %broadcast_in_dim3A_1 {strides = array<i32>} : memref<65536xf32, #tpu.memory_space<vmem>>, vector<16xf32>,
      %mul3A_467 = arith.constant 2048 : i32
      %mul3A_468 = arith.muli %scan3A_58, %mul3A_467 : i32
      %add3A_469 = arith.constant 1088 : i32
      %add3A_470 = arith.addi %mul3A_468, %add3A_469 : i32
      %swap3A_471 = arith.index_cast %add3A_470 : i32 to index
      %swap3A_472 = tpu.vector_load %arg5[%swap3A_471] {strides = array<i32>} : memref<65536xf32, #tpu.memory_space<vmem>>, vector<16xf32>,
      tpu.vector_store %arg5[%swap3A_471], %broadcast_in_dim3A_1 {strides = array<i32>} : memref<65536xf32, #tpu.memory_space<vmem>>, vector<16xf32>,
      %mul3A_473 = arith.constant 2048 : i32
      %mul3A_474 = arith.muli %scan3A_58, %mul3A_473 : i32
      %add3A_475 = arith.constant 1104 : i32
      %add3A_476 = arith.addi %mul3A_474, %add3A_475 : i32
      %swap3A_477 = arith.index_cast %add3A_476 : i32 to index
      %swap3A_478 = tpu.vector_load %arg5[%swap3A_477] {strides = array<i32>} : memref<65536xf32, #tpu.memory_space<vmem>>, vector<16xf32>,
      tpu.vector_store %arg5[%swap3A_477], %broadcast_in_dim3A_1 {strides = array<i32>} : memref<65536xf32, #tpu.memory_space<vmem>>, vector<16xf32>,
      %mul3A_479 = arith.constant 2048 : i32
      %mul3A_480 = arith.muli %scan3A_58, %mul3A_479 : i32
      %add3A_481 = arith.constant 1120 : i32
      %add3A_482 = arith.addi %mul3A_480, %add3A_481 : i32
      %swap3A_483 = arith.index_cast %add3A_482 : i32 to index
      %swap3A_484 = tpu.vector_load %arg5[%swap3A_483] {strides = array<i32>} : memref<65536xf32, #tpu.memory_space<vmem>>, vector<16xf32>,
      tpu.vector_store %arg5[%swap3A_483], %broadcast_in_dim3A_1 {strides = array<i32>} : memref<65536xf32, #tpu.memory_space<vmem>>, vector<16xf32>,
      %mul3A_485 = arith.constant 2048 : i32
      %mul3A_486 = arith.muli %scan3A_58, %mul3A_485 : i32
      %add3A_487 = arith.constant 1136 : i32
      %add3A_488 = arith.addi %mul3A_486, %add3A_487 : i32
      %swap3A_489 = arith.index_cast %add3A_488 : i32 to index
      %swap3A_490 = tpu.vector_load %arg5[%swap3A_489] {strides = array<i32>} : memref<65536xf32, #tpu.memory_space<vmem>>, vector<16xf32>,
      tpu.vector_store %arg5[%swap3A_489], %broadcast_in_dim3A_1 {strides = array<i32>} : memref<65536xf32, #tpu.memory_space<vmem>>, vector<16xf32>,
      %mul3A_491 = arith.constant 2048 : i32
      %mul3A_492 = arith.muli %scan3A_58, %mul3A_491 : i32
      %add3A_493 = arith.constant 1152 : i32
      %add3A_494 = arith.addi %mul3A_492, %add3A_493 : i32
      %swap3A_495 = arith.index_cast %add3A_494 : i32 to index
      %swap3A_496 = tpu.vector_load %arg5[%swap3A_495] {strides = array<i32>} : memref<65536xf32, #tpu.memory_space<vmem>>, vector<16xf32>,
      tpu.vector_store %arg5[%swap3A_495], %broadcast_in_dim3A_1 {strides = array<i32>} : memref<65536xf32, #tpu.memory_space<vmem>>, vector<16xf32>,
      %mul3A_497 = arith.constant 2048 : i32
      %mul3A_498 = arith.muli %scan3A_58, %mul3A_497 : i32
      %add3A_499 = arith.constant 1168 : i32
      %add3A_500 = arith.addi %mul3A_498, %add3A_499 : i32
      %swap3A_501 = arith.index_cast %add3A_500 : i32 to index
      %swap3A_502 = tpu.vector_load %arg5[%swap3A_501] {strides = array<i32>} : memref<65536xf32, #tpu.memory_space<vmem>>, vector<16xf32>,
      tpu.vector_store %arg5[%swap3A_501], %broadcast_in_dim3A_1 {strides = array<i32>} : memref<65536xf32, #tpu.memory_space<vmem>>, vector<16xf32>,
      %mul3A_503 = arith.constant 2048 : i32
      %mul3A_504 = arith.muli %scan3A_58, %mul3A_503 : i32
      %add3A_505 = arith.constant 1184 : i32
      %add3A_506 = arith.addi %mul3A_504, %add3A_505 : i32
      %swap3A_507 = arith.index_cast %add3A_506 : i32 to index
      %swap3A_508 = tpu.vector_load %arg5[%swap3A_507] {strides = array<i32>} : memref<65536xf32, #tpu.memory_space<vmem>>, vector<16xf32>,
      tpu.vector_store %arg5[%swap3A_507], %broadcast_in_dim3A_1 {strides = array<i32>} : memref<65536xf32, #tpu.memory_space<vmem>>, vector<16xf32>,
      %mul3A_509 = arith.constant 2048 : i32
      %mul3A_510 = arith.muli %scan3A_58, %mul3A_509 : i32
      %add3A_511 = arith.constant 1200 : i32
      %add3A_512 = arith.addi %mul3A_510, %add3A_511 : i32
      %swap3A_513 = arith.index_cast %add3A_512 : i32 to index
      %swap3A_514 = tpu.vector_load %arg5[%swap3A_513] {strides = array<i32>} : memref<65536xf32, #tpu.memory_space<vmem>>, vector<16xf32>,
      tpu.vector_store %arg5[%swap3A_513], %broadcast_in_dim3A_1 {strides = array<i32>} : memref<65536xf32, #tpu.memory_space<vmem>>, vector<16xf32>,
      %mul3A_515 = arith.constant 2048 : i32
      %mul3A_516 = arith.muli %scan3A_58, %mul3A_515 : i32
      %add3A_517 = arith.constant 1216 : i32
      %add3A_518 = arith.addi %mul3A_516, %add3A_517 : i32
      %swap3A_519 = arith.index_cast %add3A_518 : i32 to index
      %swap3A_520 = tpu.vector_load %arg5[%swap3A_519] {strides = array<i32>} : memref<65536xf32, #tpu.memory_space<vmem>>, vector<16xf32>,
      tpu.vector_store %arg5[%swap3A_519], %broadcast_in_dim3A_1 {strides = array<i32>} : memref<65536xf32, #tpu.memory_space<vmem>>, vector<16xf32>,
      %mul3A_521 = arith.constant 2048 : i32
      %mul3A_522 = arith.muli %scan3A_58, %mul3A_521 : i32
      %add3A_523 = arith.constant 1232 : i32
      %add3A_524 = arith.addi %mul3A_522, %add3A_523 : i32
      %swap3A_525 = arith.index_cast %add3A_524 : i32 to index
      %swap3A_526 = tpu.vector_load %arg5[%swap3A_525] {strides = array<i32>} : memref<65536xf32, #tpu.memory_space<vmem>>, vector<16xf32>,
      tpu.vector_store %arg5[%swap3A_525], %broadcast_in_dim3A_1 {strides = array<i32>} : memref<65536xf32, #tpu.memory_space<vmem>>, vector<16xf32>,
      %mul3A_527 = arith.constant 2048 : i32
      %mul3A_528 = arith.muli %scan3A_58, %mul3A_527 : i32
      %add3A_529 = arith.constant 1248 : i32
      %add3A_530 = arith.addi %mul3A_528, %add3A_529 : i32
      %swap3A_531 = arith.index_cast %add3A_530 : i32 to index
      %swap3A_532 = tpu.vector_load %arg5[%swap3A_531] {strides = array<i32>} : memref<65536xf32, #tpu.memory_space<vmem>>, vector<16xf32>,
      tpu.vector_store %arg5[%swap3A_531], %broadcast_in_dim3A_1 {strides = array<i32>} : memref<65536xf32, #tpu.memory_space<vmem>>, vector<16xf32>,
      %mul3A_533 = arith.constant 2048 : i32
      %mul3A_534 = arith.muli %scan3A_58, %mul3A_533 : i32
      %add3A_535 = arith.constant 1264 : i32
      %add3A_536 = arith.addi %mul3A_534, %add3A_535 : i32
      %swap3A_537 = arith.index_cast %add3A_536 : i32 to index
      %swap3A_538 = tpu.vector_load %arg5[%swap3A_537] {strides = array<i32>} : memref<65536xf32, #tpu.memory_space<vmem>>, vector<16xf32>,
      tpu.vector_store %arg5[%swap3A_537], %broadcast_in_dim3A_1 {strides = array<i32>} : memref<65536xf32, #tpu.memory_space<vmem>>, vector<16xf32>,
      %mul3A_539 = arith.constant 2048 : i32
      %mul3A_540 = arith.muli %scan3A_58, %mul3A_539 : i32
      %add3A_541 = arith.constant 1280 : i32
      %add3A_542 = arith.addi %mul3A_540, %add3A_541 : i32
      %swap3A_543 = arith.index_cast %add3A_542 : i32 to index
      %swap3A_544 = tpu.vector_load %arg5[%swap3A_543] {strides = array<i32>} : memref<65536xf32, #tpu.memory_space<vmem>>, vector<16xf32>,
      tpu.vector_store %arg5[%swap3A_543], %broadcast_in_dim3A_1 {strides = array<i32>} : memref<65536xf32, #tpu.memory_space<vmem>>, vector<16xf32>,
      %mul3A_545 = arith.constant 2048 : i32
      %mul3A_546 = arith.muli %scan3A_58, %mul3A_545 : i32
      %add3A_547 = arith.constant 1296 : i32
      %add3A_548 = arith.addi %mul3A_546, %add3A_547 : i32
      %swap3A_549 = arith.index_cast %add3A_548 : i32 to index
      %swap3A_550 = tpu.vector_load %arg5[%swap3A_549] {strides = array<i32>} : memref<65536xf32, #tpu.memory_space<vmem>>, vector<16xf32>,
      tpu.vector_store %arg5[%swap3A_549], %broadcast_in_dim3A_1 {strides = array<i32>} : memref<65536xf32, #tpu.memory_space<vmem>>, vector<16xf32>,
      %mul3A_551 = arith.constant 2048 : i32
      %mul3A_552 = arith.muli %scan3A_58, %mul3A_551 : i32
      %add3A_553 = arith.constant 1312 : i32
      %add3A_554 = arith.addi %mul3A_552, %add3A_553 : i32
      %swap3A_555 = arith.index_cast %add3A_554 : i32 to index
      %swap3A_556 = tpu.vector_load %arg5[%swap3A_555] {strides = array<i32>} : memref<65536xf32, #tpu.memory_space<vmem>>, vector<16xf32>,
      tpu.vector_store %arg5[%swap3A_555], %broadcast_in_dim3A_1 {strides = array<i32>} : memref<65536xf32, #tpu.memory_space<vmem>>, vector<16xf32>,
      %mul3A_557 = arith.constant 2048 : i32
      %mul3A_558 = arith.muli %scan3A_58, %mul3A_557 : i32
      %add3A_559 = arith.constant 1328 : i32
      %add3A_560 = arith.addi %mul3A_558, %add3A_559 : i32
      %swap3A_561 = arith.index_cast %add3A_560 : i32 to index
      %swap3A_562 = tpu.vector_load %arg5[%swap3A_561] {strides = array<i32>} : memref<65536xf32, #tpu.memory_space<vmem>>, vector<16xf32>,
      tpu.vector_store %arg5[%swap3A_561], %broadcast_in_dim3A_1 {strides = array<i32>} : memref<65536xf32, #tpu.memory_space<vmem>>, vector<16xf32>,
      %mul3A_563 = arith.constant 2048 : i32
      %mul3A_564 = arith.muli %scan3A_58, %mul3A_563 : i32
      %add3A_565 = arith.constant 1344 : i32
      %add3A_566 = arith.addi %mul3A_564, %add3A_565 : i32
      %swap3A_567 = arith.index_cast %add3A_566 : i32 to index
      %swap3A_568 = tpu.vector_load %arg5[%swap3A_567] {strides = array<i32>} : memref<65536xf32, #tpu.memory_space<vmem>>, vector<16xf32>,
      tpu.vector_store %arg5[%swap3A_567], %broadcast_in_dim3A_1 {strides = array<i32>} : memref<65536xf32, #tpu.memory_space<vmem>>, vector<16xf32>,
      %mul3A_569 = arith.constant 2048 : i32
      %mul3A_570 = arith.muli %scan3A_58, %mul3A_569 : i32
      %add3A_571 = arith.constant 1360 : i32
      %add3A_572 = arith.addi %mul3A_570, %add3A_571 : i32
      %swap3A_573 = arith.index_cast %add3A_572 : i32 to index
      %swap3A_574 = tpu.vector_load %arg5[%swap3A_573] {strides = array<i32>} : memref<65536xf32, #tpu.memory_space<vmem>>, vector<16xf32>,
      tpu.vector_store %arg5[%swap3A_573], %broadcast_in_dim3A_1 {strides = array<i32>} : memref<65536xf32, #tpu.memory_space<vmem>>, vector<16xf32>,
      %mul3A_575 = arith.constant 2048 : i32
      %mul3A_576 = arith.muli %scan3A_58, %mul3A_575 : i32
      %add3A_577 = arith.constant 1376 : i32
      %add3A_578 = arith.addi %mul3A_576, %add3A_577 : i32
      %swap3A_579 = arith.index_cast %add3A_578 : i32 to index
      %swap3A_580 = tpu.vector_load %arg5[%swap3A_579] {strides = array<i32>} : memref<65536xf32, #tpu.memory_space<vmem>>, vector<16xf32>,
      tpu.vector_store %arg5[%swap3A_579], %broadcast_in_dim3A_1 {strides = array<i32>} : memref<65536xf32, #tpu.memory_space<vmem>>, vector<16xf32>,
      %mul3A_581 = arith.constant 2048 : i32
      %mul3A_582 = arith.muli %scan3A_58, %mul3A_581 : i32
      %add3A_583 = arith.constant 1392 : i32
      %add3A_584 = arith.addi %mul3A_582, %add3A_583 : i32
      %swap3A_585 = arith.index_cast %add3A_584 : i32 to index
      %swap3A_586 = tpu.vector_load %arg5[%swap3A_585] {strides = array<i32>} : memref<65536xf32, #tpu.memory_space<vmem>>, vector<16xf32>,
      tpu.vector_store %arg5[%swap3A_585], %broadcast_in_dim3A_1 {strides = array<i32>} : memref<65536xf32, #tpu.memory_space<vmem>>, vector<16xf32>,
      %mul3A_587 = arith.constant 2048 : i32
      %mul3A_588 = arith.muli %scan3A_58, %mul3A_587 : i32
      %add3A_589 = arith.constant 1408 : i32
      %add3A_590 = arith.addi %mul3A_588, %add3A_589 : i32
      %swap3A_591 = arith.index_cast %add3A_590 : i32 to index
      %swap3A_592 = tpu.vector_load %arg5[%swap3A_591] {strides = array<i32>} : memref<65536xf32, #tpu.memory_space<vmem>>, vector<16xf32>,
      tpu.vector_store %arg5[%swap3A_591], %broadcast_in_dim3A_1 {strides = array<i32>} : memref<65536xf32, #tpu.memory_space<vmem>>, vector<16xf32>,
      %mul3A_593 = arith.constant 2048 : i32
      %mul3A_594 = arith.muli %scan3A_58, %mul3A_593 : i32
      %add3A_595 = arith.constant 1424 : i32
      %add3A_596 = arith.addi %mul3A_594, %add3A_595 : i32
      %swap3A_597 = arith.index_cast %add3A_596 : i32 to index
      %swap3A_598 = tpu.vector_load %arg5[%swap3A_597] {strides = array<i32>} : memref<65536xf32, #tpu.memory_space<vmem>>, vector<16xf32>,
      tpu.vector_store %arg5[%swap3A_597], %broadcast_in_dim3A_1 {strides = array<i32>} : memref<65536xf32, #tpu.memory_space<vmem>>, vector<16xf32>,
      %mul3A_599 = arith.constant 2048 : i32
      %mul3A_600 = arith.muli %scan3A_58, %mul3A_599 : i32
      %add3A_601 = arith.constant 1440 : i32
      %add3A_602 = arith.addi %mul3A_600, %add3A_601 : i32
      %swap3A_603 = arith.index_cast %add3A_602 : i32 to index
      %swap3A_604 = tpu.vector_load %arg5[%swap3A_603] {strides = array<i32>} : memref<65536xf32, #tpu.memory_space<vmem>>, vector<16xf32>,
      tpu.vector_store %arg5[%swap3A_603], %broadcast_in_dim3A_1 {strides = array<i32>} : memref<65536xf32, #tpu.memory_space<vmem>>, vector<16xf32>,
      %mul3A_605 = arith.constant 2048 : i32
      %mul3A_606 = arith.muli %scan3A_58, %mul3A_605 : i32
      %add3A_607 = arith.constant 1456 : i32
      %add3A_608 = arith.addi %mul3A_606, %add3A_607 : i32
      %swap3A_609 = arith.index_cast %add3A_608 : i32 to index
      %swap3A_610 = tpu.vector_load %arg5[%swap3A_609] {strides = array<i32>} : memref<65536xf32, #tpu.memory_space<vmem>>, vector<16xf32>,
      tpu.vector_store %arg5[%swap3A_609], %broadcast_in_dim3A_1 {strides = array<i32>} : memref<65536xf32, #tpu.memory_space<vmem>>, vector<16xf32>,
      %mul3A_611 = arith.constant 2048 : i32
      %mul3A_612 = arith.muli %scan3A_58, %mul3A_611 : i32
      %add3A_613 = arith.constant 1472 : i32
      %add3A_614 = arith.addi %mul3A_612, %add3A_613 : i32
      %swap3A_615 = arith.index_cast %add3A_614 : i32 to index
      %swap3A_616 = tpu.vector_load %arg5[%swap3A_615] {strides = array<i32>} : memref<65536xf32, #tpu.memory_space<vmem>>, vector<16xf32>,
      tpu.vector_store %arg5[%swap3A_615], %broadcast_in_dim3A_1 {strides = array<i32>} : memref<65536xf32, #tpu.memory_space<vmem>>, vector<16xf32>,
      %mul3A_617 = arith.constant 2048 : i32
      %mul3A_618 = arith.muli %scan3A_58, %mul3A_617 : i32
      %add3A_619 = arith.constant 1488 : i32
      %add3A_620 = arith.addi %mul3A_618, %add3A_619 : i32
      %swap3A_621 = arith.index_cast %add3A_620 : i32 to index
      %swap3A_622 = tpu.vector_load %arg5[%swap3A_621] {strides = array<i32>} : memref<65536xf32, #tpu.memory_space<vmem>>, vector<16xf32>,
      tpu.vector_store %arg5[%swap3A_621], %broadcast_in_dim3A_1 {strides = array<i32>} : memref<65536xf32, #tpu.memory_space<vmem>>, vector<16xf32>,
      %mul3A_623 = arith.constant 2048 : i32
      %mul3A_624 = arith.muli %scan3A_58, %mul3A_623 : i32
      %add3A_625 = arith.constant 1504 : i32
      %add3A_626 = arith.addi %mul3A_624, %add3A_625 : i32
      %swap3A_627 = arith.index_cast %add3A_626 : i32 to index
      %swap3A_628 = tpu.vector_load %arg5[%swap3A_627] {strides = array<i32>} : memref<65536xf32, #tpu.memory_space<vmem>>, vector<16xf32>,
      tpu.vector_store %arg5[%swap3A_627], %broadcast_in_dim3A_1 {strides = array<i32>} : memref<65536xf32, #tpu.memory_space<vmem>>, vector<16xf32>,
      %mul3A_629 = arith.constant 2048 : i32
      %mul3A_630 = arith.muli %scan3A_58, %mul3A_629 : i32
      %add3A_631 = arith.constant 1520 : i32
      %add3A_632 = arith.addi %mul3A_630, %add3A_631 : i32
      %swap3A_633 = arith.index_cast %add3A_632 : i32 to index
      %swap3A_634 = tpu.vector_load %arg5[%swap3A_633] {strides = array<i32>} : memref<65536xf32, #tpu.memory_space<vmem>>, vector<16xf32>,
      tpu.vector_store %arg5[%swap3A_633], %broadcast_in_dim3A_1 {strides = array<i32>} : memref<65536xf32, #tpu.memory_space<vmem>>, vector<16xf32>,
      %mul3A_635 = arith.constant 2048 : i32
      %mul3A_636 = arith.muli %scan3A_58, %mul3A_635 : i32
      %add3A_637 = arith.constant 1536 : i32
      %add3A_638 = arith.addi %mul3A_636, %add3A_637 : i32
      %swap3A_639 = arith.index_cast %add3A_638 : i32 to index
      %swap3A_640 = tpu.vector_load %arg5[%swap3A_639] {strides = array<i32>} : memref<65536xf32, #tpu.memory_space<vmem>>, vector<16xf32>,
      tpu.vector_store %arg5[%swap3A_639], %broadcast_in_dim3A_1 {strides = array<i32>} : memref<65536xf32, #tpu.memory_space<vmem>>, vector<16xf32>,
      %mul3A_641 = arith.constant 2048 : i32
      %mul3A_642 = arith.muli %scan3A_58, %mul3A_641 : i32
      %add3A_643 = arith.constant 1552 : i32
      %add3A_644 = arith.addi %mul3A_642, %add3A_643 : i32
      %swap3A_645 = arith.index_cast %add3A_644 : i32 to index
      %swap3A_646 = tpu.vector_load %arg5[%swap3A_645] {strides = array<i32>} : memref<65536xf32, #tpu.memory_space<vmem>>, vector<16xf32>,
      tpu.vector_store %arg5[%swap3A_645], %broadcast_in_dim3A_1 {strides = array<i32>} : memref<65536xf32, #tpu.memory_space<vmem>>, vector<16xf32>,
      %mul3A_647 = arith.constant 2048 : i32
      %mul3A_648 = arith.muli %scan3A_58, %mul3A_647 : i32
      %add3A_649 = arith.constant 1568 : i32
      %add3A_650 = arith.addi %mul3A_648, %add3A_649 : i32
      %swap3A_651 = arith.index_cast %add3A_650 : i32 to index
      %swap3A_652 = tpu.vector_load %arg5[%swap3A_651] {strides = array<i32>} : memref<65536xf32, #tpu.memory_space<vmem>>, vector<16xf32>,
      tpu.vector_store %arg5[%swap3A_651], %broadcast_in_dim3A_1 {strides = array<i32>} : memref<65536xf32, #tpu.memory_space<vmem>>, vector<16xf32>,
      %mul3A_653 = arith.constant 2048 : i32
      %mul3A_654 = arith.muli %scan3A_58, %mul3A_653 : i32
      %add3A_655 = arith.constant 1584 : i32
      %add3A_656 = arith.addi %mul3A_654, %add3A_655 : i32
      %swap3A_657 = arith.index_cast %add3A_656 : i32 to index
      %swap3A_658 = tpu.vector_load %arg5[%swap3A_657] {strides = array<i32>} : memref<65536xf32, #tpu.memory_space<vmem>>, vector<16xf32>,
      tpu.vector_store %arg5[%swap3A_657], %broadcast_in_dim3A_1 {strides = array<i32>} : memref<65536xf32, #tpu.memory_space<vmem>>, vector<16xf32>,
      %mul3A_659 = arith.constant 2048 : i32
      %mul3A_660 = arith.muli %scan3A_58, %mul3A_659 : i32
      %add3A_661 = arith.constant 1600 : i32
      %add3A_662 = arith.addi %mul3A_660, %add3A_661 : i32
      %swap3A_663 = arith.index_cast %add3A_662 : i32 to index
      %swap3A_664 = tpu.vector_load %arg5[%swap3A_663] {strides = array<i32>} : memref<65536xf32, #tpu.memory_space<vmem>>, vector<16xf32>,
      tpu.vector_store %arg5[%swap3A_663], %broadcast_in_dim3A_1 {strides = array<i32>} : memref<65536xf32, #tpu.memory_space<vmem>>, vector<16xf32>,
      %mul3A_665 = arith.constant 2048 : i32
      %mul3A_666 = arith.muli %scan3A_58, %mul3A_665 : i32
      %add3A_667 = arith.constant 1616 : i32
      %add3A_668 = arith.addi %mul3A_666, %add3A_667 : i32
      %swap3A_669 = arith.index_cast %add3A_668 : i32 to index
      %swap3A_670 = tpu.vector_load %arg5[%swap3A_669] {strides = array<i32>} : memref<65536xf32, #tpu.memory_space<vmem>>, vector<16xf32>,
      tpu.vector_store %arg5[%swap3A_669], %broadcast_in_dim3A_1 {strides = array<i32>} : memref<65536xf32, #tpu.memory_space<vmem>>, vector<16xf32>,
      %mul3A_671 = arith.constant 2048 : i32
      %mul3A_672 = arith.muli %scan3A_58, %mul3A_671 : i32
      %add3A_673 = arith.constant 1632 : i32
      %add3A_674 = arith.addi %mul3A_672, %add3A_673 : i32
      %swap3A_675 = arith.index_cast %add3A_674 : i32 to index
      %swap3A_676 = tpu.vector_load %arg5[%swap3A_675] {strides = array<i32>} : memref<65536xf32, #tpu.memory_space<vmem>>, vector<16xf32>,
      tpu.vector_store %arg5[%swap3A_675], %broadcast_in_dim3A_1 {strides = array<i32>} : memref<65536xf32, #tpu.memory_space<vmem>>, vector<16xf32>,
      %mul3A_677 = arith.constant 2048 : i32
      %mul3A_678 = arith.muli %scan3A_58, %mul3A_677 : i32
      %add3A_679 = arith.constant 1648 : i32
      %add3A_680 = arith.addi %mul3A_678, %add3A_679 : i32
      %swap3A_681 = arith.index_cast %add3A_680 : i32 to index
      %swap3A_682 = tpu.vector_load %arg5[%swap3A_681] {strides = array<i32>} : memref<65536xf32, #tpu.memory_space<vmem>>, vector<16xf32>,
      tpu.vector_store %arg5[%swap3A_681], %broadcast_in_dim3A_1 {strides = array<i32>} : memref<65536xf32, #tpu.memory_space<vmem>>, vector<16xf32>,
      %mul3A_683 = arith.constant 2048 : i32
      %mul3A_684 = arith.muli %scan3A_58, %mul3A_683 : i32
      %add3A_685 = arith.constant 1664 : i32
      %add3A_686 = arith.addi %mul3A_684, %add3A_685 : i32
      %swap3A_687 = arith.index_cast %add3A_686 : i32 to index
      %swap3A_688 = tpu.vector_load %arg5[%swap3A_687] {strides = array<i32>} : memref<65536xf32, #tpu.memory_space<vmem>>, vector<16xf32>,
      tpu.vector_store %arg5[%swap3A_687], %broadcast_in_dim3A_1 {strides = array<i32>} : memref<65536xf32, #tpu.memory_space<vmem>>, vector<16xf32>,
      %mul3A_689 = arith.constant 2048 : i32
      %mul3A_690 = arith.muli %scan3A_58, %mul3A_689 : i32
      %add3A_691 = arith.constant 1680 : i32
      %add3A_692 = arith.addi %mul3A_690, %add3A_691 : i32
      %swap3A_693 = arith.index_cast %add3A_692 : i32 to index
      %swap3A_694 = tpu.vector_load %arg5[%swap3A_693] {strides = array<i32>} : memref<65536xf32, #tpu.memory_space<vmem>>, vector<16xf32>,
      tpu.vector_store %arg5[%swap3A_693], %broadcast_in_dim3A_1 {strides = array<i32>} : memref<65536xf32, #tpu.memory_space<vmem>>, vector<16xf32>,
      %mul3A_695 = arith.constant 2048 : i32
      %mul3A_696 = arith.muli %scan3A_58, %mul3A_695 : i32
      %add3A_697 = arith.constant 1696 : i32
      %add3A_698 = arith.addi %mul3A_696, %add3A_697 : i32
      %swap3A_699 = arith.index_cast %add3A_698 : i32 to index
      %swap3A_700 = tpu.vector_load %arg5[%swap3A_699] {strides = array<i32>} : memref<65536xf32, #tpu.memory_space<vmem>>, vector<16xf32>,
      tpu.vector_store %arg5[%swap3A_699], %broadcast_in_dim3A_1 {strides = array<i32>} : memref<65536xf32, #tpu.memory_space<vmem>>, vector<16xf32>,
      %mul3A_701 = arith.constant 2048 : i32
      %mul3A_702 = arith.muli %scan3A_58, %mul3A_701 : i32
      %add3A_703 = arith.constant 1712 : i32
      %add3A_704 = arith.addi %mul3A_702, %add3A_703 : i32
      %swap3A_705 = arith.index_cast %add3A_704 : i32 to index
      %swap3A_706 = tpu.vector_load %arg5[%swap3A_705] {strides = array<i32>} : memref<65536xf32, #tpu.memory_space<vmem>>, vector<16xf32>,
      tpu.vector_store %arg5[%swap3A_705], %broadcast_in_dim3A_1 {strides = array<i32>} : memref<65536xf32, #tpu.memory_space<vmem>>, vector<16xf32>,
      %mul3A_707 = arith.constant 2048 : i32
      %mul3A_708 = arith.muli %scan3A_58, %mul3A_707 : i32
      %add3A_709 = arith.constant 1728 : i32
      %add3A_710 = arith.addi %mul3A_708, %add3A_709 : i32
      %swap3A_711 = arith.index_cast %add3A_710 : i32 to index
      %swap3A_712 = tpu.vector_load %arg5[%swap3A_711] {strides = array<i32>} : memref<65536xf32, #tpu.memory_space<vmem>>, vector<16xf32>,
      tpu.vector_store %arg5[%swap3A_711], %broadcast_in_dim3A_1 {strides = array<i32>} : memref<65536xf32, #tpu.memory_space<vmem>>, vector<16xf32>,
      %mul3A_713 = arith.constant 2048 : i32
      %mul3A_714 = arith.muli %scan3A_58, %mul3A_713 : i32
      %add3A_715 = arith.constant 1744 : i32
      %add3A_716 = arith.addi %mul3A_714, %add3A_715 : i32
      %swap3A_717 = arith.index_cast %add3A_716 : i32 to index
      %swap3A_718 = tpu.vector_load %arg5[%swap3A_717] {strides = array<i32>} : memref<65536xf32, #tpu.memory_space<vmem>>, vector<16xf32>,
      tpu.vector_store %arg5[%swap3A_717], %broadcast_in_dim3A_1 {strides = array<i32>} : memref<65536xf32, #tpu.memory_space<vmem>>, vector<16xf32>,
      %mul3A_719 = arith.constant 2048 : i32
      %mul3A_720 = arith.muli %scan3A_58, %mul3A_719 : i32
      %add3A_721 = arith.constant 1760 : i32
      %add3A_722 = arith.addi %mul3A_720, %add3A_721 : i32
      %swap3A_723 = arith.index_cast %add3A_722 : i32 to index
      %swap3A_724 = tpu.vector_load %arg5[%swap3A_723] {strides = array<i32>} : memref<65536xf32, #tpu.memory_space<vmem>>, vector<16xf32>,
      tpu.vector_store %arg5[%swap3A_723], %broadcast_in_dim3A_1 {strides = array<i32>} : memref<65536xf32, #tpu.memory_space<vmem>>, vector<16xf32>,
      %mul3A_725 = arith.constant 2048 : i32
      %mul3A_726 = arith.muli %scan3A_58, %mul3A_725 : i32
      %add3A_727 = arith.constant 1776 : i32
      %add3A_728 = arith.addi %mul3A_726, %add3A_727 : i32
      %swap3A_729 = arith.index_cast %add3A_728 : i32 to index
      %swap3A_730 = tpu.vector_load %arg5[%swap3A_729] {strides = array<i32>} : memref<65536xf32, #tpu.memory_space<vmem>>, vector<16xf32>,
      tpu.vector_store %arg5[%swap3A_729], %broadcast_in_dim3A_1 {strides = array<i32>} : memref<65536xf32, #tpu.memory_space<vmem>>, vector<16xf32>,
      %mul3A_731 = arith.constant 2048 : i32
      %mul3A_732 = arith.muli %scan3A_58, %mul3A_731 : i32
      %add3A_733 = arith.constant 1792 : i32
      %add3A_734 = arith.addi %mul3A_732, %add3A_733 : i32
      %swap3A_735 = arith.index_cast %add3A_734 : i32 to index
      %swap3A_736 = tpu.vector_load %arg5[%swap3A_735] {strides = array<i32>} : memref<65536xf32, #tpu.memory_space<vmem>>, vector<16xf32>,
      tpu.vector_store %arg5[%swap3A_735], %broadcast_in_dim3A_1 {strides = array<i32>} : memref<65536xf32, #tpu.memory_space<vmem>>, vector<16xf32>,
      %mul3A_737 = arith.constant 2048 : i32
      %mul3A_738 = arith.muli %scan3A_58, %mul3A_737 : i32
      %add3A_739 = arith.constant 1808 : i32
      %add3A_740 = arith.addi %mul3A_738, %add3A_739 : i32
      %swap3A_741 = arith.index_cast %add3A_740 : i32 to index
      %swap3A_742 = tpu.vector_load %arg5[%swap3A_741] {strides = array<i32>} : memref<65536xf32, #tpu.memory_space<vmem>>, vector<16xf32>,
      tpu.vector_store %arg5[%swap3A_741], %broadcast_in_dim3A_1 {strides = array<i32>} : memref<65536xf32, #tpu.memory_space<vmem>>, vector<16xf32>,
      %mul3A_743 = arith.constant 2048 : i32
      %mul3A_744 = arith.muli %scan3A_58, %mul3A_743 : i32
      %add3A_745 = arith.constant 1824 : i32
      %add3A_746 = arith.addi %mul3A_744, %add3A_745 : i32
      %swap3A_747 = arith.index_cast %add3A_746 : i32 to index
      %swap3A_748 = tpu.vector_load %arg5[%swap3A_747] {strides = array<i32>} : memref<65536xf32, #tpu.memory_space<vmem>>, vector<16xf32>,
      tpu.vector_store %arg5[%swap3A_747], %broadcast_in_dim3A_1 {strides = array<i32>} : memref<65536xf32, #tpu.memory_space<vmem>>, vector<16xf32>,
      %mul3A_749 = arith.constant 2048 : i32
      %mul3A_750 = arith.muli %scan3A_58, %mul3A_749 : i32
      %add3A_751 = arith.constant 1840 : i32
      %add3A_752 = arith.addi %mul3A_750, %add3A_751 : i32
      %swap3A_753 = arith.index_cast %add3A_752 : i32 to index
      %swap3A_754 = tpu.vector_load %arg5[%swap3A_753] {strides = array<i32>} : memref<65536xf32, #tpu.memory_space<vmem>>, vector<16xf32>,
      tpu.vector_store %arg5[%swap3A_753], %broadcast_in_dim3A_1 {strides = array<i32>} : memref<65536xf32, #tpu.memory_space<vmem>>, vector<16xf32>,
      %mul3A_755 = arith.constant 2048 : i32
      %mul3A_756 = arith.muli %scan3A_58, %mul3A_755 : i32
      %add3A_757 = arith.constant 1856 : i32
      %add3A_758 = arith.addi %mul3A_756, %add3A_757 : i32
      %swap3A_759 = arith.index_cast %add3A_758 : i32 to index
      %swap3A_760 = tpu.vector_load %arg5[%swap3A_759] {strides = array<i32>} : memref<65536xf32, #tpu.memory_space<vmem>>, vector<16xf32>,
      tpu.vector_store %arg5[%swap3A_759], %broadcast_in_dim3A_1 {strides = array<i32>} : memref<65536xf32, #tpu.memory_space<vmem>>, vector<16xf32>,
      %mul3A_761 = arith.constant 2048 : i32
      %mul3A_762 = arith.muli %scan3A_58, %mul3A_761 : i32
      %add3A_763 = arith.constant 1872 : i32
      %add3A_764 = arith.addi %mul3A_762, %add3A_763 : i32
      %swap3A_765 = arith.index_cast %add3A_764 : i32 to index
      %swap3A_766 = tpu.vector_load %arg5[%swap3A_765] {strides = array<i32>} : memref<65536xf32, #tpu.memory_space<vmem>>, vector<16xf32>,
      tpu.vector_store %arg5[%swap3A_765], %broadcast_in_dim3A_1 {strides = array<i32>} : memref<65536xf32, #tpu.memory_space<vmem>>, vector<16xf32>,
      %mul3A_767 = arith.constant 2048 : i32
      %mul3A_768 = arith.muli %scan3A_58, %mul3A_767 : i32
      %add3A_769 = arith.constant 1888 : i32
      %add3A_770 = arith.addi %mul3A_768, %add3A_769 : i32
      %swap3A_771 = arith.index_cast %add3A_770 : i32 to index
      %swap3A_772 = tpu.vector_load %arg5[%swap3A_771] {strides = array<i32>} : memref<65536xf32, #tpu.memory_space<vmem>>, vector<16xf32>,
      tpu.vector_store %arg5[%swap3A_771], %broadcast_in_dim3A_1 {strides = array<i32>} : memref<65536xf32, #tpu.memory_space<vmem>>, vector<16xf32>,
      %mul3A_773 = arith.constant 2048 : i32
      %mul3A_774 = arith.muli %scan3A_58, %mul3A_773 : i32
      %add3A_775 = arith.constant 1904 : i32
      %add3A_776 = arith.addi %mul3A_774, %add3A_775 : i32
      %swap3A_777 = arith.index_cast %add3A_776 : i32 to index
      %swap3A_778 = tpu.vector_load %arg5[%swap3A_777] {strides = array<i32>} : memref<65536xf32, #tpu.memory_space<vmem>>, vector<16xf32>,
      tpu.vector_store %arg5[%swap3A_777], %broadcast_in_dim3A_1 {strides = array<i32>} : memref<65536xf32, #tpu.memory_space<vmem>>, vector<16xf32>,
      %mul3A_779 = arith.constant 2048 : i32
      %mul3A_780 = arith.muli %scan3A_58, %mul3A_779 : i32
      %add3A_781 = arith.constant 1920 : i32
      %add3A_782 = arith.addi %mul3A_780, %add3A_781 : i32
      %swap3A_783 = arith.index_cast %add3A_782 : i32 to index
      %swap3A_784 = tpu.vector_load %arg5[%swap3A_783] {strides = array<i32>} : memref<65536xf32, #tpu.memory_space<vmem>>, vector<16xf32>,
      tpu.vector_store %arg5[%swap3A_783], %broadcast_in_dim3A_1 {strides = array<i32>} : memref<65536xf32, #tpu.memory_space<vmem>>, vector<16xf32>,
      %mul3A_785 = arith.constant 2048 : i32
      %mul3A_786 = arith.muli %scan3A_58, %mul3A_785 : i32
      %add3A_787 = arith.constant 1936 : i32
      %add3A_788 = arith.addi %mul3A_786, %add3A_787 : i32
      %swap3A_789 = arith.index_cast %add3A_788 : i32 to index
      %swap3A_790 = tpu.vector_load %arg5[%swap3A_789] {strides = array<i32>} : memref<65536xf32, #tpu.memory_space<vmem>>, vector<16xf32>,
      tpu.vector_store %arg5[%swap3A_789], %broadcast_in_dim3A_1 {strides = array<i32>} : memref<65536xf32, #tpu.memory_space<vmem>>, vector<16xf32>,
      %mul3A_791 = arith.constant 2048 : i32
      %mul3A_792 = arith.muli %scan3A_58, %mul3A_791 : i32
      %add3A_793 = arith.constant 1952 : i32
      %add3A_794 = arith.addi %mul3A_792, %add3A_793 : i32
      %swap3A_795 = arith.index_cast %add3A_794 : i32 to index
      %swap3A_796 = tpu.vector_load %arg5[%swap3A_795] {strides = array<i32>} : memref<65536xf32, #tpu.memory_space<vmem>>, vector<16xf32>,
      tpu.vector_store %arg5[%swap3A_795], %broadcast_in_dim3A_1 {strides = array<i32>} : memref<65536xf32, #tpu.memory_space<vmem>>, vector<16xf32>,
      %mul3A_797 = arith.constant 2048 : i32
      %mul3A_798 = arith.muli %scan3A_58, %mul3A_797 : i32
      %add3A_799 = arith.constant 1968 : i32
      %add3A_800 = arith.addi %mul3A_798, %add3A_799 : i32
      %swap3A_801 = arith.index_cast %add3A_800 : i32 to index
      %swap3A_802 = tpu.vector_load %arg5[%swap3A_801] {strides = array<i32>} : memref<65536xf32, #tpu.memory_space<vmem>>, vector<16xf32>,
      tpu.vector_store %arg5[%swap3A_801], %broadcast_in_dim3A_1 {strides = array<i32>} : memref<65536xf32, #tpu.memory_space<vmem>>, vector<16xf32>,
      %mul3A_803 = arith.constant 2048 : i32
      %mul3A_804 = arith.muli %scan3A_58, %mul3A_803 : i32
      %add3A_805 = arith.constant 1984 : i32
      %add3A_806 = arith.addi %mul3A_804, %add3A_805 : i32
      %swap3A_807 = arith.index_cast %add3A_806 : i32 to index
      %swap3A_808 = tpu.vector_load %arg5[%swap3A_807] {strides = array<i32>} : memref<65536xf32, #tpu.memory_space<vmem>>, vector<16xf32>,
      tpu.vector_store %arg5[%swap3A_807], %broadcast_in_dim3A_1 {strides = array<i32>} : memref<65536xf32, #tpu.memory_space<vmem>>, vector<16xf32>,
      %mul3A_809 = arith.constant 2048 : i32
      %mul3A_810 = arith.muli %scan3A_58, %mul3A_809 : i32
      %add3A_811 = arith.constant 2000 : i32
      %add3A_812 = arith.addi %mul3A_810, %add3A_811 : i32
      %swap3A_813 = arith.index_cast %add3A_812 : i32 to index
      %swap3A_814 = tpu.vector_load %arg5[%swap3A_813] {strides = array<i32>} : memref<65536xf32, #tpu.memory_space<vmem>>, vector<16xf32>,
      tpu.vector_store %arg5[%swap3A_813], %broadcast_in_dim3A_1 {strides = array<i32>} : memref<65536xf32, #tpu.memory_space<vmem>>, vector<16xf32>,
      %mul3A_815 = arith.constant 2048 : i32
      %mul3A_816 = arith.muli %scan3A_58, %mul3A_815 : i32
      %add3A_817 = arith.constant 2016 : i32
      %add3A_818 = arith.addi %mul3A_816, %add3A_817 : i32
      %swap3A_819 = arith.index_cast %add3A_818 : i32 to index
      %swap3A_820 = tpu.vector_load %arg5[%swap3A_819] {strides = array<i32>} : memref<65536xf32, #tpu.memory_space<vmem>>, vector<16xf32>,
      tpu.vector_store %arg5[%swap3A_819], %broadcast_in_dim3A_1 {strides = array<i32>} : memref<65536xf32, #tpu.memory_space<vmem>>, vector<16xf32>,
      %mul3A_821 = arith.constant 2048 : i32
      %mul3A_822 = arith.muli %scan3A_58, %mul3A_821 : i32
      %add3A_823 = arith.constant 2032 : i32
      %add3A_824 = arith.addi %mul3A_822, %add3A_823 : i32
      %swap3A_825 = arith.index_cast %add3A_824 : i32 to index
      %swap3A_826 = tpu.vector_load %arg5[%swap3A_825] {strides = array<i32>} : memref<65536xf32, #tpu.memory_space<vmem>>, vector<16xf32>,
      tpu.vector_store %arg5[%swap3A_825], %broadcast_in_dim3A_1 {strides = array<i32>} : memref<65536xf32, #tpu.memory_space<vmem>>, vector<16xf32>,
      %scan3A_827 = arith.constant 0 : i32
      scf.yield %scan3A_827 : i32
    }
    %scan3A_20 = arith.constant 32 : i32
    %scan3A_21 = arith.constant 0 : i32
    %scan3A_22 = arith.constant 0 : i32
    %scan3A_23 = arith.constant 8 : i32
    %scan3A_24 = arith.addi %scan3A_22, %scan3A_23 : i32
    %scan3A_25 = arith.constant 1 : i32
    %scan3A_26 = scf.for %scan3A_58 = %scan3A_22 to %scan3A_24 step %scan3A_25 iter_args(%scan3A_59 = %scan3A_21) -> (i32)  : i32 {
      %mul3A_60 = arith.constant 2 : i32
      %mul3A_61 = arith.muli %scan3A_58, %mul3A_60 : i32
      %add3A_62 = arith.constant 1 : i32
      %add3A_63 = arith.addi %mul3A_61, %add3A_62 : i32
      %mul3A_64 = arith.constant 8192 : i32
      %mul3A_65 = arith.muli %add3A_63, %mul3A_64 : i32
      %dma_start3A_66 = tpu.memref_slice %arg2[%mul3A_65] : memref<131072xi32, #tpu.memory_space<hbm>> -> memref<8192xi32, #tpu.memory_space<hbm>>
      %dma_start3A_67 = tpu.memref_slice %arg2[%mul3A_65] : memref<131072xi32, #tpu.memory_space<hbm>> -> memref<8192xi32, #tpu.memory_space<hbm>>
      tpu.enqueue_dma source(%dma_start3A_67 : memref<8192xi32, #tpu.memory_space<hbm>>) target(%arg8 : memref<8192xi32, #tpu.memory_space<vmem>>) target_semaphore(%arg11 : memref<!tpu.dma_semaphore, #tpu.memory_space<semaphore_mem>>)
      %dma_start3A_68 = tpu.memref_slice %arg3[%mul3A_65] : memref<131072xi32, #tpu.memory_space<hbm>> -> memref<8192xi32, #tpu.memory_space<hbm>>
      %dma_start3A_69 = tpu.memref_slice %arg3[%mul3A_65] : memref<131072xi32, #tpu.memory_space<hbm>> -> memref<8192xi32, #tpu.memory_space<hbm>>
      tpu.enqueue_dma source(%dma_start3A_69 : memref<8192xi32, #tpu.memory_space<hbm>>) target(%arg9 : memref<8192xi32, #tpu.memory_space<vmem>>) target_semaphore(%arg11 : memref<!tpu.dma_semaphore, #tpu.memory_space<semaphore_mem>>)
      %dma_wait3A = arith.constant 0 : i32
      %dma_wait3A_70 = tpu.memref_slice %arg2[%dma_wait3A] : memref<131072xi32, #tpu.memory_space<hbm>> -> memref<8192xi32, #tpu.memory_space<hbm>>
      %dma_wait3A_71 = arith.constant 0 : i32
      %dma_wait3A_72 = tpu.memref_slice %arg2[%dma_wait3A_71] : memref<131072xi32, #tpu.memory_space<hbm>> -> memref<8192xi32, #tpu.memory_space<hbm>>
      tpu.wait_dma2 semaphore(%arg10 : memref<!tpu.dma_semaphore, #tpu.memory_space<semaphore_mem>>) src(%dma_wait3A_72 : memref<8192xi32, #tpu.memory_space<hbm>>) dst(%arg6 : memref<8192xi32, #tpu.memory_space<vmem>>)
      %dma_wait3A_73 = arith.constant 0 : i32
      %dma_wait3A_74 = tpu.memref_slice %arg3[%dma_wait3A_73] : memref<131072xi32, #tpu.memory_space<hbm>> -> memref<8192xi32, #tpu.memory_space<hbm>>
      %dma_wait3A_75 = arith.constant 0 : i32
      %dma_wait3A_76 = tpu.memref_slice %arg3[%dma_wait3A_75] : memref<131072xi32, #tpu.memory_space<hbm>> -> memref<8192xi32, #tpu.memory_space<hbm>>
      tpu.wait_dma2 semaphore(%arg10 : memref<!tpu.dma_semaphore, #tpu.memory_space<semaphore_mem>>) src(%dma_wait3A_76 : memref<8192xi32, #tpu.memory_space<hbm>>) dst(%arg7 : memref<8192xi32, #tpu.memory_space<vmem>>)
      %scan3A_77 = arith.constant 0 : i32
      %scan3A_78 = arith.constant 0 : i32
      %scan3A_79 = arith.constant 32 : i32
      %scan3A_80 = arith.addi %scan3A_78, %scan3A_79 : i32
      %scan3A_81 = arith.constant 1 : i32
      %scan3A_82 = scf.for %scan3A_104 = %scan3A_78 to %scan3A_80 step %scan3A_81 iter_args(%scan3A_105 = %scan3A_77) -> (i32)  : i32 {
        %mul3A_106 = arith.constant 256 : i32
        %mul3A_107 = arith.muli %scan3A_104, %mul3A_106 : i32
        %add3A_108 = arith.constant 0 : i32
        %add3A_109 = arith.addi %mul3A_107, %add3A_108 : i32
        %get3A = arith.index_cast %add3A_109 : i32 to index
        %get3A_110 = tpu.vector_load %arg7[%get3A] {strides = array<i32>} : memref<8192xi32, #tpu.memory_space<vmem>>, vector<16xi32>,
        %get3A_111 = arith.index_cast %add3A_109 : i32 to index
        %get3A_112 = tpu.vector_load %arg6[%get3A_111] {strides = array<i32>} : memref<8192xi32, #tpu.memory_space<vmem>>, vector<16xi32>,
        %sub3A = vector.broadcast %add3A_7 : i32 to vector<16xi32>
        %sub3A_113 = arith.subi %get3A_110, %sub3A : vector<16xi32>
        %lt3A_114 = arith.constant 32 : i32
        %lt3A_115 = vector.broadcast %lt3A_114 : i32 to vector<16xi32>
        %lt3A_116 = arith.cmpi ult, %sub3A_113, %lt3A_115 : vector<16xi32>
        %shift_left3A = arith.constant 11 : i32
        %shift_left3A_117 = vector.broadcast %shift_left3A : i32 to vector<16xi32>
        %shift_left3A_118 = arith.shli %sub3A_113, %shift_left3A_117 : vector<16xi32>
        %add3A_119 = arith.addi %shift_left3A_118, %get3A_112 : vector<16xi32>
        %mul3A_120 = arith.constant 256 : i32
        %mul3A_121 = arith.muli %scan3A_104, %mul3A_120 : i32
        %add3A_122 = arith.constant 16 : i32
        %add3A_123 = arith.addi %mul3A_121, %add3A_122 : i32
        %get3A_124 = arith.index_cast %add3A_123 : i32 to index
        %get3A_125 = tpu.vector_load %arg7[%get3A_124] {strides = array<i32>} : memref<8192xi32, #tpu.memory_space<vmem>>, vector<16xi32>,
        %get3A_126 = arith.index_cast %add3A_123 : i32 to index
        %get3A_127 = tpu.vector_load %arg6[%get3A_126] {strides = array<i32>} : memref<8192xi32, #tpu.memory_space<vmem>>, vector<16xi32>,
        %sub3A_128 = vector.broadcast %add3A_7 : i32 to vector<16xi32>
        %sub3A_129 = arith.subi %get3A_125, %sub3A_128 : vector<16xi32>
        %lt3A_130 = arith.constant 32 : i32
        %lt3A_131 = vector.broadcast %lt3A_130 : i32 to vector<16xi32>
        %lt3A_132 = arith.cmpi ult, %sub3A_129, %lt3A_131 : vector<16xi32>
        %shift_left3A_133 = arith.constant 11 : i32
        %shift_left3A_134 = vector.broadcast %shift_left3A_133 : i32 to vector<16xi32>
        %shift_left3A_135 = arith.shli %sub3A_129, %shift_left3A_134 : vector<16xi32>
        %add3A_136 = arith.addi %shift_left3A_135, %get3A_127 : vector<16xi32>
        %mul3A_137 = arith.constant 256 : i32
        %mul3A_138 = arith.muli %scan3A_104, %mul3A_137 : i32
        %add3A_139 = arith.constant 32 : i32
        %add3A_140 = arith.addi %mul3A_138, %add3A_139 : i32
        %get3A_141 = arith.index_cast %add3A_140 : i32 to index
        %get3A_142 = tpu.vector_load %arg7[%get3A_141] {strides = array<i32>} : memref<8192xi32, #tpu.memory_space<vmem>>, vector<16xi32>,
        %get3A_143 = arith.index_cast %add3A_140 : i32 to index
        %get3A_144 = tpu.vector_load %arg6[%get3A_143] {strides = array<i32>} : memref<8192xi32, #tpu.memory_space<vmem>>, vector<16xi32>,
        %sub3A_145 = vector.broadcast %add3A_7 : i32 to vector<16xi32>
        %sub3A_146 = arith.subi %get3A_142, %sub3A_145 : vector<16xi32>
        %lt3A_147 = arith.constant 32 : i32
        %lt3A_148 = vector.broadcast %lt3A_147 : i32 to vector<16xi32>
        %lt3A_149 = arith.cmpi ult, %sub3A_146, %lt3A_148 : vector<16xi32>
        %shift_left3A_150 = arith.constant 11 : i32
        %shift_left3A_151 = vector.broadcast %shift_left3A_150 : i32 to vector<16xi32>
        %shift_left3A_152 = arith.shli %sub3A_146, %shift_left3A_151 : vector<16xi32>
        %add3A_153 = arith.addi %shift_left3A_152, %get3A_144 : vector<16xi32>
        %mul3A_154 = arith.constant 256 : i32
        %mul3A_155 = arith.muli %scan3A_104, %mul3A_154 : i32
        %add3A_156 = arith.constant 48 : i32
        %add3A_157 = arith.addi %mul3A_155, %add3A_156 : i32
        %get3A_158 = arith.index_cast %add3A_157 : i32 to index
        %get3A_159 = tpu.vector_load %arg7[%get3A_158] {strides = array<i32>} : memref<8192xi32, #tpu.memory_space<vmem>>, vector<16xi32>,
        %get3A_160 = arith.index_cast %add3A_157 : i32 to index
        %get3A_161 = tpu.vector_load %arg6[%get3A_160] {strides = array<i32>} : memref<8192xi32, #tpu.memory_space<vmem>>, vector<16xi32>,
        %sub3A_162 = vector.broadcast %add3A_7 : i32 to vector<16xi32>
        %sub3A_163 = arith.subi %get3A_159, %sub3A_162 : vector<16xi32>
        %lt3A_164 = arith.constant 32 : i32
        %lt3A_165 = vector.broadcast %lt3A_164 : i32 to vector<16xi32>
        %lt3A_166 = arith.cmpi ult, %sub3A_163, %lt3A_165 : vector<16xi32>
        %shift_left3A_167 = arith.constant 11 : i32
        %shift_left3A_168 = vector.broadcast %shift_left3A_167 : i32 to vector<16xi32>
        %shift_left3A_169 = arith.shli %sub3A_163, %shift_left3A_168 : vector<16xi32>
        %add3A_170 = arith.addi %shift_left3A_169, %get3A_161 : vector<16xi32>
        %mul3A_171 = arith.constant 256 : i32
        %mul3A_172 = arith.muli %scan3A_104, %mul3A_171 : i32
        %add3A_173 = arith.constant 64 : i32
        %add3A_174 = arith.addi %mul3A_172, %add3A_173 : i32
        %get3A_175 = arith.index_cast %add3A_174 : i32 to index
        %get3A_176 = tpu.vector_load %arg7[%get3A_175] {strides = array<i32>} : memref<8192xi32, #tpu.memory_space<vmem>>, vector<16xi32>,
        %get3A_177 = arith.index_cast %add3A_174 : i32 to index
        %get3A_178 = tpu.vector_load %arg6[%get3A_177] {strides = array<i32>} : memref<8192xi32, #tpu.memory_space<vmem>>, vector<16xi32>,
        %sub3A_179 = vector.broadcast %add3A_7 : i32 to vector<16xi32>
        %sub3A_180 = arith.subi %get3A_176, %sub3A_179 : vector<16xi32>
        %lt3A_181 = arith.constant 32 : i32
        %lt3A_182 = vector.broadcast %lt3A_181 : i32 to vector<16xi32>
        %lt3A_183 = arith.cmpi ult, %sub3A_180, %lt3A_182 : vector<16xi32>
        %shift_left3A_184 = arith.constant 11 : i32
        %shift_left3A_185 = vector.broadcast %shift_left3A_184 : i32 to vector<16xi32>
        %shift_left3A_186 = arith.shli %sub3A_180, %shift_left3A_185 : vector<16xi32>
        %add3A_187 = arith.addi %shift_left3A_186, %get3A_178 : vector<16xi32>
        %mul3A_188 = arith.constant 256 : i32
        %mul3A_189 = arith.muli %scan3A_104, %mul3A_188 : i32
        %add3A_190 = arith.constant 80 : i32
        %add3A_191 = arith.addi %mul3A_189, %add3A_190 : i32
        %get3A_192 = arith.index_cast %add3A_191 : i32 to index
        %get3A_193 = tpu.vector_load %arg7[%get3A_192] {strides = array<i32>} : memref<8192xi32, #tpu.memory_space<vmem>>, vector<16xi32>,
        %get3A_194 = arith.index_cast %add3A_191 : i32 to index
        %get3A_195 = tpu.vector_load %arg6[%get3A_194] {strides = array<i32>} : memref<8192xi32, #tpu.memory_space<vmem>>, vector<16xi32>,
        %sub3A_196 = vector.broadcast %add3A_7 : i32 to vector<16xi32>
        %sub3A_197 = arith.subi %get3A_193, %sub3A_196 : vector<16xi32>
        %lt3A_198 = arith.constant 32 : i32
        %lt3A_199 = vector.broadcast %lt3A_198 : i32 to vector<16xi32>
        %lt3A_200 = arith.cmpi ult, %sub3A_197, %lt3A_199 : vector<16xi32>
        %shift_left3A_201 = arith.constant 11 : i32
        %shift_left3A_202 = vector.broadcast %shift_left3A_201 : i32 to vector<16xi32>
        %shift_left3A_203 = arith.shli %sub3A_197, %shift_left3A_202 : vector<16xi32>
        %add3A_204 = arith.addi %shift_left3A_203, %get3A_195 : vector<16xi32>
        %mul3A_205 = arith.constant 256 : i32
        %mul3A_206 = arith.muli %scan3A_104, %mul3A_205 : i32
        %add3A_207 = arith.constant 96 : i32
        %add3A_208 = arith.addi %mul3A_206, %add3A_207 : i32
        %get3A_209 = arith.index_cast %add3A_208 : i32 to index
        %get3A_210 = tpu.vector_load %arg7[%get3A_209] {strides = array<i32>} : memref<8192xi32, #tpu.memory_space<vmem>>, vector<16xi32>,
        %get3A_211 = arith.index_cast %add3A_208 : i32 to index
        %get3A_212 = tpu.vector_load %arg6[%get3A_211] {strides = array<i32>} : memref<8192xi32, #tpu.memory_space<vmem>>, vector<16xi32>,
        %sub3A_213 = vector.broadcast %add3A_7 : i32 to vector<16xi32>
        %sub3A_214 = arith.subi %get3A_210, %sub3A_213 : vector<16xi32>
        %lt3A_215 = arith.constant 32 : i32
        %lt3A_216 = vector.broadcast %lt3A_215 : i32 to vector<16xi32>
        %lt3A_217 = arith.cmpi ult, %sub3A_214, %lt3A_216 : vector<16xi32>
        %shift_left3A_218 = arith.constant 11 : i32
        %shift_left3A_219 = vector.broadcast %shift_left3A_218 : i32 to vector<16xi32>
        %shift_left3A_220 = arith.shli %sub3A_214, %shift_left3A_219 : vector<16xi32>
        %add3A_221 = arith.addi %shift_left3A_220, %get3A_212 : vector<16xi32>
        %mul3A_222 = arith.constant 256 : i32
        %mul3A_223 = arith.muli %scan3A_104, %mul3A_222 : i32
        %add3A_224 = arith.constant 112 : i32
        %add3A_225 = arith.addi %mul3A_223, %add3A_224 : i32
        %get3A_226 = arith.index_cast %add3A_225 : i32 to index
        %get3A_227 = tpu.vector_load %arg7[%get3A_226] {strides = array<i32>} : memref<8192xi32, #tpu.memory_space<vmem>>, vector<16xi32>,
        %get3A_228 = arith.index_cast %add3A_225 : i32 to index
        %get3A_229 = tpu.vector_load %arg6[%get3A_228] {strides = array<i32>} : memref<8192xi32, #tpu.memory_space<vmem>>, vector<16xi32>,
        %sub3A_230 = vector.broadcast %add3A_7 : i32 to vector<16xi32>
        %sub3A_231 = arith.subi %get3A_227, %sub3A_230 : vector<16xi32>
        %lt3A_232 = arith.constant 32 : i32
        %lt3A_233 = vector.broadcast %lt3A_232 : i32 to vector<16xi32>
        %lt3A_234 = arith.cmpi ult, %sub3A_231, %lt3A_233 : vector<16xi32>
        %shift_left3A_235 = arith.constant 11 : i32
        %shift_left3A_236 = vector.broadcast %shift_left3A_235 : i32 to vector<16xi32>
        %shift_left3A_237 = arith.shli %sub3A_231, %shift_left3A_236 : vector<16xi32>
        %add3A_238 = arith.addi %shift_left3A_237, %get3A_229 : vector<16xi32>
        %mul3A_239 = arith.constant 256 : i32
        %mul3A_240 = arith.muli %scan3A_104, %mul3A_239 : i32
        %add3A_241 = arith.constant 128 : i32
        %add3A_242 = arith.addi %mul3A_240, %add3A_241 : i32
        %get3A_243 = arith.index_cast %add3A_242 : i32 to index
        %get3A_244 = tpu.vector_load %arg7[%get3A_243] {strides = array<i32>} : memref<8192xi32, #tpu.memory_space<vmem>>, vector<16xi32>,
        %get3A_245 = arith.index_cast %add3A_242 : i32 to index
        %get3A_246 = tpu.vector_load %arg6[%get3A_245] {strides = array<i32>} : memref<8192xi32, #tpu.memory_space<vmem>>, vector<16xi32>,
        %sub3A_247 = vector.broadcast %add3A_7 : i32 to vector<16xi32>
        %sub3A_248 = arith.subi %get3A_244, %sub3A_247 : vector<16xi32>
        %lt3A_249 = arith.constant 32 : i32
        %lt3A_250 = vector.broadcast %lt3A_249 : i32 to vector<16xi32>
        %lt3A_251 = arith.cmpi ult, %sub3A_248, %lt3A_250 : vector<16xi32>
        %shift_left3A_252 = arith.constant 11 : i32
        %shift_left3A_253 = vector.broadcast %shift_left3A_252 : i32 to vector<16xi32>
        %shift_left3A_254 = arith.shli %sub3A_248, %shift_left3A_253 : vector<16xi32>
        %add3A_255 = arith.addi %shift_left3A_254, %get3A_246 : vector<16xi32>
        %mul3A_256 = arith.constant 256 : i32
        %mul3A_257 = arith.muli %scan3A_104, %mul3A_256 : i32
        %add3A_258 = arith.constant 144 : i32
        %add3A_259 = arith.addi %mul3A_257, %add3A_258 : i32
        %get3A_260 = arith.index_cast %add3A_259 : i32 to index
        %get3A_261 = tpu.vector_load %arg7[%get3A_260] {strides = array<i32>} : memref<8192xi32, #tpu.memory_space<vmem>>, vector<16xi32>,
        %get3A_262 = arith.index_cast %add3A_259 : i32 to index
        %get3A_263 = tpu.vector_load %arg6[%get3A_262] {strides = array<i32>} : memref<8192xi32, #tpu.memory_space<vmem>>, vector<16xi32>,
        %sub3A_264 = vector.broadcast %add3A_7 : i32 to vector<16xi32>
        %sub3A_265 = arith.subi %get3A_261, %sub3A_264 : vector<16xi32>
        %lt3A_266 = arith.constant 32 : i32
        %lt3A_267 = vector.broadcast %lt3A_266 : i32 to vector<16xi32>
        %lt3A_268 = arith.cmpi ult, %sub3A_265, %lt3A_267 : vector<16xi32>
        %shift_left3A_269 = arith.constant 11 : i32
        %shift_left3A_270 = vector.broadcast %shift_left3A_269 : i32 to vector<16xi32>
        %shift_left3A_271 = arith.shli %sub3A_265, %shift_left3A_270 : vector<16xi32>
        %add3A_272 = arith.addi %shift_left3A_271, %get3A_263 : vector<16xi32>
        %mul3A_273 = arith.constant 256 : i32
        %mul3A_274 = arith.muli %scan3A_104, %mul3A_273 : i32
        %add3A_275 = arith.constant 160 : i32
        %add3A_276 = arith.addi %mul3A_274, %add3A_275 : i32
        %get3A_277 = arith.index_cast %add3A_276 : i32 to index
        %get3A_278 = tpu.vector_load %arg7[%get3A_277] {strides = array<i32>} : memref<8192xi32, #tpu.memory_space<vmem>>, vector<16xi32>,
        %get3A_279 = arith.index_cast %add3A_276 : i32 to index
        %get3A_280 = tpu.vector_load %arg6[%get3A_279] {strides = array<i32>} : memref<8192xi32, #tpu.memory_space<vmem>>, vector<16xi32>,
        %sub3A_281 = vector.broadcast %add3A_7 : i32 to vector<16xi32>
        %sub3A_282 = arith.subi %get3A_278, %sub3A_281 : vector<16xi32>
        %lt3A_283 = arith.constant 32 : i32
        %lt3A_284 = vector.broadcast %lt3A_283 : i32 to vector<16xi32>
        %lt3A_285 = arith.cmpi ult, %sub3A_282, %lt3A_284 : vector<16xi32>
        %shift_left3A_286 = arith.constant 11 : i32
        %shift_left3A_287 = vector.broadcast %shift_left3A_286 : i32 to vector<16xi32>
        %shift_left3A_288 = arith.shli %sub3A_282, %shift_left3A_287 : vector<16xi32>
        %add3A_289 = arith.addi %shift_left3A_288, %get3A_280 : vector<16xi32>
        %mul3A_290 = arith.constant 256 : i32
        %mul3A_291 = arith.muli %scan3A_104, %mul3A_290 : i32
        %add3A_292 = arith.constant 176 : i32
        %add3A_293 = arith.addi %mul3A_291, %add3A_292 : i32
        %get3A_294 = arith.index_cast %add3A_293 : i32 to index
        %get3A_295 = tpu.vector_load %arg7[%get3A_294] {strides = array<i32>} : memref<8192xi32, #tpu.memory_space<vmem>>, vector<16xi32>,
        %get3A_296 = arith.index_cast %add3A_293 : i32 to index
        %get3A_297 = tpu.vector_load %arg6[%get3A_296] {strides = array<i32>} : memref<8192xi32, #tpu.memory_space<vmem>>, vector<16xi32>,
        %sub3A_298 = vector.broadcast %add3A_7 : i32 to vector<16xi32>
        %sub3A_299 = arith.subi %get3A_295, %sub3A_298 : vector<16xi32>
        %lt3A_300 = arith.constant 32 : i32
        %lt3A_301 = vector.broadcast %lt3A_300 : i32 to vector<16xi32>
        %lt3A_302 = arith.cmpi ult, %sub3A_299, %lt3A_301 : vector<16xi32>
        %shift_left3A_303 = arith.constant 11 : i32
        %shift_left3A_304 = vector.broadcast %shift_left3A_303 : i32 to vector<16xi32>
        %shift_left3A_305 = arith.shli %sub3A_299, %shift_left3A_304 : vector<16xi32>
        %add3A_306 = arith.addi %shift_left3A_305, %get3A_297 : vector<16xi32>
        %mul3A_307 = arith.constant 256 : i32
        %mul3A_308 = arith.muli %scan3A_104, %mul3A_307 : i32
        %add3A_309 = arith.constant 192 : i32
        %add3A_310 = arith.addi %mul3A_308, %add3A_309 : i32
        %get3A_311 = arith.index_cast %add3A_310 : i32 to index
        %get3A_312 = tpu.vector_load %arg7[%get3A_311] {strides = array<i32>} : memref<8192xi32, #tpu.memory_space<vmem>>, vector<16xi32>,
        %get3A_313 = arith.index_cast %add3A_310 : i32 to index
        %get3A_314 = tpu.vector_load %arg6[%get3A_313] {strides = array<i32>} : memref<8192xi32, #tpu.memory_space<vmem>>, vector<16xi32>,
        %sub3A_315 = vector.broadcast %add3A_7 : i32 to vector<16xi32>
        %sub3A_316 = arith.subi %get3A_312, %sub3A_315 : vector<16xi32>
        %lt3A_317 = arith.constant 32 : i32
        %lt3A_318 = vector.broadcast %lt3A_317 : i32 to vector<16xi32>
        %lt3A_319 = arith.cmpi ult, %sub3A_316, %lt3A_318 : vector<16xi32>
        %shift_left3A_320 = arith.constant 11 : i32
        %shift_left3A_321 = vector.broadcast %shift_left3A_320 : i32 to vector<16xi32>
        %shift_left3A_322 = arith.shli %sub3A_316, %shift_left3A_321 : vector<16xi32>
        %add3A_323 = arith.addi %shift_left3A_322, %get3A_314 : vector<16xi32>
        %mul3A_324 = arith.constant 256 : i32
        %mul3A_325 = arith.muli %scan3A_104, %mul3A_324 : i32
        %add3A_326 = arith.constant 208 : i32
        %add3A_327 = arith.addi %mul3A_325, %add3A_326 : i32
        %get3A_328 = arith.index_cast %add3A_327 : i32 to index
        %get3A_329 = tpu.vector_load %arg7[%get3A_328] {strides = array<i32>} : memref<8192xi32, #tpu.memory_space<vmem>>, vector<16xi32>,
        %get3A_330 = arith.index_cast %add3A_327 : i32 to index
        %get3A_331 = tpu.vector_load %arg6[%get3A_330] {strides = array<i32>} : memref<8192xi32, #tpu.memory_space<vmem>>, vector<16xi32>,
        %sub3A_332 = vector.broadcast %add3A_7 : i32 to vector<16xi32>
        %sub3A_333 = arith.subi %get3A_329, %sub3A_332 : vector<16xi32>
        %lt3A_334 = arith.constant 32 : i32
        %lt3A_335 = vector.broadcast %lt3A_334 : i32 to vector<16xi32>
        %lt3A_336 = arith.cmpi ult, %sub3A_333, %lt3A_335 : vector<16xi32>
        %shift_left3A_337 = arith.constant 11 : i32
        %shift_left3A_338 = vector.broadcast %shift_left3A_337 : i32 to vector<16xi32>
        %shift_left3A_339 = arith.shli %sub3A_333, %shift_left3A_338 : vector<16xi32>
        %add3A_340 = arith.addi %shift_left3A_339, %get3A_331 : vector<16xi32>
        %mul3A_341 = arith.constant 256 : i32
        %mul3A_342 = arith.muli %scan3A_104, %mul3A_341 : i32
        %add3A_343 = arith.constant 224 : i32
        %add3A_344 = arith.addi %mul3A_342, %add3A_343 : i32
        %get3A_345 = arith.index_cast %add3A_344 : i32 to index
        %get3A_346 = tpu.vector_load %arg7[%get3A_345] {strides = array<i32>} : memref<8192xi32, #tpu.memory_space<vmem>>, vector<16xi32>,
        %get3A_347 = arith.index_cast %add3A_344 : i32 to index
        %get3A_348 = tpu.vector_load %arg6[%get3A_347] {strides = array<i32>} : memref<8192xi32, #tpu.memory_space<vmem>>, vector<16xi32>,
        %sub3A_349 = vector.broadcast %add3A_7 : i32 to vector<16xi32>
        %sub3A_350 = arith.subi %get3A_346, %sub3A_349 : vector<16xi32>
        %lt3A_351 = arith.constant 32 : i32
        %lt3A_352 = vector.broadcast %lt3A_351 : i32 to vector<16xi32>
        %lt3A_353 = arith.cmpi ult, %sub3A_350, %lt3A_352 : vector<16xi32>
        %shift_left3A_354 = arith.constant 11 : i32
        %shift_left3A_355 = vector.broadcast %shift_left3A_354 : i32 to vector<16xi32>
        %shift_left3A_356 = arith.shli %sub3A_350, %shift_left3A_355 : vector<16xi32>
        %add3A_357 = arith.addi %shift_left3A_356, %get3A_348 : vector<16xi32>
        %mul3A_358 = arith.constant 256 : i32
        %mul3A_359 = arith.muli %scan3A_104, %mul3A_358 : i32
        %add3A_360 = arith.constant 240 : i32
        %add3A_361 = arith.addi %mul3A_359, %add3A_360 : i32
        %get3A_362 = arith.index_cast %add3A_361 : i32 to index
        %get3A_363 = tpu.vector_load %arg7[%get3A_362] {strides = array<i32>} : memref<8192xi32, #tpu.memory_space<vmem>>, vector<16xi32>,
        %get3A_364 = arith.index_cast %add3A_361 : i32 to index
        %get3A_365 = tpu.vector_load %arg6[%get3A_364] {strides = array<i32>} : memref<8192xi32, #tpu.memory_space<vmem>>, vector<16xi32>,
        %sub3A_366 = vector.broadcast %add3A_7 : i32 to vector<16xi32>
        %sub3A_367 = arith.subi %get3A_363, %sub3A_366 : vector<16xi32>
        %lt3A_368 = arith.constant 32 : i32
        %lt3A_369 = vector.broadcast %lt3A_368 : i32 to vector<16xi32>
        %lt3A_370 = arith.cmpi ult, %sub3A_367, %lt3A_369 : vector<16xi32>
        %shift_left3A_371 = arith.constant 11 : i32
        %shift_left3A_372 = vector.broadcast %shift_left3A_371 : i32 to vector<16xi32>
        %shift_left3A_373 = arith.shli %sub3A_367, %shift_left3A_372 : vector<16xi32>
        %add3A_374 = arith.addi %shift_left3A_373, %get3A_365 : vector<16xi32>
        tpu.vector_store_idx %arg5[%add3A_119], %broadcast_in_dim3A_3 masked %lt3A_116 {add = true} : memref<65536xf32, #tpu.memory_space<vmem>>[vector<16xi32>], vector<16xf32>, vector<16xi1>
        tpu.vector_store_idx %arg5[%add3A_136], %broadcast_in_dim3A_3 masked %lt3A_132 {add = true} : memref<65536xf32, #tpu.memory_space<vmem>>[vector<16xi32>], vector<16xf32>, vector<16xi1>
        tpu.vector_store_idx %arg5[%add3A_153], %broadcast_in_dim3A_3 masked %lt3A_149 {add = true} : memref<65536xf32, #tpu.memory_space<vmem>>[vector<16xi32>], vector<16xf32>, vector<16xi1>
        tpu.vector_store_idx %arg5[%add3A_170], %broadcast_in_dim3A_3 masked %lt3A_166 {add = true} : memref<65536xf32, #tpu.memory_space<vmem>>[vector<16xi32>], vector<16xf32>, vector<16xi1>
        tpu.vector_store_idx %arg5[%add3A_187], %broadcast_in_dim3A_3 masked %lt3A_183 {add = true} : memref<65536xf32, #tpu.memory_space<vmem>>[vector<16xi32>], vector<16xf32>, vector<16xi1>
        tpu.vector_store_idx %arg5[%add3A_204], %broadcast_in_dim3A_3 masked %lt3A_200 {add = true} : memref<65536xf32, #tpu.memory_space<vmem>>[vector<16xi32>], vector<16xf32>, vector<16xi1>
        tpu.vector_store_idx %arg5[%add3A_221], %broadcast_in_dim3A_3 masked %lt3A_217 {add = true} : memref<65536xf32, #tpu.memory_space<vmem>>[vector<16xi32>], vector<16xf32>, vector<16xi1>
        tpu.vector_store_idx %arg5[%add3A_238], %broadcast_in_dim3A_3 masked %lt3A_234 {add = true} : memref<65536xf32, #tpu.memory_space<vmem>>[vector<16xi32>], vector<16xf32>, vector<16xi1>
        tpu.vector_store_idx %arg5[%add3A_255], %broadcast_in_dim3A_3 masked %lt3A_251 {add = true} : memref<65536xf32, #tpu.memory_space<vmem>>[vector<16xi32>], vector<16xf32>, vector<16xi1>
        tpu.vector_store_idx %arg5[%add3A_272], %broadcast_in_dim3A_3 masked %lt3A_268 {add = true} : memref<65536xf32, #tpu.memory_space<vmem>>[vector<16xi32>], vector<16xf32>, vector<16xi1>
        tpu.vector_store_idx %arg5[%add3A_289], %broadcast_in_dim3A_3 masked %lt3A_285 {add = true} : memref<65536xf32, #tpu.memory_space<vmem>>[vector<16xi32>], vector<16xf32>, vector<16xi1>
        tpu.vector_store_idx %arg5[%add3A_306], %broadcast_in_dim3A_3 masked %lt3A_302 {add = true} : memref<65536xf32, #tpu.memory_space<vmem>>[vector<16xi32>], vector<16xf32>, vector<16xi1>
        tpu.vector_store_idx %arg5[%add3A_323], %broadcast_in_dim3A_3 masked %lt3A_319 {add = true} : memref<65536xf32, #tpu.memory_space<vmem>>[vector<16xi32>], vector<16xf32>, vector<16xi1>
        tpu.vector_store_idx %arg5[%add3A_340], %broadcast_in_dim3A_3 masked %lt3A_336 {add = true} : memref<65536xf32, #tpu.memory_space<vmem>>[vector<16xi32>], vector<16xf32>, vector<16xi1>
        tpu.vector_store_idx %arg5[%add3A_357], %broadcast_in_dim3A_3 masked %lt3A_353 {add = true} : memref<65536xf32, #tpu.memory_space<vmem>>[vector<16xi32>], vector<16xf32>, vector<16xi1>
        tpu.vector_store_idx %arg5[%add3A_374], %broadcast_in_dim3A_3 masked %lt3A_370 {add = true} : memref<65536xf32, #tpu.memory_space<vmem>>[vector<16xi32>], vector<16xf32>, vector<16xi1>
        %scan3A_375 = arith.constant 0 : i32
        scf.yield %scan3A_375 : i32
      }
      %scan3A_83 = arith.constant 32 : i32
      %add3A_84 = arith.constant 2 : i32
      %add3A_85 = arith.addi %mul3A_61, %add3A_84 : i32
      %lt3A = arith.constant 16 : i32
      %lt3A_86 = arith.cmpi slt, %add3A_85, %lt3A : i32
      %convert_element_type3A = arith.extui %lt3A_86 : i1 to i32
      %cond3A = arith.constant 0 : i32
      %cond3A_87 = arith.cmpi ne, %convert_element_type3A, %cond3A : i32
      scf.if %cond3A_87 {
        %add3A_104 = arith.constant 2 : i32
        %add3A_105 = arith.addi %mul3A_61, %add3A_104 : i32
        %mul3A_106 = arith.constant 8192 : i32
        %mul3A_107 = arith.muli %add3A_105, %mul3A_106 : i32
        %dma_start3A_108 = tpu.memref_slice %arg2[%mul3A_107] : memref<131072xi32, #tpu.memory_space<hbm>> -> memref<8192xi32, #tpu.memory_space<hbm>>
        %dma_start3A_109 = tpu.memref_slice %arg2[%mul3A_107] : memref<131072xi32, #tpu.memory_space<hbm>> -> memref<8192xi32, #tpu.memory_space<hbm>>
        tpu.enqueue_dma source(%dma_start3A_109 : memref<8192xi32, #tpu.memory_space<hbm>>) target(%arg6 : memref<8192xi32, #tpu.memory_space<vmem>>) target_semaphore(%arg10 : memref<!tpu.dma_semaphore, #tpu.memory_space<semaphore_mem>>)
        %dma_start3A_110 = tpu.memref_slice %arg3[%mul3A_107] : memref<131072xi32, #tpu.memory_space<hbm>> -> memref<8192xi32, #tpu.memory_space<hbm>>
        %dma_start3A_111 = tpu.memref_slice %arg3[%mul3A_107] : memref<131072xi32, #tpu.memory_space<hbm>> -> memref<8192xi32, #tpu.memory_space<hbm>>
        tpu.enqueue_dma source(%dma_start3A_111 : memref<8192xi32, #tpu.memory_space<hbm>>) target(%arg7 : memref<8192xi32, #tpu.memory_space<vmem>>) target_semaphore(%arg10 : memref<!tpu.dma_semaphore, #tpu.memory_space<semaphore_mem>>)
      } else {
      }
      %dma_wait3A_88 = arith.constant 0 : i32
      %dma_wait3A_89 = tpu.memref_slice %arg2[%dma_wait3A_88] : memref<131072xi32, #tpu.memory_space<hbm>> -> memref<8192xi32, #tpu.memory_space<hbm>>
      %dma_wait3A_90 = arith.constant 0 : i32
      %dma_wait3A_91 = tpu.memref_slice %arg2[%dma_wait3A_90] : memref<131072xi32, #tpu.memory_space<hbm>> -> memref<8192xi32, #tpu.memory_space<hbm>>
      tpu.wait_dma2 semaphore(%arg11 : memref<!tpu.dma_semaphore, #tpu.memory_space<semaphore_mem>>) src(%dma_wait3A_91 : memref<8192xi32, #tpu.memory_space<hbm>>) dst(%arg8 : memref<8192xi32, #tpu.memory_space<vmem>>)
      %dma_wait3A_92 = arith.constant 0 : i32
      %dma_wait3A_93 = tpu.memref_slice %arg3[%dma_wait3A_92] : memref<131072xi32, #tpu.memory_space<hbm>> -> memref<8192xi32, #tpu.memory_space<hbm>>
      %dma_wait3A_94 = arith.constant 0 : i32
      %dma_wait3A_95 = tpu.memref_slice %arg3[%dma_wait3A_94] : memref<131072xi32, #tpu.memory_space<hbm>> -> memref<8192xi32, #tpu.memory_space<hbm>>
      tpu.wait_dma2 semaphore(%arg11 : memref<!tpu.dma_semaphore, #tpu.memory_space<semaphore_mem>>) src(%dma_wait3A_95 : memref<8192xi32, #tpu.memory_space<hbm>>) dst(%arg9 : memref<8192xi32, #tpu.memory_space<vmem>>)
      %scan3A_96 = arith.constant 0 : i32
      %scan3A_97 = arith.constant 0 : i32
      %scan3A_98 = arith.constant 32 : i32
      %scan3A_99 = arith.addi %scan3A_97, %scan3A_98 : i32
      %scan3A_100 = arith.constant 1 : i32
      %scan3A_101 = scf.for %scan3A_104 = %scan3A_97 to %scan3A_99 step %scan3A_100 iter_args(%scan3A_105 = %scan3A_96) -> (i32)  : i32 {
        %mul3A_106 = arith.constant 256 : i32
        %mul3A_107 = arith.muli %scan3A_104, %mul3A_106 : i32
        %add3A_108 = arith.constant 0 : i32
        %add3A_109 = arith.addi %mul3A_107, %add3A_108 : i32
        %get3A = arith.index_cast %add3A_109 : i32 to index
        %get3A_110 = tpu.vector_load %arg9[%get3A] {strides = array<i32>} : memref<8192xi32, #tpu.memory_space<vmem>>, vector<16xi32>,
        %get3A_111 = arith.index_cast %add3A_109 : i32 to index
        %get3A_112 = tpu.vector_load %arg8[%get3A_111] {strides = array<i32>} : memref<8192xi32, #tpu.memory_space<vmem>>, vector<16xi32>,
        %sub3A = vector.broadcast %add3A_7 : i32 to vector<16xi32>
        %sub3A_113 = arith.subi %get3A_110, %sub3A : vector<16xi32>
        %lt3A_114 = arith.constant 32 : i32
        %lt3A_115 = vector.broadcast %lt3A_114 : i32 to vector<16xi32>
        %lt3A_116 = arith.cmpi ult, %sub3A_113, %lt3A_115 : vector<16xi32>
        %shift_left3A = arith.constant 11 : i32
        %shift_left3A_117 = vector.broadcast %shift_left3A : i32 to vector<16xi32>
        %shift_left3A_118 = arith.shli %sub3A_113, %shift_left3A_117 : vector<16xi32>
        %add3A_119 = arith.addi %shift_left3A_118, %get3A_112 : vector<16xi32>
        %mul3A_120 = arith.constant 256 : i32
        %mul3A_121 = arith.muli %scan3A_104, %mul3A_120 : i32
        %add3A_122 = arith.constant 16 : i32
        %add3A_123 = arith.addi %mul3A_121, %add3A_122 : i32
        %get3A_124 = arith.index_cast %add3A_123 : i32 to index
        %get3A_125 = tpu.vector_load %arg9[%get3A_124] {strides = array<i32>} : memref<8192xi32, #tpu.memory_space<vmem>>, vector<16xi32>,
        %get3A_126 = arith.index_cast %add3A_123 : i32 to index
        %get3A_127 = tpu.vector_load %arg8[%get3A_126] {strides = array<i32>} : memref<8192xi32, #tpu.memory_space<vmem>>, vector<16xi32>,
        %sub3A_128 = vector.broadcast %add3A_7 : i32 to vector<16xi32>
        %sub3A_129 = arith.subi %get3A_125, %sub3A_128 : vector<16xi32>
        %lt3A_130 = arith.constant 32 : i32
        %lt3A_131 = vector.broadcast %lt3A_130 : i32 to vector<16xi32>
        %lt3A_132 = arith.cmpi ult, %sub3A_129, %lt3A_131 : vector<16xi32>
        %shift_left3A_133 = arith.constant 11 : i32
        %shift_left3A_134 = vector.broadcast %shift_left3A_133 : i32 to vector<16xi32>
        %shift_left3A_135 = arith.shli %sub3A_129, %shift_left3A_134 : vector<16xi32>
        %add3A_136 = arith.addi %shift_left3A_135, %get3A_127 : vector<16xi32>
        %mul3A_137 = arith.constant 256 : i32
        %mul3A_138 = arith.muli %scan3A_104, %mul3A_137 : i32
        %add3A_139 = arith.constant 32 : i32
        %add3A_140 = arith.addi %mul3A_138, %add3A_139 : i32
        %get3A_141 = arith.index_cast %add3A_140 : i32 to index
        %get3A_142 = tpu.vector_load %arg9[%get3A_141] {strides = array<i32>} : memref<8192xi32, #tpu.memory_space<vmem>>, vector<16xi32>,
        %get3A_143 = arith.index_cast %add3A_140 : i32 to index
        %get3A_144 = tpu.vector_load %arg8[%get3A_143] {strides = array<i32>} : memref<8192xi32, #tpu.memory_space<vmem>>, vector<16xi32>,
        %sub3A_145 = vector.broadcast %add3A_7 : i32 to vector<16xi32>
        %sub3A_146 = arith.subi %get3A_142, %sub3A_145 : vector<16xi32>
        %lt3A_147 = arith.constant 32 : i32
        %lt3A_148 = vector.broadcast %lt3A_147 : i32 to vector<16xi32>
        %lt3A_149 = arith.cmpi ult, %sub3A_146, %lt3A_148 : vector<16xi32>
        %shift_left3A_150 = arith.constant 11 : i32
        %shift_left3A_151 = vector.broadcast %shift_left3A_150 : i32 to vector<16xi32>
        %shift_left3A_152 = arith.shli %sub3A_146, %shift_left3A_151 : vector<16xi32>
        %add3A_153 = arith.addi %shift_left3A_152, %get3A_144 : vector<16xi32>
        %mul3A_154 = arith.constant 256 : i32
        %mul3A_155 = arith.muli %scan3A_104, %mul3A_154 : i32
        %add3A_156 = arith.constant 48 : i32
        %add3A_157 = arith.addi %mul3A_155, %add3A_156 : i32
        %get3A_158 = arith.index_cast %add3A_157 : i32 to index
        %get3A_159 = tpu.vector_load %arg9[%get3A_158] {strides = array<i32>} : memref<8192xi32, #tpu.memory_space<vmem>>, vector<16xi32>,
        %get3A_160 = arith.index_cast %add3A_157 : i32 to index
        %get3A_161 = tpu.vector_load %arg8[%get3A_160] {strides = array<i32>} : memref<8192xi32, #tpu.memory_space<vmem>>, vector<16xi32>,
        %sub3A_162 = vector.broadcast %add3A_7 : i32 to vector<16xi32>
        %sub3A_163 = arith.subi %get3A_159, %sub3A_162 : vector<16xi32>
        %lt3A_164 = arith.constant 32 : i32
        %lt3A_165 = vector.broadcast %lt3A_164 : i32 to vector<16xi32>
        %lt3A_166 = arith.cmpi ult, %sub3A_163, %lt3A_165 : vector<16xi32>
        %shift_left3A_167 = arith.constant 11 : i32
        %shift_left3A_168 = vector.broadcast %shift_left3A_167 : i32 to vector<16xi32>
        %shift_left3A_169 = arith.shli %sub3A_163, %shift_left3A_168 : vector<16xi32>
        %add3A_170 = arith.addi %shift_left3A_169, %get3A_161 : vector<16xi32>
        %mul3A_171 = arith.constant 256 : i32
        %mul3A_172 = arith.muli %scan3A_104, %mul3A_171 : i32
        %add3A_173 = arith.constant 64 : i32
        %add3A_174 = arith.addi %mul3A_172, %add3A_173 : i32
        %get3A_175 = arith.index_cast %add3A_174 : i32 to index
        %get3A_176 = tpu.vector_load %arg9[%get3A_175] {strides = array<i32>} : memref<8192xi32, #tpu.memory_space<vmem>>, vector<16xi32>,
        %get3A_177 = arith.index_cast %add3A_174 : i32 to index
        %get3A_178 = tpu.vector_load %arg8[%get3A_177] {strides = array<i32>} : memref<8192xi32, #tpu.memory_space<vmem>>, vector<16xi32>,
        %sub3A_179 = vector.broadcast %add3A_7 : i32 to vector<16xi32>
        %sub3A_180 = arith.subi %get3A_176, %sub3A_179 : vector<16xi32>
        %lt3A_181 = arith.constant 32 : i32
        %lt3A_182 = vector.broadcast %lt3A_181 : i32 to vector<16xi32>
        %lt3A_183 = arith.cmpi ult, %sub3A_180, %lt3A_182 : vector<16xi32>
        %shift_left3A_184 = arith.constant 11 : i32
        %shift_left3A_185 = vector.broadcast %shift_left3A_184 : i32 to vector<16xi32>
        %shift_left3A_186 = arith.shli %sub3A_180, %shift_left3A_185 : vector<16xi32>
        %add3A_187 = arith.addi %shift_left3A_186, %get3A_178 : vector<16xi32>
        %mul3A_188 = arith.constant 256 : i32
        %mul3A_189 = arith.muli %scan3A_104, %mul3A_188 : i32
        %add3A_190 = arith.constant 80 : i32
        %add3A_191 = arith.addi %mul3A_189, %add3A_190 : i32
        %get3A_192 = arith.index_cast %add3A_191 : i32 to index
        %get3A_193 = tpu.vector_load %arg9[%get3A_192] {strides = array<i32>} : memref<8192xi32, #tpu.memory_space<vmem>>, vector<16xi32>,
        %get3A_194 = arith.index_cast %add3A_191 : i32 to index
        %get3A_195 = tpu.vector_load %arg8[%get3A_194] {strides = array<i32>} : memref<8192xi32, #tpu.memory_space<vmem>>, vector<16xi32>,
        %sub3A_196 = vector.broadcast %add3A_7 : i32 to vector<16xi32>
        %sub3A_197 = arith.subi %get3A_193, %sub3A_196 : vector<16xi32>
        %lt3A_198 = arith.constant 32 : i32
        %lt3A_199 = vector.broadcast %lt3A_198 : i32 to vector<16xi32>
        %lt3A_200 = arith.cmpi ult, %sub3A_197, %lt3A_199 : vector<16xi32>
        %shift_left3A_201 = arith.constant 11 : i32
        %shift_left3A_202 = vector.broadcast %shift_left3A_201 : i32 to vector<16xi32>
        %shift_left3A_203 = arith.shli %sub3A_197, %shift_left3A_202 : vector<16xi32>
        %add3A_204 = arith.addi %shift_left3A_203, %get3A_195 : vector<16xi32>
        %mul3A_205 = arith.constant 256 : i32
        %mul3A_206 = arith.muli %scan3A_104, %mul3A_205 : i32
        %add3A_207 = arith.constant 96 : i32
        %add3A_208 = arith.addi %mul3A_206, %add3A_207 : i32
        %get3A_209 = arith.index_cast %add3A_208 : i32 to index
        %get3A_210 = tpu.vector_load %arg9[%get3A_209] {strides = array<i32>} : memref<8192xi32, #tpu.memory_space<vmem>>, vector<16xi32>,
        %get3A_211 = arith.index_cast %add3A_208 : i32 to index
        %get3A_212 = tpu.vector_load %arg8[%get3A_211] {strides = array<i32>} : memref<8192xi32, #tpu.memory_space<vmem>>, vector<16xi32>,
        %sub3A_213 = vector.broadcast %add3A_7 : i32 to vector<16xi32>
        %sub3A_214 = arith.subi %get3A_210, %sub3A_213 : vector<16xi32>
        %lt3A_215 = arith.constant 32 : i32
        %lt3A_216 = vector.broadcast %lt3A_215 : i32 to vector<16xi32>
        %lt3A_217 = arith.cmpi ult, %sub3A_214, %lt3A_216 : vector<16xi32>
        %shift_left3A_218 = arith.constant 11 : i32
        %shift_left3A_219 = vector.broadcast %shift_left3A_218 : i32 to vector<16xi32>
        %shift_left3A_220 = arith.shli %sub3A_214, %shift_left3A_219 : vector<16xi32>
        %add3A_221 = arith.addi %shift_left3A_220, %get3A_212 : vector<16xi32>
        %mul3A_222 = arith.constant 256 : i32
        %mul3A_223 = arith.muli %scan3A_104, %mul3A_222 : i32
        %add3A_224 = arith.constant 112 : i32
        %add3A_225 = arith.addi %mul3A_223, %add3A_224 : i32
        %get3A_226 = arith.index_cast %add3A_225 : i32 to index
        %get3A_227 = tpu.vector_load %arg9[%get3A_226] {strides = array<i32>} : memref<8192xi32, #tpu.memory_space<vmem>>, vector<16xi32>,
        %get3A_228 = arith.index_cast %add3A_225 : i32 to index
        %get3A_229 = tpu.vector_load %arg8[%get3A_228] {strides = array<i32>} : memref<8192xi32, #tpu.memory_space<vmem>>, vector<16xi32>,
        %sub3A_230 = vector.broadcast %add3A_7 : i32 to vector<16xi32>
        %sub3A_231 = arith.subi %get3A_227, %sub3A_230 : vector<16xi32>
        %lt3A_232 = arith.constant 32 : i32
        %lt3A_233 = vector.broadcast %lt3A_232 : i32 to vector<16xi32>
        %lt3A_234 = arith.cmpi ult, %sub3A_231, %lt3A_233 : vector<16xi32>
        %shift_left3A_235 = arith.constant 11 : i32
        %shift_left3A_236 = vector.broadcast %shift_left3A_235 : i32 to vector<16xi32>
        %shift_left3A_237 = arith.shli %sub3A_231, %shift_left3A_236 : vector<16xi32>
        %add3A_238 = arith.addi %shift_left3A_237, %get3A_229 : vector<16xi32>
        %mul3A_239 = arith.constant 256 : i32
        %mul3A_240 = arith.muli %scan3A_104, %mul3A_239 : i32
        %add3A_241 = arith.constant 128 : i32
        %add3A_242 = arith.addi %mul3A_240, %add3A_241 : i32
        %get3A_243 = arith.index_cast %add3A_242 : i32 to index
        %get3A_244 = tpu.vector_load %arg9[%get3A_243] {strides = array<i32>} : memref<8192xi32, #tpu.memory_space<vmem>>, vector<16xi32>,
        %get3A_245 = arith.index_cast %add3A_242 : i32 to index
        %get3A_246 = tpu.vector_load %arg8[%get3A_245] {strides = array<i32>} : memref<8192xi32, #tpu.memory_space<vmem>>, vector<16xi32>,
        %sub3A_247 = vector.broadcast %add3A_7 : i32 to vector<16xi32>
        %sub3A_248 = arith.subi %get3A_244, %sub3A_247 : vector<16xi32>
        %lt3A_249 = arith.constant 32 : i32
        %lt3A_250 = vector.broadcast %lt3A_249 : i32 to vector<16xi32>
        %lt3A_251 = arith.cmpi ult, %sub3A_248, %lt3A_250 : vector<16xi32>
        %shift_left3A_252 = arith.constant 11 : i32
        %shift_left3A_253 = vector.broadcast %shift_left3A_252 : i32 to vector<16xi32>
        %shift_left3A_254 = arith.shli %sub3A_248, %shift_left3A_253 : vector<16xi32>
        %add3A_255 = arith.addi %shift_left3A_254, %get3A_246 : vector<16xi32>
        %mul3A_256 = arith.constant 256 : i32
        %mul3A_257 = arith.muli %scan3A_104, %mul3A_256 : i32
        %add3A_258 = arith.constant 144 : i32
        %add3A_259 = arith.addi %mul3A_257, %add3A_258 : i32
        %get3A_260 = arith.index_cast %add3A_259 : i32 to index
        %get3A_261 = tpu.vector_load %arg9[%get3A_260] {strides = array<i32>} : memref<8192xi32, #tpu.memory_space<vmem>>, vector<16xi32>,
        %get3A_262 = arith.index_cast %add3A_259 : i32 to index
        %get3A_263 = tpu.vector_load %arg8[%get3A_262] {strides = array<i32>} : memref<8192xi32, #tpu.memory_space<vmem>>, vector<16xi32>,
        %sub3A_264 = vector.broadcast %add3A_7 : i32 to vector<16xi32>
        %sub3A_265 = arith.subi %get3A_261, %sub3A_264 : vector<16xi32>
        %lt3A_266 = arith.constant 32 : i32
        %lt3A_267 = vector.broadcast %lt3A_266 : i32 to vector<16xi32>
        %lt3A_268 = arith.cmpi ult, %sub3A_265, %lt3A_267 : vector<16xi32>
        %shift_left3A_269 = arith.constant 11 : i32
        %shift_left3A_270 = vector.broadcast %shift_left3A_269 : i32 to vector<16xi32>
        %shift_left3A_271 = arith.shli %sub3A_265, %shift_left3A_270 : vector<16xi32>
        %add3A_272 = arith.addi %shift_left3A_271, %get3A_263 : vector<16xi32>
        %mul3A_273 = arith.constant 256 : i32
        %mul3A_274 = arith.muli %scan3A_104, %mul3A_273 : i32
        %add3A_275 = arith.constant 160 : i32
        %add3A_276 = arith.addi %mul3A_274, %add3A_275 : i32
        %get3A_277 = arith.index_cast %add3A_276 : i32 to index
        %get3A_278 = tpu.vector_load %arg9[%get3A_277] {strides = array<i32>} : memref<8192xi32, #tpu.memory_space<vmem>>, vector<16xi32>,
        %get3A_279 = arith.index_cast %add3A_276 : i32 to index
        %get3A_280 = tpu.vector_load %arg8[%get3A_279] {strides = array<i32>} : memref<8192xi32, #tpu.memory_space<vmem>>, vector<16xi32>,
        %sub3A_281 = vector.broadcast %add3A_7 : i32 to vector<16xi32>
        %sub3A_282 = arith.subi %get3A_278, %sub3A_281 : vector<16xi32>
        %lt3A_283 = arith.constant 32 : i32
        %lt3A_284 = vector.broadcast %lt3A_283 : i32 to vector<16xi32>
        %lt3A_285 = arith.cmpi ult, %sub3A_282, %lt3A_284 : vector<16xi32>
        %shift_left3A_286 = arith.constant 11 : i32
        %shift_left3A_287 = vector.broadcast %shift_left3A_286 : i32 to vector<16xi32>
        %shift_left3A_288 = arith.shli %sub3A_282, %shift_left3A_287 : vector<16xi32>
        %add3A_289 = arith.addi %shift_left3A_288, %get3A_280 : vector<16xi32>
        %mul3A_290 = arith.constant 256 : i32
        %mul3A_291 = arith.muli %scan3A_104, %mul3A_290 : i32
        %add3A_292 = arith.constant 176 : i32
        %add3A_293 = arith.addi %mul3A_291, %add3A_292 : i32
        %get3A_294 = arith.index_cast %add3A_293 : i32 to index
        %get3A_295 = tpu.vector_load %arg9[%get3A_294] {strides = array<i32>} : memref<8192xi32, #tpu.memory_space<vmem>>, vector<16xi32>,
        %get3A_296 = arith.index_cast %add3A_293 : i32 to index
        %get3A_297 = tpu.vector_load %arg8[%get3A_296] {strides = array<i32>} : memref<8192xi32, #tpu.memory_space<vmem>>, vector<16xi32>,
        %sub3A_298 = vector.broadcast %add3A_7 : i32 to vector<16xi32>
        %sub3A_299 = arith.subi %get3A_295, %sub3A_298 : vector<16xi32>
        %lt3A_300 = arith.constant 32 : i32
        %lt3A_301 = vector.broadcast %lt3A_300 : i32 to vector<16xi32>
        %lt3A_302 = arith.cmpi ult, %sub3A_299, %lt3A_301 : vector<16xi32>
        %shift_left3A_303 = arith.constant 11 : i32
        %shift_left3A_304 = vector.broadcast %shift_left3A_303 : i32 to vector<16xi32>
        %shift_left3A_305 = arith.shli %sub3A_299, %shift_left3A_304 : vector<16xi32>
        %add3A_306 = arith.addi %shift_left3A_305, %get3A_297 : vector<16xi32>
        %mul3A_307 = arith.constant 256 : i32
        %mul3A_308 = arith.muli %scan3A_104, %mul3A_307 : i32
        %add3A_309 = arith.constant 192 : i32
        %add3A_310 = arith.addi %mul3A_308, %add3A_309 : i32
        %get3A_311 = arith.index_cast %add3A_310 : i32 to index
        %get3A_312 = tpu.vector_load %arg9[%get3A_311] {strides = array<i32>} : memref<8192xi32, #tpu.memory_space<vmem>>, vector<16xi32>,
        %get3A_313 = arith.index_cast %add3A_310 : i32 to index
        %get3A_314 = tpu.vector_load %arg8[%get3A_313] {strides = array<i32>} : memref<8192xi32, #tpu.memory_space<vmem>>, vector<16xi32>,
        %sub3A_315 = vector.broadcast %add3A_7 : i32 to vector<16xi32>
        %sub3A_316 = arith.subi %get3A_312, %sub3A_315 : vector<16xi32>
        %lt3A_317 = arith.constant 32 : i32
        %lt3A_318 = vector.broadcast %lt3A_317 : i32 to vector<16xi32>
        %lt3A_319 = arith.cmpi ult, %sub3A_316, %lt3A_318 : vector<16xi32>
        %shift_left3A_320 = arith.constant 11 : i32
        %shift_left3A_321 = vector.broadcast %shift_left3A_320 : i32 to vector<16xi32>
        %shift_left3A_322 = arith.shli %sub3A_316, %shift_left3A_321 : vector<16xi32>
        %add3A_323 = arith.addi %shift_left3A_322, %get3A_314 : vector<16xi32>
        %mul3A_324 = arith.constant 256 : i32
        %mul3A_325 = arith.muli %scan3A_104, %mul3A_324 : i32
        %add3A_326 = arith.constant 208 : i32
        %add3A_327 = arith.addi %mul3A_325, %add3A_326 : i32
        %get3A_328 = arith.index_cast %add3A_327 : i32 to index
        %get3A_329 = tpu.vector_load %arg9[%get3A_328] {strides = array<i32>} : memref<8192xi32, #tpu.memory_space<vmem>>, vector<16xi32>,
        %get3A_330 = arith.index_cast %add3A_327 : i32 to index
        %get3A_331 = tpu.vector_load %arg8[%get3A_330] {strides = array<i32>} : memref<8192xi32, #tpu.memory_space<vmem>>, vector<16xi32>,
        %sub3A_332 = vector.broadcast %add3A_7 : i32 to vector<16xi32>
        %sub3A_333 = arith.subi %get3A_329, %sub3A_332 : vector<16xi32>
        %lt3A_334 = arith.constant 32 : i32
        %lt3A_335 = vector.broadcast %lt3A_334 : i32 to vector<16xi32>
        %lt3A_336 = arith.cmpi ult, %sub3A_333, %lt3A_335 : vector<16xi32>
        %shift_left3A_337 = arith.constant 11 : i32
        %shift_left3A_338 = vector.broadcast %shift_left3A_337 : i32 to vector<16xi32>
        %shift_left3A_339 = arith.shli %sub3A_333, %shift_left3A_338 : vector<16xi32>
        %add3A_340 = arith.addi %shift_left3A_339, %get3A_331 : vector<16xi32>
        %mul3A_341 = arith.constant 256 : i32
        %mul3A_342 = arith.muli %scan3A_104, %mul3A_341 : i32
        %add3A_343 = arith.constant 224 : i32
        %add3A_344 = arith.addi %mul3A_342, %add3A_343 : i32
        %get3A_345 = arith.index_cast %add3A_344 : i32 to index
        %get3A_346 = tpu.vector_load %arg9[%get3A_345] {strides = array<i32>} : memref<8192xi32, #tpu.memory_space<vmem>>, vector<16xi32>,
        %get3A_347 = arith.index_cast %add3A_344 : i32 to index
        %get3A_348 = tpu.vector_load %arg8[%get3A_347] {strides = array<i32>} : memref<8192xi32, #tpu.memory_space<vmem>>, vector<16xi32>,
        %sub3A_349 = vector.broadcast %add3A_7 : i32 to vector<16xi32>
        %sub3A_350 = arith.subi %get3A_346, %sub3A_349 : vector<16xi32>
        %lt3A_351 = arith.constant 32 : i32
        %lt3A_352 = vector.broadcast %lt3A_351 : i32 to vector<16xi32>
        %lt3A_353 = arith.cmpi ult, %sub3A_350, %lt3A_352 : vector<16xi32>
        %shift_left3A_354 = arith.constant 11 : i32
        %shift_left3A_355 = vector.broadcast %shift_left3A_354 : i32 to vector<16xi32>
        %shift_left3A_356 = arith.shli %sub3A_350, %shift_left3A_355 : vector<16xi32>
        %add3A_357 = arith.addi %shift_left3A_356, %get3A_348 : vector<16xi32>
        %mul3A_358 = arith.constant 256 : i32
        %mul3A_359 = arith.muli %scan3A_104, %mul3A_358 : i32
        %add3A_360 = arith.constant 240 : i32
        %add3A_361 = arith.addi %mul3A_359, %add3A_360 : i32
        %get3A_362 = arith.index_cast %add3A_361 : i32 to index
        %get3A_363 = tpu.vector_load %arg9[%get3A_362] {strides = array<i32>} : memref<8192xi32, #tpu.memory_space<vmem>>, vector<16xi32>,
        %get3A_364 = arith.index_cast %add3A_361 : i32 to index
        %get3A_365 = tpu.vector_load %arg8[%get3A_364] {strides = array<i32>} : memref<8192xi32, #tpu.memory_space<vmem>>, vector<16xi32>,
        %sub3A_366 = vector.broadcast %add3A_7 : i32 to vector<16xi32>
        %sub3A_367 = arith.subi %get3A_363, %sub3A_366 : vector<16xi32>
        %lt3A_368 = arith.constant 32 : i32
        %lt3A_369 = vector.broadcast %lt3A_368 : i32 to vector<16xi32>
        %lt3A_370 = arith.cmpi ult, %sub3A_367, %lt3A_369 : vector<16xi32>
        %shift_left3A_371 = arith.constant 11 : i32
        %shift_left3A_372 = vector.broadcast %shift_left3A_371 : i32 to vector<16xi32>
        %shift_left3A_373 = arith.shli %sub3A_367, %shift_left3A_372 : vector<16xi32>
        %add3A_374 = arith.addi %shift_left3A_373, %get3A_365 : vector<16xi32>
        tpu.vector_store_idx %arg5[%add3A_119], %broadcast_in_dim3A_3 masked %lt3A_116 {add = true} : memref<65536xf32, #tpu.memory_space<vmem>>[vector<16xi32>], vector<16xf32>, vector<16xi1>
        tpu.vector_store_idx %arg5[%add3A_136], %broadcast_in_dim3A_3 masked %lt3A_132 {add = true} : memref<65536xf32, #tpu.memory_space<vmem>>[vector<16xi32>], vector<16xf32>, vector<16xi1>
        tpu.vector_store_idx %arg5[%add3A_153], %broadcast_in_dim3A_3 masked %lt3A_149 {add = true} : memref<65536xf32, #tpu.memory_space<vmem>>[vector<16xi32>], vector<16xf32>, vector<16xi1>
        tpu.vector_store_idx %arg5[%add3A_170], %broadcast_in_dim3A_3 masked %lt3A_166 {add = true} : memref<65536xf32, #tpu.memory_space<vmem>>[vector<16xi32>], vector<16xf32>, vector<16xi1>
        tpu.vector_store_idx %arg5[%add3A_187], %broadcast_in_dim3A_3 masked %lt3A_183 {add = true} : memref<65536xf32, #tpu.memory_space<vmem>>[vector<16xi32>], vector<16xf32>, vector<16xi1>
        tpu.vector_store_idx %arg5[%add3A_204], %broadcast_in_dim3A_3 masked %lt3A_200 {add = true} : memref<65536xf32, #tpu.memory_space<vmem>>[vector<16xi32>], vector<16xf32>, vector<16xi1>
        tpu.vector_store_idx %arg5[%add3A_221], %broadcast_in_dim3A_3 masked %lt3A_217 {add = true} : memref<65536xf32, #tpu.memory_space<vmem>>[vector<16xi32>], vector<16xf32>, vector<16xi1>
        tpu.vector_store_idx %arg5[%add3A_238], %broadcast_in_dim3A_3 masked %lt3A_234 {add = true} : memref<65536xf32, #tpu.memory_space<vmem>>[vector<16xi32>], vector<16xf32>, vector<16xi1>
        tpu.vector_store_idx %arg5[%add3A_255], %broadcast_in_dim3A_3 masked %lt3A_251 {add = true} : memref<65536xf32, #tpu.memory_space<vmem>>[vector<16xi32>], vector<16xf32>, vector<16xi1>
        tpu.vector_store_idx %arg5[%add3A_272], %broadcast_in_dim3A_3 masked %lt3A_268 {add = true} : memref<65536xf32, #tpu.memory_space<vmem>>[vector<16xi32>], vector<16xf32>, vector<16xi1>
        tpu.vector_store_idx %arg5[%add3A_289], %broadcast_in_dim3A_3 masked %lt3A_285 {add = true} : memref<65536xf32, #tpu.memory_space<vmem>>[vector<16xi32>], vector<16xf32>, vector<16xi1>
        tpu.vector_store_idx %arg5[%add3A_306], %broadcast_in_dim3A_3 masked %lt3A_302 {add = true} : memref<65536xf32, #tpu.memory_space<vmem>>[vector<16xi32>], vector<16xf32>, vector<16xi1>
        tpu.vector_store_idx %arg5[%add3A_323], %broadcast_in_dim3A_3 masked %lt3A_319 {add = true} : memref<65536xf32, #tpu.memory_space<vmem>>[vector<16xi32>], vector<16xf32>, vector<16xi1>
        tpu.vector_store_idx %arg5[%add3A_340], %broadcast_in_dim3A_3 masked %lt3A_336 {add = true} : memref<65536xf32, #tpu.memory_space<vmem>>[vector<16xi32>], vector<16xf32>, vector<16xi1>
        tpu.vector_store_idx %arg5[%add3A_357], %broadcast_in_dim3A_3 masked %lt3A_353 {add = true} : memref<65536xf32, #tpu.memory_space<vmem>>[vector<16xi32>], vector<16xf32>, vector<16xi1>
        tpu.vector_store_idx %arg5[%add3A_374], %broadcast_in_dim3A_3 masked %lt3A_370 {add = true} : memref<65536xf32, #tpu.memory_space<vmem>>[vector<16xi32>], vector<16xf32>, vector<16xi1>
        %scan3A_375 = arith.constant 0 : i32
        scf.yield %scan3A_375 : i32
      }
      %scan3A_102 = arith.constant 32 : i32
      %scan3A_103 = arith.constant 0 : i32
      scf.yield %scan3A_103 : i32
    }
    %scan3A_27 = arith.constant 8 : i32
    %mul3A_28 = arith.constant 2048 : i32
    %mul3A_29 = arith.muli %add3A_7, %mul3A_28 : i32
    "tpu.region"() ({
      %run_scoped3A = tpu.sem_alloc : memref<!tpu.dma_semaphore, #tpu.memory_space<semaphore_mem>>
      %dma_start3A_58 = tpu.memref_slice %arg4[%mul3A_29] : memref<4194304xf32, #tpu.memory_space<hbm>> -> memref<65536xf32, #tpu.memory_space<hbm>>
      %dma_start3A_59 = tpu.memref_slice %arg4[%mul3A_29] : memref<4194304xf32, #tpu.memory_space<hbm>> -> memref<65536xf32, #tpu.memory_space<hbm>>
      tpu.enqueue_dma source(%arg5 : memref<65536xf32, #tpu.memory_space<vmem>>) target(%dma_start3A_59 : memref<65536xf32, #tpu.memory_space<hbm>>) target_semaphore(%run_scoped3A : memref<!tpu.dma_semaphore, #tpu.memory_space<semaphore_mem>>)
      %dma_wait3A = tpu.memref_slice %arg4[%mul3A_29] : memref<4194304xf32, #tpu.memory_space<hbm>> -> memref<65536xf32, #tpu.memory_space<hbm>>
      %dma_wait3A_60 = tpu.memref_slice %arg4[%mul3A_29] : memref<4194304xf32, #tpu.memory_space<hbm>> -> memref<65536xf32, #tpu.memory_space<hbm>>
      tpu.wait_dma2 semaphore(%run_scoped3A : memref<!tpu.dma_semaphore, #tpu.memory_space<semaphore_mem>>) src(%arg5 : memref<65536xf32, #tpu.memory_space<vmem>>) dst(%dma_wait3A_60 : memref<65536xf32, #tpu.memory_space<hbm>>)
      tpu.yield
    }) : () -> ()
    %mul3A_30 = arith.constant 64 : i32
    %mul3A_31 = arith.muli %add3A, %mul3A_30 : i32
    %add3A_32 = arith.constant 32 : i32
    %add3A_33 = arith.addi %mul3A_31, %add3A_32 : i32
    %dma_start3A_34 = arith.constant 0 : i32
    %dma_start3A_35 = tpu.memref_slice %arg2[%dma_start3A_34] : memref<131072xi32, #tpu.memory_space<hbm>> -> memref<8192xi32, #tpu.memory_space<hbm>>
    %dma_start3A_36 = arith.constant 0 : i32
    %dma_start3A_37 = tpu.memref_slice %arg2[%dma_start3A_36] : memref<131072xi32, #tpu.memory_space<hbm>> -> memref<8192xi32, #tpu.memory_space<hbm>>
    tpu.enqueue_dma source(%dma_start3A_37 : memref<8192xi32, #tpu.memory_space<hbm>>) target(%arg6 : memref<8192xi32, #tpu.memory_space<vmem>>) target_semaphore(%arg10 : memref<!tpu.dma_semaphore, #tpu.memory_space<semaphore_mem>>)
    %dma_start3A_38 = arith.constant 0 : i32
    %dma_start3A_39 = tpu.memref_slice %arg3[%dma_start3A_38] : memref<131072xi32, #tpu.memory_space<hbm>> -> memref<8192xi32, #tpu.memory_space<hbm>>
    %dma_start3A_40 = arith.constant 0 : i32
    %dma_start3A_41 = tpu.memref_slice %arg3[%dma_start3A_40] : memref<131072xi32, #tpu.memory_space<hbm>> -> memref<8192xi32, #tpu.memory_space<hbm>>
    tpu.enqueue_dma source(%dma_start3A_41 : memref<8192xi32, #tpu.memory_space<hbm>>) target(%arg7 : memref<8192xi32, #tpu.memory_space<vmem>>) target_semaphore(%arg10 : memref<!tpu.dma_semaphore, #tpu.memory_space<semaphore_mem>>)
    %scan3A_42 = arith.constant 0 : i32
    %scan3A_43 = arith.constant 0 : i32
    %scan3A_44 = arith.constant 32 : i32
    %scan3A_45 = arith.addi %scan3A_43, %scan3A_44 : i32
    %scan3A_46 = arith.constant 1 : i32
    %scan3A_47 = scf.for %scan3A_58 = %scan3A_43 to %scan3A_45 step %scan3A_46 iter_args(%scan3A_59 = %scan3A_42) -> (i32)  : i32 {
      %mul3A_60 = arith.constant 2048 : i32
      %mul3A_61 = arith.muli %scan3A_58, %mul3A_60 : i32
      %add3A_62 = arith.constant 0 : i32
      %add3A_63 = arith.addi %mul3A_61, %add3A_62 : i32
      %swap3A = arith.index_cast %add3A_63 : i32 to index
      %swap3A_64 = tpu.vector_load %arg5[%swap3A] {strides = array<i32>} : memref<65536xf32, #tpu.memory_space<vmem>>, vector<16xf32>,
      tpu.vector_store %arg5[%swap3A], %broadcast_in_dim3A_1 {strides = array<i32>} : memref<65536xf32, #tpu.memory_space<vmem>>, vector<16xf32>,
      %mul3A_65 = arith.constant 2048 : i32
      %mul3A_66 = arith.muli %scan3A_58, %mul3A_65 : i32
      %add3A_67 = arith.constant 16 : i32
      %add3A_68 = arith.addi %mul3A_66, %add3A_67 : i32
      %swap3A_69 = arith.index_cast %add3A_68 : i32 to index
      %swap3A_70 = tpu.vector_load %arg5[%swap3A_69] {strides = array<i32>} : memref<65536xf32, #tpu.memory_space<vmem>>, vector<16xf32>,
      tpu.vector_store %arg5[%swap3A_69], %broadcast_in_dim3A_1 {strides = array<i32>} : memref<65536xf32, #tpu.memory_space<vmem>>, vector<16xf32>,
      %mul3A_71 = arith.constant 2048 : i32
      %mul3A_72 = arith.muli %scan3A_58, %mul3A_71 : i32
      %add3A_73 = arith.constant 32 : i32
      %add3A_74 = arith.addi %mul3A_72, %add3A_73 : i32
      %swap3A_75 = arith.index_cast %add3A_74 : i32 to index
      %swap3A_76 = tpu.vector_load %arg5[%swap3A_75] {strides = array<i32>} : memref<65536xf32, #tpu.memory_space<vmem>>, vector<16xf32>,
      tpu.vector_store %arg5[%swap3A_75], %broadcast_in_dim3A_1 {strides = array<i32>} : memref<65536xf32, #tpu.memory_space<vmem>>, vector<16xf32>,
      %mul3A_77 = arith.constant 2048 : i32
      %mul3A_78 = arith.muli %scan3A_58, %mul3A_77 : i32
      %add3A_79 = arith.constant 48 : i32
      %add3A_80 = arith.addi %mul3A_78, %add3A_79 : i32
      %swap3A_81 = arith.index_cast %add3A_80 : i32 to index
      %swap3A_82 = tpu.vector_load %arg5[%swap3A_81] {strides = array<i32>} : memref<65536xf32, #tpu.memory_space<vmem>>, vector<16xf32>,
      tpu.vector_store %arg5[%swap3A_81], %broadcast_in_dim3A_1 {strides = array<i32>} : memref<65536xf32, #tpu.memory_space<vmem>>, vector<16xf32>,
      %mul3A_83 = arith.constant 2048 : i32
      %mul3A_84 = arith.muli %scan3A_58, %mul3A_83 : i32
      %add3A_85 = arith.constant 64 : i32
      %add3A_86 = arith.addi %mul3A_84, %add3A_85 : i32
      %swap3A_87 = arith.index_cast %add3A_86 : i32 to index
      %swap3A_88 = tpu.vector_load %arg5[%swap3A_87] {strides = array<i32>} : memref<65536xf32, #tpu.memory_space<vmem>>, vector<16xf32>,
      tpu.vector_store %arg5[%swap3A_87], %broadcast_in_dim3A_1 {strides = array<i32>} : memref<65536xf32, #tpu.memory_space<vmem>>, vector<16xf32>,
      %mul3A_89 = arith.constant 2048 : i32
      %mul3A_90 = arith.muli %scan3A_58, %mul3A_89 : i32
      %add3A_91 = arith.constant 80 : i32
      %add3A_92 = arith.addi %mul3A_90, %add3A_91 : i32
      %swap3A_93 = arith.index_cast %add3A_92 : i32 to index
      %swap3A_94 = tpu.vector_load %arg5[%swap3A_93] {strides = array<i32>} : memref<65536xf32, #tpu.memory_space<vmem>>, vector<16xf32>,
      tpu.vector_store %arg5[%swap3A_93], %broadcast_in_dim3A_1 {strides = array<i32>} : memref<65536xf32, #tpu.memory_space<vmem>>, vector<16xf32>,
      %mul3A_95 = arith.constant 2048 : i32
      %mul3A_96 = arith.muli %scan3A_58, %mul3A_95 : i32
      %add3A_97 = arith.constant 96 : i32
      %add3A_98 = arith.addi %mul3A_96, %add3A_97 : i32
      %swap3A_99 = arith.index_cast %add3A_98 : i32 to index
      %swap3A_100 = tpu.vector_load %arg5[%swap3A_99] {strides = array<i32>} : memref<65536xf32, #tpu.memory_space<vmem>>, vector<16xf32>,
      tpu.vector_store %arg5[%swap3A_99], %broadcast_in_dim3A_1 {strides = array<i32>} : memref<65536xf32, #tpu.memory_space<vmem>>, vector<16xf32>,
      %mul3A_101 = arith.constant 2048 : i32
      %mul3A_102 = arith.muli %scan3A_58, %mul3A_101 : i32
      %add3A_103 = arith.constant 112 : i32
      %add3A_104 = arith.addi %mul3A_102, %add3A_103 : i32
      %swap3A_105 = arith.index_cast %add3A_104 : i32 to index
      %swap3A_106 = tpu.vector_load %arg5[%swap3A_105] {strides = array<i32>} : memref<65536xf32, #tpu.memory_space<vmem>>, vector<16xf32>,
      tpu.vector_store %arg5[%swap3A_105], %broadcast_in_dim3A_1 {strides = array<i32>} : memref<65536xf32, #tpu.memory_space<vmem>>, vector<16xf32>,
      %mul3A_107 = arith.constant 2048 : i32
      %mul3A_108 = arith.muli %scan3A_58, %mul3A_107 : i32
      %add3A_109 = arith.constant 128 : i32
      %add3A_110 = arith.addi %mul3A_108, %add3A_109 : i32
      %swap3A_111 = arith.index_cast %add3A_110 : i32 to index
      %swap3A_112 = tpu.vector_load %arg5[%swap3A_111] {strides = array<i32>} : memref<65536xf32, #tpu.memory_space<vmem>>, vector<16xf32>,
      tpu.vector_store %arg5[%swap3A_111], %broadcast_in_dim3A_1 {strides = array<i32>} : memref<65536xf32, #tpu.memory_space<vmem>>, vector<16xf32>,
      %mul3A_113 = arith.constant 2048 : i32
      %mul3A_114 = arith.muli %scan3A_58, %mul3A_113 : i32
      %add3A_115 = arith.constant 144 : i32
      %add3A_116 = arith.addi %mul3A_114, %add3A_115 : i32
      %swap3A_117 = arith.index_cast %add3A_116 : i32 to index
      %swap3A_118 = tpu.vector_load %arg5[%swap3A_117] {strides = array<i32>} : memref<65536xf32, #tpu.memory_space<vmem>>, vector<16xf32>,
      tpu.vector_store %arg5[%swap3A_117], %broadcast_in_dim3A_1 {strides = array<i32>} : memref<65536xf32, #tpu.memory_space<vmem>>, vector<16xf32>,
      %mul3A_119 = arith.constant 2048 : i32
      %mul3A_120 = arith.muli %scan3A_58, %mul3A_119 : i32
      %add3A_121 = arith.constant 160 : i32
      %add3A_122 = arith.addi %mul3A_120, %add3A_121 : i32
      %swap3A_123 = arith.index_cast %add3A_122 : i32 to index
      %swap3A_124 = tpu.vector_load %arg5[%swap3A_123] {strides = array<i32>} : memref<65536xf32, #tpu.memory_space<vmem>>, vector<16xf32>,
      tpu.vector_store %arg5[%swap3A_123], %broadcast_in_dim3A_1 {strides = array<i32>} : memref<65536xf32, #tpu.memory_space<vmem>>, vector<16xf32>,
      %mul3A_125 = arith.constant 2048 : i32
      %mul3A_126 = arith.muli %scan3A_58, %mul3A_125 : i32
      %add3A_127 = arith.constant 176 : i32
      %add3A_128 = arith.addi %mul3A_126, %add3A_127 : i32
      %swap3A_129 = arith.index_cast %add3A_128 : i32 to index
      %swap3A_130 = tpu.vector_load %arg5[%swap3A_129] {strides = array<i32>} : memref<65536xf32, #tpu.memory_space<vmem>>, vector<16xf32>,
      tpu.vector_store %arg5[%swap3A_129], %broadcast_in_dim3A_1 {strides = array<i32>} : memref<65536xf32, #tpu.memory_space<vmem>>, vector<16xf32>,
      %mul3A_131 = arith.constant 2048 : i32
      %mul3A_132 = arith.muli %scan3A_58, %mul3A_131 : i32
      %add3A_133 = arith.constant 192 : i32
      %add3A_134 = arith.addi %mul3A_132, %add3A_133 : i32
      %swap3A_135 = arith.index_cast %add3A_134 : i32 to index
      %swap3A_136 = tpu.vector_load %arg5[%swap3A_135] {strides = array<i32>} : memref<65536xf32, #tpu.memory_space<vmem>>, vector<16xf32>,
      tpu.vector_store %arg5[%swap3A_135], %broadcast_in_dim3A_1 {strides = array<i32>} : memref<65536xf32, #tpu.memory_space<vmem>>, vector<16xf32>,
      %mul3A_137 = arith.constant 2048 : i32
      %mul3A_138 = arith.muli %scan3A_58, %mul3A_137 : i32
      %add3A_139 = arith.constant 208 : i32
      %add3A_140 = arith.addi %mul3A_138, %add3A_139 : i32
      %swap3A_141 = arith.index_cast %add3A_140 : i32 to index
      %swap3A_142 = tpu.vector_load %arg5[%swap3A_141] {strides = array<i32>} : memref<65536xf32, #tpu.memory_space<vmem>>, vector<16xf32>,
      tpu.vector_store %arg5[%swap3A_141], %broadcast_in_dim3A_1 {strides = array<i32>} : memref<65536xf32, #tpu.memory_space<vmem>>, vector<16xf32>,
      %mul3A_143 = arith.constant 2048 : i32
      %mul3A_144 = arith.muli %scan3A_58, %mul3A_143 : i32
      %add3A_145 = arith.constant 224 : i32
      %add3A_146 = arith.addi %mul3A_144, %add3A_145 : i32
      %swap3A_147 = arith.index_cast %add3A_146 : i32 to index
      %swap3A_148 = tpu.vector_load %arg5[%swap3A_147] {strides = array<i32>} : memref<65536xf32, #tpu.memory_space<vmem>>, vector<16xf32>,
      tpu.vector_store %arg5[%swap3A_147], %broadcast_in_dim3A_1 {strides = array<i32>} : memref<65536xf32, #tpu.memory_space<vmem>>, vector<16xf32>,
      %mul3A_149 = arith.constant 2048 : i32
      %mul3A_150 = arith.muli %scan3A_58, %mul3A_149 : i32
      %add3A_151 = arith.constant 240 : i32
      %add3A_152 = arith.addi %mul3A_150, %add3A_151 : i32
      %swap3A_153 = arith.index_cast %add3A_152 : i32 to index
      %swap3A_154 = tpu.vector_load %arg5[%swap3A_153] {strides = array<i32>} : memref<65536xf32, #tpu.memory_space<vmem>>, vector<16xf32>,
      tpu.vector_store %arg5[%swap3A_153], %broadcast_in_dim3A_1 {strides = array<i32>} : memref<65536xf32, #tpu.memory_space<vmem>>, vector<16xf32>,
      %mul3A_155 = arith.constant 2048 : i32
      %mul3A_156 = arith.muli %scan3A_58, %mul3A_155 : i32
      %add3A_157 = arith.constant 256 : i32
      %add3A_158 = arith.addi %mul3A_156, %add3A_157 : i32
      %swap3A_159 = arith.index_cast %add3A_158 : i32 to index
      %swap3A_160 = tpu.vector_load %arg5[%swap3A_159] {strides = array<i32>} : memref<65536xf32, #tpu.memory_space<vmem>>, vector<16xf32>,
      tpu.vector_store %arg5[%swap3A_159], %broadcast_in_dim3A_1 {strides = array<i32>} : memref<65536xf32, #tpu.memory_space<vmem>>, vector<16xf32>,
      %mul3A_161 = arith.constant 2048 : i32
      %mul3A_162 = arith.muli %scan3A_58, %mul3A_161 : i32
      %add3A_163 = arith.constant 272 : i32
      %add3A_164 = arith.addi %mul3A_162, %add3A_163 : i32
      %swap3A_165 = arith.index_cast %add3A_164 : i32 to index
      %swap3A_166 = tpu.vector_load %arg5[%swap3A_165] {strides = array<i32>} : memref<65536xf32, #tpu.memory_space<vmem>>, vector<16xf32>,
      tpu.vector_store %arg5[%swap3A_165], %broadcast_in_dim3A_1 {strides = array<i32>} : memref<65536xf32, #tpu.memory_space<vmem>>, vector<16xf32>,
      %mul3A_167 = arith.constant 2048 : i32
      %mul3A_168 = arith.muli %scan3A_58, %mul3A_167 : i32
      %add3A_169 = arith.constant 288 : i32
      %add3A_170 = arith.addi %mul3A_168, %add3A_169 : i32
      %swap3A_171 = arith.index_cast %add3A_170 : i32 to index
      %swap3A_172 = tpu.vector_load %arg5[%swap3A_171] {strides = array<i32>} : memref<65536xf32, #tpu.memory_space<vmem>>, vector<16xf32>,
      tpu.vector_store %arg5[%swap3A_171], %broadcast_in_dim3A_1 {strides = array<i32>} : memref<65536xf32, #tpu.memory_space<vmem>>, vector<16xf32>,
      %mul3A_173 = arith.constant 2048 : i32
      %mul3A_174 = arith.muli %scan3A_58, %mul3A_173 : i32
      %add3A_175 = arith.constant 304 : i32
      %add3A_176 = arith.addi %mul3A_174, %add3A_175 : i32
      %swap3A_177 = arith.index_cast %add3A_176 : i32 to index
      %swap3A_178 = tpu.vector_load %arg5[%swap3A_177] {strides = array<i32>} : memref<65536xf32, #tpu.memory_space<vmem>>, vector<16xf32>,
      tpu.vector_store %arg5[%swap3A_177], %broadcast_in_dim3A_1 {strides = array<i32>} : memref<65536xf32, #tpu.memory_space<vmem>>, vector<16xf32>,
      %mul3A_179 = arith.constant 2048 : i32
      %mul3A_180 = arith.muli %scan3A_58, %mul3A_179 : i32
      %add3A_181 = arith.constant 320 : i32
      %add3A_182 = arith.addi %mul3A_180, %add3A_181 : i32
      %swap3A_183 = arith.index_cast %add3A_182 : i32 to index
      %swap3A_184 = tpu.vector_load %arg5[%swap3A_183] {strides = array<i32>} : memref<65536xf32, #tpu.memory_space<vmem>>, vector<16xf32>,
      tpu.vector_store %arg5[%swap3A_183], %broadcast_in_dim3A_1 {strides = array<i32>} : memref<65536xf32, #tpu.memory_space<vmem>>, vector<16xf32>,
      %mul3A_185 = arith.constant 2048 : i32
      %mul3A_186 = arith.muli %scan3A_58, %mul3A_185 : i32
      %add3A_187 = arith.constant 336 : i32
      %add3A_188 = arith.addi %mul3A_186, %add3A_187 : i32
      %swap3A_189 = arith.index_cast %add3A_188 : i32 to index
      %swap3A_190 = tpu.vector_load %arg5[%swap3A_189] {strides = array<i32>} : memref<65536xf32, #tpu.memory_space<vmem>>, vector<16xf32>,
      tpu.vector_store %arg5[%swap3A_189], %broadcast_in_dim3A_1 {strides = array<i32>} : memref<65536xf32, #tpu.memory_space<vmem>>, vector<16xf32>,
      %mul3A_191 = arith.constant 2048 : i32
      %mul3A_192 = arith.muli %scan3A_58, %mul3A_191 : i32
      %add3A_193 = arith.constant 352 : i32
      %add3A_194 = arith.addi %mul3A_192, %add3A_193 : i32
      %swap3A_195 = arith.index_cast %add3A_194 : i32 to index
      %swap3A_196 = tpu.vector_load %arg5[%swap3A_195] {strides = array<i32>} : memref<65536xf32, #tpu.memory_space<vmem>>, vector<16xf32>,
      tpu.vector_store %arg5[%swap3A_195], %broadcast_in_dim3A_1 {strides = array<i32>} : memref<65536xf32, #tpu.memory_space<vmem>>, vector<16xf32>,
      %mul3A_197 = arith.constant 2048 : i32
      %mul3A_198 = arith.muli %scan3A_58, %mul3A_197 : i32
      %add3A_199 = arith.constant 368 : i32
      %add3A_200 = arith.addi %mul3A_198, %add3A_199 : i32
      %swap3A_201 = arith.index_cast %add3A_200 : i32 to index
      %swap3A_202 = tpu.vector_load %arg5[%swap3A_201] {strides = array<i32>} : memref<65536xf32, #tpu.memory_space<vmem>>, vector<16xf32>,
      tpu.vector_store %arg5[%swap3A_201], %broadcast_in_dim3A_1 {strides = array<i32>} : memref<65536xf32, #tpu.memory_space<vmem>>, vector<16xf32>,
      %mul3A_203 = arith.constant 2048 : i32
      %mul3A_204 = arith.muli %scan3A_58, %mul3A_203 : i32
      %add3A_205 = arith.constant 384 : i32
      %add3A_206 = arith.addi %mul3A_204, %add3A_205 : i32
      %swap3A_207 = arith.index_cast %add3A_206 : i32 to index
      %swap3A_208 = tpu.vector_load %arg5[%swap3A_207] {strides = array<i32>} : memref<65536xf32, #tpu.memory_space<vmem>>, vector<16xf32>,
      tpu.vector_store %arg5[%swap3A_207], %broadcast_in_dim3A_1 {strides = array<i32>} : memref<65536xf32, #tpu.memory_space<vmem>>, vector<16xf32>,
      %mul3A_209 = arith.constant 2048 : i32
      %mul3A_210 = arith.muli %scan3A_58, %mul3A_209 : i32
      %add3A_211 = arith.constant 400 : i32
      %add3A_212 = arith.addi %mul3A_210, %add3A_211 : i32
      %swap3A_213 = arith.index_cast %add3A_212 : i32 to index
      %swap3A_214 = tpu.vector_load %arg5[%swap3A_213] {strides = array<i32>} : memref<65536xf32, #tpu.memory_space<vmem>>, vector<16xf32>,
      tpu.vector_store %arg5[%swap3A_213], %broadcast_in_dim3A_1 {strides = array<i32>} : memref<65536xf32, #tpu.memory_space<vmem>>, vector<16xf32>,
      %mul3A_215 = arith.constant 2048 : i32
      %mul3A_216 = arith.muli %scan3A_58, %mul3A_215 : i32
      %add3A_217 = arith.constant 416 : i32
      %add3A_218 = arith.addi %mul3A_216, %add3A_217 : i32
      %swap3A_219 = arith.index_cast %add3A_218 : i32 to index
      %swap3A_220 = tpu.vector_load %arg5[%swap3A_219] {strides = array<i32>} : memref<65536xf32, #tpu.memory_space<vmem>>, vector<16xf32>,
      tpu.vector_store %arg5[%swap3A_219], %broadcast_in_dim3A_1 {strides = array<i32>} : memref<65536xf32, #tpu.memory_space<vmem>>, vector<16xf32>,
      %mul3A_221 = arith.constant 2048 : i32
      %mul3A_222 = arith.muli %scan3A_58, %mul3A_221 : i32
      %add3A_223 = arith.constant 432 : i32
      %add3A_224 = arith.addi %mul3A_222, %add3A_223 : i32
      %swap3A_225 = arith.index_cast %add3A_224 : i32 to index
      %swap3A_226 = tpu.vector_load %arg5[%swap3A_225] {strides = array<i32>} : memref<65536xf32, #tpu.memory_space<vmem>>, vector<16xf32>,
      tpu.vector_store %arg5[%swap3A_225], %broadcast_in_dim3A_1 {strides = array<i32>} : memref<65536xf32, #tpu.memory_space<vmem>>, vector<16xf32>,
      %mul3A_227 = arith.constant 2048 : i32
      %mul3A_228 = arith.muli %scan3A_58, %mul3A_227 : i32
      %add3A_229 = arith.constant 448 : i32
      %add3A_230 = arith.addi %mul3A_228, %add3A_229 : i32
      %swap3A_231 = arith.index_cast %add3A_230 : i32 to index
      %swap3A_232 = tpu.vector_load %arg5[%swap3A_231] {strides = array<i32>} : memref<65536xf32, #tpu.memory_space<vmem>>, vector<16xf32>,
      tpu.vector_store %arg5[%swap3A_231], %broadcast_in_dim3A_1 {strides = array<i32>} : memref<65536xf32, #tpu.memory_space<vmem>>, vector<16xf32>,
      %mul3A_233 = arith.constant 2048 : i32
      %mul3A_234 = arith.muli %scan3A_58, %mul3A_233 : i32
      %add3A_235 = arith.constant 464 : i32
      %add3A_236 = arith.addi %mul3A_234, %add3A_235 : i32
      %swap3A_237 = arith.index_cast %add3A_236 : i32 to index
      %swap3A_238 = tpu.vector_load %arg5[%swap3A_237] {strides = array<i32>} : memref<65536xf32, #tpu.memory_space<vmem>>, vector<16xf32>,
      tpu.vector_store %arg5[%swap3A_237], %broadcast_in_dim3A_1 {strides = array<i32>} : memref<65536xf32, #tpu.memory_space<vmem>>, vector<16xf32>,
      %mul3A_239 = arith.constant 2048 : i32
      %mul3A_240 = arith.muli %scan3A_58, %mul3A_239 : i32
      %add3A_241 = arith.constant 480 : i32
      %add3A_242 = arith.addi %mul3A_240, %add3A_241 : i32
      %swap3A_243 = arith.index_cast %add3A_242 : i32 to index
      %swap3A_244 = tpu.vector_load %arg5[%swap3A_243] {strides = array<i32>} : memref<65536xf32, #tpu.memory_space<vmem>>, vector<16xf32>,
      tpu.vector_store %arg5[%swap3A_243], %broadcast_in_dim3A_1 {strides = array<i32>} : memref<65536xf32, #tpu.memory_space<vmem>>, vector<16xf32>,
      %mul3A_245 = arith.constant 2048 : i32
      %mul3A_246 = arith.muli %scan3A_58, %mul3A_245 : i32
      %add3A_247 = arith.constant 496 : i32
      %add3A_248 = arith.addi %mul3A_246, %add3A_247 : i32
      %swap3A_249 = arith.index_cast %add3A_248 : i32 to index
      %swap3A_250 = tpu.vector_load %arg5[%swap3A_249] {strides = array<i32>} : memref<65536xf32, #tpu.memory_space<vmem>>, vector<16xf32>,
      tpu.vector_store %arg5[%swap3A_249], %broadcast_in_dim3A_1 {strides = array<i32>} : memref<65536xf32, #tpu.memory_space<vmem>>, vector<16xf32>,
      %mul3A_251 = arith.constant 2048 : i32
      %mul3A_252 = arith.muli %scan3A_58, %mul3A_251 : i32
      %add3A_253 = arith.constant 512 : i32
      %add3A_254 = arith.addi %mul3A_252, %add3A_253 : i32
      %swap3A_255 = arith.index_cast %add3A_254 : i32 to index
      %swap3A_256 = tpu.vector_load %arg5[%swap3A_255] {strides = array<i32>} : memref<65536xf32, #tpu.memory_space<vmem>>, vector<16xf32>,
      tpu.vector_store %arg5[%swap3A_255], %broadcast_in_dim3A_1 {strides = array<i32>} : memref<65536xf32, #tpu.memory_space<vmem>>, vector<16xf32>,
      %mul3A_257 = arith.constant 2048 : i32
      %mul3A_258 = arith.muli %scan3A_58, %mul3A_257 : i32
      %add3A_259 = arith.constant 528 : i32
      %add3A_260 = arith.addi %mul3A_258, %add3A_259 : i32
      %swap3A_261 = arith.index_cast %add3A_260 : i32 to index
      %swap3A_262 = tpu.vector_load %arg5[%swap3A_261] {strides = array<i32>} : memref<65536xf32, #tpu.memory_space<vmem>>, vector<16xf32>,
      tpu.vector_store %arg5[%swap3A_261], %broadcast_in_dim3A_1 {strides = array<i32>} : memref<65536xf32, #tpu.memory_space<vmem>>, vector<16xf32>,
      %mul3A_263 = arith.constant 2048 : i32
      %mul3A_264 = arith.muli %scan3A_58, %mul3A_263 : i32
      %add3A_265 = arith.constant 544 : i32
      %add3A_266 = arith.addi %mul3A_264, %add3A_265 : i32
      %swap3A_267 = arith.index_cast %add3A_266 : i32 to index
      %swap3A_268 = tpu.vector_load %arg5[%swap3A_267] {strides = array<i32>} : memref<65536xf32, #tpu.memory_space<vmem>>, vector<16xf32>,
      tpu.vector_store %arg5[%swap3A_267], %broadcast_in_dim3A_1 {strides = array<i32>} : memref<65536xf32, #tpu.memory_space<vmem>>, vector<16xf32>,
      %mul3A_269 = arith.constant 2048 : i32
      %mul3A_270 = arith.muli %scan3A_58, %mul3A_269 : i32
      %add3A_271 = arith.constant 560 : i32
      %add3A_272 = arith.addi %mul3A_270, %add3A_271 : i32
      %swap3A_273 = arith.index_cast %add3A_272 : i32 to index
      %swap3A_274 = tpu.vector_load %arg5[%swap3A_273] {strides = array<i32>} : memref<65536xf32, #tpu.memory_space<vmem>>, vector<16xf32>,
      tpu.vector_store %arg5[%swap3A_273], %broadcast_in_dim3A_1 {strides = array<i32>} : memref<65536xf32, #tpu.memory_space<vmem>>, vector<16xf32>,
      %mul3A_275 = arith.constant 2048 : i32
      %mul3A_276 = arith.muli %scan3A_58, %mul3A_275 : i32
      %add3A_277 = arith.constant 576 : i32
      %add3A_278 = arith.addi %mul3A_276, %add3A_277 : i32
      %swap3A_279 = arith.index_cast %add3A_278 : i32 to index
      %swap3A_280 = tpu.vector_load %arg5[%swap3A_279] {strides = array<i32>} : memref<65536xf32, #tpu.memory_space<vmem>>, vector<16xf32>,
      tpu.vector_store %arg5[%swap3A_279], %broadcast_in_dim3A_1 {strides = array<i32>} : memref<65536xf32, #tpu.memory_space<vmem>>, vector<16xf32>,
      %mul3A_281 = arith.constant 2048 : i32
      %mul3A_282 = arith.muli %scan3A_58, %mul3A_281 : i32
      %add3A_283 = arith.constant 592 : i32
      %add3A_284 = arith.addi %mul3A_282, %add3A_283 : i32
      %swap3A_285 = arith.index_cast %add3A_284 : i32 to index
      %swap3A_286 = tpu.vector_load %arg5[%swap3A_285] {strides = array<i32>} : memref<65536xf32, #tpu.memory_space<vmem>>, vector<16xf32>,
      tpu.vector_store %arg5[%swap3A_285], %broadcast_in_dim3A_1 {strides = array<i32>} : memref<65536xf32, #tpu.memory_space<vmem>>, vector<16xf32>,
      %mul3A_287 = arith.constant 2048 : i32
      %mul3A_288 = arith.muli %scan3A_58, %mul3A_287 : i32
      %add3A_289 = arith.constant 608 : i32
      %add3A_290 = arith.addi %mul3A_288, %add3A_289 : i32
      %swap3A_291 = arith.index_cast %add3A_290 : i32 to index
      %swap3A_292 = tpu.vector_load %arg5[%swap3A_291] {strides = array<i32>} : memref<65536xf32, #tpu.memory_space<vmem>>, vector<16xf32>,
      tpu.vector_store %arg5[%swap3A_291], %broadcast_in_dim3A_1 {strides = array<i32>} : memref<65536xf32, #tpu.memory_space<vmem>>, vector<16xf32>,
      %mul3A_293 = arith.constant 2048 : i32
      %mul3A_294 = arith.muli %scan3A_58, %mul3A_293 : i32
      %add3A_295 = arith.constant 624 : i32
      %add3A_296 = arith.addi %mul3A_294, %add3A_295 : i32
      %swap3A_297 = arith.index_cast %add3A_296 : i32 to index
      %swap3A_298 = tpu.vector_load %arg5[%swap3A_297] {strides = array<i32>} : memref<65536xf32, #tpu.memory_space<vmem>>, vector<16xf32>,
      tpu.vector_store %arg5[%swap3A_297], %broadcast_in_dim3A_1 {strides = array<i32>} : memref<65536xf32, #tpu.memory_space<vmem>>, vector<16xf32>,
      %mul3A_299 = arith.constant 2048 : i32
      %mul3A_300 = arith.muli %scan3A_58, %mul3A_299 : i32
      %add3A_301 = arith.constant 640 : i32
      %add3A_302 = arith.addi %mul3A_300, %add3A_301 : i32
      %swap3A_303 = arith.index_cast %add3A_302 : i32 to index
      %swap3A_304 = tpu.vector_load %arg5[%swap3A_303] {strides = array<i32>} : memref<65536xf32, #tpu.memory_space<vmem>>, vector<16xf32>,
      tpu.vector_store %arg5[%swap3A_303], %broadcast_in_dim3A_1 {strides = array<i32>} : memref<65536xf32, #tpu.memory_space<vmem>>, vector<16xf32>,
      %mul3A_305 = arith.constant 2048 : i32
      %mul3A_306 = arith.muli %scan3A_58, %mul3A_305 : i32
      %add3A_307 = arith.constant 656 : i32
      %add3A_308 = arith.addi %mul3A_306, %add3A_307 : i32
      %swap3A_309 = arith.index_cast %add3A_308 : i32 to index
      %swap3A_310 = tpu.vector_load %arg5[%swap3A_309] {strides = array<i32>} : memref<65536xf32, #tpu.memory_space<vmem>>, vector<16xf32>,
      tpu.vector_store %arg5[%swap3A_309], %broadcast_in_dim3A_1 {strides = array<i32>} : memref<65536xf32, #tpu.memory_space<vmem>>, vector<16xf32>,
      %mul3A_311 = arith.constant 2048 : i32
      %mul3A_312 = arith.muli %scan3A_58, %mul3A_311 : i32
      %add3A_313 = arith.constant 672 : i32
      %add3A_314 = arith.addi %mul3A_312, %add3A_313 : i32
      %swap3A_315 = arith.index_cast %add3A_314 : i32 to index
      %swap3A_316 = tpu.vector_load %arg5[%swap3A_315] {strides = array<i32>} : memref<65536xf32, #tpu.memory_space<vmem>>, vector<16xf32>,
      tpu.vector_store %arg5[%swap3A_315], %broadcast_in_dim3A_1 {strides = array<i32>} : memref<65536xf32, #tpu.memory_space<vmem>>, vector<16xf32>,
      %mul3A_317 = arith.constant 2048 : i32
      %mul3A_318 = arith.muli %scan3A_58, %mul3A_317 : i32
      %add3A_319 = arith.constant 688 : i32
      %add3A_320 = arith.addi %mul3A_318, %add3A_319 : i32
      %swap3A_321 = arith.index_cast %add3A_320 : i32 to index
      %swap3A_322 = tpu.vector_load %arg5[%swap3A_321] {strides = array<i32>} : memref<65536xf32, #tpu.memory_space<vmem>>, vector<16xf32>,
      tpu.vector_store %arg5[%swap3A_321], %broadcast_in_dim3A_1 {strides = array<i32>} : memref<65536xf32, #tpu.memory_space<vmem>>, vector<16xf32>,
      %mul3A_323 = arith.constant 2048 : i32
      %mul3A_324 = arith.muli %scan3A_58, %mul3A_323 : i32
      %add3A_325 = arith.constant 704 : i32
      %add3A_326 = arith.addi %mul3A_324, %add3A_325 : i32
      %swap3A_327 = arith.index_cast %add3A_326 : i32 to index
      %swap3A_328 = tpu.vector_load %arg5[%swap3A_327] {strides = array<i32>} : memref<65536xf32, #tpu.memory_space<vmem>>, vector<16xf32>,
      tpu.vector_store %arg5[%swap3A_327], %broadcast_in_dim3A_1 {strides = array<i32>} : memref<65536xf32, #tpu.memory_space<vmem>>, vector<16xf32>,
      %mul3A_329 = arith.constant 2048 : i32
      %mul3A_330 = arith.muli %scan3A_58, %mul3A_329 : i32
      %add3A_331 = arith.constant 720 : i32
      %add3A_332 = arith.addi %mul3A_330, %add3A_331 : i32
      %swap3A_333 = arith.index_cast %add3A_332 : i32 to index
      %swap3A_334 = tpu.vector_load %arg5[%swap3A_333] {strides = array<i32>} : memref<65536xf32, #tpu.memory_space<vmem>>, vector<16xf32>,
      tpu.vector_store %arg5[%swap3A_333], %broadcast_in_dim3A_1 {strides = array<i32>} : memref<65536xf32, #tpu.memory_space<vmem>>, vector<16xf32>,
      %mul3A_335 = arith.constant 2048 : i32
      %mul3A_336 = arith.muli %scan3A_58, %mul3A_335 : i32
      %add3A_337 = arith.constant 736 : i32
      %add3A_338 = arith.addi %mul3A_336, %add3A_337 : i32
      %swap3A_339 = arith.index_cast %add3A_338 : i32 to index
      %swap3A_340 = tpu.vector_load %arg5[%swap3A_339] {strides = array<i32>} : memref<65536xf32, #tpu.memory_space<vmem>>, vector<16xf32>,
      tpu.vector_store %arg5[%swap3A_339], %broadcast_in_dim3A_1 {strides = array<i32>} : memref<65536xf32, #tpu.memory_space<vmem>>, vector<16xf32>,
      %mul3A_341 = arith.constant 2048 : i32
      %mul3A_342 = arith.muli %scan3A_58, %mul3A_341 : i32
      %add3A_343 = arith.constant 752 : i32
      %add3A_344 = arith.addi %mul3A_342, %add3A_343 : i32
      %swap3A_345 = arith.index_cast %add3A_344 : i32 to index
      %swap3A_346 = tpu.vector_load %arg5[%swap3A_345] {strides = array<i32>} : memref<65536xf32, #tpu.memory_space<vmem>>, vector<16xf32>,
      tpu.vector_store %arg5[%swap3A_345], %broadcast_in_dim3A_1 {strides = array<i32>} : memref<65536xf32, #tpu.memory_space<vmem>>, vector<16xf32>,
      %mul3A_347 = arith.constant 2048 : i32
      %mul3A_348 = arith.muli %scan3A_58, %mul3A_347 : i32
      %add3A_349 = arith.constant 768 : i32
      %add3A_350 = arith.addi %mul3A_348, %add3A_349 : i32
      %swap3A_351 = arith.index_cast %add3A_350 : i32 to index
      %swap3A_352 = tpu.vector_load %arg5[%swap3A_351] {strides = array<i32>} : memref<65536xf32, #tpu.memory_space<vmem>>, vector<16xf32>,
      tpu.vector_store %arg5[%swap3A_351], %broadcast_in_dim3A_1 {strides = array<i32>} : memref<65536xf32, #tpu.memory_space<vmem>>, vector<16xf32>,
      %mul3A_353 = arith.constant 2048 : i32
      %mul3A_354 = arith.muli %scan3A_58, %mul3A_353 : i32
      %add3A_355 = arith.constant 784 : i32
      %add3A_356 = arith.addi %mul3A_354, %add3A_355 : i32
      %swap3A_357 = arith.index_cast %add3A_356 : i32 to index
      %swap3A_358 = tpu.vector_load %arg5[%swap3A_357] {strides = array<i32>} : memref<65536xf32, #tpu.memory_space<vmem>>, vector<16xf32>,
      tpu.vector_store %arg5[%swap3A_357], %broadcast_in_dim3A_1 {strides = array<i32>} : memref<65536xf32, #tpu.memory_space<vmem>>, vector<16xf32>,
      %mul3A_359 = arith.constant 2048 : i32
      %mul3A_360 = arith.muli %scan3A_58, %mul3A_359 : i32
      %add3A_361 = arith.constant 800 : i32
      %add3A_362 = arith.addi %mul3A_360, %add3A_361 : i32
      %swap3A_363 = arith.index_cast %add3A_362 : i32 to index
      %swap3A_364 = tpu.vector_load %arg5[%swap3A_363] {strides = array<i32>} : memref<65536xf32, #tpu.memory_space<vmem>>, vector<16xf32>,
      tpu.vector_store %arg5[%swap3A_363], %broadcast_in_dim3A_1 {strides = array<i32>} : memref<65536xf32, #tpu.memory_space<vmem>>, vector<16xf32>,
      %mul3A_365 = arith.constant 2048 : i32
      %mul3A_366 = arith.muli %scan3A_58, %mul3A_365 : i32
      %add3A_367 = arith.constant 816 : i32
      %add3A_368 = arith.addi %mul3A_366, %add3A_367 : i32
      %swap3A_369 = arith.index_cast %add3A_368 : i32 to index
      %swap3A_370 = tpu.vector_load %arg5[%swap3A_369] {strides = array<i32>} : memref<65536xf32, #tpu.memory_space<vmem>>, vector<16xf32>,
      tpu.vector_store %arg5[%swap3A_369], %broadcast_in_dim3A_1 {strides = array<i32>} : memref<65536xf32, #tpu.memory_space<vmem>>, vector<16xf32>,
      %mul3A_371 = arith.constant 2048 : i32
      %mul3A_372 = arith.muli %scan3A_58, %mul3A_371 : i32
      %add3A_373 = arith.constant 832 : i32
      %add3A_374 = arith.addi %mul3A_372, %add3A_373 : i32
      %swap3A_375 = arith.index_cast %add3A_374 : i32 to index
      %swap3A_376 = tpu.vector_load %arg5[%swap3A_375] {strides = array<i32>} : memref<65536xf32, #tpu.memory_space<vmem>>, vector<16xf32>,
      tpu.vector_store %arg5[%swap3A_375], %broadcast_in_dim3A_1 {strides = array<i32>} : memref<65536xf32, #tpu.memory_space<vmem>>, vector<16xf32>,
      %mul3A_377 = arith.constant 2048 : i32
      %mul3A_378 = arith.muli %scan3A_58, %mul3A_377 : i32
      %add3A_379 = arith.constant 848 : i32
      %add3A_380 = arith.addi %mul3A_378, %add3A_379 : i32
      %swap3A_381 = arith.index_cast %add3A_380 : i32 to index
      %swap3A_382 = tpu.vector_load %arg5[%swap3A_381] {strides = array<i32>} : memref<65536xf32, #tpu.memory_space<vmem>>, vector<16xf32>,
      tpu.vector_store %arg5[%swap3A_381], %broadcast_in_dim3A_1 {strides = array<i32>} : memref<65536xf32, #tpu.memory_space<vmem>>, vector<16xf32>,
      %mul3A_383 = arith.constant 2048 : i32
      %mul3A_384 = arith.muli %scan3A_58, %mul3A_383 : i32
      %add3A_385 = arith.constant 864 : i32
      %add3A_386 = arith.addi %mul3A_384, %add3A_385 : i32
      %swap3A_387 = arith.index_cast %add3A_386 : i32 to index
      %swap3A_388 = tpu.vector_load %arg5[%swap3A_387] {strides = array<i32>} : memref<65536xf32, #tpu.memory_space<vmem>>, vector<16xf32>,
      tpu.vector_store %arg5[%swap3A_387], %broadcast_in_dim3A_1 {strides = array<i32>} : memref<65536xf32, #tpu.memory_space<vmem>>, vector<16xf32>,
      %mul3A_389 = arith.constant 2048 : i32
      %mul3A_390 = arith.muli %scan3A_58, %mul3A_389 : i32
      %add3A_391 = arith.constant 880 : i32
      %add3A_392 = arith.addi %mul3A_390, %add3A_391 : i32
      %swap3A_393 = arith.index_cast %add3A_392 : i32 to index
      %swap3A_394 = tpu.vector_load %arg5[%swap3A_393] {strides = array<i32>} : memref<65536xf32, #tpu.memory_space<vmem>>, vector<16xf32>,
      tpu.vector_store %arg5[%swap3A_393], %broadcast_in_dim3A_1 {strides = array<i32>} : memref<65536xf32, #tpu.memory_space<vmem>>, vector<16xf32>,
      %mul3A_395 = arith.constant 2048 : i32
      %mul3A_396 = arith.muli %scan3A_58, %mul3A_395 : i32
      %add3A_397 = arith.constant 896 : i32
      %add3A_398 = arith.addi %mul3A_396, %add3A_397 : i32
      %swap3A_399 = arith.index_cast %add3A_398 : i32 to index
      %swap3A_400 = tpu.vector_load %arg5[%swap3A_399] {strides = array<i32>} : memref<65536xf32, #tpu.memory_space<vmem>>, vector<16xf32>,
      tpu.vector_store %arg5[%swap3A_399], %broadcast_in_dim3A_1 {strides = array<i32>} : memref<65536xf32, #tpu.memory_space<vmem>>, vector<16xf32>,
      %mul3A_401 = arith.constant 2048 : i32
      %mul3A_402 = arith.muli %scan3A_58, %mul3A_401 : i32
      %add3A_403 = arith.constant 912 : i32
      %add3A_404 = arith.addi %mul3A_402, %add3A_403 : i32
      %swap3A_405 = arith.index_cast %add3A_404 : i32 to index
      %swap3A_406 = tpu.vector_load %arg5[%swap3A_405] {strides = array<i32>} : memref<65536xf32, #tpu.memory_space<vmem>>, vector<16xf32>,
      tpu.vector_store %arg5[%swap3A_405], %broadcast_in_dim3A_1 {strides = array<i32>} : memref<65536xf32, #tpu.memory_space<vmem>>, vector<16xf32>,
      %mul3A_407 = arith.constant 2048 : i32
      %mul3A_408 = arith.muli %scan3A_58, %mul3A_407 : i32
      %add3A_409 = arith.constant 928 : i32
      %add3A_410 = arith.addi %mul3A_408, %add3A_409 : i32
      %swap3A_411 = arith.index_cast %add3A_410 : i32 to index
      %swap3A_412 = tpu.vector_load %arg5[%swap3A_411] {strides = array<i32>} : memref<65536xf32, #tpu.memory_space<vmem>>, vector<16xf32>,
      tpu.vector_store %arg5[%swap3A_411], %broadcast_in_dim3A_1 {strides = array<i32>} : memref<65536xf32, #tpu.memory_space<vmem>>, vector<16xf32>,
      %mul3A_413 = arith.constant 2048 : i32
      %mul3A_414 = arith.muli %scan3A_58, %mul3A_413 : i32
      %add3A_415 = arith.constant 944 : i32
      %add3A_416 = arith.addi %mul3A_414, %add3A_415 : i32
      %swap3A_417 = arith.index_cast %add3A_416 : i32 to index
      %swap3A_418 = tpu.vector_load %arg5[%swap3A_417] {strides = array<i32>} : memref<65536xf32, #tpu.memory_space<vmem>>, vector<16xf32>,
      tpu.vector_store %arg5[%swap3A_417], %broadcast_in_dim3A_1 {strides = array<i32>} : memref<65536xf32, #tpu.memory_space<vmem>>, vector<16xf32>,
      %mul3A_419 = arith.constant 2048 : i32
      %mul3A_420 = arith.muli %scan3A_58, %mul3A_419 : i32
      %add3A_421 = arith.constant 960 : i32
      %add3A_422 = arith.addi %mul3A_420, %add3A_421 : i32
      %swap3A_423 = arith.index_cast %add3A_422 : i32 to index
      %swap3A_424 = tpu.vector_load %arg5[%swap3A_423] {strides = array<i32>} : memref<65536xf32, #tpu.memory_space<vmem>>, vector<16xf32>,
      tpu.vector_store %arg5[%swap3A_423], %broadcast_in_dim3A_1 {strides = array<i32>} : memref<65536xf32, #tpu.memory_space<vmem>>, vector<16xf32>,
      %mul3A_425 = arith.constant 2048 : i32
      %mul3A_426 = arith.muli %scan3A_58, %mul3A_425 : i32
      %add3A_427 = arith.constant 976 : i32
      %add3A_428 = arith.addi %mul3A_426, %add3A_427 : i32
      %swap3A_429 = arith.index_cast %add3A_428 : i32 to index
      %swap3A_430 = tpu.vector_load %arg5[%swap3A_429] {strides = array<i32>} : memref<65536xf32, #tpu.memory_space<vmem>>, vector<16xf32>,
      tpu.vector_store %arg5[%swap3A_429], %broadcast_in_dim3A_1 {strides = array<i32>} : memref<65536xf32, #tpu.memory_space<vmem>>, vector<16xf32>,
      %mul3A_431 = arith.constant 2048 : i32
      %mul3A_432 = arith.muli %scan3A_58, %mul3A_431 : i32
      %add3A_433 = arith.constant 992 : i32
      %add3A_434 = arith.addi %mul3A_432, %add3A_433 : i32
      %swap3A_435 = arith.index_cast %add3A_434 : i32 to index
      %swap3A_436 = tpu.vector_load %arg5[%swap3A_435] {strides = array<i32>} : memref<65536xf32, #tpu.memory_space<vmem>>, vector<16xf32>,
      tpu.vector_store %arg5[%swap3A_435], %broadcast_in_dim3A_1 {strides = array<i32>} : memref<65536xf32, #tpu.memory_space<vmem>>, vector<16xf32>,
      %mul3A_437 = arith.constant 2048 : i32
      %mul3A_438 = arith.muli %scan3A_58, %mul3A_437 : i32
      %add3A_439 = arith.constant 1008 : i32
      %add3A_440 = arith.addi %mul3A_438, %add3A_439 : i32
      %swap3A_441 = arith.index_cast %add3A_440 : i32 to index
      %swap3A_442 = tpu.vector_load %arg5[%swap3A_441] {strides = array<i32>} : memref<65536xf32, #tpu.memory_space<vmem>>, vector<16xf32>,
      tpu.vector_store %arg5[%swap3A_441], %broadcast_in_dim3A_1 {strides = array<i32>} : memref<65536xf32, #tpu.memory_space<vmem>>, vector<16xf32>,
      %mul3A_443 = arith.constant 2048 : i32
      %mul3A_444 = arith.muli %scan3A_58, %mul3A_443 : i32
      %add3A_445 = arith.constant 1024 : i32
      %add3A_446 = arith.addi %mul3A_444, %add3A_445 : i32
      %swap3A_447 = arith.index_cast %add3A_446 : i32 to index
      %swap3A_448 = tpu.vector_load %arg5[%swap3A_447] {strides = array<i32>} : memref<65536xf32, #tpu.memory_space<vmem>>, vector<16xf32>,
      tpu.vector_store %arg5[%swap3A_447], %broadcast_in_dim3A_1 {strides = array<i32>} : memref<65536xf32, #tpu.memory_space<vmem>>, vector<16xf32>,
      %mul3A_449 = arith.constant 2048 : i32
      %mul3A_450 = arith.muli %scan3A_58, %mul3A_449 : i32
      %add3A_451 = arith.constant 1040 : i32
      %add3A_452 = arith.addi %mul3A_450, %add3A_451 : i32
      %swap3A_453 = arith.index_cast %add3A_452 : i32 to index
      %swap3A_454 = tpu.vector_load %arg5[%swap3A_453] {strides = array<i32>} : memref<65536xf32, #tpu.memory_space<vmem>>, vector<16xf32>,
      tpu.vector_store %arg5[%swap3A_453], %broadcast_in_dim3A_1 {strides = array<i32>} : memref<65536xf32, #tpu.memory_space<vmem>>, vector<16xf32>,
      %mul3A_455 = arith.constant 2048 : i32
      %mul3A_456 = arith.muli %scan3A_58, %mul3A_455 : i32
      %add3A_457 = arith.constant 1056 : i32
      %add3A_458 = arith.addi %mul3A_456, %add3A_457 : i32
      %swap3A_459 = arith.index_cast %add3A_458 : i32 to index
      %swap3A_460 = tpu.vector_load %arg5[%swap3A_459] {strides = array<i32>} : memref<65536xf32, #tpu.memory_space<vmem>>, vector<16xf32>,
      tpu.vector_store %arg5[%swap3A_459], %broadcast_in_dim3A_1 {strides = array<i32>} : memref<65536xf32, #tpu.memory_space<vmem>>, vector<16xf32>,
      %mul3A_461 = arith.constant 2048 : i32
      %mul3A_462 = arith.muli %scan3A_58, %mul3A_461 : i32
      %add3A_463 = arith.constant 1072 : i32
      %add3A_464 = arith.addi %mul3A_462, %add3A_463 : i32
      %swap3A_465 = arith.index_cast %add3A_464 : i32 to index
      %swap3A_466 = tpu.vector_load %arg5[%swap3A_465] {strides = array<i32>} : memref<65536xf32, #tpu.memory_space<vmem>>, vector<16xf32>,
      tpu.vector_store %arg5[%swap3A_465], %broadcast_in_dim3A_1 {strides = array<i32>} : memref<65536xf32, #tpu.memory_space<vmem>>, vector<16xf32>,
      %mul3A_467 = arith.constant 2048 : i32
      %mul3A_468 = arith.muli %scan3A_58, %mul3A_467 : i32
      %add3A_469 = arith.constant 1088 : i32
      %add3A_470 = arith.addi %mul3A_468, %add3A_469 : i32
      %swap3A_471 = arith.index_cast %add3A_470 : i32 to index
      %swap3A_472 = tpu.vector_load %arg5[%swap3A_471] {strides = array<i32>} : memref<65536xf32, #tpu.memory_space<vmem>>, vector<16xf32>,
      tpu.vector_store %arg5[%swap3A_471], %broadcast_in_dim3A_1 {strides = array<i32>} : memref<65536xf32, #tpu.memory_space<vmem>>, vector<16xf32>,
      %mul3A_473 = arith.constant 2048 : i32
      %mul3A_474 = arith.muli %scan3A_58, %mul3A_473 : i32
      %add3A_475 = arith.constant 1104 : i32
      %add3A_476 = arith.addi %mul3A_474, %add3A_475 : i32
      %swap3A_477 = arith.index_cast %add3A_476 : i32 to index
      %swap3A_478 = tpu.vector_load %arg5[%swap3A_477] {strides = array<i32>} : memref<65536xf32, #tpu.memory_space<vmem>>, vector<16xf32>,
      tpu.vector_store %arg5[%swap3A_477], %broadcast_in_dim3A_1 {strides = array<i32>} : memref<65536xf32, #tpu.memory_space<vmem>>, vector<16xf32>,
      %mul3A_479 = arith.constant 2048 : i32
      %mul3A_480 = arith.muli %scan3A_58, %mul3A_479 : i32
      %add3A_481 = arith.constant 1120 : i32
      %add3A_482 = arith.addi %mul3A_480, %add3A_481 : i32
      %swap3A_483 = arith.index_cast %add3A_482 : i32 to index
      %swap3A_484 = tpu.vector_load %arg5[%swap3A_483] {strides = array<i32>} : memref<65536xf32, #tpu.memory_space<vmem>>, vector<16xf32>,
      tpu.vector_store %arg5[%swap3A_483], %broadcast_in_dim3A_1 {strides = array<i32>} : memref<65536xf32, #tpu.memory_space<vmem>>, vector<16xf32>,
      %mul3A_485 = arith.constant 2048 : i32
      %mul3A_486 = arith.muli %scan3A_58, %mul3A_485 : i32
      %add3A_487 = arith.constant 1136 : i32
      %add3A_488 = arith.addi %mul3A_486, %add3A_487 : i32
      %swap3A_489 = arith.index_cast %add3A_488 : i32 to index
      %swap3A_490 = tpu.vector_load %arg5[%swap3A_489] {strides = array<i32>} : memref<65536xf32, #tpu.memory_space<vmem>>, vector<16xf32>,
      tpu.vector_store %arg5[%swap3A_489], %broadcast_in_dim3A_1 {strides = array<i32>} : memref<65536xf32, #tpu.memory_space<vmem>>, vector<16xf32>,
      %mul3A_491 = arith.constant 2048 : i32
      %mul3A_492 = arith.muli %scan3A_58, %mul3A_491 : i32
      %add3A_493 = arith.constant 1152 : i32
      %add3A_494 = arith.addi %mul3A_492, %add3A_493 : i32
      %swap3A_495 = arith.index_cast %add3A_494 : i32 to index
      %swap3A_496 = tpu.vector_load %arg5[%swap3A_495] {strides = array<i32>} : memref<65536xf32, #tpu.memory_space<vmem>>, vector<16xf32>,
      tpu.vector_store %arg5[%swap3A_495], %broadcast_in_dim3A_1 {strides = array<i32>} : memref<65536xf32, #tpu.memory_space<vmem>>, vector<16xf32>,
      %mul3A_497 = arith.constant 2048 : i32
      %mul3A_498 = arith.muli %scan3A_58, %mul3A_497 : i32
      %add3A_499 = arith.constant 1168 : i32
      %add3A_500 = arith.addi %mul3A_498, %add3A_499 : i32
      %swap3A_501 = arith.index_cast %add3A_500 : i32 to index
      %swap3A_502 = tpu.vector_load %arg5[%swap3A_501] {strides = array<i32>} : memref<65536xf32, #tpu.memory_space<vmem>>, vector<16xf32>,
      tpu.vector_store %arg5[%swap3A_501], %broadcast_in_dim3A_1 {strides = array<i32>} : memref<65536xf32, #tpu.memory_space<vmem>>, vector<16xf32>,
      %mul3A_503 = arith.constant 2048 : i32
      %mul3A_504 = arith.muli %scan3A_58, %mul3A_503 : i32
      %add3A_505 = arith.constant 1184 : i32
      %add3A_506 = arith.addi %mul3A_504, %add3A_505 : i32
      %swap3A_507 = arith.index_cast %add3A_506 : i32 to index
      %swap3A_508 = tpu.vector_load %arg5[%swap3A_507] {strides = array<i32>} : memref<65536xf32, #tpu.memory_space<vmem>>, vector<16xf32>,
      tpu.vector_store %arg5[%swap3A_507], %broadcast_in_dim3A_1 {strides = array<i32>} : memref<65536xf32, #tpu.memory_space<vmem>>, vector<16xf32>,
      %mul3A_509 = arith.constant 2048 : i32
      %mul3A_510 = arith.muli %scan3A_58, %mul3A_509 : i32
      %add3A_511 = arith.constant 1200 : i32
      %add3A_512 = arith.addi %mul3A_510, %add3A_511 : i32
      %swap3A_513 = arith.index_cast %add3A_512 : i32 to index
      %swap3A_514 = tpu.vector_load %arg5[%swap3A_513] {strides = array<i32>} : memref<65536xf32, #tpu.memory_space<vmem>>, vector<16xf32>,
      tpu.vector_store %arg5[%swap3A_513], %broadcast_in_dim3A_1 {strides = array<i32>} : memref<65536xf32, #tpu.memory_space<vmem>>, vector<16xf32>,
      %mul3A_515 = arith.constant 2048 : i32
      %mul3A_516 = arith.muli %scan3A_58, %mul3A_515 : i32
      %add3A_517 = arith.constant 1216 : i32
      %add3A_518 = arith.addi %mul3A_516, %add3A_517 : i32
      %swap3A_519 = arith.index_cast %add3A_518 : i32 to index
      %swap3A_520 = tpu.vector_load %arg5[%swap3A_519] {strides = array<i32>} : memref<65536xf32, #tpu.memory_space<vmem>>, vector<16xf32>,
      tpu.vector_store %arg5[%swap3A_519], %broadcast_in_dim3A_1 {strides = array<i32>} : memref<65536xf32, #tpu.memory_space<vmem>>, vector<16xf32>,
      %mul3A_521 = arith.constant 2048 : i32
      %mul3A_522 = arith.muli %scan3A_58, %mul3A_521 : i32
      %add3A_523 = arith.constant 1232 : i32
      %add3A_524 = arith.addi %mul3A_522, %add3A_523 : i32
      %swap3A_525 = arith.index_cast %add3A_524 : i32 to index
      %swap3A_526 = tpu.vector_load %arg5[%swap3A_525] {strides = array<i32>} : memref<65536xf32, #tpu.memory_space<vmem>>, vector<16xf32>,
      tpu.vector_store %arg5[%swap3A_525], %broadcast_in_dim3A_1 {strides = array<i32>} : memref<65536xf32, #tpu.memory_space<vmem>>, vector<16xf32>,
      %mul3A_527 = arith.constant 2048 : i32
      %mul3A_528 = arith.muli %scan3A_58, %mul3A_527 : i32
      %add3A_529 = arith.constant 1248 : i32
      %add3A_530 = arith.addi %mul3A_528, %add3A_529 : i32
      %swap3A_531 = arith.index_cast %add3A_530 : i32 to index
      %swap3A_532 = tpu.vector_load %arg5[%swap3A_531] {strides = array<i32>} : memref<65536xf32, #tpu.memory_space<vmem>>, vector<16xf32>,
      tpu.vector_store %arg5[%swap3A_531], %broadcast_in_dim3A_1 {strides = array<i32>} : memref<65536xf32, #tpu.memory_space<vmem>>, vector<16xf32>,
      %mul3A_533 = arith.constant 2048 : i32
      %mul3A_534 = arith.muli %scan3A_58, %mul3A_533 : i32
      %add3A_535 = arith.constant 1264 : i32
      %add3A_536 = arith.addi %mul3A_534, %add3A_535 : i32
      %swap3A_537 = arith.index_cast %add3A_536 : i32 to index
      %swap3A_538 = tpu.vector_load %arg5[%swap3A_537] {strides = array<i32>} : memref<65536xf32, #tpu.memory_space<vmem>>, vector<16xf32>,
      tpu.vector_store %arg5[%swap3A_537], %broadcast_in_dim3A_1 {strides = array<i32>} : memref<65536xf32, #tpu.memory_space<vmem>>, vector<16xf32>,
      %mul3A_539 = arith.constant 2048 : i32
      %mul3A_540 = arith.muli %scan3A_58, %mul3A_539 : i32
      %add3A_541 = arith.constant 1280 : i32
      %add3A_542 = arith.addi %mul3A_540, %add3A_541 : i32
      %swap3A_543 = arith.index_cast %add3A_542 : i32 to index
      %swap3A_544 = tpu.vector_load %arg5[%swap3A_543] {strides = array<i32>} : memref<65536xf32, #tpu.memory_space<vmem>>, vector<16xf32>,
      tpu.vector_store %arg5[%swap3A_543], %broadcast_in_dim3A_1 {strides = array<i32>} : memref<65536xf32, #tpu.memory_space<vmem>>, vector<16xf32>,
      %mul3A_545 = arith.constant 2048 : i32
      %mul3A_546 = arith.muli %scan3A_58, %mul3A_545 : i32
      %add3A_547 = arith.constant 1296 : i32
      %add3A_548 = arith.addi %mul3A_546, %add3A_547 : i32
      %swap3A_549 = arith.index_cast %add3A_548 : i32 to index
      %swap3A_550 = tpu.vector_load %arg5[%swap3A_549] {strides = array<i32>} : memref<65536xf32, #tpu.memory_space<vmem>>, vector<16xf32>,
      tpu.vector_store %arg5[%swap3A_549], %broadcast_in_dim3A_1 {strides = array<i32>} : memref<65536xf32, #tpu.memory_space<vmem>>, vector<16xf32>,
      %mul3A_551 = arith.constant 2048 : i32
      %mul3A_552 = arith.muli %scan3A_58, %mul3A_551 : i32
      %add3A_553 = arith.constant 1312 : i32
      %add3A_554 = arith.addi %mul3A_552, %add3A_553 : i32
      %swap3A_555 = arith.index_cast %add3A_554 : i32 to index
      %swap3A_556 = tpu.vector_load %arg5[%swap3A_555] {strides = array<i32>} : memref<65536xf32, #tpu.memory_space<vmem>>, vector<16xf32>,
      tpu.vector_store %arg5[%swap3A_555], %broadcast_in_dim3A_1 {strides = array<i32>} : memref<65536xf32, #tpu.memory_space<vmem>>, vector<16xf32>,
      %mul3A_557 = arith.constant 2048 : i32
      %mul3A_558 = arith.muli %scan3A_58, %mul3A_557 : i32
      %add3A_559 = arith.constant 1328 : i32
      %add3A_560 = arith.addi %mul3A_558, %add3A_559 : i32
      %swap3A_561 = arith.index_cast %add3A_560 : i32 to index
      %swap3A_562 = tpu.vector_load %arg5[%swap3A_561] {strides = array<i32>} : memref<65536xf32, #tpu.memory_space<vmem>>, vector<16xf32>,
      tpu.vector_store %arg5[%swap3A_561], %broadcast_in_dim3A_1 {strides = array<i32>} : memref<65536xf32, #tpu.memory_space<vmem>>, vector<16xf32>,
      %mul3A_563 = arith.constant 2048 : i32
      %mul3A_564 = arith.muli %scan3A_58, %mul3A_563 : i32
      %add3A_565 = arith.constant 1344 : i32
      %add3A_566 = arith.addi %mul3A_564, %add3A_565 : i32
      %swap3A_567 = arith.index_cast %add3A_566 : i32 to index
      %swap3A_568 = tpu.vector_load %arg5[%swap3A_567] {strides = array<i32>} : memref<65536xf32, #tpu.memory_space<vmem>>, vector<16xf32>,
      tpu.vector_store %arg5[%swap3A_567], %broadcast_in_dim3A_1 {strides = array<i32>} : memref<65536xf32, #tpu.memory_space<vmem>>, vector<16xf32>,
      %mul3A_569 = arith.constant 2048 : i32
      %mul3A_570 = arith.muli %scan3A_58, %mul3A_569 : i32
      %add3A_571 = arith.constant 1360 : i32
      %add3A_572 = arith.addi %mul3A_570, %add3A_571 : i32
      %swap3A_573 = arith.index_cast %add3A_572 : i32 to index
      %swap3A_574 = tpu.vector_load %arg5[%swap3A_573] {strides = array<i32>} : memref<65536xf32, #tpu.memory_space<vmem>>, vector<16xf32>,
      tpu.vector_store %arg5[%swap3A_573], %broadcast_in_dim3A_1 {strides = array<i32>} : memref<65536xf32, #tpu.memory_space<vmem>>, vector<16xf32>,
      %mul3A_575 = arith.constant 2048 : i32
      %mul3A_576 = arith.muli %scan3A_58, %mul3A_575 : i32
      %add3A_577 = arith.constant 1376 : i32
      %add3A_578 = arith.addi %mul3A_576, %add3A_577 : i32
      %swap3A_579 = arith.index_cast %add3A_578 : i32 to index
      %swap3A_580 = tpu.vector_load %arg5[%swap3A_579] {strides = array<i32>} : memref<65536xf32, #tpu.memory_space<vmem>>, vector<16xf32>,
      tpu.vector_store %arg5[%swap3A_579], %broadcast_in_dim3A_1 {strides = array<i32>} : memref<65536xf32, #tpu.memory_space<vmem>>, vector<16xf32>,
      %mul3A_581 = arith.constant 2048 : i32
      %mul3A_582 = arith.muli %scan3A_58, %mul3A_581 : i32
      %add3A_583 = arith.constant 1392 : i32
      %add3A_584 = arith.addi %mul3A_582, %add3A_583 : i32
      %swap3A_585 = arith.index_cast %add3A_584 : i32 to index
      %swap3A_586 = tpu.vector_load %arg5[%swap3A_585] {strides = array<i32>} : memref<65536xf32, #tpu.memory_space<vmem>>, vector<16xf32>,
      tpu.vector_store %arg5[%swap3A_585], %broadcast_in_dim3A_1 {strides = array<i32>} : memref<65536xf32, #tpu.memory_space<vmem>>, vector<16xf32>,
      %mul3A_587 = arith.constant 2048 : i32
      %mul3A_588 = arith.muli %scan3A_58, %mul3A_587 : i32
      %add3A_589 = arith.constant 1408 : i32
      %add3A_590 = arith.addi %mul3A_588, %add3A_589 : i32
      %swap3A_591 = arith.index_cast %add3A_590 : i32 to index
      %swap3A_592 = tpu.vector_load %arg5[%swap3A_591] {strides = array<i32>} : memref<65536xf32, #tpu.memory_space<vmem>>, vector<16xf32>,
      tpu.vector_store %arg5[%swap3A_591], %broadcast_in_dim3A_1 {strides = array<i32>} : memref<65536xf32, #tpu.memory_space<vmem>>, vector<16xf32>,
      %mul3A_593 = arith.constant 2048 : i32
      %mul3A_594 = arith.muli %scan3A_58, %mul3A_593 : i32
      %add3A_595 = arith.constant 1424 : i32
      %add3A_596 = arith.addi %mul3A_594, %add3A_595 : i32
      %swap3A_597 = arith.index_cast %add3A_596 : i32 to index
      %swap3A_598 = tpu.vector_load %arg5[%swap3A_597] {strides = array<i32>} : memref<65536xf32, #tpu.memory_space<vmem>>, vector<16xf32>,
      tpu.vector_store %arg5[%swap3A_597], %broadcast_in_dim3A_1 {strides = array<i32>} : memref<65536xf32, #tpu.memory_space<vmem>>, vector<16xf32>,
      %mul3A_599 = arith.constant 2048 : i32
      %mul3A_600 = arith.muli %scan3A_58, %mul3A_599 : i32
      %add3A_601 = arith.constant 1440 : i32
      %add3A_602 = arith.addi %mul3A_600, %add3A_601 : i32
      %swap3A_603 = arith.index_cast %add3A_602 : i32 to index
      %swap3A_604 = tpu.vector_load %arg5[%swap3A_603] {strides = array<i32>} : memref<65536xf32, #tpu.memory_space<vmem>>, vector<16xf32>,
      tpu.vector_store %arg5[%swap3A_603], %broadcast_in_dim3A_1 {strides = array<i32>} : memref<65536xf32, #tpu.memory_space<vmem>>, vector<16xf32>,
      %mul3A_605 = arith.constant 2048 : i32
      %mul3A_606 = arith.muli %scan3A_58, %mul3A_605 : i32
      %add3A_607 = arith.constant 1456 : i32
      %add3A_608 = arith.addi %mul3A_606, %add3A_607 : i32
      %swap3A_609 = arith.index_cast %add3A_608 : i32 to index
      %swap3A_610 = tpu.vector_load %arg5[%swap3A_609] {strides = array<i32>} : memref<65536xf32, #tpu.memory_space<vmem>>, vector<16xf32>,
      tpu.vector_store %arg5[%swap3A_609], %broadcast_in_dim3A_1 {strides = array<i32>} : memref<65536xf32, #tpu.memory_space<vmem>>, vector<16xf32>,
      %mul3A_611 = arith.constant 2048 : i32
      %mul3A_612 = arith.muli %scan3A_58, %mul3A_611 : i32
      %add3A_613 = arith.constant 1472 : i32
      %add3A_614 = arith.addi %mul3A_612, %add3A_613 : i32
      %swap3A_615 = arith.index_cast %add3A_614 : i32 to index
      %swap3A_616 = tpu.vector_load %arg5[%swap3A_615] {strides = array<i32>} : memref<65536xf32, #tpu.memory_space<vmem>>, vector<16xf32>,
      tpu.vector_store %arg5[%swap3A_615], %broadcast_in_dim3A_1 {strides = array<i32>} : memref<65536xf32, #tpu.memory_space<vmem>>, vector<16xf32>,
      %mul3A_617 = arith.constant 2048 : i32
      %mul3A_618 = arith.muli %scan3A_58, %mul3A_617 : i32
      %add3A_619 = arith.constant 1488 : i32
      %add3A_620 = arith.addi %mul3A_618, %add3A_619 : i32
      %swap3A_621 = arith.index_cast %add3A_620 : i32 to index
      %swap3A_622 = tpu.vector_load %arg5[%swap3A_621] {strides = array<i32>} : memref<65536xf32, #tpu.memory_space<vmem>>, vector<16xf32>,
      tpu.vector_store %arg5[%swap3A_621], %broadcast_in_dim3A_1 {strides = array<i32>} : memref<65536xf32, #tpu.memory_space<vmem>>, vector<16xf32>,
      %mul3A_623 = arith.constant 2048 : i32
      %mul3A_624 = arith.muli %scan3A_58, %mul3A_623 : i32
      %add3A_625 = arith.constant 1504 : i32
      %add3A_626 = arith.addi %mul3A_624, %add3A_625 : i32
      %swap3A_627 = arith.index_cast %add3A_626 : i32 to index
      %swap3A_628 = tpu.vector_load %arg5[%swap3A_627] {strides = array<i32>} : memref<65536xf32, #tpu.memory_space<vmem>>, vector<16xf32>,
      tpu.vector_store %arg5[%swap3A_627], %broadcast_in_dim3A_1 {strides = array<i32>} : memref<65536xf32, #tpu.memory_space<vmem>>, vector<16xf32>,
      %mul3A_629 = arith.constant 2048 : i32
      %mul3A_630 = arith.muli %scan3A_58, %mul3A_629 : i32
      %add3A_631 = arith.constant 1520 : i32
      %add3A_632 = arith.addi %mul3A_630, %add3A_631 : i32
      %swap3A_633 = arith.index_cast %add3A_632 : i32 to index
      %swap3A_634 = tpu.vector_load %arg5[%swap3A_633] {strides = array<i32>} : memref<65536xf32, #tpu.memory_space<vmem>>, vector<16xf32>,
      tpu.vector_store %arg5[%swap3A_633], %broadcast_in_dim3A_1 {strides = array<i32>} : memref<65536xf32, #tpu.memory_space<vmem>>, vector<16xf32>,
      %mul3A_635 = arith.constant 2048 : i32
      %mul3A_636 = arith.muli %scan3A_58, %mul3A_635 : i32
      %add3A_637 = arith.constant 1536 : i32
      %add3A_638 = arith.addi %mul3A_636, %add3A_637 : i32
      %swap3A_639 = arith.index_cast %add3A_638 : i32 to index
      %swap3A_640 = tpu.vector_load %arg5[%swap3A_639] {strides = array<i32>} : memref<65536xf32, #tpu.memory_space<vmem>>, vector<16xf32>,
      tpu.vector_store %arg5[%swap3A_639], %broadcast_in_dim3A_1 {strides = array<i32>} : memref<65536xf32, #tpu.memory_space<vmem>>, vector<16xf32>,
      %mul3A_641 = arith.constant 2048 : i32
      %mul3A_642 = arith.muli %scan3A_58, %mul3A_641 : i32
      %add3A_643 = arith.constant 1552 : i32
      %add3A_644 = arith.addi %mul3A_642, %add3A_643 : i32
      %swap3A_645 = arith.index_cast %add3A_644 : i32 to index
      %swap3A_646 = tpu.vector_load %arg5[%swap3A_645] {strides = array<i32>} : memref<65536xf32, #tpu.memory_space<vmem>>, vector<16xf32>,
      tpu.vector_store %arg5[%swap3A_645], %broadcast_in_dim3A_1 {strides = array<i32>} : memref<65536xf32, #tpu.memory_space<vmem>>, vector<16xf32>,
      %mul3A_647 = arith.constant 2048 : i32
      %mul3A_648 = arith.muli %scan3A_58, %mul3A_647 : i32
      %add3A_649 = arith.constant 1568 : i32
      %add3A_650 = arith.addi %mul3A_648, %add3A_649 : i32
      %swap3A_651 = arith.index_cast %add3A_650 : i32 to index
      %swap3A_652 = tpu.vector_load %arg5[%swap3A_651] {strides = array<i32>} : memref<65536xf32, #tpu.memory_space<vmem>>, vector<16xf32>,
      tpu.vector_store %arg5[%swap3A_651], %broadcast_in_dim3A_1 {strides = array<i32>} : memref<65536xf32, #tpu.memory_space<vmem>>, vector<16xf32>,
      %mul3A_653 = arith.constant 2048 : i32
      %mul3A_654 = arith.muli %scan3A_58, %mul3A_653 : i32
      %add3A_655 = arith.constant 1584 : i32
      %add3A_656 = arith.addi %mul3A_654, %add3A_655 : i32
      %swap3A_657 = arith.index_cast %add3A_656 : i32 to index
      %swap3A_658 = tpu.vector_load %arg5[%swap3A_657] {strides = array<i32>} : memref<65536xf32, #tpu.memory_space<vmem>>, vector<16xf32>,
      tpu.vector_store %arg5[%swap3A_657], %broadcast_in_dim3A_1 {strides = array<i32>} : memref<65536xf32, #tpu.memory_space<vmem>>, vector<16xf32>,
      %mul3A_659 = arith.constant 2048 : i32
      %mul3A_660 = arith.muli %scan3A_58, %mul3A_659 : i32
      %add3A_661 = arith.constant 1600 : i32
      %add3A_662 = arith.addi %mul3A_660, %add3A_661 : i32
      %swap3A_663 = arith.index_cast %add3A_662 : i32 to index
      %swap3A_664 = tpu.vector_load %arg5[%swap3A_663] {strides = array<i32>} : memref<65536xf32, #tpu.memory_space<vmem>>, vector<16xf32>,
      tpu.vector_store %arg5[%swap3A_663], %broadcast_in_dim3A_1 {strides = array<i32>} : memref<65536xf32, #tpu.memory_space<vmem>>, vector<16xf32>,
      %mul3A_665 = arith.constant 2048 : i32
      %mul3A_666 = arith.muli %scan3A_58, %mul3A_665 : i32
      %add3A_667 = arith.constant 1616 : i32
      %add3A_668 = arith.addi %mul3A_666, %add3A_667 : i32
      %swap3A_669 = arith.index_cast %add3A_668 : i32 to index
      %swap3A_670 = tpu.vector_load %arg5[%swap3A_669] {strides = array<i32>} : memref<65536xf32, #tpu.memory_space<vmem>>, vector<16xf32>,
      tpu.vector_store %arg5[%swap3A_669], %broadcast_in_dim3A_1 {strides = array<i32>} : memref<65536xf32, #tpu.memory_space<vmem>>, vector<16xf32>,
      %mul3A_671 = arith.constant 2048 : i32
      %mul3A_672 = arith.muli %scan3A_58, %mul3A_671 : i32
      %add3A_673 = arith.constant 1632 : i32
      %add3A_674 = arith.addi %mul3A_672, %add3A_673 : i32
      %swap3A_675 = arith.index_cast %add3A_674 : i32 to index
      %swap3A_676 = tpu.vector_load %arg5[%swap3A_675] {strides = array<i32>} : memref<65536xf32, #tpu.memory_space<vmem>>, vector<16xf32>,
      tpu.vector_store %arg5[%swap3A_675], %broadcast_in_dim3A_1 {strides = array<i32>} : memref<65536xf32, #tpu.memory_space<vmem>>, vector<16xf32>,
      %mul3A_677 = arith.constant 2048 : i32
      %mul3A_678 = arith.muli %scan3A_58, %mul3A_677 : i32
      %add3A_679 = arith.constant 1648 : i32
      %add3A_680 = arith.addi %mul3A_678, %add3A_679 : i32
      %swap3A_681 = arith.index_cast %add3A_680 : i32 to index
      %swap3A_682 = tpu.vector_load %arg5[%swap3A_681] {strides = array<i32>} : memref<65536xf32, #tpu.memory_space<vmem>>, vector<16xf32>,
      tpu.vector_store %arg5[%swap3A_681], %broadcast_in_dim3A_1 {strides = array<i32>} : memref<65536xf32, #tpu.memory_space<vmem>>, vector<16xf32>,
      %mul3A_683 = arith.constant 2048 : i32
      %mul3A_684 = arith.muli %scan3A_58, %mul3A_683 : i32
      %add3A_685 = arith.constant 1664 : i32
      %add3A_686 = arith.addi %mul3A_684, %add3A_685 : i32
      %swap3A_687 = arith.index_cast %add3A_686 : i32 to index
      %swap3A_688 = tpu.vector_load %arg5[%swap3A_687] {strides = array<i32>} : memref<65536xf32, #tpu.memory_space<vmem>>, vector<16xf32>,
      tpu.vector_store %arg5[%swap3A_687], %broadcast_in_dim3A_1 {strides = array<i32>} : memref<65536xf32, #tpu.memory_space<vmem>>, vector<16xf32>,
      %mul3A_689 = arith.constant 2048 : i32
      %mul3A_690 = arith.muli %scan3A_58, %mul3A_689 : i32
      %add3A_691 = arith.constant 1680 : i32
      %add3A_692 = arith.addi %mul3A_690, %add3A_691 : i32
      %swap3A_693 = arith.index_cast %add3A_692 : i32 to index
      %swap3A_694 = tpu.vector_load %arg5[%swap3A_693] {strides = array<i32>} : memref<65536xf32, #tpu.memory_space<vmem>>, vector<16xf32>,
      tpu.vector_store %arg5[%swap3A_693], %broadcast_in_dim3A_1 {strides = array<i32>} : memref<65536xf32, #tpu.memory_space<vmem>>, vector<16xf32>,
      %mul3A_695 = arith.constant 2048 : i32
      %mul3A_696 = arith.muli %scan3A_58, %mul3A_695 : i32
      %add3A_697 = arith.constant 1696 : i32
      %add3A_698 = arith.addi %mul3A_696, %add3A_697 : i32
      %swap3A_699 = arith.index_cast %add3A_698 : i32 to index
      %swap3A_700 = tpu.vector_load %arg5[%swap3A_699] {strides = array<i32>} : memref<65536xf32, #tpu.memory_space<vmem>>, vector<16xf32>,
      tpu.vector_store %arg5[%swap3A_699], %broadcast_in_dim3A_1 {strides = array<i32>} : memref<65536xf32, #tpu.memory_space<vmem>>, vector<16xf32>,
      %mul3A_701 = arith.constant 2048 : i32
      %mul3A_702 = arith.muli %scan3A_58, %mul3A_701 : i32
      %add3A_703 = arith.constant 1712 : i32
      %add3A_704 = arith.addi %mul3A_702, %add3A_703 : i32
      %swap3A_705 = arith.index_cast %add3A_704 : i32 to index
      %swap3A_706 = tpu.vector_load %arg5[%swap3A_705] {strides = array<i32>} : memref<65536xf32, #tpu.memory_space<vmem>>, vector<16xf32>,
      tpu.vector_store %arg5[%swap3A_705], %broadcast_in_dim3A_1 {strides = array<i32>} : memref<65536xf32, #tpu.memory_space<vmem>>, vector<16xf32>,
      %mul3A_707 = arith.constant 2048 : i32
      %mul3A_708 = arith.muli %scan3A_58, %mul3A_707 : i32
      %add3A_709 = arith.constant 1728 : i32
      %add3A_710 = arith.addi %mul3A_708, %add3A_709 : i32
      %swap3A_711 = arith.index_cast %add3A_710 : i32 to index
      %swap3A_712 = tpu.vector_load %arg5[%swap3A_711] {strides = array<i32>} : memref<65536xf32, #tpu.memory_space<vmem>>, vector<16xf32>,
      tpu.vector_store %arg5[%swap3A_711], %broadcast_in_dim3A_1 {strides = array<i32>} : memref<65536xf32, #tpu.memory_space<vmem>>, vector<16xf32>,
      %mul3A_713 = arith.constant 2048 : i32
      %mul3A_714 = arith.muli %scan3A_58, %mul3A_713 : i32
      %add3A_715 = arith.constant 1744 : i32
      %add3A_716 = arith.addi %mul3A_714, %add3A_715 : i32
      %swap3A_717 = arith.index_cast %add3A_716 : i32 to index
      %swap3A_718 = tpu.vector_load %arg5[%swap3A_717] {strides = array<i32>} : memref<65536xf32, #tpu.memory_space<vmem>>, vector<16xf32>,
      tpu.vector_store %arg5[%swap3A_717], %broadcast_in_dim3A_1 {strides = array<i32>} : memref<65536xf32, #tpu.memory_space<vmem>>, vector<16xf32>,
      %mul3A_719 = arith.constant 2048 : i32
      %mul3A_720 = arith.muli %scan3A_58, %mul3A_719 : i32
      %add3A_721 = arith.constant 1760 : i32
      %add3A_722 = arith.addi %mul3A_720, %add3A_721 : i32
      %swap3A_723 = arith.index_cast %add3A_722 : i32 to index
      %swap3A_724 = tpu.vector_load %arg5[%swap3A_723] {strides = array<i32>} : memref<65536xf32, #tpu.memory_space<vmem>>, vector<16xf32>,
      tpu.vector_store %arg5[%swap3A_723], %broadcast_in_dim3A_1 {strides = array<i32>} : memref<65536xf32, #tpu.memory_space<vmem>>, vector<16xf32>,
      %mul3A_725 = arith.constant 2048 : i32
      %mul3A_726 = arith.muli %scan3A_58, %mul3A_725 : i32
      %add3A_727 = arith.constant 1776 : i32
      %add3A_728 = arith.addi %mul3A_726, %add3A_727 : i32
      %swap3A_729 = arith.index_cast %add3A_728 : i32 to index
      %swap3A_730 = tpu.vector_load %arg5[%swap3A_729] {strides = array<i32>} : memref<65536xf32, #tpu.memory_space<vmem>>, vector<16xf32>,
      tpu.vector_store %arg5[%swap3A_729], %broadcast_in_dim3A_1 {strides = array<i32>} : memref<65536xf32, #tpu.memory_space<vmem>>, vector<16xf32>,
      %mul3A_731 = arith.constant 2048 : i32
      %mul3A_732 = arith.muli %scan3A_58, %mul3A_731 : i32
      %add3A_733 = arith.constant 1792 : i32
      %add3A_734 = arith.addi %mul3A_732, %add3A_733 : i32
      %swap3A_735 = arith.index_cast %add3A_734 : i32 to index
      %swap3A_736 = tpu.vector_load %arg5[%swap3A_735] {strides = array<i32>} : memref<65536xf32, #tpu.memory_space<vmem>>, vector<16xf32>,
      tpu.vector_store %arg5[%swap3A_735], %broadcast_in_dim3A_1 {strides = array<i32>} : memref<65536xf32, #tpu.memory_space<vmem>>, vector<16xf32>,
      %mul3A_737 = arith.constant 2048 : i32
      %mul3A_738 = arith.muli %scan3A_58, %mul3A_737 : i32
      %add3A_739 = arith.constant 1808 : i32
      %add3A_740 = arith.addi %mul3A_738, %add3A_739 : i32
      %swap3A_741 = arith.index_cast %add3A_740 : i32 to index
      %swap3A_742 = tpu.vector_load %arg5[%swap3A_741] {strides = array<i32>} : memref<65536xf32, #tpu.memory_space<vmem>>, vector<16xf32>,
      tpu.vector_store %arg5[%swap3A_741], %broadcast_in_dim3A_1 {strides = array<i32>} : memref<65536xf32, #tpu.memory_space<vmem>>, vector<16xf32>,
      %mul3A_743 = arith.constant 2048 : i32
      %mul3A_744 = arith.muli %scan3A_58, %mul3A_743 : i32
      %add3A_745 = arith.constant 1824 : i32
      %add3A_746 = arith.addi %mul3A_744, %add3A_745 : i32
      %swap3A_747 = arith.index_cast %add3A_746 : i32 to index
      %swap3A_748 = tpu.vector_load %arg5[%swap3A_747] {strides = array<i32>} : memref<65536xf32, #tpu.memory_space<vmem>>, vector<16xf32>,
      tpu.vector_store %arg5[%swap3A_747], %broadcast_in_dim3A_1 {strides = array<i32>} : memref<65536xf32, #tpu.memory_space<vmem>>, vector<16xf32>,
      %mul3A_749 = arith.constant 2048 : i32
      %mul3A_750 = arith.muli %scan3A_58, %mul3A_749 : i32
      %add3A_751 = arith.constant 1840 : i32
      %add3A_752 = arith.addi %mul3A_750, %add3A_751 : i32
      %swap3A_753 = arith.index_cast %add3A_752 : i32 to index
      %swap3A_754 = tpu.vector_load %arg5[%swap3A_753] {strides = array<i32>} : memref<65536xf32, #tpu.memory_space<vmem>>, vector<16xf32>,
      tpu.vector_store %arg5[%swap3A_753], %broadcast_in_dim3A_1 {strides = array<i32>} : memref<65536xf32, #tpu.memory_space<vmem>>, vector<16xf32>,
      %mul3A_755 = arith.constant 2048 : i32
      %mul3A_756 = arith.muli %scan3A_58, %mul3A_755 : i32
      %add3A_757 = arith.constant 1856 : i32
      %add3A_758 = arith.addi %mul3A_756, %add3A_757 : i32
      %swap3A_759 = arith.index_cast %add3A_758 : i32 to index
      %swap3A_760 = tpu.vector_load %arg5[%swap3A_759] {strides = array<i32>} : memref<65536xf32, #tpu.memory_space<vmem>>, vector<16xf32>,
      tpu.vector_store %arg5[%swap3A_759], %broadcast_in_dim3A_1 {strides = array<i32>} : memref<65536xf32, #tpu.memory_space<vmem>>, vector<16xf32>,
      %mul3A_761 = arith.constant 2048 : i32
      %mul3A_762 = arith.muli %scan3A_58, %mul3A_761 : i32
      %add3A_763 = arith.constant 1872 : i32
      %add3A_764 = arith.addi %mul3A_762, %add3A_763 : i32
      %swap3A_765 = arith.index_cast %add3A_764 : i32 to index
      %swap3A_766 = tpu.vector_load %arg5[%swap3A_765] {strides = array<i32>} : memref<65536xf32, #tpu.memory_space<vmem>>, vector<16xf32>,
      tpu.vector_store %arg5[%swap3A_765], %broadcast_in_dim3A_1 {strides = array<i32>} : memref<65536xf32, #tpu.memory_space<vmem>>, vector<16xf32>,
      %mul3A_767 = arith.constant 2048 : i32
      %mul3A_768 = arith.muli %scan3A_58, %mul3A_767 : i32
      %add3A_769 = arith.constant 1888 : i32
      %add3A_770 = arith.addi %mul3A_768, %add3A_769 : i32
      %swap3A_771 = arith.index_cast %add3A_770 : i32 to index
      %swap3A_772 = tpu.vector_load %arg5[%swap3A_771] {strides = array<i32>} : memref<65536xf32, #tpu.memory_space<vmem>>, vector<16xf32>,
      tpu.vector_store %arg5[%swap3A_771], %broadcast_in_dim3A_1 {strides = array<i32>} : memref<65536xf32, #tpu.memory_space<vmem>>, vector<16xf32>,
      %mul3A_773 = arith.constant 2048 : i32
      %mul3A_774 = arith.muli %scan3A_58, %mul3A_773 : i32
      %add3A_775 = arith.constant 1904 : i32
      %add3A_776 = arith.addi %mul3A_774, %add3A_775 : i32
      %swap3A_777 = arith.index_cast %add3A_776 : i32 to index
      %swap3A_778 = tpu.vector_load %arg5[%swap3A_777] {strides = array<i32>} : memref<65536xf32, #tpu.memory_space<vmem>>, vector<16xf32>,
      tpu.vector_store %arg5[%swap3A_777], %broadcast_in_dim3A_1 {strides = array<i32>} : memref<65536xf32, #tpu.memory_space<vmem>>, vector<16xf32>,
      %mul3A_779 = arith.constant 2048 : i32
      %mul3A_780 = arith.muli %scan3A_58, %mul3A_779 : i32
      %add3A_781 = arith.constant 1920 : i32
      %add3A_782 = arith.addi %mul3A_780, %add3A_781 : i32
      %swap3A_783 = arith.index_cast %add3A_782 : i32 to index
      %swap3A_784 = tpu.vector_load %arg5[%swap3A_783] {strides = array<i32>} : memref<65536xf32, #tpu.memory_space<vmem>>, vector<16xf32>,
      tpu.vector_store %arg5[%swap3A_783], %broadcast_in_dim3A_1 {strides = array<i32>} : memref<65536xf32, #tpu.memory_space<vmem>>, vector<16xf32>,
      %mul3A_785 = arith.constant 2048 : i32
      %mul3A_786 = arith.muli %scan3A_58, %mul3A_785 : i32
      %add3A_787 = arith.constant 1936 : i32
      %add3A_788 = arith.addi %mul3A_786, %add3A_787 : i32
      %swap3A_789 = arith.index_cast %add3A_788 : i32 to index
      %swap3A_790 = tpu.vector_load %arg5[%swap3A_789] {strides = array<i32>} : memref<65536xf32, #tpu.memory_space<vmem>>, vector<16xf32>,
      tpu.vector_store %arg5[%swap3A_789], %broadcast_in_dim3A_1 {strides = array<i32>} : memref<65536xf32, #tpu.memory_space<vmem>>, vector<16xf32>,
      %mul3A_791 = arith.constant 2048 : i32
      %mul3A_792 = arith.muli %scan3A_58, %mul3A_791 : i32
      %add3A_793 = arith.constant 1952 : i32
      %add3A_794 = arith.addi %mul3A_792, %add3A_793 : i32
      %swap3A_795 = arith.index_cast %add3A_794 : i32 to index
      %swap3A_796 = tpu.vector_load %arg5[%swap3A_795] {strides = array<i32>} : memref<65536xf32, #tpu.memory_space<vmem>>, vector<16xf32>,
      tpu.vector_store %arg5[%swap3A_795], %broadcast_in_dim3A_1 {strides = array<i32>} : memref<65536xf32, #tpu.memory_space<vmem>>, vector<16xf32>,
      %mul3A_797 = arith.constant 2048 : i32
      %mul3A_798 = arith.muli %scan3A_58, %mul3A_797 : i32
      %add3A_799 = arith.constant 1968 : i32
      %add3A_800 = arith.addi %mul3A_798, %add3A_799 : i32
      %swap3A_801 = arith.index_cast %add3A_800 : i32 to index
      %swap3A_802 = tpu.vector_load %arg5[%swap3A_801] {strides = array<i32>} : memref<65536xf32, #tpu.memory_space<vmem>>, vector<16xf32>,
      tpu.vector_store %arg5[%swap3A_801], %broadcast_in_dim3A_1 {strides = array<i32>} : memref<65536xf32, #tpu.memory_space<vmem>>, vector<16xf32>,
      %mul3A_803 = arith.constant 2048 : i32
      %mul3A_804 = arith.muli %scan3A_58, %mul3A_803 : i32
      %add3A_805 = arith.constant 1984 : i32
      %add3A_806 = arith.addi %mul3A_804, %add3A_805 : i32
      %swap3A_807 = arith.index_cast %add3A_806 : i32 to index
      %swap3A_808 = tpu.vector_load %arg5[%swap3A_807] {strides = array<i32>} : memref<65536xf32, #tpu.memory_space<vmem>>, vector<16xf32>,
      tpu.vector_store %arg5[%swap3A_807], %broadcast_in_dim3A_1 {strides = array<i32>} : memref<65536xf32, #tpu.memory_space<vmem>>, vector<16xf32>,
      %mul3A_809 = arith.constant 2048 : i32
      %mul3A_810 = arith.muli %scan3A_58, %mul3A_809 : i32
      %add3A_811 = arith.constant 2000 : i32
      %add3A_812 = arith.addi %mul3A_810, %add3A_811 : i32
      %swap3A_813 = arith.index_cast %add3A_812 : i32 to index
      %swap3A_814 = tpu.vector_load %arg5[%swap3A_813] {strides = array<i32>} : memref<65536xf32, #tpu.memory_space<vmem>>, vector<16xf32>,
      tpu.vector_store %arg5[%swap3A_813], %broadcast_in_dim3A_1 {strides = array<i32>} : memref<65536xf32, #tpu.memory_space<vmem>>, vector<16xf32>,
      %mul3A_815 = arith.constant 2048 : i32
      %mul3A_816 = arith.muli %scan3A_58, %mul3A_815 : i32
      %add3A_817 = arith.constant 2016 : i32
      %add3A_818 = arith.addi %mul3A_816, %add3A_817 : i32
      %swap3A_819 = arith.index_cast %add3A_818 : i32 to index
      %swap3A_820 = tpu.vector_load %arg5[%swap3A_819] {strides = array<i32>} : memref<65536xf32, #tpu.memory_space<vmem>>, vector<16xf32>,
      tpu.vector_store %arg5[%swap3A_819], %broadcast_in_dim3A_1 {strides = array<i32>} : memref<65536xf32, #tpu.memory_space<vmem>>, vector<16xf32>,
      %mul3A_821 = arith.constant 2048 : i32
      %mul3A_822 = arith.muli %scan3A_58, %mul3A_821 : i32
      %add3A_823 = arith.constant 2032 : i32
      %add3A_824 = arith.addi %mul3A_822, %add3A_823 : i32
      %swap3A_825 = arith.index_cast %add3A_824 : i32 to index
      %swap3A_826 = tpu.vector_load %arg5[%swap3A_825] {strides = array<i32>} : memref<65536xf32, #tpu.memory_space<vmem>>, vector<16xf32>,
      tpu.vector_store %arg5[%swap3A_825], %broadcast_in_dim3A_1 {strides = array<i32>} : memref<65536xf32, #tpu.memory_space<vmem>>, vector<16xf32>,
      %scan3A_827 = arith.constant 0 : i32
      scf.yield %scan3A_827 : i32
    }
    %scan3A_48 = arith.constant 32 : i32
    %scan3A_49 = arith.constant 0 : i32
    %scan3A_50 = arith.constant 0 : i32
    %scan3A_51 = arith.constant 8 : i32
    %scan3A_52 = arith.addi %scan3A_50, %scan3A_51 : i32
    %scan3A_53 = arith.constant 1 : i32
    %scan3A_54 = scf.for %scan3A_58 = %scan3A_50 to %scan3A_52 step %scan3A_53 iter_args(%scan3A_59 = %scan3A_49) -> (i32)  : i32 {
      %mul3A_60 = arith.constant 2 : i32
      %mul3A_61 = arith.muli %scan3A_58, %mul3A_60 : i32
      %add3A_62 = arith.constant 1 : i32
      %add3A_63 = arith.addi %mul3A_61, %add3A_62 : i32
      %mul3A_64 = arith.constant 8192 : i32
      %mul3A_65 = arith.muli %add3A_63, %mul3A_64 : i32
      %dma_start3A_66 = tpu.memref_slice %arg2[%mul3A_65] : memref<131072xi32, #tpu.memory_space<hbm>> -> memref<8192xi32, #tpu.memory_space<hbm>>
      %dma_start3A_67 = tpu.memref_slice %arg2[%mul3A_65] : memref<131072xi32, #tpu.memory_space<hbm>> -> memref<8192xi32, #tpu.memory_space<hbm>>
      tpu.enqueue_dma source(%dma_start3A_67 : memref<8192xi32, #tpu.memory_space<hbm>>) target(%arg8 : memref<8192xi32, #tpu.memory_space<vmem>>) target_semaphore(%arg11 : memref<!tpu.dma_semaphore, #tpu.memory_space<semaphore_mem>>)
      %dma_start3A_68 = tpu.memref_slice %arg3[%mul3A_65] : memref<131072xi32, #tpu.memory_space<hbm>> -> memref<8192xi32, #tpu.memory_space<hbm>>
      %dma_start3A_69 = tpu.memref_slice %arg3[%mul3A_65] : memref<131072xi32, #tpu.memory_space<hbm>> -> memref<8192xi32, #tpu.memory_space<hbm>>
      tpu.enqueue_dma source(%dma_start3A_69 : memref<8192xi32, #tpu.memory_space<hbm>>) target(%arg9 : memref<8192xi32, #tpu.memory_space<vmem>>) target_semaphore(%arg11 : memref<!tpu.dma_semaphore, #tpu.memory_space<semaphore_mem>>)
      %dma_wait3A = arith.constant 0 : i32
      %dma_wait3A_70 = tpu.memref_slice %arg2[%dma_wait3A] : memref<131072xi32, #tpu.memory_space<hbm>> -> memref<8192xi32, #tpu.memory_space<hbm>>
      %dma_wait3A_71 = arith.constant 0 : i32
      %dma_wait3A_72 = tpu.memref_slice %arg2[%dma_wait3A_71] : memref<131072xi32, #tpu.memory_space<hbm>> -> memref<8192xi32, #tpu.memory_space<hbm>>
      tpu.wait_dma2 semaphore(%arg10 : memref<!tpu.dma_semaphore, #tpu.memory_space<semaphore_mem>>) src(%dma_wait3A_72 : memref<8192xi32, #tpu.memory_space<hbm>>) dst(%arg6 : memref<8192xi32, #tpu.memory_space<vmem>>)
      %dma_wait3A_73 = arith.constant 0 : i32
      %dma_wait3A_74 = tpu.memref_slice %arg3[%dma_wait3A_73] : memref<131072xi32, #tpu.memory_space<hbm>> -> memref<8192xi32, #tpu.memory_space<hbm>>
      %dma_wait3A_75 = arith.constant 0 : i32
      %dma_wait3A_76 = tpu.memref_slice %arg3[%dma_wait3A_75] : memref<131072xi32, #tpu.memory_space<hbm>> -> memref<8192xi32, #tpu.memory_space<hbm>>
      tpu.wait_dma2 semaphore(%arg10 : memref<!tpu.dma_semaphore, #tpu.memory_space<semaphore_mem>>) src(%dma_wait3A_76 : memref<8192xi32, #tpu.memory_space<hbm>>) dst(%arg7 : memref<8192xi32, #tpu.memory_space<vmem>>)
      %scan3A_77 = arith.constant 0 : i32
      %scan3A_78 = arith.constant 0 : i32
      %scan3A_79 = arith.constant 32 : i32
      %scan3A_80 = arith.addi %scan3A_78, %scan3A_79 : i32
      %scan3A_81 = arith.constant 1 : i32
      %scan3A_82 = scf.for %scan3A_104 = %scan3A_78 to %scan3A_80 step %scan3A_81 iter_args(%scan3A_105 = %scan3A_77) -> (i32)  : i32 {
        %mul3A_106 = arith.constant 256 : i32
        %mul3A_107 = arith.muli %scan3A_104, %mul3A_106 : i32
        %add3A_108 = arith.constant 0 : i32
        %add3A_109 = arith.addi %mul3A_107, %add3A_108 : i32
        %get3A = arith.index_cast %add3A_109 : i32 to index
        %get3A_110 = tpu.vector_load %arg7[%get3A] {strides = array<i32>} : memref<8192xi32, #tpu.memory_space<vmem>>, vector<16xi32>,
        %get3A_111 = arith.index_cast %add3A_109 : i32 to index
        %get3A_112 = tpu.vector_load %arg6[%get3A_111] {strides = array<i32>} : memref<8192xi32, #tpu.memory_space<vmem>>, vector<16xi32>,
        %sub3A = vector.broadcast %add3A_33 : i32 to vector<16xi32>
        %sub3A_113 = arith.subi %get3A_110, %sub3A : vector<16xi32>
        %lt3A_114 = arith.constant 32 : i32
        %lt3A_115 = vector.broadcast %lt3A_114 : i32 to vector<16xi32>
        %lt3A_116 = arith.cmpi ult, %sub3A_113, %lt3A_115 : vector<16xi32>
        %shift_left3A = arith.constant 11 : i32
        %shift_left3A_117 = vector.broadcast %shift_left3A : i32 to vector<16xi32>
        %shift_left3A_118 = arith.shli %sub3A_113, %shift_left3A_117 : vector<16xi32>
        %add3A_119 = arith.addi %shift_left3A_118, %get3A_112 : vector<16xi32>
        %mul3A_120 = arith.constant 256 : i32
        %mul3A_121 = arith.muli %scan3A_104, %mul3A_120 : i32
        %add3A_122 = arith.constant 16 : i32
        %add3A_123 = arith.addi %mul3A_121, %add3A_122 : i32
        %get3A_124 = arith.index_cast %add3A_123 : i32 to index
        %get3A_125 = tpu.vector_load %arg7[%get3A_124] {strides = array<i32>} : memref<8192xi32, #tpu.memory_space<vmem>>, vector<16xi32>,
        %get3A_126 = arith.index_cast %add3A_123 : i32 to index
        %get3A_127 = tpu.vector_load %arg6[%get3A_126] {strides = array<i32>} : memref<8192xi32, #tpu.memory_space<vmem>>, vector<16xi32>,
        %sub3A_128 = vector.broadcast %add3A_33 : i32 to vector<16xi32>
        %sub3A_129 = arith.subi %get3A_125, %sub3A_128 : vector<16xi32>
        %lt3A_130 = arith.constant 32 : i32
        %lt3A_131 = vector.broadcast %lt3A_130 : i32 to vector<16xi32>
        %lt3A_132 = arith.cmpi ult, %sub3A_129, %lt3A_131 : vector<16xi32>
        %shift_left3A_133 = arith.constant 11 : i32
        %shift_left3A_134 = vector.broadcast %shift_left3A_133 : i32 to vector<16xi32>
        %shift_left3A_135 = arith.shli %sub3A_129, %shift_left3A_134 : vector<16xi32>
        %add3A_136 = arith.addi %shift_left3A_135, %get3A_127 : vector<16xi32>
        %mul3A_137 = arith.constant 256 : i32
        %mul3A_138 = arith.muli %scan3A_104, %mul3A_137 : i32
        %add3A_139 = arith.constant 32 : i32
        %add3A_140 = arith.addi %mul3A_138, %add3A_139 : i32
        %get3A_141 = arith.index_cast %add3A_140 : i32 to index
        %get3A_142 = tpu.vector_load %arg7[%get3A_141] {strides = array<i32>} : memref<8192xi32, #tpu.memory_space<vmem>>, vector<16xi32>,
        %get3A_143 = arith.index_cast %add3A_140 : i32 to index
        %get3A_144 = tpu.vector_load %arg6[%get3A_143] {strides = array<i32>} : memref<8192xi32, #tpu.memory_space<vmem>>, vector<16xi32>,
        %sub3A_145 = vector.broadcast %add3A_33 : i32 to vector<16xi32>
        %sub3A_146 = arith.subi %get3A_142, %sub3A_145 : vector<16xi32>
        %lt3A_147 = arith.constant 32 : i32
        %lt3A_148 = vector.broadcast %lt3A_147 : i32 to vector<16xi32>
        %lt3A_149 = arith.cmpi ult, %sub3A_146, %lt3A_148 : vector<16xi32>
        %shift_left3A_150 = arith.constant 11 : i32
        %shift_left3A_151 = vector.broadcast %shift_left3A_150 : i32 to vector<16xi32>
        %shift_left3A_152 = arith.shli %sub3A_146, %shift_left3A_151 : vector<16xi32>
        %add3A_153 = arith.addi %shift_left3A_152, %get3A_144 : vector<16xi32>
        %mul3A_154 = arith.constant 256 : i32
        %mul3A_155 = arith.muli %scan3A_104, %mul3A_154 : i32
        %add3A_156 = arith.constant 48 : i32
        %add3A_157 = arith.addi %mul3A_155, %add3A_156 : i32
        %get3A_158 = arith.index_cast %add3A_157 : i32 to index
        %get3A_159 = tpu.vector_load %arg7[%get3A_158] {strides = array<i32>} : memref<8192xi32, #tpu.memory_space<vmem>>, vector<16xi32>,
        %get3A_160 = arith.index_cast %add3A_157 : i32 to index
        %get3A_161 = tpu.vector_load %arg6[%get3A_160] {strides = array<i32>} : memref<8192xi32, #tpu.memory_space<vmem>>, vector<16xi32>,
        %sub3A_162 = vector.broadcast %add3A_33 : i32 to vector<16xi32>
        %sub3A_163 = arith.subi %get3A_159, %sub3A_162 : vector<16xi32>
        %lt3A_164 = arith.constant 32 : i32
        %lt3A_165 = vector.broadcast %lt3A_164 : i32 to vector<16xi32>
        %lt3A_166 = arith.cmpi ult, %sub3A_163, %lt3A_165 : vector<16xi32>
        %shift_left3A_167 = arith.constant 11 : i32
        %shift_left3A_168 = vector.broadcast %shift_left3A_167 : i32 to vector<16xi32>
        %shift_left3A_169 = arith.shli %sub3A_163, %shift_left3A_168 : vector<16xi32>
        %add3A_170 = arith.addi %shift_left3A_169, %get3A_161 : vector<16xi32>
        %mul3A_171 = arith.constant 256 : i32
        %mul3A_172 = arith.muli %scan3A_104, %mul3A_171 : i32
        %add3A_173 = arith.constant 64 : i32
        %add3A_174 = arith.addi %mul3A_172, %add3A_173 : i32
        %get3A_175 = arith.index_cast %add3A_174 : i32 to index
        %get3A_176 = tpu.vector_load %arg7[%get3A_175] {strides = array<i32>} : memref<8192xi32, #tpu.memory_space<vmem>>, vector<16xi32>,
        %get3A_177 = arith.index_cast %add3A_174 : i32 to index
        %get3A_178 = tpu.vector_load %arg6[%get3A_177] {strides = array<i32>} : memref<8192xi32, #tpu.memory_space<vmem>>, vector<16xi32>,
        %sub3A_179 = vector.broadcast %add3A_33 : i32 to vector<16xi32>
        %sub3A_180 = arith.subi %get3A_176, %sub3A_179 : vector<16xi32>
        %lt3A_181 = arith.constant 32 : i32
        %lt3A_182 = vector.broadcast %lt3A_181 : i32 to vector<16xi32>
        %lt3A_183 = arith.cmpi ult, %sub3A_180, %lt3A_182 : vector<16xi32>
        %shift_left3A_184 = arith.constant 11 : i32
        %shift_left3A_185 = vector.broadcast %shift_left3A_184 : i32 to vector<16xi32>
        %shift_left3A_186 = arith.shli %sub3A_180, %shift_left3A_185 : vector<16xi32>
        %add3A_187 = arith.addi %shift_left3A_186, %get3A_178 : vector<16xi32>
        %mul3A_188 = arith.constant 256 : i32
        %mul3A_189 = arith.muli %scan3A_104, %mul3A_188 : i32
        %add3A_190 = arith.constant 80 : i32
        %add3A_191 = arith.addi %mul3A_189, %add3A_190 : i32
        %get3A_192 = arith.index_cast %add3A_191 : i32 to index
        %get3A_193 = tpu.vector_load %arg7[%get3A_192] {strides = array<i32>} : memref<8192xi32, #tpu.memory_space<vmem>>, vector<16xi32>,
        %get3A_194 = arith.index_cast %add3A_191 : i32 to index
        %get3A_195 = tpu.vector_load %arg6[%get3A_194] {strides = array<i32>} : memref<8192xi32, #tpu.memory_space<vmem>>, vector<16xi32>,
        %sub3A_196 = vector.broadcast %add3A_33 : i32 to vector<16xi32>
        %sub3A_197 = arith.subi %get3A_193, %sub3A_196 : vector<16xi32>
        %lt3A_198 = arith.constant 32 : i32
        %lt3A_199 = vector.broadcast %lt3A_198 : i32 to vector<16xi32>
        %lt3A_200 = arith.cmpi ult, %sub3A_197, %lt3A_199 : vector<16xi32>
        %shift_left3A_201 = arith.constant 11 : i32
        %shift_left3A_202 = vector.broadcast %shift_left3A_201 : i32 to vector<16xi32>
        %shift_left3A_203 = arith.shli %sub3A_197, %shift_left3A_202 : vector<16xi32>
        %add3A_204 = arith.addi %shift_left3A_203, %get3A_195 : vector<16xi32>
        %mul3A_205 = arith.constant 256 : i32
        %mul3A_206 = arith.muli %scan3A_104, %mul3A_205 : i32
        %add3A_207 = arith.constant 96 : i32
        %add3A_208 = arith.addi %mul3A_206, %add3A_207 : i32
        %get3A_209 = arith.index_cast %add3A_208 : i32 to index
        %get3A_210 = tpu.vector_load %arg7[%get3A_209] {strides = array<i32>} : memref<8192xi32, #tpu.memory_space<vmem>>, vector<16xi32>,
        %get3A_211 = arith.index_cast %add3A_208 : i32 to index
        %get3A_212 = tpu.vector_load %arg6[%get3A_211] {strides = array<i32>} : memref<8192xi32, #tpu.memory_space<vmem>>, vector<16xi32>,
        %sub3A_213 = vector.broadcast %add3A_33 : i32 to vector<16xi32>
        %sub3A_214 = arith.subi %get3A_210, %sub3A_213 : vector<16xi32>
        %lt3A_215 = arith.constant 32 : i32
        %lt3A_216 = vector.broadcast %lt3A_215 : i32 to vector<16xi32>
        %lt3A_217 = arith.cmpi ult, %sub3A_214, %lt3A_216 : vector<16xi32>
        %shift_left3A_218 = arith.constant 11 : i32
        %shift_left3A_219 = vector.broadcast %shift_left3A_218 : i32 to vector<16xi32>
        %shift_left3A_220 = arith.shli %sub3A_214, %shift_left3A_219 : vector<16xi32>
        %add3A_221 = arith.addi %shift_left3A_220, %get3A_212 : vector<16xi32>
        %mul3A_222 = arith.constant 256 : i32
        %mul3A_223 = arith.muli %scan3A_104, %mul3A_222 : i32
        %add3A_224 = arith.constant 112 : i32
        %add3A_225 = arith.addi %mul3A_223, %add3A_224 : i32
        %get3A_226 = arith.index_cast %add3A_225 : i32 to index
        %get3A_227 = tpu.vector_load %arg7[%get3A_226] {strides = array<i32>} : memref<8192xi32, #tpu.memory_space<vmem>>, vector<16xi32>,
        %get3A_228 = arith.index_cast %add3A_225 : i32 to index
        %get3A_229 = tpu.vector_load %arg6[%get3A_228] {strides = array<i32>} : memref<8192xi32, #tpu.memory_space<vmem>>, vector<16xi32>,
        %sub3A_230 = vector.broadcast %add3A_33 : i32 to vector<16xi32>
        %sub3A_231 = arith.subi %get3A_227, %sub3A_230 : vector<16xi32>
        %lt3A_232 = arith.constant 32 : i32
        %lt3A_233 = vector.broadcast %lt3A_232 : i32 to vector<16xi32>
        %lt3A_234 = arith.cmpi ult, %sub3A_231, %lt3A_233 : vector<16xi32>
        %shift_left3A_235 = arith.constant 11 : i32
        %shift_left3A_236 = vector.broadcast %shift_left3A_235 : i32 to vector<16xi32>
        %shift_left3A_237 = arith.shli %sub3A_231, %shift_left3A_236 : vector<16xi32>
        %add3A_238 = arith.addi %shift_left3A_237, %get3A_229 : vector<16xi32>
        %mul3A_239 = arith.constant 256 : i32
        %mul3A_240 = arith.muli %scan3A_104, %mul3A_239 : i32
        %add3A_241 = arith.constant 128 : i32
        %add3A_242 = arith.addi %mul3A_240, %add3A_241 : i32
        %get3A_243 = arith.index_cast %add3A_242 : i32 to index
        %get3A_244 = tpu.vector_load %arg7[%get3A_243] {strides = array<i32>} : memref<8192xi32, #tpu.memory_space<vmem>>, vector<16xi32>,
        %get3A_245 = arith.index_cast %add3A_242 : i32 to index
        %get3A_246 = tpu.vector_load %arg6[%get3A_245] {strides = array<i32>} : memref<8192xi32, #tpu.memory_space<vmem>>, vector<16xi32>,
        %sub3A_247 = vector.broadcast %add3A_33 : i32 to vector<16xi32>
        %sub3A_248 = arith.subi %get3A_244, %sub3A_247 : vector<16xi32>
        %lt3A_249 = arith.constant 32 : i32
        %lt3A_250 = vector.broadcast %lt3A_249 : i32 to vector<16xi32>
        %lt3A_251 = arith.cmpi ult, %sub3A_248, %lt3A_250 : vector<16xi32>
        %shift_left3A_252 = arith.constant 11 : i32
        %shift_left3A_253 = vector.broadcast %shift_left3A_252 : i32 to vector<16xi32>
        %shift_left3A_254 = arith.shli %sub3A_248, %shift_left3A_253 : vector<16xi32>
        %add3A_255 = arith.addi %shift_left3A_254, %get3A_246 : vector<16xi32>
        %mul3A_256 = arith.constant 256 : i32
        %mul3A_257 = arith.muli %scan3A_104, %mul3A_256 : i32
        %add3A_258 = arith.constant 144 : i32
        %add3A_259 = arith.addi %mul3A_257, %add3A_258 : i32
        %get3A_260 = arith.index_cast %add3A_259 : i32 to index
        %get3A_261 = tpu.vector_load %arg7[%get3A_260] {strides = array<i32>} : memref<8192xi32, #tpu.memory_space<vmem>>, vector<16xi32>,
        %get3A_262 = arith.index_cast %add3A_259 : i32 to index
        %get3A_263 = tpu.vector_load %arg6[%get3A_262] {strides = array<i32>} : memref<8192xi32, #tpu.memory_space<vmem>>, vector<16xi32>,
        %sub3A_264 = vector.broadcast %add3A_33 : i32 to vector<16xi32>
        %sub3A_265 = arith.subi %get3A_261, %sub3A_264 : vector<16xi32>
        %lt3A_266 = arith.constant 32 : i32
        %lt3A_267 = vector.broadcast %lt3A_266 : i32 to vector<16xi32>
        %lt3A_268 = arith.cmpi ult, %sub3A_265, %lt3A_267 : vector<16xi32>
        %shift_left3A_269 = arith.constant 11 : i32
        %shift_left3A_270 = vector.broadcast %shift_left3A_269 : i32 to vector<16xi32>
        %shift_left3A_271 = arith.shli %sub3A_265, %shift_left3A_270 : vector<16xi32>
        %add3A_272 = arith.addi %shift_left3A_271, %get3A_263 : vector<16xi32>
        %mul3A_273 = arith.constant 256 : i32
        %mul3A_274 = arith.muli %scan3A_104, %mul3A_273 : i32
        %add3A_275 = arith.constant 160 : i32
        %add3A_276 = arith.addi %mul3A_274, %add3A_275 : i32
        %get3A_277 = arith.index_cast %add3A_276 : i32 to index
        %get3A_278 = tpu.vector_load %arg7[%get3A_277] {strides = array<i32>} : memref<8192xi32, #tpu.memory_space<vmem>>, vector<16xi32>,
        %get3A_279 = arith.index_cast %add3A_276 : i32 to index
        %get3A_280 = tpu.vector_load %arg6[%get3A_279] {strides = array<i32>} : memref<8192xi32, #tpu.memory_space<vmem>>, vector<16xi32>,
        %sub3A_281 = vector.broadcast %add3A_33 : i32 to vector<16xi32>
        %sub3A_282 = arith.subi %get3A_278, %sub3A_281 : vector<16xi32>
        %lt3A_283 = arith.constant 32 : i32
        %lt3A_284 = vector.broadcast %lt3A_283 : i32 to vector<16xi32>
        %lt3A_285 = arith.cmpi ult, %sub3A_282, %lt3A_284 : vector<16xi32>
        %shift_left3A_286 = arith.constant 11 : i32
        %shift_left3A_287 = vector.broadcast %shift_left3A_286 : i32 to vector<16xi32>
        %shift_left3A_288 = arith.shli %sub3A_282, %shift_left3A_287 : vector<16xi32>
        %add3A_289 = arith.addi %shift_left3A_288, %get3A_280 : vector<16xi32>
        %mul3A_290 = arith.constant 256 : i32
        %mul3A_291 = arith.muli %scan3A_104, %mul3A_290 : i32
        %add3A_292 = arith.constant 176 : i32
        %add3A_293 = arith.addi %mul3A_291, %add3A_292 : i32
        %get3A_294 = arith.index_cast %add3A_293 : i32 to index
        %get3A_295 = tpu.vector_load %arg7[%get3A_294] {strides = array<i32>} : memref<8192xi32, #tpu.memory_space<vmem>>, vector<16xi32>,
        %get3A_296 = arith.index_cast %add3A_293 : i32 to index
        %get3A_297 = tpu.vector_load %arg6[%get3A_296] {strides = array<i32>} : memref<8192xi32, #tpu.memory_space<vmem>>, vector<16xi32>,
        %sub3A_298 = vector.broadcast %add3A_33 : i32 to vector<16xi32>
        %sub3A_299 = arith.subi %get3A_295, %sub3A_298 : vector<16xi32>
        %lt3A_300 = arith.constant 32 : i32
        %lt3A_301 = vector.broadcast %lt3A_300 : i32 to vector<16xi32>
        %lt3A_302 = arith.cmpi ult, %sub3A_299, %lt3A_301 : vector<16xi32>
        %shift_left3A_303 = arith.constant 11 : i32
        %shift_left3A_304 = vector.broadcast %shift_left3A_303 : i32 to vector<16xi32>
        %shift_left3A_305 = arith.shli %sub3A_299, %shift_left3A_304 : vector<16xi32>
        %add3A_306 = arith.addi %shift_left3A_305, %get3A_297 : vector<16xi32>
        %mul3A_307 = arith.constant 256 : i32
        %mul3A_308 = arith.muli %scan3A_104, %mul3A_307 : i32
        %add3A_309 = arith.constant 192 : i32
        %add3A_310 = arith.addi %mul3A_308, %add3A_309 : i32
        %get3A_311 = arith.index_cast %add3A_310 : i32 to index
        %get3A_312 = tpu.vector_load %arg7[%get3A_311] {strides = array<i32>} : memref<8192xi32, #tpu.memory_space<vmem>>, vector<16xi32>,
        %get3A_313 = arith.index_cast %add3A_310 : i32 to index
        %get3A_314 = tpu.vector_load %arg6[%get3A_313] {strides = array<i32>} : memref<8192xi32, #tpu.memory_space<vmem>>, vector<16xi32>,
        %sub3A_315 = vector.broadcast %add3A_33 : i32 to vector<16xi32>
        %sub3A_316 = arith.subi %get3A_312, %sub3A_315 : vector<16xi32>
        %lt3A_317 = arith.constant 32 : i32
        %lt3A_318 = vector.broadcast %lt3A_317 : i32 to vector<16xi32>
        %lt3A_319 = arith.cmpi ult, %sub3A_316, %lt3A_318 : vector<16xi32>
        %shift_left3A_320 = arith.constant 11 : i32
        %shift_left3A_321 = vector.broadcast %shift_left3A_320 : i32 to vector<16xi32>
        %shift_left3A_322 = arith.shli %sub3A_316, %shift_left3A_321 : vector<16xi32>
        %add3A_323 = arith.addi %shift_left3A_322, %get3A_314 : vector<16xi32>
        %mul3A_324 = arith.constant 256 : i32
        %mul3A_325 = arith.muli %scan3A_104, %mul3A_324 : i32
        %add3A_326 = arith.constant 208 : i32
        %add3A_327 = arith.addi %mul3A_325, %add3A_326 : i32
        %get3A_328 = arith.index_cast %add3A_327 : i32 to index
        %get3A_329 = tpu.vector_load %arg7[%get3A_328] {strides = array<i32>} : memref<8192xi32, #tpu.memory_space<vmem>>, vector<16xi32>,
        %get3A_330 = arith.index_cast %add3A_327 : i32 to index
        %get3A_331 = tpu.vector_load %arg6[%get3A_330] {strides = array<i32>} : memref<8192xi32, #tpu.memory_space<vmem>>, vector<16xi32>,
        %sub3A_332 = vector.broadcast %add3A_33 : i32 to vector<16xi32>
        %sub3A_333 = arith.subi %get3A_329, %sub3A_332 : vector<16xi32>
        %lt3A_334 = arith.constant 32 : i32
        %lt3A_335 = vector.broadcast %lt3A_334 : i32 to vector<16xi32>
        %lt3A_336 = arith.cmpi ult, %sub3A_333, %lt3A_335 : vector<16xi32>
        %shift_left3A_337 = arith.constant 11 : i32
        %shift_left3A_338 = vector.broadcast %shift_left3A_337 : i32 to vector<16xi32>
        %shift_left3A_339 = arith.shli %sub3A_333, %shift_left3A_338 : vector<16xi32>
        %add3A_340 = arith.addi %shift_left3A_339, %get3A_331 : vector<16xi32>
        %mul3A_341 = arith.constant 256 : i32
        %mul3A_342 = arith.muli %scan3A_104, %mul3A_341 : i32
        %add3A_343 = arith.constant 224 : i32
        %add3A_344 = arith.addi %mul3A_342, %add3A_343 : i32
        %get3A_345 = arith.index_cast %add3A_344 : i32 to index
        %get3A_346 = tpu.vector_load %arg7[%get3A_345] {strides = array<i32>} : memref<8192xi32, #tpu.memory_space<vmem>>, vector<16xi32>,
        %get3A_347 = arith.index_cast %add3A_344 : i32 to index
        %get3A_348 = tpu.vector_load %arg6[%get3A_347] {strides = array<i32>} : memref<8192xi32, #tpu.memory_space<vmem>>, vector<16xi32>,
        %sub3A_349 = vector.broadcast %add3A_33 : i32 to vector<16xi32>
        %sub3A_350 = arith.subi %get3A_346, %sub3A_349 : vector<16xi32>
        %lt3A_351 = arith.constant 32 : i32
        %lt3A_352 = vector.broadcast %lt3A_351 : i32 to vector<16xi32>
        %lt3A_353 = arith.cmpi ult, %sub3A_350, %lt3A_352 : vector<16xi32>
        %shift_left3A_354 = arith.constant 11 : i32
        %shift_left3A_355 = vector.broadcast %shift_left3A_354 : i32 to vector<16xi32>
        %shift_left3A_356 = arith.shli %sub3A_350, %shift_left3A_355 : vector<16xi32>
        %add3A_357 = arith.addi %shift_left3A_356, %get3A_348 : vector<16xi32>
        %mul3A_358 = arith.constant 256 : i32
        %mul3A_359 = arith.muli %scan3A_104, %mul3A_358 : i32
        %add3A_360 = arith.constant 240 : i32
        %add3A_361 = arith.addi %mul3A_359, %add3A_360 : i32
        %get3A_362 = arith.index_cast %add3A_361 : i32 to index
        %get3A_363 = tpu.vector_load %arg7[%get3A_362] {strides = array<i32>} : memref<8192xi32, #tpu.memory_space<vmem>>, vector<16xi32>,
        %get3A_364 = arith.index_cast %add3A_361 : i32 to index
        %get3A_365 = tpu.vector_load %arg6[%get3A_364] {strides = array<i32>} : memref<8192xi32, #tpu.memory_space<vmem>>, vector<16xi32>,
        %sub3A_366 = vector.broadcast %add3A_33 : i32 to vector<16xi32>
        %sub3A_367 = arith.subi %get3A_363, %sub3A_366 : vector<16xi32>
        %lt3A_368 = arith.constant 32 : i32
        %lt3A_369 = vector.broadcast %lt3A_368 : i32 to vector<16xi32>
        %lt3A_370 = arith.cmpi ult, %sub3A_367, %lt3A_369 : vector<16xi32>
        %shift_left3A_371 = arith.constant 11 : i32
        %shift_left3A_372 = vector.broadcast %shift_left3A_371 : i32 to vector<16xi32>
        %shift_left3A_373 = arith.shli %sub3A_367, %shift_left3A_372 : vector<16xi32>
        %add3A_374 = arith.addi %shift_left3A_373, %get3A_365 : vector<16xi32>
        tpu.vector_store_idx %arg5[%add3A_119], %broadcast_in_dim3A_3 masked %lt3A_116 {add = true} : memref<65536xf32, #tpu.memory_space<vmem>>[vector<16xi32>], vector<16xf32>, vector<16xi1>
        tpu.vector_store_idx %arg5[%add3A_136], %broadcast_in_dim3A_3 masked %lt3A_132 {add = true} : memref<65536xf32, #tpu.memory_space<vmem>>[vector<16xi32>], vector<16xf32>, vector<16xi1>
        tpu.vector_store_idx %arg5[%add3A_153], %broadcast_in_dim3A_3 masked %lt3A_149 {add = true} : memref<65536xf32, #tpu.memory_space<vmem>>[vector<16xi32>], vector<16xf32>, vector<16xi1>
        tpu.vector_store_idx %arg5[%add3A_170], %broadcast_in_dim3A_3 masked %lt3A_166 {add = true} : memref<65536xf32, #tpu.memory_space<vmem>>[vector<16xi32>], vector<16xf32>, vector<16xi1>
        tpu.vector_store_idx %arg5[%add3A_187], %broadcast_in_dim3A_3 masked %lt3A_183 {add = true} : memref<65536xf32, #tpu.memory_space<vmem>>[vector<16xi32>], vector<16xf32>, vector<16xi1>
        tpu.vector_store_idx %arg5[%add3A_204], %broadcast_in_dim3A_3 masked %lt3A_200 {add = true} : memref<65536xf32, #tpu.memory_space<vmem>>[vector<16xi32>], vector<16xf32>, vector<16xi1>
        tpu.vector_store_idx %arg5[%add3A_221], %broadcast_in_dim3A_3 masked %lt3A_217 {add = true} : memref<65536xf32, #tpu.memory_space<vmem>>[vector<16xi32>], vector<16xf32>, vector<16xi1>
        tpu.vector_store_idx %arg5[%add3A_238], %broadcast_in_dim3A_3 masked %lt3A_234 {add = true} : memref<65536xf32, #tpu.memory_space<vmem>>[vector<16xi32>], vector<16xf32>, vector<16xi1>
        tpu.vector_store_idx %arg5[%add3A_255], %broadcast_in_dim3A_3 masked %lt3A_251 {add = true} : memref<65536xf32, #tpu.memory_space<vmem>>[vector<16xi32>], vector<16xf32>, vector<16xi1>
        tpu.vector_store_idx %arg5[%add3A_272], %broadcast_in_dim3A_3 masked %lt3A_268 {add = true} : memref<65536xf32, #tpu.memory_space<vmem>>[vector<16xi32>], vector<16xf32>, vector<16xi1>
        tpu.vector_store_idx %arg5[%add3A_289], %broadcast_in_dim3A_3 masked %lt3A_285 {add = true} : memref<65536xf32, #tpu.memory_space<vmem>>[vector<16xi32>], vector<16xf32>, vector<16xi1>
        tpu.vector_store_idx %arg5[%add3A_306], %broadcast_in_dim3A_3 masked %lt3A_302 {add = true} : memref<65536xf32, #tpu.memory_space<vmem>>[vector<16xi32>], vector<16xf32>, vector<16xi1>
        tpu.vector_store_idx %arg5[%add3A_323], %broadcast_in_dim3A_3 masked %lt3A_319 {add = true} : memref<65536xf32, #tpu.memory_space<vmem>>[vector<16xi32>], vector<16xf32>, vector<16xi1>
        tpu.vector_store_idx %arg5[%add3A_340], %broadcast_in_dim3A_3 masked %lt3A_336 {add = true} : memref<65536xf32, #tpu.memory_space<vmem>>[vector<16xi32>], vector<16xf32>, vector<16xi1>
        tpu.vector_store_idx %arg5[%add3A_357], %broadcast_in_dim3A_3 masked %lt3A_353 {add = true} : memref<65536xf32, #tpu.memory_space<vmem>>[vector<16xi32>], vector<16xf32>, vector<16xi1>
        tpu.vector_store_idx %arg5[%add3A_374], %broadcast_in_dim3A_3 masked %lt3A_370 {add = true} : memref<65536xf32, #tpu.memory_space<vmem>>[vector<16xi32>], vector<16xf32>, vector<16xi1>
        %scan3A_375 = arith.constant 0 : i32
        scf.yield %scan3A_375 : i32
      }
      %scan3A_83 = arith.constant 32 : i32
      %add3A_84 = arith.constant 2 : i32
      %add3A_85 = arith.addi %mul3A_61, %add3A_84 : i32
      %lt3A = arith.constant 16 : i32
      %lt3A_86 = arith.cmpi slt, %add3A_85, %lt3A : i32
      %convert_element_type3A = arith.extui %lt3A_86 : i1 to i32
      %cond3A = arith.constant 0 : i32
      %cond3A_87 = arith.cmpi ne, %convert_element_type3A, %cond3A : i32
      scf.if %cond3A_87 {
        %add3A_104 = arith.constant 2 : i32
        %add3A_105 = arith.addi %mul3A_61, %add3A_104 : i32
        %mul3A_106 = arith.constant 8192 : i32
        %mul3A_107 = arith.muli %add3A_105, %mul3A_106 : i32
        %dma_start3A_108 = tpu.memref_slice %arg2[%mul3A_107] : memref<131072xi32, #tpu.memory_space<hbm>> -> memref<8192xi32, #tpu.memory_space<hbm>>
        %dma_start3A_109 = tpu.memref_slice %arg2[%mul3A_107] : memref<131072xi32, #tpu.memory_space<hbm>> -> memref<8192xi32, #tpu.memory_space<hbm>>
        tpu.enqueue_dma source(%dma_start3A_109 : memref<8192xi32, #tpu.memory_space<hbm>>) target(%arg6 : memref<8192xi32, #tpu.memory_space<vmem>>) target_semaphore(%arg10 : memref<!tpu.dma_semaphore, #tpu.memory_space<semaphore_mem>>)
        %dma_start3A_110 = tpu.memref_slice %arg3[%mul3A_107] : memref<131072xi32, #tpu.memory_space<hbm>> -> memref<8192xi32, #tpu.memory_space<hbm>>
        %dma_start3A_111 = tpu.memref_slice %arg3[%mul3A_107] : memref<131072xi32, #tpu.memory_space<hbm>> -> memref<8192xi32, #tpu.memory_space<hbm>>
        tpu.enqueue_dma source(%dma_start3A_111 : memref<8192xi32, #tpu.memory_space<hbm>>) target(%arg7 : memref<8192xi32, #tpu.memory_space<vmem>>) target_semaphore(%arg10 : memref<!tpu.dma_semaphore, #tpu.memory_space<semaphore_mem>>)
      } else {
      }
      %dma_wait3A_88 = arith.constant 0 : i32
      %dma_wait3A_89 = tpu.memref_slice %arg2[%dma_wait3A_88] : memref<131072xi32, #tpu.memory_space<hbm>> -> memref<8192xi32, #tpu.memory_space<hbm>>
      %dma_wait3A_90 = arith.constant 0 : i32
      %dma_wait3A_91 = tpu.memref_slice %arg2[%dma_wait3A_90] : memref<131072xi32, #tpu.memory_space<hbm>> -> memref<8192xi32, #tpu.memory_space<hbm>>
      tpu.wait_dma2 semaphore(%arg11 : memref<!tpu.dma_semaphore, #tpu.memory_space<semaphore_mem>>) src(%dma_wait3A_91 : memref<8192xi32, #tpu.memory_space<hbm>>) dst(%arg8 : memref<8192xi32, #tpu.memory_space<vmem>>)
      %dma_wait3A_92 = arith.constant 0 : i32
      %dma_wait3A_93 = tpu.memref_slice %arg3[%dma_wait3A_92] : memref<131072xi32, #tpu.memory_space<hbm>> -> memref<8192xi32, #tpu.memory_space<hbm>>
      %dma_wait3A_94 = arith.constant 0 : i32
      %dma_wait3A_95 = tpu.memref_slice %arg3[%dma_wait3A_94] : memref<131072xi32, #tpu.memory_space<hbm>> -> memref<8192xi32, #tpu.memory_space<hbm>>
      tpu.wait_dma2 semaphore(%arg11 : memref<!tpu.dma_semaphore, #tpu.memory_space<semaphore_mem>>) src(%dma_wait3A_95 : memref<8192xi32, #tpu.memory_space<hbm>>) dst(%arg9 : memref<8192xi32, #tpu.memory_space<vmem>>)
      %scan3A_96 = arith.constant 0 : i32
      %scan3A_97 = arith.constant 0 : i32
      %scan3A_98 = arith.constant 32 : i32
      %scan3A_99 = arith.addi %scan3A_97, %scan3A_98 : i32
      %scan3A_100 = arith.constant 1 : i32
      %scan3A_101 = scf.for %scan3A_104 = %scan3A_97 to %scan3A_99 step %scan3A_100 iter_args(%scan3A_105 = %scan3A_96) -> (i32)  : i32 {
        %mul3A_106 = arith.constant 256 : i32
        %mul3A_107 = arith.muli %scan3A_104, %mul3A_106 : i32
        %add3A_108 = arith.constant 0 : i32
        %add3A_109 = arith.addi %mul3A_107, %add3A_108 : i32
        %get3A = arith.index_cast %add3A_109 : i32 to index
        %get3A_110 = tpu.vector_load %arg9[%get3A] {strides = array<i32>} : memref<8192xi32, #tpu.memory_space<vmem>>, vector<16xi32>,
        %get3A_111 = arith.index_cast %add3A_109 : i32 to index
        %get3A_112 = tpu.vector_load %arg8[%get3A_111] {strides = array<i32>} : memref<8192xi32, #tpu.memory_space<vmem>>, vector<16xi32>,
        %sub3A = vector.broadcast %add3A_33 : i32 to vector<16xi32>
        %sub3A_113 = arith.subi %get3A_110, %sub3A : vector<16xi32>
        %lt3A_114 = arith.constant 32 : i32
        %lt3A_115 = vector.broadcast %lt3A_114 : i32 to vector<16xi32>
        %lt3A_116 = arith.cmpi ult, %sub3A_113, %lt3A_115 : vector<16xi32>
        %shift_left3A = arith.constant 11 : i32
        %shift_left3A_117 = vector.broadcast %shift_left3A : i32 to vector<16xi32>
        %shift_left3A_118 = arith.shli %sub3A_113, %shift_left3A_117 : vector<16xi32>
        %add3A_119 = arith.addi %shift_left3A_118, %get3A_112 : vector<16xi32>
        %mul3A_120 = arith.constant 256 : i32
        %mul3A_121 = arith.muli %scan3A_104, %mul3A_120 : i32
        %add3A_122 = arith.constant 16 : i32
        %add3A_123 = arith.addi %mul3A_121, %add3A_122 : i32
        %get3A_124 = arith.index_cast %add3A_123 : i32 to index
        %get3A_125 = tpu.vector_load %arg9[%get3A_124] {strides = array<i32>} : memref<8192xi32, #tpu.memory_space<vmem>>, vector<16xi32>,
        %get3A_126 = arith.index_cast %add3A_123 : i32 to index
        %get3A_127 = tpu.vector_load %arg8[%get3A_126] {strides = array<i32>} : memref<8192xi32, #tpu.memory_space<vmem>>, vector<16xi32>,
        %sub3A_128 = vector.broadcast %add3A_33 : i32 to vector<16xi32>
        %sub3A_129 = arith.subi %get3A_125, %sub3A_128 : vector<16xi32>
        %lt3A_130 = arith.constant 32 : i32
        %lt3A_131 = vector.broadcast %lt3A_130 : i32 to vector<16xi32>
        %lt3A_132 = arith.cmpi ult, %sub3A_129, %lt3A_131 : vector<16xi32>
        %shift_left3A_133 = arith.constant 11 : i32
        %shift_left3A_134 = vector.broadcast %shift_left3A_133 : i32 to vector<16xi32>
        %shift_left3A_135 = arith.shli %sub3A_129, %shift_left3A_134 : vector<16xi32>
        %add3A_136 = arith.addi %shift_left3A_135, %get3A_127 : vector<16xi32>
        %mul3A_137 = arith.constant 256 : i32
        %mul3A_138 = arith.muli %scan3A_104, %mul3A_137 : i32
        %add3A_139 = arith.constant 32 : i32
        %add3A_140 = arith.addi %mul3A_138, %add3A_139 : i32
        %get3A_141 = arith.index_cast %add3A_140 : i32 to index
        %get3A_142 = tpu.vector_load %arg9[%get3A_141] {strides = array<i32>} : memref<8192xi32, #tpu.memory_space<vmem>>, vector<16xi32>,
        %get3A_143 = arith.index_cast %add3A_140 : i32 to index
        %get3A_144 = tpu.vector_load %arg8[%get3A_143] {strides = array<i32>} : memref<8192xi32, #tpu.memory_space<vmem>>, vector<16xi32>,
        %sub3A_145 = vector.broadcast %add3A_33 : i32 to vector<16xi32>
        %sub3A_146 = arith.subi %get3A_142, %sub3A_145 : vector<16xi32>
        %lt3A_147 = arith.constant 32 : i32
        %lt3A_148 = vector.broadcast %lt3A_147 : i32 to vector<16xi32>
        %lt3A_149 = arith.cmpi ult, %sub3A_146, %lt3A_148 : vector<16xi32>
        %shift_left3A_150 = arith.constant 11 : i32
        %shift_left3A_151 = vector.broadcast %shift_left3A_150 : i32 to vector<16xi32>
        %shift_left3A_152 = arith.shli %sub3A_146, %shift_left3A_151 : vector<16xi32>
        %add3A_153 = arith.addi %shift_left3A_152, %get3A_144 : vector<16xi32>
        %mul3A_154 = arith.constant 256 : i32
        %mul3A_155 = arith.muli %scan3A_104, %mul3A_154 : i32
        %add3A_156 = arith.constant 48 : i32
        %add3A_157 = arith.addi %mul3A_155, %add3A_156 : i32
        %get3A_158 = arith.index_cast %add3A_157 : i32 to index
        %get3A_159 = tpu.vector_load %arg9[%get3A_158] {strides = array<i32>} : memref<8192xi32, #tpu.memory_space<vmem>>, vector<16xi32>,
        %get3A_160 = arith.index_cast %add3A_157 : i32 to index
        %get3A_161 = tpu.vector_load %arg8[%get3A_160] {strides = array<i32>} : memref<8192xi32, #tpu.memory_space<vmem>>, vector<16xi32>,
        %sub3A_162 = vector.broadcast %add3A_33 : i32 to vector<16xi32>
        %sub3A_163 = arith.subi %get3A_159, %sub3A_162 : vector<16xi32>
        %lt3A_164 = arith.constant 32 : i32
        %lt3A_165 = vector.broadcast %lt3A_164 : i32 to vector<16xi32>
        %lt3A_166 = arith.cmpi ult, %sub3A_163, %lt3A_165 : vector<16xi32>
        %shift_left3A_167 = arith.constant 11 : i32
        %shift_left3A_168 = vector.broadcast %shift_left3A_167 : i32 to vector<16xi32>
        %shift_left3A_169 = arith.shli %sub3A_163, %shift_left3A_168 : vector<16xi32>
        %add3A_170 = arith.addi %shift_left3A_169, %get3A_161 : vector<16xi32>
        %mul3A_171 = arith.constant 256 : i32
        %mul3A_172 = arith.muli %scan3A_104, %mul3A_171 : i32
        %add3A_173 = arith.constant 64 : i32
        %add3A_174 = arith.addi %mul3A_172, %add3A_173 : i32
        %get3A_175 = arith.index_cast %add3A_174 : i32 to index
        %get3A_176 = tpu.vector_load %arg9[%get3A_175] {strides = array<i32>} : memref<8192xi32, #tpu.memory_space<vmem>>, vector<16xi32>,
        %get3A_177 = arith.index_cast %add3A_174 : i32 to index
        %get3A_178 = tpu.vector_load %arg8[%get3A_177] {strides = array<i32>} : memref<8192xi32, #tpu.memory_space<vmem>>, vector<16xi32>,
        %sub3A_179 = vector.broadcast %add3A_33 : i32 to vector<16xi32>
        %sub3A_180 = arith.subi %get3A_176, %sub3A_179 : vector<16xi32>
        %lt3A_181 = arith.constant 32 : i32
        %lt3A_182 = vector.broadcast %lt3A_181 : i32 to vector<16xi32>
        %lt3A_183 = arith.cmpi ult, %sub3A_180, %lt3A_182 : vector<16xi32>
        %shift_left3A_184 = arith.constant 11 : i32
        %shift_left3A_185 = vector.broadcast %shift_left3A_184 : i32 to vector<16xi32>
        %shift_left3A_186 = arith.shli %sub3A_180, %shift_left3A_185 : vector<16xi32>
        %add3A_187 = arith.addi %shift_left3A_186, %get3A_178 : vector<16xi32>
        %mul3A_188 = arith.constant 256 : i32
        %mul3A_189 = arith.muli %scan3A_104, %mul3A_188 : i32
        %add3A_190 = arith.constant 80 : i32
        %add3A_191 = arith.addi %mul3A_189, %add3A_190 : i32
        %get3A_192 = arith.index_cast %add3A_191 : i32 to index
        %get3A_193 = tpu.vector_load %arg9[%get3A_192] {strides = array<i32>} : memref<8192xi32, #tpu.memory_space<vmem>>, vector<16xi32>,
        %get3A_194 = arith.index_cast %add3A_191 : i32 to index
        %get3A_195 = tpu.vector_load %arg8[%get3A_194] {strides = array<i32>} : memref<8192xi32, #tpu.memory_space<vmem>>, vector<16xi32>,
        %sub3A_196 = vector.broadcast %add3A_33 : i32 to vector<16xi32>
        %sub3A_197 = arith.subi %get3A_193, %sub3A_196 : vector<16xi32>
        %lt3A_198 = arith.constant 32 : i32
        %lt3A_199 = vector.broadcast %lt3A_198 : i32 to vector<16xi32>
        %lt3A_200 = arith.cmpi ult, %sub3A_197, %lt3A_199 : vector<16xi32>
        %shift_left3A_201 = arith.constant 11 : i32
        %shift_left3A_202 = vector.broadcast %shift_left3A_201 : i32 to vector<16xi32>
        %shift_left3A_203 = arith.shli %sub3A_197, %shift_left3A_202 : vector<16xi32>
        %add3A_204 = arith.addi %shift_left3A_203, %get3A_195 : vector<16xi32>
        %mul3A_205 = arith.constant 256 : i32
        %mul3A_206 = arith.muli %scan3A_104, %mul3A_205 : i32
        %add3A_207 = arith.constant 96 : i32
        %add3A_208 = arith.addi %mul3A_206, %add3A_207 : i32
        %get3A_209 = arith.index_cast %add3A_208 : i32 to index
        %get3A_210 = tpu.vector_load %arg9[%get3A_209] {strides = array<i32>} : memref<8192xi32, #tpu.memory_space<vmem>>, vector<16xi32>,
        %get3A_211 = arith.index_cast %add3A_208 : i32 to index
        %get3A_212 = tpu.vector_load %arg8[%get3A_211] {strides = array<i32>} : memref<8192xi32, #tpu.memory_space<vmem>>, vector<16xi32>,
        %sub3A_213 = vector.broadcast %add3A_33 : i32 to vector<16xi32>
        %sub3A_214 = arith.subi %get3A_210, %sub3A_213 : vector<16xi32>
        %lt3A_215 = arith.constant 32 : i32
        %lt3A_216 = vector.broadcast %lt3A_215 : i32 to vector<16xi32>
        %lt3A_217 = arith.cmpi ult, %sub3A_214, %lt3A_216 : vector<16xi32>
        %shift_left3A_218 = arith.constant 11 : i32
        %shift_left3A_219 = vector.broadcast %shift_left3A_218 : i32 to vector<16xi32>
        %shift_left3A_220 = arith.shli %sub3A_214, %shift_left3A_219 : vector<16xi32>
        %add3A_221 = arith.addi %shift_left3A_220, %get3A_212 : vector<16xi32>
        %mul3A_222 = arith.constant 256 : i32
        %mul3A_223 = arith.muli %scan3A_104, %mul3A_222 : i32
        %add3A_224 = arith.constant 112 : i32
        %add3A_225 = arith.addi %mul3A_223, %add3A_224 : i32
        %get3A_226 = arith.index_cast %add3A_225 : i32 to index
        %get3A_227 = tpu.vector_load %arg9[%get3A_226] {strides = array<i32>} : memref<8192xi32, #tpu.memory_space<vmem>>, vector<16xi32>,
        %get3A_228 = arith.index_cast %add3A_225 : i32 to index
        %get3A_229 = tpu.vector_load %arg8[%get3A_228] {strides = array<i32>} : memref<8192xi32, #tpu.memory_space<vmem>>, vector<16xi32>,
        %sub3A_230 = vector.broadcast %add3A_33 : i32 to vector<16xi32>
        %sub3A_231 = arith.subi %get3A_227, %sub3A_230 : vector<16xi32>
        %lt3A_232 = arith.constant 32 : i32
        %lt3A_233 = vector.broadcast %lt3A_232 : i32 to vector<16xi32>
        %lt3A_234 = arith.cmpi ult, %sub3A_231, %lt3A_233 : vector<16xi32>
        %shift_left3A_235 = arith.constant 11 : i32
        %shift_left3A_236 = vector.broadcast %shift_left3A_235 : i32 to vector<16xi32>
        %shift_left3A_237 = arith.shli %sub3A_231, %shift_left3A_236 : vector<16xi32>
        %add3A_238 = arith.addi %shift_left3A_237, %get3A_229 : vector<16xi32>
        %mul3A_239 = arith.constant 256 : i32
        %mul3A_240 = arith.muli %scan3A_104, %mul3A_239 : i32
        %add3A_241 = arith.constant 128 : i32
        %add3A_242 = arith.addi %mul3A_240, %add3A_241 : i32
        %get3A_243 = arith.index_cast %add3A_242 : i32 to index
        %get3A_244 = tpu.vector_load %arg9[%get3A_243] {strides = array<i32>} : memref<8192xi32, #tpu.memory_space<vmem>>, vector<16xi32>,
        %get3A_245 = arith.index_cast %add3A_242 : i32 to index
        %get3A_246 = tpu.vector_load %arg8[%get3A_245] {strides = array<i32>} : memref<8192xi32, #tpu.memory_space<vmem>>, vector<16xi32>,
        %sub3A_247 = vector.broadcast %add3A_33 : i32 to vector<16xi32>
        %sub3A_248 = arith.subi %get3A_244, %sub3A_247 : vector<16xi32>
        %lt3A_249 = arith.constant 32 : i32
        %lt3A_250 = vector.broadcast %lt3A_249 : i32 to vector<16xi32>
        %lt3A_251 = arith.cmpi ult, %sub3A_248, %lt3A_250 : vector<16xi32>
        %shift_left3A_252 = arith.constant 11 : i32
        %shift_left3A_253 = vector.broadcast %shift_left3A_252 : i32 to vector<16xi32>
        %shift_left3A_254 = arith.shli %sub3A_248, %shift_left3A_253 : vector<16xi32>
        %add3A_255 = arith.addi %shift_left3A_254, %get3A_246 : vector<16xi32>
        %mul3A_256 = arith.constant 256 : i32
        %mul3A_257 = arith.muli %scan3A_104, %mul3A_256 : i32
        %add3A_258 = arith.constant 144 : i32
        %add3A_259 = arith.addi %mul3A_257, %add3A_258 : i32
        %get3A_260 = arith.index_cast %add3A_259 : i32 to index
        %get3A_261 = tpu.vector_load %arg9[%get3A_260] {strides = array<i32>} : memref<8192xi32, #tpu.memory_space<vmem>>, vector<16xi32>,
        %get3A_262 = arith.index_cast %add3A_259 : i32 to index
        %get3A_263 = tpu.vector_load %arg8[%get3A_262] {strides = array<i32>} : memref<8192xi32, #tpu.memory_space<vmem>>, vector<16xi32>,
        %sub3A_264 = vector.broadcast %add3A_33 : i32 to vector<16xi32>
        %sub3A_265 = arith.subi %get3A_261, %sub3A_264 : vector<16xi32>
        %lt3A_266 = arith.constant 32 : i32
        %lt3A_267 = vector.broadcast %lt3A_266 : i32 to vector<16xi32>
        %lt3A_268 = arith.cmpi ult, %sub3A_265, %lt3A_267 : vector<16xi32>
        %shift_left3A_269 = arith.constant 11 : i32
        %shift_left3A_270 = vector.broadcast %shift_left3A_269 : i32 to vector<16xi32>
        %shift_left3A_271 = arith.shli %sub3A_265, %shift_left3A_270 : vector<16xi32>
        %add3A_272 = arith.addi %shift_left3A_271, %get3A_263 : vector<16xi32>
        %mul3A_273 = arith.constant 256 : i32
        %mul3A_274 = arith.muli %scan3A_104, %mul3A_273 : i32
        %add3A_275 = arith.constant 160 : i32
        %add3A_276 = arith.addi %mul3A_274, %add3A_275 : i32
        %get3A_277 = arith.index_cast %add3A_276 : i32 to index
        %get3A_278 = tpu.vector_load %arg9[%get3A_277] {strides = array<i32>} : memref<8192xi32, #tpu.memory_space<vmem>>, vector<16xi32>,
        %get3A_279 = arith.index_cast %add3A_276 : i32 to index
        %get3A_280 = tpu.vector_load %arg8[%get3A_279] {strides = array<i32>} : memref<8192xi32, #tpu.memory_space<vmem>>, vector<16xi32>,
        %sub3A_281 = vector.broadcast %add3A_33 : i32 to vector<16xi32>
        %sub3A_282 = arith.subi %get3A_278, %sub3A_281 : vector<16xi32>
        %lt3A_283 = arith.constant 32 : i32
        %lt3A_284 = vector.broadcast %lt3A_283 : i32 to vector<16xi32>
        %lt3A_285 = arith.cmpi ult, %sub3A_282, %lt3A_284 : vector<16xi32>
        %shift_left3A_286 = arith.constant 11 : i32
        %shift_left3A_287 = vector.broadcast %shift_left3A_286 : i32 to vector<16xi32>
        %shift_left3A_288 = arith.shli %sub3A_282, %shift_left3A_287 : vector<16xi32>
        %add3A_289 = arith.addi %shift_left3A_288, %get3A_280 : vector<16xi32>
        %mul3A_290 = arith.constant 256 : i32
        %mul3A_291 = arith.muli %scan3A_104, %mul3A_290 : i32
        %add3A_292 = arith.constant 176 : i32
        %add3A_293 = arith.addi %mul3A_291, %add3A_292 : i32
        %get3A_294 = arith.index_cast %add3A_293 : i32 to index
        %get3A_295 = tpu.vector_load %arg9[%get3A_294] {strides = array<i32>} : memref<8192xi32, #tpu.memory_space<vmem>>, vector<16xi32>,
        %get3A_296 = arith.index_cast %add3A_293 : i32 to index
        %get3A_297 = tpu.vector_load %arg8[%get3A_296] {strides = array<i32>} : memref<8192xi32, #tpu.memory_space<vmem>>, vector<16xi32>,
        %sub3A_298 = vector.broadcast %add3A_33 : i32 to vector<16xi32>
        %sub3A_299 = arith.subi %get3A_295, %sub3A_298 : vector<16xi32>
        %lt3A_300 = arith.constant 32 : i32
        %lt3A_301 = vector.broadcast %lt3A_300 : i32 to vector<16xi32>
        %lt3A_302 = arith.cmpi ult, %sub3A_299, %lt3A_301 : vector<16xi32>
        %shift_left3A_303 = arith.constant 11 : i32
        %shift_left3A_304 = vector.broadcast %shift_left3A_303 : i32 to vector<16xi32>
        %shift_left3A_305 = arith.shli %sub3A_299, %shift_left3A_304 : vector<16xi32>
        %add3A_306 = arith.addi %shift_left3A_305, %get3A_297 : vector<16xi32>
        %mul3A_307 = arith.constant 256 : i32
        %mul3A_308 = arith.muli %scan3A_104, %mul3A_307 : i32
        %add3A_309 = arith.constant 192 : i32
        %add3A_310 = arith.addi %mul3A_308, %add3A_309 : i32
        %get3A_311 = arith.index_cast %add3A_310 : i32 to index
        %get3A_312 = tpu.vector_load %arg9[%get3A_311] {strides = array<i32>} : memref<8192xi32, #tpu.memory_space<vmem>>, vector<16xi32>,
        %get3A_313 = arith.index_cast %add3A_310 : i32 to index
        %get3A_314 = tpu.vector_load %arg8[%get3A_313] {strides = array<i32>} : memref<8192xi32, #tpu.memory_space<vmem>>, vector<16xi32>,
        %sub3A_315 = vector.broadcast %add3A_33 : i32 to vector<16xi32>
        %sub3A_316 = arith.subi %get3A_312, %sub3A_315 : vector<16xi32>
        %lt3A_317 = arith.constant 32 : i32
        %lt3A_318 = vector.broadcast %lt3A_317 : i32 to vector<16xi32>
        %lt3A_319 = arith.cmpi ult, %sub3A_316, %lt3A_318 : vector<16xi32>
        %shift_left3A_320 = arith.constant 11 : i32
        %shift_left3A_321 = vector.broadcast %shift_left3A_320 : i32 to vector<16xi32>
        %shift_left3A_322 = arith.shli %sub3A_316, %shift_left3A_321 : vector<16xi32>
        %add3A_323 = arith.addi %shift_left3A_322, %get3A_314 : vector<16xi32>
        %mul3A_324 = arith.constant 256 : i32
        %mul3A_325 = arith.muli %scan3A_104, %mul3A_324 : i32
        %add3A_326 = arith.constant 208 : i32
        %add3A_327 = arith.addi %mul3A_325, %add3A_326 : i32
        %get3A_328 = arith.index_cast %add3A_327 : i32 to index
        %get3A_329 = tpu.vector_load %arg9[%get3A_328] {strides = array<i32>} : memref<8192xi32, #tpu.memory_space<vmem>>, vector<16xi32>,
        %get3A_330 = arith.index_cast %add3A_327 : i32 to index
        %get3A_331 = tpu.vector_load %arg8[%get3A_330] {strides = array<i32>} : memref<8192xi32, #tpu.memory_space<vmem>>, vector<16xi32>,
        %sub3A_332 = vector.broadcast %add3A_33 : i32 to vector<16xi32>
        %sub3A_333 = arith.subi %get3A_329, %sub3A_332 : vector<16xi32>
        %lt3A_334 = arith.constant 32 : i32
        %lt3A_335 = vector.broadcast %lt3A_334 : i32 to vector<16xi32>
        %lt3A_336 = arith.cmpi ult, %sub3A_333, %lt3A_335 : vector<16xi32>
        %shift_left3A_337 = arith.constant 11 : i32
        %shift_left3A_338 = vector.broadcast %shift_left3A_337 : i32 to vector<16xi32>
        %shift_left3A_339 = arith.shli %sub3A_333, %shift_left3A_338 : vector<16xi32>
        %add3A_340 = arith.addi %shift_left3A_339, %get3A_331 : vector<16xi32>
        %mul3A_341 = arith.constant 256 : i32
        %mul3A_342 = arith.muli %scan3A_104, %mul3A_341 : i32
        %add3A_343 = arith.constant 224 : i32
        %add3A_344 = arith.addi %mul3A_342, %add3A_343 : i32
        %get3A_345 = arith.index_cast %add3A_344 : i32 to index
        %get3A_346 = tpu.vector_load %arg9[%get3A_345] {strides = array<i32>} : memref<8192xi32, #tpu.memory_space<vmem>>, vector<16xi32>,
        %get3A_347 = arith.index_cast %add3A_344 : i32 to index
        %get3A_348 = tpu.vector_load %arg8[%get3A_347] {strides = array<i32>} : memref<8192xi32, #tpu.memory_space<vmem>>, vector<16xi32>,
        %sub3A_349 = vector.broadcast %add3A_33 : i32 to vector<16xi32>
        %sub3A_350 = arith.subi %get3A_346, %sub3A_349 : vector<16xi32>
        %lt3A_351 = arith.constant 32 : i32
        %lt3A_352 = vector.broadcast %lt3A_351 : i32 to vector<16xi32>
        %lt3A_353 = arith.cmpi ult, %sub3A_350, %lt3A_352 : vector<16xi32>
        %shift_left3A_354 = arith.constant 11 : i32
        %shift_left3A_355 = vector.broadcast %shift_left3A_354 : i32 to vector<16xi32>
        %shift_left3A_356 = arith.shli %sub3A_350, %shift_left3A_355 : vector<16xi32>
        %add3A_357 = arith.addi %shift_left3A_356, %get3A_348 : vector<16xi32>
        %mul3A_358 = arith.constant 256 : i32
        %mul3A_359 = arith.muli %scan3A_104, %mul3A_358 : i32
        %add3A_360 = arith.constant 240 : i32
        %add3A_361 = arith.addi %mul3A_359, %add3A_360 : i32
        %get3A_362 = arith.index_cast %add3A_361 : i32 to index
        %get3A_363 = tpu.vector_load %arg9[%get3A_362] {strides = array<i32>} : memref<8192xi32, #tpu.memory_space<vmem>>, vector<16xi32>,
        %get3A_364 = arith.index_cast %add3A_361 : i32 to index
        %get3A_365 = tpu.vector_load %arg8[%get3A_364] {strides = array<i32>} : memref<8192xi32, #tpu.memory_space<vmem>>, vector<16xi32>,
        %sub3A_366 = vector.broadcast %add3A_33 : i32 to vector<16xi32>
        %sub3A_367 = arith.subi %get3A_363, %sub3A_366 : vector<16xi32>
        %lt3A_368 = arith.constant 32 : i32
        %lt3A_369 = vector.broadcast %lt3A_368 : i32 to vector<16xi32>
        %lt3A_370 = arith.cmpi ult, %sub3A_367, %lt3A_369 : vector<16xi32>
        %shift_left3A_371 = arith.constant 11 : i32
        %shift_left3A_372 = vector.broadcast %shift_left3A_371 : i32 to vector<16xi32>
        %shift_left3A_373 = arith.shli %sub3A_367, %shift_left3A_372 : vector<16xi32>
        %add3A_374 = arith.addi %shift_left3A_373, %get3A_365 : vector<16xi32>
        tpu.vector_store_idx %arg5[%add3A_119], %broadcast_in_dim3A_3 masked %lt3A_116 {add = true} : memref<65536xf32, #tpu.memory_space<vmem>>[vector<16xi32>], vector<16xf32>, vector<16xi1>
        tpu.vector_store_idx %arg5[%add3A_136], %broadcast_in_dim3A_3 masked %lt3A_132 {add = true} : memref<65536xf32, #tpu.memory_space<vmem>>[vector<16xi32>], vector<16xf32>, vector<16xi1>
        tpu.vector_store_idx %arg5[%add3A_153], %broadcast_in_dim3A_3 masked %lt3A_149 {add = true} : memref<65536xf32, #tpu.memory_space<vmem>>[vector<16xi32>], vector<16xf32>, vector<16xi1>
        tpu.vector_store_idx %arg5[%add3A_170], %broadcast_in_dim3A_3 masked %lt3A_166 {add = true} : memref<65536xf32, #tpu.memory_space<vmem>>[vector<16xi32>], vector<16xf32>, vector<16xi1>
        tpu.vector_store_idx %arg5[%add3A_187], %broadcast_in_dim3A_3 masked %lt3A_183 {add = true} : memref<65536xf32, #tpu.memory_space<vmem>>[vector<16xi32>], vector<16xf32>, vector<16xi1>
        tpu.vector_store_idx %arg5[%add3A_204], %broadcast_in_dim3A_3 masked %lt3A_200 {add = true} : memref<65536xf32, #tpu.memory_space<vmem>>[vector<16xi32>], vector<16xf32>, vector<16xi1>
        tpu.vector_store_idx %arg5[%add3A_221], %broadcast_in_dim3A_3 masked %lt3A_217 {add = true} : memref<65536xf32, #tpu.memory_space<vmem>>[vector<16xi32>], vector<16xf32>, vector<16xi1>
        tpu.vector_store_idx %arg5[%add3A_238], %broadcast_in_dim3A_3 masked %lt3A_234 {add = true} : memref<65536xf32, #tpu.memory_space<vmem>>[vector<16xi32>], vector<16xf32>, vector<16xi1>
        tpu.vector_store_idx %arg5[%add3A_255], %broadcast_in_dim3A_3 masked %lt3A_251 {add = true} : memref<65536xf32, #tpu.memory_space<vmem>>[vector<16xi32>], vector<16xf32>, vector<16xi1>
        tpu.vector_store_idx %arg5[%add3A_272], %broadcast_in_dim3A_3 masked %lt3A_268 {add = true} : memref<65536xf32, #tpu.memory_space<vmem>>[vector<16xi32>], vector<16xf32>, vector<16xi1>
        tpu.vector_store_idx %arg5[%add3A_289], %broadcast_in_dim3A_3 masked %lt3A_285 {add = true} : memref<65536xf32, #tpu.memory_space<vmem>>[vector<16xi32>], vector<16xf32>, vector<16xi1>
        tpu.vector_store_idx %arg5[%add3A_306], %broadcast_in_dim3A_3 masked %lt3A_302 {add = true} : memref<65536xf32, #tpu.memory_space<vmem>>[vector<16xi32>], vector<16xf32>, vector<16xi1>
        tpu.vector_store_idx %arg5[%add3A_323], %broadcast_in_dim3A_3 masked %lt3A_319 {add = true} : memref<65536xf32, #tpu.memory_space<vmem>>[vector<16xi32>], vector<16xf32>, vector<16xi1>
        tpu.vector_store_idx %arg5[%add3A_340], %broadcast_in_dim3A_3 masked %lt3A_336 {add = true} : memref<65536xf32, #tpu.memory_space<vmem>>[vector<16xi32>], vector<16xf32>, vector<16xi1>
        tpu.vector_store_idx %arg5[%add3A_357], %broadcast_in_dim3A_3 masked %lt3A_353 {add = true} : memref<65536xf32, #tpu.memory_space<vmem>>[vector<16xi32>], vector<16xf32>, vector<16xi1>
        tpu.vector_store_idx %arg5[%add3A_374], %broadcast_in_dim3A_3 masked %lt3A_370 {add = true} : memref<65536xf32, #tpu.memory_space<vmem>>[vector<16xi32>], vector<16xf32>, vector<16xi1>
        %scan3A_375 = arith.constant 0 : i32
        scf.yield %scan3A_375 : i32
      }
      %scan3A_102 = arith.constant 32 : i32
      %scan3A_103 = arith.constant 0 : i32
      scf.yield %scan3A_103 : i32
    }
    %scan3A_55 = arith.constant 8 : i32
    %mul3A_56 = arith.constant 2048 : i32
    %mul3A_57 = arith.muli %add3A_33, %mul3A_56 : i32
    "tpu.region"() ({
      %run_scoped3A = tpu.sem_alloc : memref<!tpu.dma_semaphore, #tpu.memory_space<semaphore_mem>>
      %dma_start3A_58 = tpu.memref_slice %arg4[%mul3A_57] : memref<4194304xf32, #tpu.memory_space<hbm>> -> memref<65536xf32, #tpu.memory_space<hbm>>
      %dma_start3A_59 = tpu.memref_slice %arg4[%mul3A_57] : memref<4194304xf32, #tpu.memory_space<hbm>> -> memref<65536xf32, #tpu.memory_space<hbm>>
      tpu.enqueue_dma source(%arg5 : memref<65536xf32, #tpu.memory_space<vmem>>) target(%dma_start3A_59 : memref<65536xf32, #tpu.memory_space<hbm>>) target_semaphore(%run_scoped3A : memref<!tpu.dma_semaphore, #tpu.memory_space<semaphore_mem>>)
      %dma_wait3A = tpu.memref_slice %arg4[%mul3A_57] : memref<4194304xf32, #tpu.memory_space<hbm>> -> memref<65536xf32, #tpu.memory_space<hbm>>
      %dma_wait3A_60 = tpu.memref_slice %arg4[%mul3A_57] : memref<4194304xf32, #tpu.memory_space<hbm>> -> memref<65536xf32, #tpu.memory_space<hbm>>
      tpu.wait_dma2 semaphore(%run_scoped3A : memref<!tpu.dma_semaphore, #tpu.memory_space<semaphore_mem>>) src(%arg5 : memref<65536xf32, #tpu.memory_space<vmem>>) dst(%dma_wait3A_60 : memref<65536xf32, #tpu.memory_space<hbm>>)
      tpu.yield
    }) : () -> ()
    return
  }
}

module attributes {stable_mosaic.version = 14 : i64} {
  func.func @_tc_body(%arg0: memref<2048x2xf32, #tpu.memory_space<vmem>>, %arg1: memref<2048x1xf32, #tpu.memory_space<vmem>>, %arg2: memref<2048x1xf32, #tpu.memory_space<vmem>>, %arg3: memref<2048x1xf32, #tpu.memory_space<vmem>>, %arg4: memref<2048x1xf32, #tpu.memory_space<vmem>>, %arg5: memref<2048x2048xf32, #tpu.memory_space<vmem>>, %arg6: memref<3x64xf32, #tpu.memory_space<vmem>>, %arg7: memref<1x64xf32, #tpu.memory_space<vmem>>, %arg8: memref<1x64xf32, #tpu.memory_space<vmem>>, %arg9: memref<1x64xf32, #tpu.memory_space<vmem>>, %arg10: memref<3x64xf32, #tpu.memory_space<vmem>>, %arg11: memref<1x64xf32, #tpu.memory_space<vmem>>, %arg12: memref<1x64xf32, #tpu.memory_space<vmem>>, %arg13: memref<1x64xf32, #tpu.memory_space<vmem>>, %arg14: memref<70x64xf32, #tpu.memory_space<vmem>>, %arg15: memref<1x64xf32, #tpu.memory_space<vmem>>, %arg16: memref<70x64xf32, #tpu.memory_space<vmem>>, %arg17: memref<1x64xf32, #tpu.memory_space<vmem>>, %arg18: memref<70x64xf32, #tpu.memory_space<vmem>>, %arg19: memref<1x64xf32, #tpu.memory_space<vmem>>, %arg20: memref<70x64xf32, #tpu.memory_space<vmem>>, %arg21: memref<1x64xf32, #tpu.memory_space<vmem>>, %arg22: memref<70x64xf32, #tpu.memory_space<vmem>>, %arg23: memref<1x64xf32, #tpu.memory_space<vmem>>, %arg24: memref<64x64xf32, #tpu.memory_space<vmem>>, %arg25: memref<1x64xf32, #tpu.memory_space<vmem>>, %arg26: memref<64x64xf32, #tpu.memory_space<vmem>>, %arg27: memref<1x64xf32, #tpu.memory_space<vmem>>, %arg28: memref<64x64xf32, #tpu.memory_space<vmem>>, %arg29: memref<1x64xf32, #tpu.memory_space<vmem>>, %arg30: memref<64x64xf32, #tpu.memory_space<vmem>>, %arg31: memref<1x64xf32, #tpu.memory_space<vmem>>, %arg32: memref<64x64xf32, #tpu.memory_space<vmem>>, %arg33: memref<1x64xf32, #tpu.memory_space<vmem>>, %arg34: memref<64x64xf32, #tpu.memory_space<vmem>>, %arg35: memref<1x64xf32, #tpu.memory_space<vmem>>, %arg36: memref<64x64xf32, #tpu.memory_space<vmem>>, %arg37: memref<1x64xf32, #tpu.memory_space<vmem>>, %arg38: memref<64x64xf32, #tpu.memory_space<vmem>>, %arg39: memref<1x64xf32, #tpu.memory_space<vmem>>, %arg40: memref<64x64xf32, #tpu.memory_space<vmem>>, %arg41: memref<1x64xf32, #tpu.memory_space<vmem>>, %arg42: memref<64x64xf32, #tpu.memory_space<vmem>>, %arg43: memref<1x64xf32, #tpu.memory_space<vmem>>, %arg44: memref<64x64xf32, #tpu.memory_space<vmem>>, %arg45: memref<1x64xf32, #tpu.memory_space<vmem>>, %arg46: memref<64x64xf32, #tpu.memory_space<vmem>>, %arg47: memref<1x64xf32, #tpu.memory_space<vmem>>, %arg48: memref<128x64xf32, #tpu.memory_space<vmem>>, %arg49: memref<1x64xf32, #tpu.memory_space<vmem>>, %arg50: memref<1x64xf32, #tpu.memory_space<vmem>>, %arg51: memref<1x64xf32, #tpu.memory_space<vmem>>, %arg52: memref<64x64xf32, #tpu.memory_space<vmem>>, %arg53: memref<1x64xf32, #tpu.memory_space<vmem>>, %arg54: memref<64x64xf32, #tpu.memory_space<vmem>>, %arg55: memref<1x64xf32, #tpu.memory_space<vmem>>, %arg56: memref<64x64xf32, #tpu.memory_space<vmem>>, %arg57: memref<1x64xf32, #tpu.memory_space<vmem>>, %arg58: memref<64x64xf32, #tpu.memory_space<vmem>>, %arg59: memref<1x64xf32, #tpu.memory_space<vmem>>, %arg60: memref<64x64xf32, #tpu.memory_space<vmem>>, %arg61: memref<1x64xf32, #tpu.memory_space<vmem>>, %arg62: memref<192x64xf32, #tpu.memory_space<vmem>>, %arg63: memref<1x64xf32, #tpu.memory_space<vmem>>, %arg64: memref<1x64xf32, #tpu.memory_space<vmem>>, %arg65: memref<1x64xf32, #tpu.memory_space<vmem>>, %arg66: memref<64x128xf32, #tpu.memory_space<vmem>>, %arg67: memref<1x128xf32, #tpu.memory_space<vmem>>, %arg68: memref<1x128xf32, #tpu.memory_space<vmem>>, %arg69: memref<1x128xf32, #tpu.memory_space<vmem>>, %arg70: memref<128x2048xf32, #tpu.memory_space<vmem>>, %arg71: memref<1x2048xf32, #tpu.memory_space<vmem>>, %arg72: memref<64x128xf32, #tpu.memory_space<vmem>>, %arg73: memref<1x128xf32, #tpu.memory_space<vmem>>, %arg74: memref<1x128xf32, #tpu.memory_space<vmem>>, %arg75: memref<1x128xf32, #tpu.memory_space<vmem>>, %arg76: memref<128x1xf32, #tpu.memory_space<vmem>>, %arg77: memref<1x1xf32, #tpu.memory_space<vmem>>, %arg78: memref<2048x2048xf32, #tpu.memory_space<vmem>>, %arg79: memref<2048x1xf32, #tpu.memory_space<vmem>>, %arg80: memref<2048x64xf32, #tpu.memory_space<vmem>>, %arg81: memref<2048x64xf32, #tpu.memory_space<vmem>>, %arg82: memref<2048x64xf32, #tpu.memory_space<vmem>>, %arg83: memref<2048x64xf32, #tpu.memory_space<vmem>>, %arg84: memref<2048x64xf32, #tpu.memory_space<vmem>>, %arg85: memref<2048x64xf32, #tpu.memory_space<vmem>>, %arg86: memref<2048x64xf32, #tpu.memory_space<vmem>>, %arg87: memref<2048x64xf32, #tpu.memory_space<vmem>>, %arg88: memref<2048x128xf32, #tpu.memory_space<vmem>>) attributes {dimension_semantics = [], scalar_prefetch = 0 : i64, scratch_operands = 9 : i64, tpu.core_type = #tpu.core_type<tc>} {
    %get3A = arith.constant 0 : index
    %get3A_0 = arith.constant 0 : index
    %get3A_1 = vector.load %arg4[%get3A, %get3A_0] : memref<2048x1xf32, #tpu.memory_space<vmem>>, vector<2048x1xf32>
    %convert_element_type3A = arith.truncf %get3A_1 : vector<2048x1xf32> to vector<2048x1xbf16>
    %convert_element_type3A_2 = arith.extf %convert_element_type3A : vector<2048x1xbf16> to vector<2048x1xf32>
    %get3A_3 = arith.constant 0 : index
    %get3A_4 = arith.constant 0 : index
    %get3A_5 = vector.load %arg6[%get3A_3, %get3A_4] : memref<3x64xf32, #tpu.memory_space<vmem>>, vector<1x64xf32>
    %convert_element_type3A_6 = arith.truncf %get3A_5 : vector<1x64xf32> to vector<1x64xbf16>
    %convert_element_type3A_7 = arith.extf %convert_element_type3A_6 : vector<1x64xbf16> to vector<1x64xf32>
    %mul3A = vector.broadcast %convert_element_type3A_2 : vector<2048x1xf32> to vector<2048x64xf32>
    %mul3A_8 = vector.broadcast %convert_element_type3A_7 : vector<1x64xf32> to vector<2048x64xf32>
    %mul3A_9 = arith.mulf %mul3A, %mul3A_8 : vector<2048x64xf32>
    %get3A_10 = arith.constant 0 : index
    %get3A_11 = arith.constant 0 : index
    %get3A_12 = vector.load %arg7[%get3A_10, %get3A_11] : memref<1x64xf32, #tpu.memory_space<vmem>>, vector<1x64xf32>
    %add3A = vector.broadcast %get3A_12 : vector<1x64xf32> to vector<2048x64xf32>
    %add3A_13 = arith.addf %mul3A_9, %add3A : vector<2048x64xf32>
    %max3A = arith.constant 0.000000e+00 : f32
    %max3A_14 = vector.broadcast %max3A : f32 to vector<2048x64xf32>
    %max3A_15 = arith.maximumf %add3A_13, %max3A_14 : vector<2048x64xf32>
    %get3A_16 = arith.constant 0 : index
    %get3A_17 = arith.constant 0 : index
    %get3A_18 = vector.load %arg8[%get3A_16, %get3A_17] : memref<1x64xf32, #tpu.memory_space<vmem>>, vector<1x64xf32>
    %get3A_19 = arith.constant 0 : index
    %get3A_20 = arith.constant 0 : index
    %get3A_21 = vector.load %arg9[%get3A_19, %get3A_20] : memref<1x64xf32, #tpu.memory_space<vmem>>, vector<1x64xf32>
    %reduce_sum3A = arith.constant dense<0.000000e+00> : vector<2048xf32>
    %reduce_sum3A_22 = vector.multi_reduction <add>, %max3A_15, %reduce_sum3A [1] : vector<2048x64xf32> to vector<2048xf32>
    %broadcast_in_dim3A = vector.shape_cast %reduce_sum3A_22 : vector<2048xf32> to vector<2048x1xf32>
    %div3A = arith.constant 6.400000e+01 : f32
    %div3A_23 = vector.broadcast %div3A : f32 to vector<2048x1xf32>
    %div3A_24 = arith.divf %broadcast_in_dim3A, %div3A_23 : vector<2048x1xf32>
    %sub3A = vector.broadcast %div3A_24 : vector<2048x1xf32> to vector<2048x64xf32>
    %sub3A_25 = arith.subf %max3A_15, %sub3A : vector<2048x64xf32>
    %integer_pow3A = arith.mulf %sub3A_25, %sub3A_25 : vector<2048x64xf32>
    %reduce_sum3A_26 = arith.constant dense<0.000000e+00> : vector<2048xf32>
    %reduce_sum3A_27 = vector.multi_reduction <add>, %integer_pow3A, %reduce_sum3A_26 [1] : vector<2048x64xf32> to vector<2048xf32>
    %broadcast_in_dim3A_28 = vector.shape_cast %reduce_sum3A_27 : vector<2048xf32> to vector<2048x1xf32>
    %div3A_29 = arith.constant 6.400000e+01 : f32
    %div3A_30 = vector.broadcast %div3A_29 : f32 to vector<2048x1xf32>
    %div3A_31 = arith.divf %broadcast_in_dim3A_28, %div3A_30 : vector<2048x1xf32>
    %sub3A_32 = vector.broadcast %div3A_24 : vector<2048x1xf32> to vector<2048x64xf32>
    %sub3A_33 = arith.subf %max3A_15, %sub3A_32 : vector<2048x64xf32>
    %add3A_34 = arith.constant 9.99999974E-6 : f32
    %add3A_35 = vector.broadcast %add3A_34 : f32 to vector<2048x1xf32>
    %add3A_36 = arith.addf %div3A_31, %add3A_35 : vector<2048x1xf32>
    %sqrt3A = math.sqrt %add3A_36 : vector<2048x1xf32>
    %div3A_37 = vector.broadcast %sqrt3A : vector<2048x1xf32> to vector<2048x64xf32>
    %div3A_38 = arith.divf %sub3A_33, %div3A_37 : vector<2048x64xf32>
    %mul3A_39 = vector.broadcast %get3A_18 : vector<1x64xf32> to vector<2048x64xf32>
    %mul3A_40 = arith.mulf %div3A_38, %mul3A_39 : vector<2048x64xf32>
    %add3A_41 = vector.broadcast %get3A_21 : vector<1x64xf32> to vector<2048x64xf32>
    %add3A_42 = arith.addf %mul3A_40, %add3A_41 : vector<2048x64xf32>
    %get3A_43 = arith.constant 0 : index
    %get3A_44 = arith.constant 0 : index
    %get3A_45 = vector.load %arg0[%get3A_43, %get3A_44] : memref<2048x2xf32, #tpu.memory_space<vmem>>, vector<2048x2xf32>
    %get3A_46 = arith.constant 0 : index
    %get3A_47 = arith.constant 0 : index
    %get3A_48 = vector.load %arg1[%get3A_46, %get3A_47] : memref<2048x1xf32, #tpu.memory_space<vmem>>, vector<2048x1xf32>
    %get3A_49 = arith.constant 0 : index
    %get3A_50 = arith.constant 0 : index
    %get3A_51 = vector.load %arg2[%get3A_49, %get3A_50] : memref<2048x1xf32, #tpu.memory_space<vmem>>, vector<2048x1xf32>
    %get3A_52 = arith.constant 0 : index
    %get3A_53 = arith.constant 0 : index
    %get3A_54 = vector.load %arg3[%get3A_52, %get3A_53] : memref<2048x1xf32, #tpu.memory_space<vmem>>, vector<2048x1xf32>
    %get3A_55 = arith.constant 0 : index
    %get3A_56 = arith.constant 0 : index
    %get3A_57 = vector.load %arg4[%get3A_55, %get3A_56] : memref<2048x1xf32, #tpu.memory_space<vmem>>, vector<2048x1xf32>
    %concatenate3A = tpu.concatenate %get3A_45, %get3A_48, %get3A_51, %get3A_54, %get3A_57, %add3A_42 in 1 : vector<2048x2xf32>, vector<2048x1xf32>, vector<2048x1xf32>, vector<2048x1xf32>, vector<2048x1xf32>, vector<2048x64xf32> -> vector<2048x70xf32>
    %slice3A = vector.extract_strided_slice %add3A_42 {offsets = [0, 61], sizes = [2048, 3], strides = [1, 1]} : vector<2048x64xf32> to vector<2048x3xf32>
    %get3A_58 = arith.constant 0 : index
    %get3A_59 = arith.constant 0 : index
    %get3A_60 = vector.load %arg10[%get3A_58, %get3A_59] : memref<3x64xf32, #tpu.memory_space<vmem>>, vector<3x64xf32>
    %convert_element_type3A_61 = arith.truncf %slice3A : vector<2048x3xf32> to vector<2048x3xbf16>
    %convert_element_type3A_62 = arith.truncf %get3A_60 : vector<3x64xf32> to vector<3x64xbf16>
    %dot_general3A = arith.constant dense<0.000000e+00> : vector<2048x64xf32>
    %dot_general3A_63 = tpu.matmul %convert_element_type3A_61, %convert_element_type3A_62, %dot_general3A {dimension_numbers = #tpu.dot_dimension_numbers<[1], [0], [0], [1], [0, 0, 1, 1], [], []>, transpose_lhs_hint = false} : vector<2048x3xbf16>, vector<3x64xbf16>, vector<2048x64xf32> -> vector<2048x64xf32>
    %get3A_64 = arith.constant 0 : index
    %get3A_65 = arith.constant 0 : index
    %get3A_66 = vector.load %arg11[%get3A_64, %get3A_65] : memref<1x64xf32, #tpu.memory_space<vmem>>, vector<1x64xf32>
    %add3A_67 = vector.broadcast %get3A_66 : vector<1x64xf32> to vector<2048x64xf32>
    %add3A_68 = arith.addf %dot_general3A_63, %add3A_67 : vector<2048x64xf32>
    %max3A_69 = arith.constant 0.000000e+00 : f32
    %max3A_70 = vector.broadcast %max3A_69 : f32 to vector<2048x64xf32>
    %max3A_71 = arith.maximumf %add3A_68, %max3A_70 : vector<2048x64xf32>
    %get3A_72 = arith.constant 0 : index
    %get3A_73 = arith.constant 0 : index
    %get3A_74 = vector.load %arg12[%get3A_72, %get3A_73] : memref<1x64xf32, #tpu.memory_space<vmem>>, vector<1x64xf32>
    %get3A_75 = arith.constant 0 : index
    %get3A_76 = arith.constant 0 : index
    %get3A_77 = vector.load %arg13[%get3A_75, %get3A_76] : memref<1x64xf32, #tpu.memory_space<vmem>>, vector<1x64xf32>
    %reduce_sum3A_78 = arith.constant dense<0.000000e+00> : vector<2048xf32>
    %reduce_sum3A_79 = vector.multi_reduction <add>, %max3A_71, %reduce_sum3A_78 [1] : vector<2048x64xf32> to vector<2048xf32>
    %broadcast_in_dim3A_80 = vector.shape_cast %reduce_sum3A_79 : vector<2048xf32> to vector<2048x1xf32>
    %div3A_81 = arith.constant 6.400000e+01 : f32
    %div3A_82 = vector.broadcast %div3A_81 : f32 to vector<2048x1xf32>
    %div3A_83 = arith.divf %broadcast_in_dim3A_80, %div3A_82 : vector<2048x1xf32>
    %sub3A_84 = vector.broadcast %div3A_83 : vector<2048x1xf32> to vector<2048x64xf32>
    %sub3A_85 = arith.subf %max3A_71, %sub3A_84 : vector<2048x64xf32>
    %integer_pow3A_86 = arith.mulf %sub3A_85, %sub3A_85 : vector<2048x64xf32>
    %reduce_sum3A_87 = arith.constant dense<0.000000e+00> : vector<2048xf32>
    %reduce_sum3A_88 = vector.multi_reduction <add>, %integer_pow3A_86, %reduce_sum3A_87 [1] : vector<2048x64xf32> to vector<2048xf32>
    %broadcast_in_dim3A_89 = vector.shape_cast %reduce_sum3A_88 : vector<2048xf32> to vector<2048x1xf32>
    %div3A_90 = arith.constant 6.400000e+01 : f32
    %div3A_91 = vector.broadcast %div3A_90 : f32 to vector<2048x1xf32>
    %div3A_92 = arith.divf %broadcast_in_dim3A_89, %div3A_91 : vector<2048x1xf32>
    %sub3A_93 = vector.broadcast %div3A_83 : vector<2048x1xf32> to vector<2048x64xf32>
    %sub3A_94 = arith.subf %max3A_71, %sub3A_93 : vector<2048x64xf32>
    %add3A_95 = arith.constant 9.99999974E-6 : f32
    %add3A_96 = vector.broadcast %add3A_95 : f32 to vector<2048x1xf32>
    %add3A_97 = arith.addf %div3A_92, %add3A_96 : vector<2048x1xf32>
    %sqrt3A_98 = math.sqrt %add3A_97 : vector<2048x1xf32>
    %div3A_99 = vector.broadcast %sqrt3A_98 : vector<2048x1xf32> to vector<2048x64xf32>
    %div3A_100 = arith.divf %sub3A_94, %div3A_99 : vector<2048x64xf32>
    %mul3A_101 = vector.broadcast %get3A_74 : vector<1x64xf32> to vector<2048x64xf32>
    %mul3A_102 = arith.mulf %div3A_100, %mul3A_101 : vector<2048x64xf32>
    %add3A_103 = vector.broadcast %get3A_77 : vector<1x64xf32> to vector<2048x64xf32>
    %add3A_104 = arith.addf %mul3A_102, %add3A_103 : vector<2048x64xf32>
    %get3A_105 = arith.constant 0 : index
    %get3A_106 = arith.constant 0 : index
    %get3A_107 = vector.load %arg14[%get3A_105, %get3A_106] : memref<70x64xf32, #tpu.memory_space<vmem>>, vector<70x64xf32>
    %convert_element_type3A_108 = arith.truncf %concatenate3A : vector<2048x70xf32> to vector<2048x70xbf16>
    %convert_element_type3A_109 = arith.truncf %get3A_107 : vector<70x64xf32> to vector<70x64xbf16>
    %dot_general3A_110 = arith.constant dense<0.000000e+00> : vector<2048x64xf32>
    %dot_general3A_111 = tpu.matmul %convert_element_type3A_108, %convert_element_type3A_109, %dot_general3A_110 {dimension_numbers = #tpu.dot_dimension_numbers<[1], [0], [0], [1], [0, 0, 1, 1], [], []>, transpose_lhs_hint = false} : vector<2048x70xbf16>, vector<70x64xbf16>, vector<2048x64xf32> -> vector<2048x64xf32>
    %get3A_112 = arith.constant 0 : index
    %get3A_113 = arith.constant 0 : index
    %get3A_114 = vector.load %arg15[%get3A_112, %get3A_113] : memref<1x64xf32, #tpu.memory_space<vmem>>, vector<1x64xf32>
    %add3A_115 = vector.broadcast %get3A_114 : vector<1x64xf32> to vector<2048x64xf32>
    %add3A_116 = arith.addf %dot_general3A_111, %add3A_115 : vector<2048x64xf32>
    %swap3A = arith.constant 0 : index
    %swap3A_117 = arith.constant 0 : index
    %swap3A_118 = vector.load %arg86[%swap3A, %swap3A_117] : memref<2048x64xf32, #tpu.memory_space<vmem>>, vector<2048x64xf32>
    tpu.vector_store %arg86[%swap3A, %swap3A_117], %add3A_116 {strides = array<i32>} : memref<2048x64xf32, #tpu.memory_space<vmem>>, vector<2048x64xf32>,
    %get3A_119 = arith.constant 0 : index
    %get3A_120 = arith.constant 0 : index
    %get3A_121 = vector.load %arg16[%get3A_119, %get3A_120] : memref<70x64xf32, #tpu.memory_space<vmem>>, vector<70x64xf32>
    %convert_element_type3A_122 = arith.truncf %concatenate3A : vector<2048x70xf32> to vector<2048x70xbf16>
    %convert_element_type3A_123 = arith.truncf %get3A_121 : vector<70x64xf32> to vector<70x64xbf16>
    %dot_general3A_124 = arith.constant dense<0.000000e+00> : vector<2048x64xf32>
    %dot_general3A_125 = tpu.matmul %convert_element_type3A_122, %convert_element_type3A_123, %dot_general3A_124 {dimension_numbers = #tpu.dot_dimension_numbers<[1], [0], [0], [1], [0, 0, 1, 1], [], []>, transpose_lhs_hint = false} : vector<2048x70xbf16>, vector<70x64xbf16>, vector<2048x64xf32> -> vector<2048x64xf32>
    %get3A_126 = arith.constant 0 : index
    %get3A_127 = arith.constant 0 : index
    %get3A_128 = vector.load %arg17[%get3A_126, %get3A_127] : memref<1x64xf32, #tpu.memory_space<vmem>>, vector<1x64xf32>
    %add3A_129 = vector.broadcast %get3A_128 : vector<1x64xf32> to vector<2048x64xf32>
    %add3A_130 = arith.addf %dot_general3A_125, %add3A_129 : vector<2048x64xf32>
    %swap3A_131 = arith.constant 0 : index
    %swap3A_132 = arith.constant 0 : index
    %swap3A_133 = vector.load %arg82[%swap3A_131, %swap3A_132] : memref<2048x64xf32, #tpu.memory_space<vmem>>, vector<2048x64xf32>
    tpu.vector_store %arg82[%swap3A_131, %swap3A_132], %add3A_130 {strides = array<i32>} : memref<2048x64xf32, #tpu.memory_space<vmem>>, vector<2048x64xf32>,
    %get3A_134 = arith.constant 0 : index
    %get3A_135 = arith.constant 0 : index
    %get3A_136 = vector.load %arg18[%get3A_134, %get3A_135] : memref<70x64xf32, #tpu.memory_space<vmem>>, vector<70x64xf32>
    %convert_element_type3A_137 = arith.truncf %concatenate3A : vector<2048x70xf32> to vector<2048x70xbf16>
    %convert_element_type3A_138 = arith.truncf %get3A_136 : vector<70x64xf32> to vector<70x64xbf16>
    %dot_general3A_139 = arith.constant dense<0.000000e+00> : vector<2048x64xf32>
    %dot_general3A_140 = tpu.matmul %convert_element_type3A_137, %convert_element_type3A_138, %dot_general3A_139 {dimension_numbers = #tpu.dot_dimension_numbers<[1], [0], [0], [1], [0, 0, 1, 1], [], []>, transpose_lhs_hint = false} : vector<2048x70xbf16>, vector<70x64xbf16>, vector<2048x64xf32> -> vector<2048x64xf32>
    %get3A_141 = arith.constant 0 : index
    %get3A_142 = arith.constant 0 : index
    %get3A_143 = vector.load %arg19[%get3A_141, %get3A_142] : memref<1x64xf32, #tpu.memory_space<vmem>>, vector<1x64xf32>
    %add3A_144 = vector.broadcast %get3A_143 : vector<1x64xf32> to vector<2048x64xf32>
    %add3A_145 = arith.addf %dot_general3A_140, %add3A_144 : vector<2048x64xf32>
    %swap3A_146 = arith.constant 0 : index
    %swap3A_147 = arith.constant 0 : index
    %swap3A_148 = vector.load %arg83[%swap3A_146, %swap3A_147] : memref<2048x64xf32, #tpu.memory_space<vmem>>, vector<2048x64xf32>
    tpu.vector_store %arg83[%swap3A_146, %swap3A_147], %add3A_145 {strides = array<i32>} : memref<2048x64xf32, #tpu.memory_space<vmem>>, vector<2048x64xf32>,
    %get3A_149 = arith.constant 0 : index
    %get3A_150 = arith.constant 0 : index
    %get3A_151 = vector.load %arg20[%get3A_149, %get3A_150] : memref<70x64xf32, #tpu.memory_space<vmem>>, vector<70x64xf32>
    %convert_element_type3A_152 = arith.truncf %concatenate3A : vector<2048x70xf32> to vector<2048x70xbf16>
    %convert_element_type3A_153 = arith.truncf %get3A_151 : vector<70x64xf32> to vector<70x64xbf16>
    %dot_general3A_154 = arith.constant dense<0.000000e+00> : vector<2048x64xf32>
    %dot_general3A_155 = tpu.matmul %convert_element_type3A_152, %convert_element_type3A_153, %dot_general3A_154 {dimension_numbers = #tpu.dot_dimension_numbers<[1], [0], [0], [1], [0, 0, 1, 1], [], []>, transpose_lhs_hint = false} : vector<2048x70xbf16>, vector<70x64xbf16>, vector<2048x64xf32> -> vector<2048x64xf32>
    %get3A_156 = arith.constant 0 : index
    %get3A_157 = arith.constant 0 : index
    %get3A_158 = vector.load %arg21[%get3A_156, %get3A_157] : memref<1x64xf32, #tpu.memory_space<vmem>>, vector<1x64xf32>
    %add3A_159 = vector.broadcast %get3A_158 : vector<1x64xf32> to vector<2048x64xf32>
    %add3A_160 = arith.addf %dot_general3A_155, %add3A_159 : vector<2048x64xf32>
    %swap3A_161 = arith.constant 0 : index
    %swap3A_162 = arith.constant 0 : index
    %swap3A_163 = vector.load %arg84[%swap3A_161, %swap3A_162] : memref<2048x64xf32, #tpu.memory_space<vmem>>, vector<2048x64xf32>
    tpu.vector_store %arg84[%swap3A_161, %swap3A_162], %add3A_160 {strides = array<i32>} : memref<2048x64xf32, #tpu.memory_space<vmem>>, vector<2048x64xf32>,
    %get3A_164 = arith.constant 0 : index
    %get3A_165 = arith.constant 0 : index
    %get3A_166 = vector.load %arg22[%get3A_164, %get3A_165] : memref<70x64xf32, #tpu.memory_space<vmem>>, vector<70x64xf32>
    %convert_element_type3A_167 = arith.truncf %concatenate3A : vector<2048x70xf32> to vector<2048x70xbf16>
    %convert_element_type3A_168 = arith.truncf %get3A_166 : vector<70x64xf32> to vector<70x64xbf16>
    %dot_general3A_169 = arith.constant dense<0.000000e+00> : vector<2048x64xf32>
    %dot_general3A_170 = tpu.matmul %convert_element_type3A_167, %convert_element_type3A_168, %dot_general3A_169 {dimension_numbers = #tpu.dot_dimension_numbers<[1], [0], [0], [1], [0, 0, 1, 1], [], []>, transpose_lhs_hint = false} : vector<2048x70xbf16>, vector<70x64xbf16>, vector<2048x64xf32> -> vector<2048x64xf32>
    %get3A_171 = arith.constant 0 : index
    %get3A_172 = arith.constant 0 : index
    %get3A_173 = vector.load %arg23[%get3A_171, %get3A_172] : memref<1x64xf32, #tpu.memory_space<vmem>>, vector<1x64xf32>
    %add3A_174 = vector.broadcast %get3A_173 : vector<1x64xf32> to vector<2048x64xf32>
    %add3A_175 = arith.addf %dot_general3A_170, %add3A_174 : vector<2048x64xf32>
    %swap3A_176 = arith.constant 0 : index
    %swap3A_177 = arith.constant 0 : index
    %swap3A_178 = vector.load %arg85[%swap3A_176, %swap3A_177] : memref<2048x64xf32, #tpu.memory_space<vmem>>, vector<2048x64xf32>
    tpu.vector_store %arg85[%swap3A_176, %swap3A_177], %add3A_175 {strides = array<i32>} : memref<2048x64xf32, #tpu.memory_space<vmem>>, vector<2048x64xf32>,
    %scan3A = arith.constant 0 : i32
    %scan3A_179 = arith.constant 8 : i32
    %scan3A_180 = arith.addi %scan3A, %scan3A_179 : i32
    %scan3A_181 = arith.constant 1 : i32
    scf.for %scan3A_684 = %scan3A to %scan3A_180 step %scan3A_181  : i32 {
      %mul3A_685 = arith.constant 256 : i32
      %mul3A_686 = arith.muli %scan3A_684, %mul3A_685 : i32
      %get3A_687 = arith.index_cast %mul3A_686 : i32 to index
      %get3A_688 = arith.constant 0 : index
      %get3A_689 = vector.load %arg82[%get3A_687, %get3A_688] : memref<2048x64xf32, #tpu.memory_space<vmem>>, vector<256x64xf32>
      %get3A_690 = arith.constant 0 : index
      %get3A_691 = arith.constant 0 : index
      %get3A_692 = vector.load %arg83[%get3A_690, %get3A_691] : memref<2048x64xf32, #tpu.memory_space<vmem>>, vector<2048x64xf32>
      %convert_element_type3A_693 = arith.truncf %get3A_689 : vector<256x64xf32> to vector<256x64xbf16>
      %convert_element_type3A_694 = arith.extf %convert_element_type3A_693 : vector<256x64xbf16> to vector<256x64xf32>
      %sub3A_695 = arith.subf %get3A_689, %convert_element_type3A_694 : vector<256x64xf32>
      %convert_element_type3A_696 = arith.truncf %sub3A_695 : vector<256x64xf32> to vector<256x64xbf16>
      %convert_element_type3A_697 = arith.truncf %get3A_692 : vector<2048x64xf32> to vector<2048x64xbf16>
      %convert_element_type3A_698 = arith.extf %convert_element_type3A_697 : vector<2048x64xbf16> to vector<2048x64xf32>
      %sub3A_699 = arith.subf %get3A_692, %convert_element_type3A_698 : vector<2048x64xf32>
      %convert_element_type3A_700 = arith.truncf %sub3A_699 : vector<2048x64xf32> to vector<2048x64xbf16>
      %dot_general3A_701 = arith.constant dense<0.000000e+00> : vector<256x2048xf32>
      %dot_general3A_702 = tpu.matmul %convert_element_type3A_693, %convert_element_type3A_697, %dot_general3A_701 {dimension_numbers = #tpu.dot_dimension_numbers<[1], [1], [0], [0], [0, 0, 1, 0], [], []>, transpose_lhs_hint = false} : vector<256x64xbf16>, vector<2048x64xbf16>, vector<256x2048xf32> -> vector<256x2048xf32>
      %dot_general3A_703 = arith.constant dense<0.000000e+00> : vector<256x2048xf32>
      %dot_general3A_704 = tpu.matmul %convert_element_type3A_693, %convert_element_type3A_700, %dot_general3A_703 {dimension_numbers = #tpu.dot_dimension_numbers<[1], [1], [0], [0], [0, 0, 1, 0], [], []>, transpose_lhs_hint = false} : vector<256x64xbf16>, vector<2048x64xbf16>, vector<256x2048xf32> -> vector<256x2048xf32>
      %dot_general3A_705 = arith.constant dense<0.000000e+00> : vector<256x2048xf32>
      %dot_general3A_706 = tpu.matmul %convert_element_type3A_696, %convert_element_type3A_697, %dot_general3A_705 {dimension_numbers = #tpu.dot_dimension_numbers<[1], [1], [0], [0], [0, 0, 1, 0], [], []>, transpose_lhs_hint = false} : vector<256x64xbf16>, vector<2048x64xbf16>, vector<256x2048xf32> -> vector<256x2048xf32>
      %add3A_707 = arith.addf %dot_general3A_704, %dot_general3A_706 : vector<256x2048xf32>
      %add3A_708 = arith.addf %dot_general3A_702, %add3A_707 : vector<256x2048xf32>
      %mul3A_709 = arith.constant 1.250000e-01 : f32
      %mul3A_710 = vector.broadcast %mul3A_709 : f32 to vector<256x2048xf32>
      %mul3A_711 = arith.mulf %add3A_708, %mul3A_710 : vector<256x2048xf32>
      %get3A_712 = arith.index_cast %mul3A_686 : i32 to index
      %get3A_713 = arith.constant 0 : index
      %get3A_714 = vector.load %arg5[%get3A_712, %get3A_713] : memref<2048x2048xf32, #tpu.memory_space<vmem>>, vector<256x2048xf32>
      %gt3A = arith.constant 0.000000e+00 : f32
      %gt3A_715 = vector.broadcast %gt3A : f32 to vector<256x2048xf32>
      %gt3A_716 = arith.cmpf ogt, %get3A_714, %gt3A_715 : vector<256x2048xf32>
      %jit3A = arith.constant -1.000000e+30 : f32
      %broadcast_in_dim3A_717 = vector.broadcast %jit3A : f32 to vector<256x2048xf32>
      %select_n3A = arith.select %gt3A_716, %mul3A_711, %broadcast_in_dim3A_717 : vector<256x2048xi1>, vector<256x2048xf32>
      %reduce_max3A = arith.constant dense<0xFF800000> : vector<256xf32>
      %reduce_max3A_718 = vector.multi_reduction <maximumf>, %select_n3A, %reduce_max3A [1] : vector<256x2048xf32> to vector<256xf32>
      %broadcast_in_dim3A_719 = vector.shape_cast %reduce_max3A_718 : vector<256xf32> to vector<256x1xf32>
      %lt3A = arith.constant -9.000000e+29 : f32
      %lt3A_720 = vector.broadcast %lt3A : f32 to vector<256x1xf32>
      %lt3A_721 = arith.cmpf olt, %broadcast_in_dim3A_719, %lt3A_720 : vector<256x1xf32>
      %jit3A_722 = arith.constant 0.000000e+00 : f32
      %broadcast_in_dim3A_723 = vector.broadcast %jit3A_722 : f32 to vector<256x1xf32>
      %select_n3A_724 = arith.select %lt3A_721, %broadcast_in_dim3A_723, %broadcast_in_dim3A_719 : vector<256x1xi1>, vector<256x1xf32>
      %sub3A_725 = vector.broadcast %select_n3A_724 : vector<256x1xf32> to vector<256x2048xf32>
      %sub3A_726 = arith.subf %mul3A_711, %sub3A_725 : vector<256x2048xf32>
      %min3A = arith.constant 0.000000e+00 : f32
      %min3A_727 = vector.broadcast %min3A : f32 to vector<256x2048xf32>
      %min3A_728 = arith.minimumf %sub3A_726, %min3A_727 : vector<256x2048xf32>
      %exp3A = math.exp %min3A_728 : vector<256x2048xf32>
      %mul3A_729 = arith.mulf %get3A_714, %exp3A : vector<256x2048xf32>
      %reduce_sum3A_730 = arith.constant dense<0.000000e+00> : vector<256xf32>
      %reduce_sum3A_731 = vector.multi_reduction <add>, %mul3A_729, %reduce_sum3A_730 [1] : vector<256x2048xf32> to vector<256xf32>
      %broadcast_in_dim3A_732 = vector.shape_cast %reduce_sum3A_731 : vector<256xf32> to vector<256x1xf32>
      %add3A_733 = arith.constant 1.000000e-16 : f32
      %add3A_734 = vector.broadcast %add3A_733 : f32 to vector<256x1xf32>
      %add3A_735 = arith.addf %broadcast_in_dim3A_732, %add3A_734 : vector<256x1xf32>
      %get3A_736 = arith.constant 0 : index
      %get3A_737 = arith.constant 0 : index
      %get3A_738 = vector.load %arg84[%get3A_736, %get3A_737] : memref<2048x64xf32, #tpu.memory_space<vmem>>, vector<2048x64xf32>
      %convert_element_type3A_739 = arith.truncf %mul3A_729 : vector<256x2048xf32> to vector<256x2048xbf16>
      %convert_element_type3A_740 = arith.extf %convert_element_type3A_739 : vector<256x2048xbf16> to vector<256x2048xf32>
      %sub3A_741 = arith.subf %mul3A_729, %convert_element_type3A_740 : vector<256x2048xf32>
      %convert_element_type3A_742 = arith.truncf %sub3A_741 : vector<256x2048xf32> to vector<256x2048xbf16>
      %convert_element_type3A_743 = arith.truncf %get3A_738 : vector<2048x64xf32> to vector<2048x64xbf16>
      %convert_element_type3A_744 = arith.extf %convert_element_type3A_743 : vector<2048x64xbf16> to vector<2048x64xf32>
      %sub3A_745 = arith.subf %get3A_738, %convert_element_type3A_744 : vector<2048x64xf32>
      %convert_element_type3A_746 = arith.truncf %sub3A_745 : vector<2048x64xf32> to vector<2048x64xbf16>
      %dot_general3A_747 = arith.constant dense<0.000000e+00> : vector<256x64xf32>
      %dot_general3A_748 = tpu.matmul %convert_element_type3A_739, %convert_element_type3A_743, %dot_general3A_747 {dimension_numbers = #tpu.dot_dimension_numbers<[1], [0], [0], [1], [0, 0, 1, 1], [], []>, transpose_lhs_hint = false} : vector<256x2048xbf16>, vector<2048x64xbf16>, vector<256x64xf32> -> vector<256x64xf32>
      %dot_general3A_749 = arith.constant dense<0.000000e+00> : vector<256x64xf32>
      %dot_general3A_750 = tpu.matmul %convert_element_type3A_739, %convert_element_type3A_746, %dot_general3A_749 {dimension_numbers = #tpu.dot_dimension_numbers<[1], [0], [0], [1], [0, 0, 1, 1], [], []>, transpose_lhs_hint = false} : vector<256x2048xbf16>, vector<2048x64xbf16>, vector<256x64xf32> -> vector<256x64xf32>
      %dot_general3A_751 = arith.constant dense<0.000000e+00> : vector<256x64xf32>
      %dot_general3A_752 = tpu.matmul %convert_element_type3A_742, %convert_element_type3A_743, %dot_general3A_751 {dimension_numbers = #tpu.dot_dimension_numbers<[1], [0], [0], [1], [0, 0, 1, 1], [], []>, transpose_lhs_hint = false} : vector<256x2048xbf16>, vector<2048x64xbf16>, vector<256x64xf32> -> vector<256x64xf32>
      %add3A_753 = arith.addf %dot_general3A_750, %dot_general3A_752 : vector<256x64xf32>
      %add3A_754 = arith.addf %dot_general3A_748, %add3A_753 : vector<256x64xf32>
      %div3A_755 = arith.constant 1.000000e+00 : f32
      %div3A_756 = vector.broadcast %div3A_755 : f32 to vector<256x1xf32>
      %div3A_757 = arith.divf %div3A_756, %add3A_735 : vector<256x1xf32>
      %mul3A_758 = vector.broadcast %div3A_757 : vector<256x1xf32> to vector<256x64xf32>
      %mul3A_759 = arith.mulf %add3A_754, %mul3A_758 : vector<256x64xf32>
      %get3A_760 = arith.index_cast %mul3A_686 : i32 to index
      %get3A_761 = arith.constant 0 : index
      %get3A_762 = vector.load %arg85[%get3A_760, %get3A_761] : memref<2048x64xf32, #tpu.memory_space<vmem>>, vector<256x64xf32>
      %add3A_763 = arith.addf %mul3A_759, %get3A_762 : vector<256x64xf32>
      %max3A_764 = arith.constant 0.000000e+00 : f32
      %max3A_765 = vector.broadcast %max3A_764 : f32 to vector<256x64xf32>
      %max3A_766 = arith.maximumf %add3A_763, %max3A_765 : vector<256x64xf32>
      %get3A_767 = arith.index_cast %mul3A_686 : i32 to index
      %get3A_768 = arith.constant 0 : index
      %get3A_769 = vector.load %arg86[%get3A_767, %get3A_768] : memref<2048x64xf32, #tpu.memory_space<vmem>>, vector<256x64xf32>
      %add3A_770 = arith.addf %max3A_766, %get3A_769 : vector<256x64xf32>
      %swap3A_771 = arith.index_cast %mul3A_686 : i32 to index
      %swap3A_772 = arith.constant 0 : index
      %swap3A_773 = vector.load %arg81[%swap3A_771, %swap3A_772] : memref<2048x64xf32, #tpu.memory_space<vmem>>, vector<256x64xf32>
      tpu.vector_store %arg81[%swap3A_771, %swap3A_772], %add3A_770 {strides = array<i32>} : memref<2048x64xf32, #tpu.memory_space<vmem>>, vector<256x64xf32>,
    }
    %scan3A_182 = arith.constant 8 : i32
    %get3A_183 = arith.constant 0 : index
    %get3A_184 = arith.constant 0 : index
    %get3A_185 = vector.load %arg81[%get3A_183, %get3A_184] : memref<2048x64xf32, #tpu.memory_space<vmem>>, vector<2048x64xf32>
    %get3A_186 = arith.constant 0 : index
    %get3A_187 = arith.constant 0 : index
    %get3A_188 = vector.load %arg24[%get3A_186, %get3A_187] : memref<64x64xf32, #tpu.memory_space<vmem>>, vector<64x64xf32>
    %convert_element_type3A_189 = arith.truncf %get3A_185 : vector<2048x64xf32> to vector<2048x64xbf16>
    %convert_element_type3A_190 = arith.truncf %get3A_188 : vector<64x64xf32> to vector<64x64xbf16>
    %dot_general3A_191 = arith.constant dense<0.000000e+00> : vector<2048x64xf32>
    %dot_general3A_192 = tpu.matmul %convert_element_type3A_189, %convert_element_type3A_190, %dot_general3A_191 {dimension_numbers = #tpu.dot_dimension_numbers<[1], [0], [0], [1], [0, 0, 1, 1], [], []>, transpose_lhs_hint = false} : vector<2048x64xbf16>, vector<64x64xbf16>, vector<2048x64xf32> -> vector<2048x64xf32>
    %get3A_193 = arith.constant 0 : index
    %get3A_194 = arith.constant 0 : index
    %get3A_195 = vector.load %arg25[%get3A_193, %get3A_194] : memref<1x64xf32, #tpu.memory_space<vmem>>, vector<1x64xf32>
    %add3A_196 = vector.broadcast %get3A_195 : vector<1x64xf32> to vector<2048x64xf32>
    %add3A_197 = arith.addf %dot_general3A_192, %add3A_196 : vector<2048x64xf32>
    %swap3A_198 = arith.constant 0 : index
    %swap3A_199 = arith.constant 0 : index
    %swap3A_200 = vector.load %arg82[%swap3A_198, %swap3A_199] : memref<2048x64xf32, #tpu.memory_space<vmem>>, vector<2048x64xf32>
    tpu.vector_store %arg82[%swap3A_198, %swap3A_199], %add3A_197 {strides = array<i32>} : memref<2048x64xf32, #tpu.memory_space<vmem>>, vector<2048x64xf32>,
    %get3A_201 = arith.constant 0 : index
    %get3A_202 = arith.constant 0 : index
    %get3A_203 = vector.load %arg26[%get3A_201, %get3A_202] : memref<64x64xf32, #tpu.memory_space<vmem>>, vector<64x64xf32>
    %convert_element_type3A_204 = arith.truncf %get3A_185 : vector<2048x64xf32> to vector<2048x64xbf16>
    %convert_element_type3A_205 = arith.truncf %get3A_203 : vector<64x64xf32> to vector<64x64xbf16>
    %dot_general3A_206 = arith.constant dense<0.000000e+00> : vector<2048x64xf32>
    %dot_general3A_207 = tpu.matmul %convert_element_type3A_204, %convert_element_type3A_205, %dot_general3A_206 {dimension_numbers = #tpu.dot_dimension_numbers<[1], [0], [0], [1], [0, 0, 1, 1], [], []>, transpose_lhs_hint = false} : vector<2048x64xbf16>, vector<64x64xbf16>, vector<2048x64xf32> -> vector<2048x64xf32>
    %get3A_208 = arith.constant 0 : index
    %get3A_209 = arith.constant 0 : index
    %get3A_210 = vector.load %arg27[%get3A_208, %get3A_209] : memref<1x64xf32, #tpu.memory_space<vmem>>, vector<1x64xf32>
    %add3A_211 = vector.broadcast %get3A_210 : vector<1x64xf32> to vector<2048x64xf32>
    %add3A_212 = arith.addf %dot_general3A_207, %add3A_211 : vector<2048x64xf32>
    %swap3A_213 = arith.constant 0 : index
    %swap3A_214 = arith.constant 0 : index
    %swap3A_215 = vector.load %arg83[%swap3A_213, %swap3A_214] : memref<2048x64xf32, #tpu.memory_space<vmem>>, vector<2048x64xf32>
    tpu.vector_store %arg83[%swap3A_213, %swap3A_214], %add3A_212 {strides = array<i32>} : memref<2048x64xf32, #tpu.memory_space<vmem>>, vector<2048x64xf32>,
    %get3A_216 = arith.constant 0 : index
    %get3A_217 = arith.constant 0 : index
    %get3A_218 = vector.load %arg28[%get3A_216, %get3A_217] : memref<64x64xf32, #tpu.memory_space<vmem>>, vector<64x64xf32>
    %convert_element_type3A_219 = arith.truncf %get3A_185 : vector<2048x64xf32> to vector<2048x64xbf16>
    %convert_element_type3A_220 = arith.truncf %get3A_218 : vector<64x64xf32> to vector<64x64xbf16>
    %dot_general3A_221 = arith.constant dense<0.000000e+00> : vector<2048x64xf32>
    %dot_general3A_222 = tpu.matmul %convert_element_type3A_219, %convert_element_type3A_220, %dot_general3A_221 {dimension_numbers = #tpu.dot_dimension_numbers<[1], [0], [0], [1], [0, 0, 1, 1], [], []>, transpose_lhs_hint = false} : vector<2048x64xbf16>, vector<64x64xbf16>, vector<2048x64xf32> -> vector<2048x64xf32>
    %get3A_223 = arith.constant 0 : index
    %get3A_224 = arith.constant 0 : index
    %get3A_225 = vector.load %arg29[%get3A_223, %get3A_224] : memref<1x64xf32, #tpu.memory_space<vmem>>, vector<1x64xf32>
    %add3A_226 = vector.broadcast %get3A_225 : vector<1x64xf32> to vector<2048x64xf32>
    %add3A_227 = arith.addf %dot_general3A_222, %add3A_226 : vector<2048x64xf32>
    %swap3A_228 = arith.constant 0 : index
    %swap3A_229 = arith.constant 0 : index
    %swap3A_230 = vector.load %arg84[%swap3A_228, %swap3A_229] : memref<2048x64xf32, #tpu.memory_space<vmem>>, vector<2048x64xf32>
    tpu.vector_store %arg84[%swap3A_228, %swap3A_229], %add3A_227 {strides = array<i32>} : memref<2048x64xf32, #tpu.memory_space<vmem>>, vector<2048x64xf32>,
    %get3A_231 = arith.constant 0 : index
    %get3A_232 = arith.constant 0 : index
    %get3A_233 = vector.load %arg30[%get3A_231, %get3A_232] : memref<64x64xf32, #tpu.memory_space<vmem>>, vector<64x64xf32>
    %convert_element_type3A_234 = arith.truncf %get3A_185 : vector<2048x64xf32> to vector<2048x64xbf16>
    %convert_element_type3A_235 = arith.truncf %get3A_233 : vector<64x64xf32> to vector<64x64xbf16>
    %dot_general3A_236 = arith.constant dense<0.000000e+00> : vector<2048x64xf32>
    %dot_general3A_237 = tpu.matmul %convert_element_type3A_234, %convert_element_type3A_235, %dot_general3A_236 {dimension_numbers = #tpu.dot_dimension_numbers<[1], [0], [0], [1], [0, 0, 1, 1], [], []>, transpose_lhs_hint = false} : vector<2048x64xbf16>, vector<64x64xbf16>, vector<2048x64xf32> -> vector<2048x64xf32>
    %get3A_238 = arith.constant 0 : index
    %get3A_239 = arith.constant 0 : index
    %get3A_240 = vector.load %arg31[%get3A_238, %get3A_239] : memref<1x64xf32, #tpu.memory_space<vmem>>, vector<1x64xf32>
    %add3A_241 = vector.broadcast %get3A_240 : vector<1x64xf32> to vector<2048x64xf32>
    %add3A_242 = arith.addf %dot_general3A_237, %add3A_241 : vector<2048x64xf32>
    %swap3A_243 = arith.constant 0 : index
    %swap3A_244 = arith.constant 0 : index
    %swap3A_245 = vector.load %arg85[%swap3A_243, %swap3A_244] : memref<2048x64xf32, #tpu.memory_space<vmem>>, vector<2048x64xf32>
    tpu.vector_store %arg85[%swap3A_243, %swap3A_244], %add3A_242 {strides = array<i32>} : memref<2048x64xf32, #tpu.memory_space<vmem>>, vector<2048x64xf32>,
    %scan3A_246 = arith.constant 0 : i32
    %scan3A_247 = arith.constant 8 : i32
    %scan3A_248 = arith.addi %scan3A_246, %scan3A_247 : i32
    %scan3A_249 = arith.constant 1 : i32
    scf.for %scan3A_684 = %scan3A_246 to %scan3A_248 step %scan3A_249  : i32 {
      %mul3A_685 = arith.constant 256 : i32
      %mul3A_686 = arith.muli %scan3A_684, %mul3A_685 : i32
      %get3A_687 = arith.index_cast %mul3A_686 : i32 to index
      %get3A_688 = arith.constant 0 : index
      %get3A_689 = vector.load %arg82[%get3A_687, %get3A_688] : memref<2048x64xf32, #tpu.memory_space<vmem>>, vector<256x64xf32>
      %get3A_690 = arith.constant 0 : index
      %get3A_691 = arith.constant 0 : index
      %get3A_692 = vector.load %arg83[%get3A_690, %get3A_691] : memref<2048x64xf32, #tpu.memory_space<vmem>>, vector<2048x64xf32>
      %convert_element_type3A_693 = arith.truncf %get3A_689 : vector<256x64xf32> to vector<256x64xbf16>
      %convert_element_type3A_694 = arith.extf %convert_element_type3A_693 : vector<256x64xbf16> to vector<256x64xf32>
      %sub3A_695 = arith.subf %get3A_689, %convert_element_type3A_694 : vector<256x64xf32>
      %convert_element_type3A_696 = arith.truncf %sub3A_695 : vector<256x64xf32> to vector<256x64xbf16>
      %convert_element_type3A_697 = arith.truncf %get3A_692 : vector<2048x64xf32> to vector<2048x64xbf16>
      %convert_element_type3A_698 = arith.extf %convert_element_type3A_697 : vector<2048x64xbf16> to vector<2048x64xf32>
      %sub3A_699 = arith.subf %get3A_692, %convert_element_type3A_698 : vector<2048x64xf32>
      %convert_element_type3A_700 = arith.truncf %sub3A_699 : vector<2048x64xf32> to vector<2048x64xbf16>
      %dot_general3A_701 = arith.constant dense<0.000000e+00> : vector<256x2048xf32>
      %dot_general3A_702 = tpu.matmul %convert_element_type3A_693, %convert_element_type3A_697, %dot_general3A_701 {dimension_numbers = #tpu.dot_dimension_numbers<[1], [1], [0], [0], [0, 0, 1, 0], [], []>, transpose_lhs_hint = false} : vector<256x64xbf16>, vector<2048x64xbf16>, vector<256x2048xf32> -> vector<256x2048xf32>
      %dot_general3A_703 = arith.constant dense<0.000000e+00> : vector<256x2048xf32>
      %dot_general3A_704 = tpu.matmul %convert_element_type3A_693, %convert_element_type3A_700, %dot_general3A_703 {dimension_numbers = #tpu.dot_dimension_numbers<[1], [1], [0], [0], [0, 0, 1, 0], [], []>, transpose_lhs_hint = false} : vector<256x64xbf16>, vector<2048x64xbf16>, vector<256x2048xf32> -> vector<256x2048xf32>
      %dot_general3A_705 = arith.constant dense<0.000000e+00> : vector<256x2048xf32>
      %dot_general3A_706 = tpu.matmul %convert_element_type3A_696, %convert_element_type3A_697, %dot_general3A_705 {dimension_numbers = #tpu.dot_dimension_numbers<[1], [1], [0], [0], [0, 0, 1, 0], [], []>, transpose_lhs_hint = false} : vector<256x64xbf16>, vector<2048x64xbf16>, vector<256x2048xf32> -> vector<256x2048xf32>
      %add3A_707 = arith.addf %dot_general3A_704, %dot_general3A_706 : vector<256x2048xf32>
      %add3A_708 = arith.addf %dot_general3A_702, %add3A_707 : vector<256x2048xf32>
      %mul3A_709 = arith.constant 1.250000e-01 : f32
      %mul3A_710 = vector.broadcast %mul3A_709 : f32 to vector<256x2048xf32>
      %mul3A_711 = arith.mulf %add3A_708, %mul3A_710 : vector<256x2048xf32>
      %get3A_712 = arith.index_cast %mul3A_686 : i32 to index
      %get3A_713 = arith.constant 0 : index
      %get3A_714 = vector.load %arg5[%get3A_712, %get3A_713] : memref<2048x2048xf32, #tpu.memory_space<vmem>>, vector<256x2048xf32>
      %gt3A = arith.constant 0.000000e+00 : f32
      %gt3A_715 = vector.broadcast %gt3A : f32 to vector<256x2048xf32>
      %gt3A_716 = arith.cmpf ogt, %get3A_714, %gt3A_715 : vector<256x2048xf32>
      %jit3A = arith.constant -1.000000e+30 : f32
      %broadcast_in_dim3A_717 = vector.broadcast %jit3A : f32 to vector<256x2048xf32>
      %select_n3A = arith.select %gt3A_716, %mul3A_711, %broadcast_in_dim3A_717 : vector<256x2048xi1>, vector<256x2048xf32>
      %reduce_max3A = arith.constant dense<0xFF800000> : vector<256xf32>
      %reduce_max3A_718 = vector.multi_reduction <maximumf>, %select_n3A, %reduce_max3A [1] : vector<256x2048xf32> to vector<256xf32>
      %broadcast_in_dim3A_719 = vector.shape_cast %reduce_max3A_718 : vector<256xf32> to vector<256x1xf32>
      %lt3A = arith.constant -9.000000e+29 : f32
      %lt3A_720 = vector.broadcast %lt3A : f32 to vector<256x1xf32>
      %lt3A_721 = arith.cmpf olt, %broadcast_in_dim3A_719, %lt3A_720 : vector<256x1xf32>
      %jit3A_722 = arith.constant 0.000000e+00 : f32
      %broadcast_in_dim3A_723 = vector.broadcast %jit3A_722 : f32 to vector<256x1xf32>
      %select_n3A_724 = arith.select %lt3A_721, %broadcast_in_dim3A_723, %broadcast_in_dim3A_719 : vector<256x1xi1>, vector<256x1xf32>
      %sub3A_725 = vector.broadcast %select_n3A_724 : vector<256x1xf32> to vector<256x2048xf32>
      %sub3A_726 = arith.subf %mul3A_711, %sub3A_725 : vector<256x2048xf32>
      %min3A = arith.constant 0.000000e+00 : f32
      %min3A_727 = vector.broadcast %min3A : f32 to vector<256x2048xf32>
      %min3A_728 = arith.minimumf %sub3A_726, %min3A_727 : vector<256x2048xf32>
      %exp3A = math.exp %min3A_728 : vector<256x2048xf32>
      %mul3A_729 = arith.mulf %get3A_714, %exp3A : vector<256x2048xf32>
      %reduce_sum3A_730 = arith.constant dense<0.000000e+00> : vector<256xf32>
      %reduce_sum3A_731 = vector.multi_reduction <add>, %mul3A_729, %reduce_sum3A_730 [1] : vector<256x2048xf32> to vector<256xf32>
      %broadcast_in_dim3A_732 = vector.shape_cast %reduce_sum3A_731 : vector<256xf32> to vector<256x1xf32>
      %add3A_733 = arith.constant 1.000000e-16 : f32
      %add3A_734 = vector.broadcast %add3A_733 : f32 to vector<256x1xf32>
      %add3A_735 = arith.addf %broadcast_in_dim3A_732, %add3A_734 : vector<256x1xf32>
      %get3A_736 = arith.constant 0 : index
      %get3A_737 = arith.constant 0 : index
      %get3A_738 = vector.load %arg84[%get3A_736, %get3A_737] : memref<2048x64xf32, #tpu.memory_space<vmem>>, vector<2048x64xf32>
      %convert_element_type3A_739 = arith.truncf %mul3A_729 : vector<256x2048xf32> to vector<256x2048xbf16>
      %convert_element_type3A_740 = arith.extf %convert_element_type3A_739 : vector<256x2048xbf16> to vector<256x2048xf32>
      %sub3A_741 = arith.subf %mul3A_729, %convert_element_type3A_740 : vector<256x2048xf32>
      %convert_element_type3A_742 = arith.truncf %sub3A_741 : vector<256x2048xf32> to vector<256x2048xbf16>
      %convert_element_type3A_743 = arith.truncf %get3A_738 : vector<2048x64xf32> to vector<2048x64xbf16>
      %convert_element_type3A_744 = arith.extf %convert_element_type3A_743 : vector<2048x64xbf16> to vector<2048x64xf32>
      %sub3A_745 = arith.subf %get3A_738, %convert_element_type3A_744 : vector<2048x64xf32>
      %convert_element_type3A_746 = arith.truncf %sub3A_745 : vector<2048x64xf32> to vector<2048x64xbf16>
      %dot_general3A_747 = arith.constant dense<0.000000e+00> : vector<256x64xf32>
      %dot_general3A_748 = tpu.matmul %convert_element_type3A_739, %convert_element_type3A_743, %dot_general3A_747 {dimension_numbers = #tpu.dot_dimension_numbers<[1], [0], [0], [1], [0, 0, 1, 1], [], []>, transpose_lhs_hint = false} : vector<256x2048xbf16>, vector<2048x64xbf16>, vector<256x64xf32> -> vector<256x64xf32>
      %dot_general3A_749 = arith.constant dense<0.000000e+00> : vector<256x64xf32>
      %dot_general3A_750 = tpu.matmul %convert_element_type3A_739, %convert_element_type3A_746, %dot_general3A_749 {dimension_numbers = #tpu.dot_dimension_numbers<[1], [0], [0], [1], [0, 0, 1, 1], [], []>, transpose_lhs_hint = false} : vector<256x2048xbf16>, vector<2048x64xbf16>, vector<256x64xf32> -> vector<256x64xf32>
      %dot_general3A_751 = arith.constant dense<0.000000e+00> : vector<256x64xf32>
      %dot_general3A_752 = tpu.matmul %convert_element_type3A_742, %convert_element_type3A_743, %dot_general3A_751 {dimension_numbers = #tpu.dot_dimension_numbers<[1], [0], [0], [1], [0, 0, 1, 1], [], []>, transpose_lhs_hint = false} : vector<256x2048xbf16>, vector<2048x64xbf16>, vector<256x64xf32> -> vector<256x64xf32>
      %add3A_753 = arith.addf %dot_general3A_750, %dot_general3A_752 : vector<256x64xf32>
      %add3A_754 = arith.addf %dot_general3A_748, %add3A_753 : vector<256x64xf32>
      %div3A_755 = arith.constant 1.000000e+00 : f32
      %div3A_756 = vector.broadcast %div3A_755 : f32 to vector<256x1xf32>
      %div3A_757 = arith.divf %div3A_756, %add3A_735 : vector<256x1xf32>
      %mul3A_758 = vector.broadcast %div3A_757 : vector<256x1xf32> to vector<256x64xf32>
      %mul3A_759 = arith.mulf %add3A_754, %mul3A_758 : vector<256x64xf32>
      %get3A_760 = arith.index_cast %mul3A_686 : i32 to index
      %get3A_761 = arith.constant 0 : index
      %get3A_762 = vector.load %arg85[%get3A_760, %get3A_761] : memref<2048x64xf32, #tpu.memory_space<vmem>>, vector<256x64xf32>
      %add3A_763 = arith.addf %mul3A_759, %get3A_762 : vector<256x64xf32>
      %max3A_764 = arith.constant 0.000000e+00 : f32
      %max3A_765 = vector.broadcast %max3A_764 : f32 to vector<256x64xf32>
      %max3A_766 = arith.maximumf %add3A_763, %max3A_765 : vector<256x64xf32>
      %get3A_767 = arith.index_cast %mul3A_686 : i32 to index
      %get3A_768 = arith.constant 0 : index
      %get3A_769 = vector.load %arg81[%get3A_767, %get3A_768] : memref<2048x64xf32, #tpu.memory_space<vmem>>, vector<256x64xf32>
      %add3A_770 = arith.addf %max3A_766, %get3A_769 : vector<256x64xf32>
      %swap3A_771 = arith.index_cast %mul3A_686 : i32 to index
      %swap3A_772 = arith.constant 0 : index
      %swap3A_773 = vector.load %arg80[%swap3A_771, %swap3A_772] : memref<2048x64xf32, #tpu.memory_space<vmem>>, vector<256x64xf32>
      tpu.vector_store %arg80[%swap3A_771, %swap3A_772], %add3A_770 {strides = array<i32>} : memref<2048x64xf32, #tpu.memory_space<vmem>>, vector<256x64xf32>,
    }
    %scan3A_250 = arith.constant 8 : i32
    %get3A_251 = arith.constant 0 : index
    %get3A_252 = arith.constant 0 : index
    %get3A_253 = vector.load %arg80[%get3A_251, %get3A_252] : memref<2048x64xf32, #tpu.memory_space<vmem>>, vector<2048x64xf32>
    %get3A_254 = arith.constant 0 : index
    %get3A_255 = arith.constant 0 : index
    %get3A_256 = vector.load %arg32[%get3A_254, %get3A_255] : memref<64x64xf32, #tpu.memory_space<vmem>>, vector<64x64xf32>
    %convert_element_type3A_257 = arith.truncf %get3A_253 : vector<2048x64xf32> to vector<2048x64xbf16>
    %convert_element_type3A_258 = arith.truncf %get3A_256 : vector<64x64xf32> to vector<64x64xbf16>
    %dot_general3A_259 = arith.constant dense<0.000000e+00> : vector<2048x64xf32>
    %dot_general3A_260 = tpu.matmul %convert_element_type3A_257, %convert_element_type3A_258, %dot_general3A_259 {dimension_numbers = #tpu.dot_dimension_numbers<[1], [0], [0], [1], [0, 0, 1, 1], [], []>, transpose_lhs_hint = false} : vector<2048x64xbf16>, vector<64x64xbf16>, vector<2048x64xf32> -> vector<2048x64xf32>
    %get3A_261 = arith.constant 0 : index
    %get3A_262 = arith.constant 0 : index
    %get3A_263 = vector.load %arg33[%get3A_261, %get3A_262] : memref<1x64xf32, #tpu.memory_space<vmem>>, vector<1x64xf32>
    %add3A_264 = vector.broadcast %get3A_263 : vector<1x64xf32> to vector<2048x64xf32>
    %add3A_265 = arith.addf %dot_general3A_260, %add3A_264 : vector<2048x64xf32>
    %swap3A_266 = arith.constant 0 : index
    %swap3A_267 = arith.constant 0 : index
    %swap3A_268 = vector.load %arg82[%swap3A_266, %swap3A_267] : memref<2048x64xf32, #tpu.memory_space<vmem>>, vector<2048x64xf32>
    tpu.vector_store %arg82[%swap3A_266, %swap3A_267], %add3A_265 {strides = array<i32>} : memref<2048x64xf32, #tpu.memory_space<vmem>>, vector<2048x64xf32>,
    %get3A_269 = arith.constant 0 : index
    %get3A_270 = arith.constant 0 : index
    %get3A_271 = vector.load %arg34[%get3A_269, %get3A_270] : memref<64x64xf32, #tpu.memory_space<vmem>>, vector<64x64xf32>
    %convert_element_type3A_272 = arith.truncf %get3A_253 : vector<2048x64xf32> to vector<2048x64xbf16>
    %convert_element_type3A_273 = arith.truncf %get3A_271 : vector<64x64xf32> to vector<64x64xbf16>
    %dot_general3A_274 = arith.constant dense<0.000000e+00> : vector<2048x64xf32>
    %dot_general3A_275 = tpu.matmul %convert_element_type3A_272, %convert_element_type3A_273, %dot_general3A_274 {dimension_numbers = #tpu.dot_dimension_numbers<[1], [0], [0], [1], [0, 0, 1, 1], [], []>, transpose_lhs_hint = false} : vector<2048x64xbf16>, vector<64x64xbf16>, vector<2048x64xf32> -> vector<2048x64xf32>
    %get3A_276 = arith.constant 0 : index
    %get3A_277 = arith.constant 0 : index
    %get3A_278 = vector.load %arg35[%get3A_276, %get3A_277] : memref<1x64xf32, #tpu.memory_space<vmem>>, vector<1x64xf32>
    %add3A_279 = vector.broadcast %get3A_278 : vector<1x64xf32> to vector<2048x64xf32>
    %add3A_280 = arith.addf %dot_general3A_275, %add3A_279 : vector<2048x64xf32>
    %swap3A_281 = arith.constant 0 : index
    %swap3A_282 = arith.constant 0 : index
    %swap3A_283 = vector.load %arg83[%swap3A_281, %swap3A_282] : memref<2048x64xf32, #tpu.memory_space<vmem>>, vector<2048x64xf32>
    tpu.vector_store %arg83[%swap3A_281, %swap3A_282], %add3A_280 {strides = array<i32>} : memref<2048x64xf32, #tpu.memory_space<vmem>>, vector<2048x64xf32>,
    %get3A_284 = arith.constant 0 : index
    %get3A_285 = arith.constant 0 : index
    %get3A_286 = vector.load %arg36[%get3A_284, %get3A_285] : memref<64x64xf32, #tpu.memory_space<vmem>>, vector<64x64xf32>
    %convert_element_type3A_287 = arith.truncf %get3A_253 : vector<2048x64xf32> to vector<2048x64xbf16>
    %convert_element_type3A_288 = arith.truncf %get3A_286 : vector<64x64xf32> to vector<64x64xbf16>
    %dot_general3A_289 = arith.constant dense<0.000000e+00> : vector<2048x64xf32>
    %dot_general3A_290 = tpu.matmul %convert_element_type3A_287, %convert_element_type3A_288, %dot_general3A_289 {dimension_numbers = #tpu.dot_dimension_numbers<[1], [0], [0], [1], [0, 0, 1, 1], [], []>, transpose_lhs_hint = false} : vector<2048x64xbf16>, vector<64x64xbf16>, vector<2048x64xf32> -> vector<2048x64xf32>
    %get3A_291 = arith.constant 0 : index
    %get3A_292 = arith.constant 0 : index
    %get3A_293 = vector.load %arg37[%get3A_291, %get3A_292] : memref<1x64xf32, #tpu.memory_space<vmem>>, vector<1x64xf32>
    %add3A_294 = vector.broadcast %get3A_293 : vector<1x64xf32> to vector<2048x64xf32>
    %add3A_295 = arith.addf %dot_general3A_290, %add3A_294 : vector<2048x64xf32>
    %swap3A_296 = arith.constant 0 : index
    %swap3A_297 = arith.constant 0 : index
    %swap3A_298 = vector.load %arg84[%swap3A_296, %swap3A_297] : memref<2048x64xf32, #tpu.memory_space<vmem>>, vector<2048x64xf32>
    tpu.vector_store %arg84[%swap3A_296, %swap3A_297], %add3A_295 {strides = array<i32>} : memref<2048x64xf32, #tpu.memory_space<vmem>>, vector<2048x64xf32>,
    %get3A_299 = arith.constant 0 : index
    %get3A_300 = arith.constant 0 : index
    %get3A_301 = vector.load %arg38[%get3A_299, %get3A_300] : memref<64x64xf32, #tpu.memory_space<vmem>>, vector<64x64xf32>
    %convert_element_type3A_302 = arith.truncf %get3A_253 : vector<2048x64xf32> to vector<2048x64xbf16>
    %convert_element_type3A_303 = arith.truncf %get3A_301 : vector<64x64xf32> to vector<64x64xbf16>
    %dot_general3A_304 = arith.constant dense<0.000000e+00> : vector<2048x64xf32>
    %dot_general3A_305 = tpu.matmul %convert_element_type3A_302, %convert_element_type3A_303, %dot_general3A_304 {dimension_numbers = #tpu.dot_dimension_numbers<[1], [0], [0], [1], [0, 0, 1, 1], [], []>, transpose_lhs_hint = false} : vector<2048x64xbf16>, vector<64x64xbf16>, vector<2048x64xf32> -> vector<2048x64xf32>
    %get3A_306 = arith.constant 0 : index
    %get3A_307 = arith.constant 0 : index
    %get3A_308 = vector.load %arg39[%get3A_306, %get3A_307] : memref<1x64xf32, #tpu.memory_space<vmem>>, vector<1x64xf32>
    %add3A_309 = vector.broadcast %get3A_308 : vector<1x64xf32> to vector<2048x64xf32>
    %add3A_310 = arith.addf %dot_general3A_305, %add3A_309 : vector<2048x64xf32>
    %swap3A_311 = arith.constant 0 : index
    %swap3A_312 = arith.constant 0 : index
    %swap3A_313 = vector.load %arg85[%swap3A_311, %swap3A_312] : memref<2048x64xf32, #tpu.memory_space<vmem>>, vector<2048x64xf32>
    tpu.vector_store %arg85[%swap3A_311, %swap3A_312], %add3A_310 {strides = array<i32>} : memref<2048x64xf32, #tpu.memory_space<vmem>>, vector<2048x64xf32>,
    %scan3A_314 = arith.constant 0 : i32
    %scan3A_315 = arith.constant 8 : i32
    %scan3A_316 = arith.addi %scan3A_314, %scan3A_315 : i32
    %scan3A_317 = arith.constant 1 : i32
    scf.for %scan3A_684 = %scan3A_314 to %scan3A_316 step %scan3A_317  : i32 {
      %mul3A_685 = arith.constant 256 : i32
      %mul3A_686 = arith.muli %scan3A_684, %mul3A_685 : i32
      %get3A_687 = arith.index_cast %mul3A_686 : i32 to index
      %get3A_688 = arith.constant 0 : index
      %get3A_689 = vector.load %arg82[%get3A_687, %get3A_688] : memref<2048x64xf32, #tpu.memory_space<vmem>>, vector<256x64xf32>
      %get3A_690 = arith.constant 0 : index
      %get3A_691 = arith.constant 0 : index
      %get3A_692 = vector.load %arg83[%get3A_690, %get3A_691] : memref<2048x64xf32, #tpu.memory_space<vmem>>, vector<2048x64xf32>
      %convert_element_type3A_693 = arith.truncf %get3A_689 : vector<256x64xf32> to vector<256x64xbf16>
      %convert_element_type3A_694 = arith.extf %convert_element_type3A_693 : vector<256x64xbf16> to vector<256x64xf32>
      %sub3A_695 = arith.subf %get3A_689, %convert_element_type3A_694 : vector<256x64xf32>
      %convert_element_type3A_696 = arith.truncf %sub3A_695 : vector<256x64xf32> to vector<256x64xbf16>
      %convert_element_type3A_697 = arith.truncf %get3A_692 : vector<2048x64xf32> to vector<2048x64xbf16>
      %convert_element_type3A_698 = arith.extf %convert_element_type3A_697 : vector<2048x64xbf16> to vector<2048x64xf32>
      %sub3A_699 = arith.subf %get3A_692, %convert_element_type3A_698 : vector<2048x64xf32>
      %convert_element_type3A_700 = arith.truncf %sub3A_699 : vector<2048x64xf32> to vector<2048x64xbf16>
      %dot_general3A_701 = arith.constant dense<0.000000e+00> : vector<256x2048xf32>
      %dot_general3A_702 = tpu.matmul %convert_element_type3A_693, %convert_element_type3A_697, %dot_general3A_701 {dimension_numbers = #tpu.dot_dimension_numbers<[1], [1], [0], [0], [0, 0, 1, 0], [], []>, transpose_lhs_hint = false} : vector<256x64xbf16>, vector<2048x64xbf16>, vector<256x2048xf32> -> vector<256x2048xf32>
      %dot_general3A_703 = arith.constant dense<0.000000e+00> : vector<256x2048xf32>
      %dot_general3A_704 = tpu.matmul %convert_element_type3A_693, %convert_element_type3A_700, %dot_general3A_703 {dimension_numbers = #tpu.dot_dimension_numbers<[1], [1], [0], [0], [0, 0, 1, 0], [], []>, transpose_lhs_hint = false} : vector<256x64xbf16>, vector<2048x64xbf16>, vector<256x2048xf32> -> vector<256x2048xf32>
      %dot_general3A_705 = arith.constant dense<0.000000e+00> : vector<256x2048xf32>
      %dot_general3A_706 = tpu.matmul %convert_element_type3A_696, %convert_element_type3A_697, %dot_general3A_705 {dimension_numbers = #tpu.dot_dimension_numbers<[1], [1], [0], [0], [0, 0, 1, 0], [], []>, transpose_lhs_hint = false} : vector<256x64xbf16>, vector<2048x64xbf16>, vector<256x2048xf32> -> vector<256x2048xf32>
      %add3A_707 = arith.addf %dot_general3A_704, %dot_general3A_706 : vector<256x2048xf32>
      %add3A_708 = arith.addf %dot_general3A_702, %add3A_707 : vector<256x2048xf32>
      %mul3A_709 = arith.constant 1.250000e-01 : f32
      %mul3A_710 = vector.broadcast %mul3A_709 : f32 to vector<256x2048xf32>
      %mul3A_711 = arith.mulf %add3A_708, %mul3A_710 : vector<256x2048xf32>
      %get3A_712 = arith.index_cast %mul3A_686 : i32 to index
      %get3A_713 = arith.constant 0 : index
      %get3A_714 = vector.load %arg5[%get3A_712, %get3A_713] : memref<2048x2048xf32, #tpu.memory_space<vmem>>, vector<256x2048xf32>
      %gt3A = arith.constant 0.000000e+00 : f32
      %gt3A_715 = vector.broadcast %gt3A : f32 to vector<256x2048xf32>
      %gt3A_716 = arith.cmpf ogt, %get3A_714, %gt3A_715 : vector<256x2048xf32>
      %jit3A = arith.constant -1.000000e+30 : f32
      %broadcast_in_dim3A_717 = vector.broadcast %jit3A : f32 to vector<256x2048xf32>
      %select_n3A = arith.select %gt3A_716, %mul3A_711, %broadcast_in_dim3A_717 : vector<256x2048xi1>, vector<256x2048xf32>
      %reduce_max3A = arith.constant dense<0xFF800000> : vector<256xf32>
      %reduce_max3A_718 = vector.multi_reduction <maximumf>, %select_n3A, %reduce_max3A [1] : vector<256x2048xf32> to vector<256xf32>
      %broadcast_in_dim3A_719 = vector.shape_cast %reduce_max3A_718 : vector<256xf32> to vector<256x1xf32>
      %lt3A = arith.constant -9.000000e+29 : f32
      %lt3A_720 = vector.broadcast %lt3A : f32 to vector<256x1xf32>
      %lt3A_721 = arith.cmpf olt, %broadcast_in_dim3A_719, %lt3A_720 : vector<256x1xf32>
      %jit3A_722 = arith.constant 0.000000e+00 : f32
      %broadcast_in_dim3A_723 = vector.broadcast %jit3A_722 : f32 to vector<256x1xf32>
      %select_n3A_724 = arith.select %lt3A_721, %broadcast_in_dim3A_723, %broadcast_in_dim3A_719 : vector<256x1xi1>, vector<256x1xf32>
      %sub3A_725 = vector.broadcast %select_n3A_724 : vector<256x1xf32> to vector<256x2048xf32>
      %sub3A_726 = arith.subf %mul3A_711, %sub3A_725 : vector<256x2048xf32>
      %min3A = arith.constant 0.000000e+00 : f32
      %min3A_727 = vector.broadcast %min3A : f32 to vector<256x2048xf32>
      %min3A_728 = arith.minimumf %sub3A_726, %min3A_727 : vector<256x2048xf32>
      %exp3A = math.exp %min3A_728 : vector<256x2048xf32>
      %mul3A_729 = arith.mulf %get3A_714, %exp3A : vector<256x2048xf32>
      %reduce_sum3A_730 = arith.constant dense<0.000000e+00> : vector<256xf32>
      %reduce_sum3A_731 = vector.multi_reduction <add>, %mul3A_729, %reduce_sum3A_730 [1] : vector<256x2048xf32> to vector<256xf32>
      %broadcast_in_dim3A_732 = vector.shape_cast %reduce_sum3A_731 : vector<256xf32> to vector<256x1xf32>
      %add3A_733 = arith.constant 1.000000e-16 : f32
      %add3A_734 = vector.broadcast %add3A_733 : f32 to vector<256x1xf32>
      %add3A_735 = arith.addf %broadcast_in_dim3A_732, %add3A_734 : vector<256x1xf32>
      %get3A_736 = arith.constant 0 : index
      %get3A_737 = arith.constant 0 : index
      %get3A_738 = vector.load %arg84[%get3A_736, %get3A_737] : memref<2048x64xf32, #tpu.memory_space<vmem>>, vector<2048x64xf32>
      %convert_element_type3A_739 = arith.truncf %mul3A_729 : vector<256x2048xf32> to vector<256x2048xbf16>
      %convert_element_type3A_740 = arith.extf %convert_element_type3A_739 : vector<256x2048xbf16> to vector<256x2048xf32>
      %sub3A_741 = arith.subf %mul3A_729, %convert_element_type3A_740 : vector<256x2048xf32>
      %convert_element_type3A_742 = arith.truncf %sub3A_741 : vector<256x2048xf32> to vector<256x2048xbf16>
      %convert_element_type3A_743 = arith.truncf %get3A_738 : vector<2048x64xf32> to vector<2048x64xbf16>
      %convert_element_type3A_744 = arith.extf %convert_element_type3A_743 : vector<2048x64xbf16> to vector<2048x64xf32>
      %sub3A_745 = arith.subf %get3A_738, %convert_element_type3A_744 : vector<2048x64xf32>
      %convert_element_type3A_746 = arith.truncf %sub3A_745 : vector<2048x64xf32> to vector<2048x64xbf16>
      %dot_general3A_747 = arith.constant dense<0.000000e+00> : vector<256x64xf32>
      %dot_general3A_748 = tpu.matmul %convert_element_type3A_739, %convert_element_type3A_743, %dot_general3A_747 {dimension_numbers = #tpu.dot_dimension_numbers<[1], [0], [0], [1], [0, 0, 1, 1], [], []>, transpose_lhs_hint = false} : vector<256x2048xbf16>, vector<2048x64xbf16>, vector<256x64xf32> -> vector<256x64xf32>
      %dot_general3A_749 = arith.constant dense<0.000000e+00> : vector<256x64xf32>
      %dot_general3A_750 = tpu.matmul %convert_element_type3A_739, %convert_element_type3A_746, %dot_general3A_749 {dimension_numbers = #tpu.dot_dimension_numbers<[1], [0], [0], [1], [0, 0, 1, 1], [], []>, transpose_lhs_hint = false} : vector<256x2048xbf16>, vector<2048x64xbf16>, vector<256x64xf32> -> vector<256x64xf32>
      %dot_general3A_751 = arith.constant dense<0.000000e+00> : vector<256x64xf32>
      %dot_general3A_752 = tpu.matmul %convert_element_type3A_742, %convert_element_type3A_743, %dot_general3A_751 {dimension_numbers = #tpu.dot_dimension_numbers<[1], [0], [0], [1], [0, 0, 1, 1], [], []>, transpose_lhs_hint = false} : vector<256x2048xbf16>, vector<2048x64xbf16>, vector<256x64xf32> -> vector<256x64xf32>
      %add3A_753 = arith.addf %dot_general3A_750, %dot_general3A_752 : vector<256x64xf32>
      %add3A_754 = arith.addf %dot_general3A_748, %add3A_753 : vector<256x64xf32>
      %div3A_755 = arith.constant 1.000000e+00 : f32
      %div3A_756 = vector.broadcast %div3A_755 : f32 to vector<256x1xf32>
      %div3A_757 = arith.divf %div3A_756, %add3A_735 : vector<256x1xf32>
      %mul3A_758 = vector.broadcast %div3A_757 : vector<256x1xf32> to vector<256x64xf32>
      %mul3A_759 = arith.mulf %add3A_754, %mul3A_758 : vector<256x64xf32>
      %get3A_760 = arith.index_cast %mul3A_686 : i32 to index
      %get3A_761 = arith.constant 0 : index
      %get3A_762 = vector.load %arg85[%get3A_760, %get3A_761] : memref<2048x64xf32, #tpu.memory_space<vmem>>, vector<256x64xf32>
      %add3A_763 = arith.addf %mul3A_759, %get3A_762 : vector<256x64xf32>
      %max3A_764 = arith.constant 0.000000e+00 : f32
      %max3A_765 = vector.broadcast %max3A_764 : f32 to vector<256x64xf32>
      %max3A_766 = arith.maximumf %add3A_763, %max3A_765 : vector<256x64xf32>
      %get3A_767 = arith.index_cast %mul3A_686 : i32 to index
      %get3A_768 = arith.constant 0 : index
      %get3A_769 = vector.load %arg80[%get3A_767, %get3A_768] : memref<2048x64xf32, #tpu.memory_space<vmem>>, vector<256x64xf32>
      %add3A_770 = arith.addf %max3A_766, %get3A_769 : vector<256x64xf32>
      %swap3A_771 = arith.index_cast %mul3A_686 : i32 to index
      %swap3A_772 = arith.constant 0 : index
      %swap3A_773 = vector.load %arg81[%swap3A_771, %swap3A_772] : memref<2048x64xf32, #tpu.memory_space<vmem>>, vector<256x64xf32>
      tpu.vector_store %arg81[%swap3A_771, %swap3A_772], %add3A_770 {strides = array<i32>} : memref<2048x64xf32, #tpu.memory_space<vmem>>, vector<256x64xf32>,
    }
    %scan3A_318 = arith.constant 8 : i32
    %get3A_319 = arith.constant 0 : index
    %get3A_320 = arith.constant 0 : index
    %get3A_321 = vector.load %arg81[%get3A_319, %get3A_320] : memref<2048x64xf32, #tpu.memory_space<vmem>>, vector<2048x64xf32>
    %get3A_322 = arith.constant 0 : index
    %get3A_323 = arith.constant 0 : index
    %get3A_324 = vector.load %arg40[%get3A_322, %get3A_323] : memref<64x64xf32, #tpu.memory_space<vmem>>, vector<64x64xf32>
    %convert_element_type3A_325 = arith.truncf %get3A_321 : vector<2048x64xf32> to vector<2048x64xbf16>
    %convert_element_type3A_326 = arith.truncf %get3A_324 : vector<64x64xf32> to vector<64x64xbf16>
    %dot_general3A_327 = arith.constant dense<0.000000e+00> : vector<2048x64xf32>
    %dot_general3A_328 = tpu.matmul %convert_element_type3A_325, %convert_element_type3A_326, %dot_general3A_327 {dimension_numbers = #tpu.dot_dimension_numbers<[1], [0], [0], [1], [0, 0, 1, 1], [], []>, transpose_lhs_hint = false} : vector<2048x64xbf16>, vector<64x64xbf16>, vector<2048x64xf32> -> vector<2048x64xf32>
    %get3A_329 = arith.constant 0 : index
    %get3A_330 = arith.constant 0 : index
    %get3A_331 = vector.load %arg41[%get3A_329, %get3A_330] : memref<1x64xf32, #tpu.memory_space<vmem>>, vector<1x64xf32>
    %add3A_332 = vector.broadcast %get3A_331 : vector<1x64xf32> to vector<2048x64xf32>
    %add3A_333 = arith.addf %dot_general3A_328, %add3A_332 : vector<2048x64xf32>
    %swap3A_334 = arith.constant 0 : index
    %swap3A_335 = arith.constant 0 : index
    %swap3A_336 = vector.load %arg82[%swap3A_334, %swap3A_335] : memref<2048x64xf32, #tpu.memory_space<vmem>>, vector<2048x64xf32>
    tpu.vector_store %arg82[%swap3A_334, %swap3A_335], %add3A_333 {strides = array<i32>} : memref<2048x64xf32, #tpu.memory_space<vmem>>, vector<2048x64xf32>,
    %get3A_337 = arith.constant 0 : index
    %get3A_338 = arith.constant 0 : index
    %get3A_339 = vector.load %arg42[%get3A_337, %get3A_338] : memref<64x64xf32, #tpu.memory_space<vmem>>, vector<64x64xf32>
    %convert_element_type3A_340 = arith.truncf %get3A_321 : vector<2048x64xf32> to vector<2048x64xbf16>
    %convert_element_type3A_341 = arith.truncf %get3A_339 : vector<64x64xf32> to vector<64x64xbf16>
    %dot_general3A_342 = arith.constant dense<0.000000e+00> : vector<2048x64xf32>
    %dot_general3A_343 = tpu.matmul %convert_element_type3A_340, %convert_element_type3A_341, %dot_general3A_342 {dimension_numbers = #tpu.dot_dimension_numbers<[1], [0], [0], [1], [0, 0, 1, 1], [], []>, transpose_lhs_hint = false} : vector<2048x64xbf16>, vector<64x64xbf16>, vector<2048x64xf32> -> vector<2048x64xf32>
    %get3A_344 = arith.constant 0 : index
    %get3A_345 = arith.constant 0 : index
    %get3A_346 = vector.load %arg43[%get3A_344, %get3A_345] : memref<1x64xf32, #tpu.memory_space<vmem>>, vector<1x64xf32>
    %add3A_347 = vector.broadcast %get3A_346 : vector<1x64xf32> to vector<2048x64xf32>
    %add3A_348 = arith.addf %dot_general3A_343, %add3A_347 : vector<2048x64xf32>
    %swap3A_349 = arith.constant 0 : index
    %swap3A_350 = arith.constant 0 : index
    %swap3A_351 = vector.load %arg83[%swap3A_349, %swap3A_350] : memref<2048x64xf32, #tpu.memory_space<vmem>>, vector<2048x64xf32>
    tpu.vector_store %arg83[%swap3A_349, %swap3A_350], %add3A_348 {strides = array<i32>} : memref<2048x64xf32, #tpu.memory_space<vmem>>, vector<2048x64xf32>,
    %get3A_352 = arith.constant 0 : index
    %get3A_353 = arith.constant 0 : index
    %get3A_354 = vector.load %arg44[%get3A_352, %get3A_353] : memref<64x64xf32, #tpu.memory_space<vmem>>, vector<64x64xf32>
    %convert_element_type3A_355 = arith.truncf %get3A_321 : vector<2048x64xf32> to vector<2048x64xbf16>
    %convert_element_type3A_356 = arith.truncf %get3A_354 : vector<64x64xf32> to vector<64x64xbf16>
    %dot_general3A_357 = arith.constant dense<0.000000e+00> : vector<2048x64xf32>
    %dot_general3A_358 = tpu.matmul %convert_element_type3A_355, %convert_element_type3A_356, %dot_general3A_357 {dimension_numbers = #tpu.dot_dimension_numbers<[1], [0], [0], [1], [0, 0, 1, 1], [], []>, transpose_lhs_hint = false} : vector<2048x64xbf16>, vector<64x64xbf16>, vector<2048x64xf32> -> vector<2048x64xf32>
    %get3A_359 = arith.constant 0 : index
    %get3A_360 = arith.constant 0 : index
    %get3A_361 = vector.load %arg45[%get3A_359, %get3A_360] : memref<1x64xf32, #tpu.memory_space<vmem>>, vector<1x64xf32>
    %add3A_362 = vector.broadcast %get3A_361 : vector<1x64xf32> to vector<2048x64xf32>
    %add3A_363 = arith.addf %dot_general3A_358, %add3A_362 : vector<2048x64xf32>
    %swap3A_364 = arith.constant 0 : index
    %swap3A_365 = arith.constant 0 : index
    %swap3A_366 = vector.load %arg84[%swap3A_364, %swap3A_365] : memref<2048x64xf32, #tpu.memory_space<vmem>>, vector<2048x64xf32>
    tpu.vector_store %arg84[%swap3A_364, %swap3A_365], %add3A_363 {strides = array<i32>} : memref<2048x64xf32, #tpu.memory_space<vmem>>, vector<2048x64xf32>,
    %get3A_367 = arith.constant 0 : index
    %get3A_368 = arith.constant 0 : index
    %get3A_369 = vector.load %arg46[%get3A_367, %get3A_368] : memref<64x64xf32, #tpu.memory_space<vmem>>, vector<64x64xf32>
    %convert_element_type3A_370 = arith.truncf %get3A_321 : vector<2048x64xf32> to vector<2048x64xbf16>
    %convert_element_type3A_371 = arith.truncf %get3A_369 : vector<64x64xf32> to vector<64x64xbf16>
    %dot_general3A_372 = arith.constant dense<0.000000e+00> : vector<2048x64xf32>
    %dot_general3A_373 = tpu.matmul %convert_element_type3A_370, %convert_element_type3A_371, %dot_general3A_372 {dimension_numbers = #tpu.dot_dimension_numbers<[1], [0], [0], [1], [0, 0, 1, 1], [], []>, transpose_lhs_hint = false} : vector<2048x64xbf16>, vector<64x64xbf16>, vector<2048x64xf32> -> vector<2048x64xf32>
    %get3A_374 = arith.constant 0 : index
    %get3A_375 = arith.constant 0 : index
    %get3A_376 = vector.load %arg47[%get3A_374, %get3A_375] : memref<1x64xf32, #tpu.memory_space<vmem>>, vector<1x64xf32>
    %add3A_377 = vector.broadcast %get3A_376 : vector<1x64xf32> to vector<2048x64xf32>
    %add3A_378 = arith.addf %dot_general3A_373, %add3A_377 : vector<2048x64xf32>
    %swap3A_379 = arith.constant 0 : index
    %swap3A_380 = arith.constant 0 : index
    %swap3A_381 = vector.load %arg85[%swap3A_379, %swap3A_380] : memref<2048x64xf32, #tpu.memory_space<vmem>>, vector<2048x64xf32>
    tpu.vector_store %arg85[%swap3A_379, %swap3A_380], %add3A_378 {strides = array<i32>} : memref<2048x64xf32, #tpu.memory_space<vmem>>, vector<2048x64xf32>,
    %scan3A_382 = arith.constant 0 : i32
    %scan3A_383 = arith.constant 8 : i32
    %scan3A_384 = arith.addi %scan3A_382, %scan3A_383 : i32
    %scan3A_385 = arith.constant 1 : i32
    scf.for %scan3A_684 = %scan3A_382 to %scan3A_384 step %scan3A_385  : i32 {
      %mul3A_685 = arith.constant 256 : i32
      %mul3A_686 = arith.muli %scan3A_684, %mul3A_685 : i32
      %get3A_687 = arith.index_cast %mul3A_686 : i32 to index
      %get3A_688 = arith.constant 0 : index
      %get3A_689 = vector.load %arg82[%get3A_687, %get3A_688] : memref<2048x64xf32, #tpu.memory_space<vmem>>, vector<256x64xf32>
      %get3A_690 = arith.constant 0 : index
      %get3A_691 = arith.constant 0 : index
      %get3A_692 = vector.load %arg83[%get3A_690, %get3A_691] : memref<2048x64xf32, #tpu.memory_space<vmem>>, vector<2048x64xf32>
      %convert_element_type3A_693 = arith.truncf %get3A_689 : vector<256x64xf32> to vector<256x64xbf16>
      %convert_element_type3A_694 = arith.extf %convert_element_type3A_693 : vector<256x64xbf16> to vector<256x64xf32>
      %sub3A_695 = arith.subf %get3A_689, %convert_element_type3A_694 : vector<256x64xf32>
      %convert_element_type3A_696 = arith.truncf %sub3A_695 : vector<256x64xf32> to vector<256x64xbf16>
      %convert_element_type3A_697 = arith.truncf %get3A_692 : vector<2048x64xf32> to vector<2048x64xbf16>
      %convert_element_type3A_698 = arith.extf %convert_element_type3A_697 : vector<2048x64xbf16> to vector<2048x64xf32>
      %sub3A_699 = arith.subf %get3A_692, %convert_element_type3A_698 : vector<2048x64xf32>
      %convert_element_type3A_700 = arith.truncf %sub3A_699 : vector<2048x64xf32> to vector<2048x64xbf16>
      %dot_general3A_701 = arith.constant dense<0.000000e+00> : vector<256x2048xf32>
      %dot_general3A_702 = tpu.matmul %convert_element_type3A_693, %convert_element_type3A_697, %dot_general3A_701 {dimension_numbers = #tpu.dot_dimension_numbers<[1], [1], [0], [0], [0, 0, 1, 0], [], []>, transpose_lhs_hint = false} : vector<256x64xbf16>, vector<2048x64xbf16>, vector<256x2048xf32> -> vector<256x2048xf32>
      %dot_general3A_703 = arith.constant dense<0.000000e+00> : vector<256x2048xf32>
      %dot_general3A_704 = tpu.matmul %convert_element_type3A_693, %convert_element_type3A_700, %dot_general3A_703 {dimension_numbers = #tpu.dot_dimension_numbers<[1], [1], [0], [0], [0, 0, 1, 0], [], []>, transpose_lhs_hint = false} : vector<256x64xbf16>, vector<2048x64xbf16>, vector<256x2048xf32> -> vector<256x2048xf32>
      %dot_general3A_705 = arith.constant dense<0.000000e+00> : vector<256x2048xf32>
      %dot_general3A_706 = tpu.matmul %convert_element_type3A_696, %convert_element_type3A_697, %dot_general3A_705 {dimension_numbers = #tpu.dot_dimension_numbers<[1], [1], [0], [0], [0, 0, 1, 0], [], []>, transpose_lhs_hint = false} : vector<256x64xbf16>, vector<2048x64xbf16>, vector<256x2048xf32> -> vector<256x2048xf32>
      %add3A_707 = arith.addf %dot_general3A_704, %dot_general3A_706 : vector<256x2048xf32>
      %add3A_708 = arith.addf %dot_general3A_702, %add3A_707 : vector<256x2048xf32>
      %mul3A_709 = arith.constant 1.250000e-01 : f32
      %mul3A_710 = vector.broadcast %mul3A_709 : f32 to vector<256x2048xf32>
      %mul3A_711 = arith.mulf %add3A_708, %mul3A_710 : vector<256x2048xf32>
      %get3A_712 = arith.index_cast %mul3A_686 : i32 to index
      %get3A_713 = arith.constant 0 : index
      %get3A_714 = vector.load %arg5[%get3A_712, %get3A_713] : memref<2048x2048xf32, #tpu.memory_space<vmem>>, vector<256x2048xf32>
      %gt3A = arith.constant 0.000000e+00 : f32
      %gt3A_715 = vector.broadcast %gt3A : f32 to vector<256x2048xf32>
      %gt3A_716 = arith.cmpf ogt, %get3A_714, %gt3A_715 : vector<256x2048xf32>
      %jit3A = arith.constant -1.000000e+30 : f32
      %broadcast_in_dim3A_717 = vector.broadcast %jit3A : f32 to vector<256x2048xf32>
      %select_n3A = arith.select %gt3A_716, %mul3A_711, %broadcast_in_dim3A_717 : vector<256x2048xi1>, vector<256x2048xf32>
      %reduce_max3A = arith.constant dense<0xFF800000> : vector<256xf32>
      %reduce_max3A_718 = vector.multi_reduction <maximumf>, %select_n3A, %reduce_max3A [1] : vector<256x2048xf32> to vector<256xf32>
      %broadcast_in_dim3A_719 = vector.shape_cast %reduce_max3A_718 : vector<256xf32> to vector<256x1xf32>
      %lt3A = arith.constant -9.000000e+29 : f32
      %lt3A_720 = vector.broadcast %lt3A : f32 to vector<256x1xf32>
      %lt3A_721 = arith.cmpf olt, %broadcast_in_dim3A_719, %lt3A_720 : vector<256x1xf32>
      %jit3A_722 = arith.constant 0.000000e+00 : f32
      %broadcast_in_dim3A_723 = vector.broadcast %jit3A_722 : f32 to vector<256x1xf32>
      %select_n3A_724 = arith.select %lt3A_721, %broadcast_in_dim3A_723, %broadcast_in_dim3A_719 : vector<256x1xi1>, vector<256x1xf32>
      %sub3A_725 = vector.broadcast %select_n3A_724 : vector<256x1xf32> to vector<256x2048xf32>
      %sub3A_726 = arith.subf %mul3A_711, %sub3A_725 : vector<256x2048xf32>
      %min3A = arith.constant 0.000000e+00 : f32
      %min3A_727 = vector.broadcast %min3A : f32 to vector<256x2048xf32>
      %min3A_728 = arith.minimumf %sub3A_726, %min3A_727 : vector<256x2048xf32>
      %exp3A = math.exp %min3A_728 : vector<256x2048xf32>
      %mul3A_729 = arith.mulf %get3A_714, %exp3A : vector<256x2048xf32>
      %reduce_sum3A_730 = arith.constant dense<0.000000e+00> : vector<256xf32>
      %reduce_sum3A_731 = vector.multi_reduction <add>, %mul3A_729, %reduce_sum3A_730 [1] : vector<256x2048xf32> to vector<256xf32>
      %broadcast_in_dim3A_732 = vector.shape_cast %reduce_sum3A_731 : vector<256xf32> to vector<256x1xf32>
      %add3A_733 = arith.constant 1.000000e-16 : f32
      %add3A_734 = vector.broadcast %add3A_733 : f32 to vector<256x1xf32>
      %add3A_735 = arith.addf %broadcast_in_dim3A_732, %add3A_734 : vector<256x1xf32>
      %get3A_736 = arith.constant 0 : index
      %get3A_737 = arith.constant 0 : index
      %get3A_738 = vector.load %arg84[%get3A_736, %get3A_737] : memref<2048x64xf32, #tpu.memory_space<vmem>>, vector<2048x64xf32>
      %convert_element_type3A_739 = arith.truncf %mul3A_729 : vector<256x2048xf32> to vector<256x2048xbf16>
      %convert_element_type3A_740 = arith.extf %convert_element_type3A_739 : vector<256x2048xbf16> to vector<256x2048xf32>
      %sub3A_741 = arith.subf %mul3A_729, %convert_element_type3A_740 : vector<256x2048xf32>
      %convert_element_type3A_742 = arith.truncf %sub3A_741 : vector<256x2048xf32> to vector<256x2048xbf16>
      %convert_element_type3A_743 = arith.truncf %get3A_738 : vector<2048x64xf32> to vector<2048x64xbf16>
      %convert_element_type3A_744 = arith.extf %convert_element_type3A_743 : vector<2048x64xbf16> to vector<2048x64xf32>
      %sub3A_745 = arith.subf %get3A_738, %convert_element_type3A_744 : vector<2048x64xf32>
      %convert_element_type3A_746 = arith.truncf %sub3A_745 : vector<2048x64xf32> to vector<2048x64xbf16>
      %dot_general3A_747 = arith.constant dense<0.000000e+00> : vector<256x64xf32>
      %dot_general3A_748 = tpu.matmul %convert_element_type3A_739, %convert_element_type3A_743, %dot_general3A_747 {dimension_numbers = #tpu.dot_dimension_numbers<[1], [0], [0], [1], [0, 0, 1, 1], [], []>, transpose_lhs_hint = false} : vector<256x2048xbf16>, vector<2048x64xbf16>, vector<256x64xf32> -> vector<256x64xf32>
      %dot_general3A_749 = arith.constant dense<0.000000e+00> : vector<256x64xf32>
      %dot_general3A_750 = tpu.matmul %convert_element_type3A_739, %convert_element_type3A_746, %dot_general3A_749 {dimension_numbers = #tpu.dot_dimension_numbers<[1], [0], [0], [1], [0, 0, 1, 1], [], []>, transpose_lhs_hint = false} : vector<256x2048xbf16>, vector<2048x64xbf16>, vector<256x64xf32> -> vector<256x64xf32>
      %dot_general3A_751 = arith.constant dense<0.000000e+00> : vector<256x64xf32>
      %dot_general3A_752 = tpu.matmul %convert_element_type3A_742, %convert_element_type3A_743, %dot_general3A_751 {dimension_numbers = #tpu.dot_dimension_numbers<[1], [0], [0], [1], [0, 0, 1, 1], [], []>, transpose_lhs_hint = false} : vector<256x2048xbf16>, vector<2048x64xbf16>, vector<256x64xf32> -> vector<256x64xf32>
      %add3A_753 = arith.addf %dot_general3A_750, %dot_general3A_752 : vector<256x64xf32>
      %add3A_754 = arith.addf %dot_general3A_748, %add3A_753 : vector<256x64xf32>
      %div3A_755 = arith.constant 1.000000e+00 : f32
      %div3A_756 = vector.broadcast %div3A_755 : f32 to vector<256x1xf32>
      %div3A_757 = arith.divf %div3A_756, %add3A_735 : vector<256x1xf32>
      %mul3A_758 = vector.broadcast %div3A_757 : vector<256x1xf32> to vector<256x64xf32>
      %mul3A_759 = arith.mulf %add3A_754, %mul3A_758 : vector<256x64xf32>
      %get3A_760 = arith.index_cast %mul3A_686 : i32 to index
      %get3A_761 = arith.constant 0 : index
      %get3A_762 = vector.load %arg85[%get3A_760, %get3A_761] : memref<2048x64xf32, #tpu.memory_space<vmem>>, vector<256x64xf32>
      %add3A_763 = arith.addf %mul3A_759, %get3A_762 : vector<256x64xf32>
      %max3A_764 = arith.constant 0.000000e+00 : f32
      %max3A_765 = vector.broadcast %max3A_764 : f32 to vector<256x64xf32>
      %max3A_766 = arith.maximumf %add3A_763, %max3A_765 : vector<256x64xf32>
      %get3A_767 = arith.index_cast %mul3A_686 : i32 to index
      %get3A_768 = arith.constant 0 : index
      %get3A_769 = vector.load %arg81[%get3A_767, %get3A_768] : memref<2048x64xf32, #tpu.memory_space<vmem>>, vector<256x64xf32>
      %add3A_770 = arith.addf %max3A_766, %get3A_769 : vector<256x64xf32>
      %swap3A_771 = arith.index_cast %mul3A_686 : i32 to index
      %swap3A_772 = arith.constant 0 : index
      %swap3A_773 = vector.load %arg80[%swap3A_771, %swap3A_772] : memref<2048x64xf32, #tpu.memory_space<vmem>>, vector<256x64xf32>
      tpu.vector_store %arg80[%swap3A_771, %swap3A_772], %add3A_770 {strides = array<i32>} : memref<2048x64xf32, #tpu.memory_space<vmem>>, vector<256x64xf32>,
    }
    %scan3A_386 = arith.constant 8 : i32
    %get3A_387 = arith.constant 0 : index
    %get3A_388 = arith.constant 0 : index
    %get3A_389 = vector.load %arg80[%get3A_387, %get3A_388] : memref<2048x64xf32, #tpu.memory_space<vmem>>, vector<2048x64xf32>
    %concatenate3A_390 = tpu.concatenate %get3A_389, %add3A_104 in 1 : vector<2048x64xf32>, vector<2048x64xf32> -> vector<2048x128xf32>
    %get3A_391 = arith.constant 0 : index
    %get3A_392 = arith.constant 0 : index
    %get3A_393 = vector.load %arg48[%get3A_391, %get3A_392] : memref<128x64xf32, #tpu.memory_space<vmem>>, vector<128x64xf32>
    %convert_element_type3A_394 = arith.truncf %concatenate3A_390 : vector<2048x128xf32> to vector<2048x128xbf16>
    %convert_element_type3A_395 = arith.truncf %get3A_393 : vector<128x64xf32> to vector<128x64xbf16>
    %dot_general3A_396 = arith.constant dense<0.000000e+00> : vector<2048x64xf32>
    %dot_general3A_397 = tpu.matmul %convert_element_type3A_394, %convert_element_type3A_395, %dot_general3A_396 {dimension_numbers = #tpu.dot_dimension_numbers<[1], [0], [0], [1], [0, 0, 1, 1], [], []>, transpose_lhs_hint = false} : vector<2048x128xbf16>, vector<128x64xbf16>, vector<2048x64xf32> -> vector<2048x64xf32>
    %get3A_398 = arith.constant 0 : index
    %get3A_399 = arith.constant 0 : index
    %get3A_400 = vector.load %arg49[%get3A_398, %get3A_399] : memref<1x64xf32, #tpu.memory_space<vmem>>, vector<1x64xf32>
    %add3A_401 = vector.broadcast %get3A_400 : vector<1x64xf32> to vector<2048x64xf32>
    %add3A_402 = arith.addf %dot_general3A_397, %add3A_401 : vector<2048x64xf32>
    %max3A_403 = arith.constant 0.000000e+00 : f32
    %max3A_404 = vector.broadcast %max3A_403 : f32 to vector<2048x64xf32>
    %max3A_405 = arith.maximumf %add3A_402, %max3A_404 : vector<2048x64xf32>
    %get3A_406 = arith.constant 0 : index
    %get3A_407 = arith.constant 0 : index
    %get3A_408 = vector.load %arg50[%get3A_406, %get3A_407] : memref<1x64xf32, #tpu.memory_space<vmem>>, vector<1x64xf32>
    %get3A_409 = arith.constant 0 : index
    %get3A_410 = arith.constant 0 : index
    %get3A_411 = vector.load %arg51[%get3A_409, %get3A_410] : memref<1x64xf32, #tpu.memory_space<vmem>>, vector<1x64xf32>
    %reduce_sum3A_412 = arith.constant dense<0.000000e+00> : vector<2048xf32>
    %reduce_sum3A_413 = vector.multi_reduction <add>, %max3A_405, %reduce_sum3A_412 [1] : vector<2048x64xf32> to vector<2048xf32>
    %broadcast_in_dim3A_414 = vector.shape_cast %reduce_sum3A_413 : vector<2048xf32> to vector<2048x1xf32>
    %div3A_415 = arith.constant 6.400000e+01 : f32
    %div3A_416 = vector.broadcast %div3A_415 : f32 to vector<2048x1xf32>
    %div3A_417 = arith.divf %broadcast_in_dim3A_414, %div3A_416 : vector<2048x1xf32>
    %sub3A_418 = vector.broadcast %div3A_417 : vector<2048x1xf32> to vector<2048x64xf32>
    %sub3A_419 = arith.subf %max3A_405, %sub3A_418 : vector<2048x64xf32>
    %integer_pow3A_420 = arith.mulf %sub3A_419, %sub3A_419 : vector<2048x64xf32>
    %reduce_sum3A_421 = arith.constant dense<0.000000e+00> : vector<2048xf32>
    %reduce_sum3A_422 = vector.multi_reduction <add>, %integer_pow3A_420, %reduce_sum3A_421 [1] : vector<2048x64xf32> to vector<2048xf32>
    %broadcast_in_dim3A_423 = vector.shape_cast %reduce_sum3A_422 : vector<2048xf32> to vector<2048x1xf32>
    %div3A_424 = arith.constant 6.400000e+01 : f32
    %div3A_425 = vector.broadcast %div3A_424 : f32 to vector<2048x1xf32>
    %div3A_426 = arith.divf %broadcast_in_dim3A_423, %div3A_425 : vector<2048x1xf32>
    %sub3A_427 = vector.broadcast %div3A_417 : vector<2048x1xf32> to vector<2048x64xf32>
    %sub3A_428 = arith.subf %max3A_405, %sub3A_427 : vector<2048x64xf32>
    %add3A_429 = arith.constant 9.99999974E-6 : f32
    %add3A_430 = vector.broadcast %add3A_429 : f32 to vector<2048x1xf32>
    %add3A_431 = arith.addf %div3A_426, %add3A_430 : vector<2048x1xf32>
    %sqrt3A_432 = math.sqrt %add3A_431 : vector<2048x1xf32>
    %div3A_433 = vector.broadcast %sqrt3A_432 : vector<2048x1xf32> to vector<2048x64xf32>
    %div3A_434 = arith.divf %sub3A_428, %div3A_433 : vector<2048x64xf32>
    %mul3A_435 = vector.broadcast %get3A_408 : vector<1x64xf32> to vector<2048x64xf32>
    %mul3A_436 = arith.mulf %div3A_434, %mul3A_435 : vector<2048x64xf32>
    %add3A_437 = vector.broadcast %get3A_411 : vector<1x64xf32> to vector<2048x64xf32>
    %add3A_438 = arith.addf %mul3A_436, %add3A_437 : vector<2048x64xf32>
    %get3A_439 = arith.constant 0 : index
    %get3A_440 = arith.constant 0 : index
    %get3A_441 = vector.load %arg52[%get3A_439, %get3A_440] : memref<64x64xf32, #tpu.memory_space<vmem>>, vector<64x64xf32>
    %convert_element_type3A_442 = arith.truncf %add3A_438 : vector<2048x64xf32> to vector<2048x64xbf16>
    %convert_element_type3A_443 = arith.truncf %get3A_441 : vector<64x64xf32> to vector<64x64xbf16>
    %dot_general3A_444 = arith.constant dense<0.000000e+00> : vector<2048x64xf32>
    %dot_general3A_445 = tpu.matmul %convert_element_type3A_442, %convert_element_type3A_443, %dot_general3A_444 {dimension_numbers = #tpu.dot_dimension_numbers<[1], [0], [0], [1], [0, 0, 1, 1], [], []>, transpose_lhs_hint = false} : vector<2048x64xbf16>, vector<64x64xbf16>, vector<2048x64xf32> -> vector<2048x64xf32>
    %get3A_446 = arith.constant 0 : index
    %get3A_447 = arith.constant 0 : index
    %get3A_448 = vector.load %arg53[%get3A_446, %get3A_447] : memref<1x64xf32, #tpu.memory_space<vmem>>, vector<1x64xf32>
    %add3A_449 = vector.broadcast %get3A_448 : vector<1x64xf32> to vector<2048x64xf32>
    %add3A_450 = arith.addf %dot_general3A_445, %add3A_449 : vector<2048x64xf32>
    %get3A_451 = arith.constant 0 : index
    %get3A_452 = arith.constant 0 : index
    %get3A_453 = vector.load %arg54[%get3A_451, %get3A_452] : memref<64x64xf32, #tpu.memory_space<vmem>>, vector<64x64xf32>
    %convert_element_type3A_454 = arith.truncf %add3A_42 : vector<2048x64xf32> to vector<2048x64xbf16>
    %convert_element_type3A_455 = arith.truncf %get3A_453 : vector<64x64xf32> to vector<64x64xbf16>
    %dot_general3A_456 = arith.constant dense<0.000000e+00> : vector<2048x64xf32>
    %dot_general3A_457 = tpu.matmul %convert_element_type3A_454, %convert_element_type3A_455, %dot_general3A_456 {dimension_numbers = #tpu.dot_dimension_numbers<[1], [0], [0], [1], [0, 0, 1, 1], [], []>, transpose_lhs_hint = false} : vector<2048x64xbf16>, vector<64x64xbf16>, vector<2048x64xf32> -> vector<2048x64xf32>
    %get3A_458 = arith.constant 0 : index
    %get3A_459 = arith.constant 0 : index
    %get3A_460 = vector.load %arg55[%get3A_458, %get3A_459] : memref<1x64xf32, #tpu.memory_space<vmem>>, vector<1x64xf32>
    %add3A_461 = vector.broadcast %get3A_460 : vector<1x64xf32> to vector<2048x64xf32>
    %add3A_462 = arith.addf %dot_general3A_457, %add3A_461 : vector<2048x64xf32>
    %swap3A_463 = arith.constant 0 : index
    %swap3A_464 = arith.constant 0 : index
    %swap3A_465 = vector.load %arg82[%swap3A_463, %swap3A_464] : memref<2048x64xf32, #tpu.memory_space<vmem>>, vector<2048x64xf32>
    tpu.vector_store %arg82[%swap3A_463, %swap3A_464], %add3A_462 {strides = array<i32>} : memref<2048x64xf32, #tpu.memory_space<vmem>>, vector<2048x64xf32>,
    %get3A_466 = arith.constant 0 : index
    %get3A_467 = arith.constant 0 : index
    %get3A_468 = vector.load %arg56[%get3A_466, %get3A_467] : memref<64x64xf32, #tpu.memory_space<vmem>>, vector<64x64xf32>
    %convert_element_type3A_469 = arith.truncf %add3A_42 : vector<2048x64xf32> to vector<2048x64xbf16>
    %convert_element_type3A_470 = arith.truncf %get3A_468 : vector<64x64xf32> to vector<64x64xbf16>
    %dot_general3A_471 = arith.constant dense<0.000000e+00> : vector<2048x64xf32>
    %dot_general3A_472 = tpu.matmul %convert_element_type3A_469, %convert_element_type3A_470, %dot_general3A_471 {dimension_numbers = #tpu.dot_dimension_numbers<[1], [0], [0], [1], [0, 0, 1, 1], [], []>, transpose_lhs_hint = false} : vector<2048x64xbf16>, vector<64x64xbf16>, vector<2048x64xf32> -> vector<2048x64xf32>
    %get3A_473 = arith.constant 0 : index
    %get3A_474 = arith.constant 0 : index
    %get3A_475 = vector.load %arg57[%get3A_473, %get3A_474] : memref<1x64xf32, #tpu.memory_space<vmem>>, vector<1x64xf32>
    %add3A_476 = vector.broadcast %get3A_475 : vector<1x64xf32> to vector<2048x64xf32>
    %add3A_477 = arith.addf %dot_general3A_472, %add3A_476 : vector<2048x64xf32>
    %swap3A_478 = arith.constant 0 : index
    %swap3A_479 = arith.constant 0 : index
    %swap3A_480 = vector.load %arg83[%swap3A_478, %swap3A_479] : memref<2048x64xf32, #tpu.memory_space<vmem>>, vector<2048x64xf32>
    tpu.vector_store %arg83[%swap3A_478, %swap3A_479], %add3A_477 {strides = array<i32>} : memref<2048x64xf32, #tpu.memory_space<vmem>>, vector<2048x64xf32>,
    %get3A_481 = arith.constant 0 : index
    %get3A_482 = arith.constant 0 : index
    %get3A_483 = vector.load %arg58[%get3A_481, %get3A_482] : memref<64x64xf32, #tpu.memory_space<vmem>>, vector<64x64xf32>
    %convert_element_type3A_484 = arith.truncf %add3A_42 : vector<2048x64xf32> to vector<2048x64xbf16>
    %convert_element_type3A_485 = arith.truncf %get3A_483 : vector<64x64xf32> to vector<64x64xbf16>
    %dot_general3A_486 = arith.constant dense<0.000000e+00> : vector<2048x64xf32>
    %dot_general3A_487 = tpu.matmul %convert_element_type3A_484, %convert_element_type3A_485, %dot_general3A_486 {dimension_numbers = #tpu.dot_dimension_numbers<[1], [0], [0], [1], [0, 0, 1, 1], [], []>, transpose_lhs_hint = false} : vector<2048x64xbf16>, vector<64x64xbf16>, vector<2048x64xf32> -> vector<2048x64xf32>
    %get3A_488 = arith.constant 0 : index
    %get3A_489 = arith.constant 0 : index
    %get3A_490 = vector.load %arg59[%get3A_488, %get3A_489] : memref<1x64xf32, #tpu.memory_space<vmem>>, vector<1x64xf32>
    %add3A_491 = vector.broadcast %get3A_490 : vector<1x64xf32> to vector<2048x64xf32>
    %add3A_492 = arith.addf %dot_general3A_487, %add3A_491 : vector<2048x64xf32>
    %swap3A_493 = arith.constant 0 : index
    %swap3A_494 = arith.constant 0 : index
    %swap3A_495 = vector.load %arg84[%swap3A_493, %swap3A_494] : memref<2048x64xf32, #tpu.memory_space<vmem>>, vector<2048x64xf32>
    tpu.vector_store %arg84[%swap3A_493, %swap3A_494], %add3A_492 {strides = array<i32>} : memref<2048x64xf32, #tpu.memory_space<vmem>>, vector<2048x64xf32>,
    %scan3A_496 = arith.constant 0 : i32
    %scan3A_497 = arith.constant 8 : i32
    %scan3A_498 = arith.addi %scan3A_496, %scan3A_497 : i32
    %scan3A_499 = arith.constant 1 : i32
    scf.for %scan3A_684 = %scan3A_496 to %scan3A_498 step %scan3A_499  : i32 {
      %mul3A_685 = arith.constant 256 : i32
      %mul3A_686 = arith.muli %scan3A_684, %mul3A_685 : i32
      %get3A_687 = arith.index_cast %mul3A_686 : i32 to index
      %get3A_688 = arith.constant 0 : index
      %get3A_689 = vector.load %arg82[%get3A_687, %get3A_688] : memref<2048x64xf32, #tpu.memory_space<vmem>>, vector<256x64xf32>
      %get3A_690 = arith.constant 0 : index
      %get3A_691 = arith.constant 0 : index
      %get3A_692 = vector.load %arg83[%get3A_690, %get3A_691] : memref<2048x64xf32, #tpu.memory_space<vmem>>, vector<2048x64xf32>
      %convert_element_type3A_693 = arith.truncf %get3A_689 : vector<256x64xf32> to vector<256x64xbf16>
      %convert_element_type3A_694 = arith.truncf %get3A_692 : vector<2048x64xf32> to vector<2048x64xbf16>
      %dot_general3A_695 = arith.constant dense<0.000000e+00> : vector<256x2048xf32>
      %dot_general3A_696 = tpu.matmul %convert_element_type3A_693, %convert_element_type3A_694, %dot_general3A_695 {dimension_numbers = #tpu.dot_dimension_numbers<[1], [1], [0], [0], [0, 0, 1, 0], [], []>, transpose_lhs_hint = false} : vector<256x64xbf16>, vector<2048x64xbf16>, vector<256x2048xf32> -> vector<256x2048xf32>
      %mul3A_697 = arith.constant 1.250000e-01 : f32
      %mul3A_698 = vector.broadcast %mul3A_697 : f32 to vector<256x2048xf32>
      %mul3A_699 = arith.mulf %dot_general3A_696, %mul3A_698 : vector<256x2048xf32>
      %reduce_max3A = arith.constant dense<0xFF800000> : vector<256xf32>
      %reduce_max3A_700 = vector.multi_reduction <maximumf>, %mul3A_699, %reduce_max3A [1] : vector<256x2048xf32> to vector<256xf32>
      %broadcast_in_dim3A_701 = vector.shape_cast %reduce_max3A_700 : vector<256xf32> to vector<256x1xf32>
      %sub3A_702 = vector.broadcast %broadcast_in_dim3A_701 : vector<256x1xf32> to vector<256x2048xf32>
      %sub3A_703 = arith.subf %mul3A_699, %sub3A_702 : vector<256x2048xf32>
      %exp3A = math.exp %sub3A_703 : vector<256x2048xf32>
      %reduce_sum3A_704 = arith.constant dense<0.000000e+00> : vector<256xf32>
      %reduce_sum3A_705 = vector.multi_reduction <add>, %exp3A, %reduce_sum3A_704 [1] : vector<256x2048xf32> to vector<256xf32>
      %broadcast_in_dim3A_706 = vector.shape_cast %reduce_sum3A_705 : vector<256xf32> to vector<256x1xf32>
      %div3A_707 = arith.constant 1.000000e+00 : f32
      %div3A_708 = vector.broadcast %div3A_707 : f32 to vector<256x1xf32>
      %div3A_709 = arith.divf %div3A_708, %broadcast_in_dim3A_706 : vector<256x1xf32>
      %mul3A_710 = vector.broadcast %div3A_709 : vector<256x1xf32> to vector<256x2048xf32>
      %mul3A_711 = arith.mulf %exp3A, %mul3A_710 : vector<256x2048xf32>
      %get3A_712 = arith.constant 0 : index
      %get3A_713 = arith.constant 0 : index
      %get3A_714 = vector.load %arg84[%get3A_712, %get3A_713] : memref<2048x64xf32, #tpu.memory_space<vmem>>, vector<2048x64xf32>
      %convert_element_type3A_715 = arith.truncf %mul3A_711 : vector<256x2048xf32> to vector<256x2048xbf16>
      %convert_element_type3A_716 = arith.truncf %get3A_714 : vector<2048x64xf32> to vector<2048x64xbf16>
      %dot_general3A_717 = arith.constant dense<0.000000e+00> : vector<256x64xf32>
      %dot_general3A_718 = tpu.matmul %convert_element_type3A_715, %convert_element_type3A_716, %dot_general3A_717 {dimension_numbers = #tpu.dot_dimension_numbers<[1], [0], [0], [1], [0, 0, 1, 1], [], []>, transpose_lhs_hint = false} : vector<256x2048xbf16>, vector<2048x64xbf16>, vector<256x64xf32> -> vector<256x64xf32>
      %swap3A_719 = arith.index_cast %mul3A_686 : i32 to index
      %swap3A_720 = arith.constant 0 : index
      %swap3A_721 = vector.load %arg87[%swap3A_719, %swap3A_720] : memref<2048x64xf32, #tpu.memory_space<vmem>>, vector<256x64xf32>
      tpu.vector_store %arg87[%swap3A_719, %swap3A_720], %dot_general3A_718 {strides = array<i32>} : memref<2048x64xf32, #tpu.memory_space<vmem>>, vector<256x64xf32>,
    }
    %scan3A_500 = arith.constant 8 : i32
    %get3A_501 = arith.constant 0 : index
    %get3A_502 = arith.constant 0 : index
    %get3A_503 = vector.load %arg87[%get3A_501, %get3A_502] : memref<2048x64xf32, #tpu.memory_space<vmem>>, vector<2048x64xf32>
    %get3A_504 = arith.constant 0 : index
    %get3A_505 = arith.constant 0 : index
    %get3A_506 = vector.load %arg60[%get3A_504, %get3A_505] : memref<64x64xf32, #tpu.memory_space<vmem>>, vector<64x64xf32>
    %convert_element_type3A_507 = arith.truncf %get3A_503 : vector<2048x64xf32> to vector<2048x64xbf16>
    %convert_element_type3A_508 = arith.truncf %get3A_506 : vector<64x64xf32> to vector<64x64xbf16>
    %dot_general3A_509 = arith.constant dense<0.000000e+00> : vector<2048x64xf32>
    %dot_general3A_510 = tpu.matmul %convert_element_type3A_507, %convert_element_type3A_508, %dot_general3A_509 {dimension_numbers = #tpu.dot_dimension_numbers<[1], [0], [0], [1], [0, 0, 1, 1], [], []>, transpose_lhs_hint = false} : vector<2048x64xbf16>, vector<64x64xbf16>, vector<2048x64xf32> -> vector<2048x64xf32>
    %get3A_511 = arith.constant 0 : index
    %get3A_512 = arith.constant 0 : index
    %get3A_513 = vector.load %arg61[%get3A_511, %get3A_512] : memref<1x64xf32, #tpu.memory_space<vmem>>, vector<1x64xf32>
    %add3A_514 = vector.broadcast %get3A_513 : vector<1x64xf32> to vector<2048x64xf32>
    %add3A_515 = arith.addf %dot_general3A_510, %add3A_514 : vector<2048x64xf32>
    %concatenate3A_516 = tpu.concatenate %add3A_450, %add3A_42, %add3A_515 in 1 : vector<2048x64xf32>, vector<2048x64xf32>, vector<2048x64xf32> -> vector<2048x192xf32>
    %get3A_517 = arith.constant 0 : index
    %get3A_518 = arith.constant 0 : index
    %get3A_519 = vector.load %arg62[%get3A_517, %get3A_518] : memref<192x64xf32, #tpu.memory_space<vmem>>, vector<192x64xf32>
    %convert_element_type3A_520 = arith.truncf %concatenate3A_516 : vector<2048x192xf32> to vector<2048x192xbf16>
    %convert_element_type3A_521 = arith.truncf %get3A_519 : vector<192x64xf32> to vector<192x64xbf16>
    %dot_general3A_522 = arith.constant dense<0.000000e+00> : vector<2048x64xf32>
    %dot_general3A_523 = tpu.matmul %convert_element_type3A_520, %convert_element_type3A_521, %dot_general3A_522 {dimension_numbers = #tpu.dot_dimension_numbers<[1], [0], [0], [1], [0, 0, 1, 1], [], []>, transpose_lhs_hint = false} : vector<2048x192xbf16>, vector<192x64xbf16>, vector<2048x64xf32> -> vector<2048x64xf32>
    %get3A_524 = arith.constant 0 : index
    %get3A_525 = arith.constant 0 : index
    %get3A_526 = vector.load %arg63[%get3A_524, %get3A_525] : memref<1x64xf32, #tpu.memory_space<vmem>>, vector<1x64xf32>
    %add3A_527 = vector.broadcast %get3A_526 : vector<1x64xf32> to vector<2048x64xf32>
    %add3A_528 = arith.addf %dot_general3A_523, %add3A_527 : vector<2048x64xf32>
    %max3A_529 = arith.constant 0.000000e+00 : f32
    %max3A_530 = vector.broadcast %max3A_529 : f32 to vector<2048x64xf32>
    %max3A_531 = arith.maximumf %add3A_528, %max3A_530 : vector<2048x64xf32>
    %get3A_532 = arith.constant 0 : index
    %get3A_533 = arith.constant 0 : index
    %get3A_534 = vector.load %arg64[%get3A_532, %get3A_533] : memref<1x64xf32, #tpu.memory_space<vmem>>, vector<1x64xf32>
    %get3A_535 = arith.constant 0 : index
    %get3A_536 = arith.constant 0 : index
    %get3A_537 = vector.load %arg65[%get3A_535, %get3A_536] : memref<1x64xf32, #tpu.memory_space<vmem>>, vector<1x64xf32>
    %reduce_sum3A_538 = arith.constant dense<0.000000e+00> : vector<2048xf32>
    %reduce_sum3A_539 = vector.multi_reduction <add>, %max3A_531, %reduce_sum3A_538 [1] : vector<2048x64xf32> to vector<2048xf32>
    %broadcast_in_dim3A_540 = vector.shape_cast %reduce_sum3A_539 : vector<2048xf32> to vector<2048x1xf32>
    %div3A_541 = arith.constant 6.400000e+01 : f32
    %div3A_542 = vector.broadcast %div3A_541 : f32 to vector<2048x1xf32>
    %div3A_543 = arith.divf %broadcast_in_dim3A_540, %div3A_542 : vector<2048x1xf32>
    %sub3A_544 = vector.broadcast %div3A_543 : vector<2048x1xf32> to vector<2048x64xf32>
    %sub3A_545 = arith.subf %max3A_531, %sub3A_544 : vector<2048x64xf32>
    %integer_pow3A_546 = arith.mulf %sub3A_545, %sub3A_545 : vector<2048x64xf32>
    %reduce_sum3A_547 = arith.constant dense<0.000000e+00> : vector<2048xf32>
    %reduce_sum3A_548 = vector.multi_reduction <add>, %integer_pow3A_546, %reduce_sum3A_547 [1] : vector<2048x64xf32> to vector<2048xf32>
    %broadcast_in_dim3A_549 = vector.shape_cast %reduce_sum3A_548 : vector<2048xf32> to vector<2048x1xf32>
    %div3A_550 = arith.constant 6.400000e+01 : f32
    %div3A_551 = vector.broadcast %div3A_550 : f32 to vector<2048x1xf32>
    %div3A_552 = arith.divf %broadcast_in_dim3A_549, %div3A_551 : vector<2048x1xf32>
    %sub3A_553 = vector.broadcast %div3A_543 : vector<2048x1xf32> to vector<2048x64xf32>
    %sub3A_554 = arith.subf %max3A_531, %sub3A_553 : vector<2048x64xf32>
    %add3A_555 = arith.constant 9.99999974E-6 : f32
    %add3A_556 = vector.broadcast %add3A_555 : f32 to vector<2048x1xf32>
    %add3A_557 = arith.addf %div3A_552, %add3A_556 : vector<2048x1xf32>
    %sqrt3A_558 = math.sqrt %add3A_557 : vector<2048x1xf32>
    %div3A_559 = vector.broadcast %sqrt3A_558 : vector<2048x1xf32> to vector<2048x64xf32>
    %div3A_560 = arith.divf %sub3A_554, %div3A_559 : vector<2048x64xf32>
    %mul3A_561 = vector.broadcast %get3A_534 : vector<1x64xf32> to vector<2048x64xf32>
    %mul3A_562 = arith.mulf %div3A_560, %mul3A_561 : vector<2048x64xf32>
    %add3A_563 = vector.broadcast %get3A_537 : vector<1x64xf32> to vector<2048x64xf32>
    %add3A_564 = arith.addf %mul3A_562, %add3A_563 : vector<2048x64xf32>
    %get3A_565 = arith.constant 0 : index
    %get3A_566 = arith.constant 0 : index
    %get3A_567 = vector.load %arg66[%get3A_565, %get3A_566] : memref<64x128xf32, #tpu.memory_space<vmem>>, vector<64x128xf32>
    %convert_element_type3A_568 = arith.truncf %add3A_564 : vector<2048x64xf32> to vector<2048x64xbf16>
    %convert_element_type3A_569 = arith.truncf %get3A_567 : vector<64x128xf32> to vector<64x128xbf16>
    %dot_general3A_570 = arith.constant dense<0.000000e+00> : vector<2048x128xf32>
    %dot_general3A_571 = tpu.matmul %convert_element_type3A_568, %convert_element_type3A_569, %dot_general3A_570 {dimension_numbers = #tpu.dot_dimension_numbers<[1], [0], [0], [1], [0, 0, 1, 1], [], []>, transpose_lhs_hint = false} : vector<2048x64xbf16>, vector<64x128xbf16>, vector<2048x128xf32> -> vector<2048x128xf32>
    %get3A_572 = arith.constant 0 : index
    %get3A_573 = arith.constant 0 : index
    %get3A_574 = vector.load %arg67[%get3A_572, %get3A_573] : memref<1x128xf32, #tpu.memory_space<vmem>>, vector<1x128xf32>
    %add3A_575 = vector.broadcast %get3A_574 : vector<1x128xf32> to vector<2048x128xf32>
    %add3A_576 = arith.addf %dot_general3A_571, %add3A_575 : vector<2048x128xf32>
    %max3A_577 = arith.constant 0.000000e+00 : f32
    %max3A_578 = vector.broadcast %max3A_577 : f32 to vector<2048x128xf32>
    %max3A_579 = arith.maximumf %add3A_576, %max3A_578 : vector<2048x128xf32>
    %get3A_580 = arith.constant 0 : index
    %get3A_581 = arith.constant 0 : index
    %get3A_582 = vector.load %arg68[%get3A_580, %get3A_581] : memref<1x128xf32, #tpu.memory_space<vmem>>, vector<1x128xf32>
    %get3A_583 = arith.constant 0 : index
    %get3A_584 = arith.constant 0 : index
    %get3A_585 = vector.load %arg69[%get3A_583, %get3A_584] : memref<1x128xf32, #tpu.memory_space<vmem>>, vector<1x128xf32>
    %reduce_sum3A_586 = arith.constant dense<0.000000e+00> : vector<2048xf32>
    %reduce_sum3A_587 = vector.multi_reduction <add>, %max3A_579, %reduce_sum3A_586 [1] : vector<2048x128xf32> to vector<2048xf32>
    %broadcast_in_dim3A_588 = vector.shape_cast %reduce_sum3A_587 : vector<2048xf32> to vector<2048x1xf32>
    %div3A_589 = arith.constant 1.280000e+02 : f32
    %div3A_590 = vector.broadcast %div3A_589 : f32 to vector<2048x1xf32>
    %div3A_591 = arith.divf %broadcast_in_dim3A_588, %div3A_590 : vector<2048x1xf32>
    %sub3A_592 = vector.broadcast %div3A_591 : vector<2048x1xf32> to vector<2048x128xf32>
    %sub3A_593 = arith.subf %max3A_579, %sub3A_592 : vector<2048x128xf32>
    %integer_pow3A_594 = arith.mulf %sub3A_593, %sub3A_593 : vector<2048x128xf32>
    %reduce_sum3A_595 = arith.constant dense<0.000000e+00> : vector<2048xf32>
    %reduce_sum3A_596 = vector.multi_reduction <add>, %integer_pow3A_594, %reduce_sum3A_595 [1] : vector<2048x128xf32> to vector<2048xf32>
    %broadcast_in_dim3A_597 = vector.shape_cast %reduce_sum3A_596 : vector<2048xf32> to vector<2048x1xf32>
    %div3A_598 = arith.constant 1.280000e+02 : f32
    %div3A_599 = vector.broadcast %div3A_598 : f32 to vector<2048x1xf32>
    %div3A_600 = arith.divf %broadcast_in_dim3A_597, %div3A_599 : vector<2048x1xf32>
    %sub3A_601 = vector.broadcast %div3A_591 : vector<2048x1xf32> to vector<2048x128xf32>
    %sub3A_602 = arith.subf %max3A_579, %sub3A_601 : vector<2048x128xf32>
    %add3A_603 = arith.constant 9.99999974E-6 : f32
    %add3A_604 = vector.broadcast %add3A_603 : f32 to vector<2048x1xf32>
    %add3A_605 = arith.addf %div3A_600, %add3A_604 : vector<2048x1xf32>
    %sqrt3A_606 = math.sqrt %add3A_605 : vector<2048x1xf32>
    %div3A_607 = vector.broadcast %sqrt3A_606 : vector<2048x1xf32> to vector<2048x128xf32>
    %div3A_608 = arith.divf %sub3A_602, %div3A_607 : vector<2048x128xf32>
    %mul3A_609 = vector.broadcast %get3A_582 : vector<1x128xf32> to vector<2048x128xf32>
    %mul3A_610 = arith.mulf %div3A_608, %mul3A_609 : vector<2048x128xf32>
    %add3A_611 = vector.broadcast %get3A_585 : vector<1x128xf32> to vector<2048x128xf32>
    %add3A_612 = arith.addf %mul3A_610, %add3A_611 : vector<2048x128xf32>
    %swap3A_613 = arith.constant 0 : index
    %swap3A_614 = arith.constant 0 : index
    %swap3A_615 = vector.load %arg88[%swap3A_613, %swap3A_614] : memref<2048x128xf32, #tpu.memory_space<vmem>>, vector<2048x128xf32>
    tpu.vector_store %arg88[%swap3A_613, %swap3A_614], %add3A_612 {strides = array<i32>} : memref<2048x128xf32, #tpu.memory_space<vmem>>, vector<2048x128xf32>,
    %scan3A_616 = arith.constant 0 : i32
    %scan3A_617 = arith.constant 8 : i32
    %scan3A_618 = arith.addi %scan3A_616, %scan3A_617 : i32
    %scan3A_619 = arith.constant 1 : i32
    scf.for %scan3A_684 = %scan3A_616 to %scan3A_618 step %scan3A_619  : i32 {
      %mul3A_685 = arith.constant 256 : i32
      %mul3A_686 = arith.muli %scan3A_684, %mul3A_685 : i32
      %get3A_687 = arith.index_cast %mul3A_686 : i32 to index
      %get3A_688 = arith.constant 0 : index
      %get3A_689 = vector.load %arg88[%get3A_687, %get3A_688] : memref<2048x128xf32, #tpu.memory_space<vmem>>, vector<256x128xf32>
      %get3A_690 = arith.constant 0 : index
      %get3A_691 = arith.constant 0 : index
      %get3A_692 = vector.load %arg70[%get3A_690, %get3A_691] : memref<128x2048xf32, #tpu.memory_space<vmem>>, vector<128x2048xf32>
      %convert_element_type3A_693 = arith.truncf %get3A_689 : vector<256x128xf32> to vector<256x128xbf16>
      %convert_element_type3A_694 = arith.truncf %get3A_692 : vector<128x2048xf32> to vector<128x2048xbf16>
      %dot_general3A_695 = arith.constant dense<0.000000e+00> : vector<256x2048xf32>
      %dot_general3A_696 = tpu.matmul %convert_element_type3A_693, %convert_element_type3A_694, %dot_general3A_695 {dimension_numbers = #tpu.dot_dimension_numbers<[1], [0], [0], [1], [0, 0, 1, 1], [], []>, transpose_lhs_hint = false} : vector<256x128xbf16>, vector<128x2048xbf16>, vector<256x2048xf32> -> vector<256x2048xf32>
      %get3A_697 = arith.constant 0 : index
      %get3A_698 = arith.constant 0 : index
      %get3A_699 = vector.load %arg71[%get3A_697, %get3A_698] : memref<1x2048xf32, #tpu.memory_space<vmem>>, vector<1x2048xf32>
      %add3A_700 = vector.broadcast %get3A_699 : vector<1x2048xf32> to vector<256x2048xf32>
      %add3A_701 = arith.addf %dot_general3A_696, %add3A_700 : vector<256x2048xf32>
      %swap3A_702 = arith.index_cast %mul3A_686 : i32 to index
      %swap3A_703 = arith.constant 0 : index
      %swap3A_704 = vector.load %arg78[%swap3A_702, %swap3A_703] : memref<2048x2048xf32, #tpu.memory_space<vmem>>, vector<256x2048xf32>
      tpu.vector_store %arg78[%swap3A_702, %swap3A_703], %add3A_701 {strides = array<i32>} : memref<2048x2048xf32, #tpu.memory_space<vmem>>, vector<256x2048xf32>,
    }
    %scan3A_620 = arith.constant 8 : i32
    %get3A_621 = arith.constant 0 : index
    %get3A_622 = arith.constant 0 : index
    %get3A_623 = vector.load %arg72[%get3A_621, %get3A_622] : memref<64x128xf32, #tpu.memory_space<vmem>>, vector<64x128xf32>
    %convert_element_type3A_624 = arith.truncf %add3A_564 : vector<2048x64xf32> to vector<2048x64xbf16>
    %convert_element_type3A_625 = arith.truncf %get3A_623 : vector<64x128xf32> to vector<64x128xbf16>
    %dot_general3A_626 = arith.constant dense<0.000000e+00> : vector<2048x128xf32>
    %dot_general3A_627 = tpu.matmul %convert_element_type3A_624, %convert_element_type3A_625, %dot_general3A_626 {dimension_numbers = #tpu.dot_dimension_numbers<[1], [0], [0], [1], [0, 0, 1, 1], [], []>, transpose_lhs_hint = false} : vector<2048x64xbf16>, vector<64x128xbf16>, vector<2048x128xf32> -> vector<2048x128xf32>
    %get3A_628 = arith.constant 0 : index
    %get3A_629 = arith.constant 0 : index
    %get3A_630 = vector.load %arg73[%get3A_628, %get3A_629] : memref<1x128xf32, #tpu.memory_space<vmem>>, vector<1x128xf32>
    %add3A_631 = vector.broadcast %get3A_630 : vector<1x128xf32> to vector<2048x128xf32>
    %add3A_632 = arith.addf %dot_general3A_627, %add3A_631 : vector<2048x128xf32>
    %max3A_633 = arith.constant 0.000000e+00 : f32
    %max3A_634 = vector.broadcast %max3A_633 : f32 to vector<2048x128xf32>
    %max3A_635 = arith.maximumf %add3A_632, %max3A_634 : vector<2048x128xf32>
    %get3A_636 = arith.constant 0 : index
    %get3A_637 = arith.constant 0 : index
    %get3A_638 = vector.load %arg74[%get3A_636, %get3A_637] : memref<1x128xf32, #tpu.memory_space<vmem>>, vector<1x128xf32>
    %get3A_639 = arith.constant 0 : index
    %get3A_640 = arith.constant 0 : index
    %get3A_641 = vector.load %arg75[%get3A_639, %get3A_640] : memref<1x128xf32, #tpu.memory_space<vmem>>, vector<1x128xf32>
    %reduce_sum3A_642 = arith.constant dense<0.000000e+00> : vector<2048xf32>
    %reduce_sum3A_643 = vector.multi_reduction <add>, %max3A_635, %reduce_sum3A_642 [1] : vector<2048x128xf32> to vector<2048xf32>
    %broadcast_in_dim3A_644 = vector.shape_cast %reduce_sum3A_643 : vector<2048xf32> to vector<2048x1xf32>
    %div3A_645 = arith.constant 1.280000e+02 : f32
    %div3A_646 = vector.broadcast %div3A_645 : f32 to vector<2048x1xf32>
    %div3A_647 = arith.divf %broadcast_in_dim3A_644, %div3A_646 : vector<2048x1xf32>
    %sub3A_648 = vector.broadcast %div3A_647 : vector<2048x1xf32> to vector<2048x128xf32>
    %sub3A_649 = arith.subf %max3A_635, %sub3A_648 : vector<2048x128xf32>
    %integer_pow3A_650 = arith.mulf %sub3A_649, %sub3A_649 : vector<2048x128xf32>
    %reduce_sum3A_651 = arith.constant dense<0.000000e+00> : vector<2048xf32>
    %reduce_sum3A_652 = vector.multi_reduction <add>, %integer_pow3A_650, %reduce_sum3A_651 [1] : vector<2048x128xf32> to vector<2048xf32>
    %broadcast_in_dim3A_653 = vector.shape_cast %reduce_sum3A_652 : vector<2048xf32> to vector<2048x1xf32>
    %div3A_654 = arith.constant 1.280000e+02 : f32
    %div3A_655 = vector.broadcast %div3A_654 : f32 to vector<2048x1xf32>
    %div3A_656 = arith.divf %broadcast_in_dim3A_653, %div3A_655 : vector<2048x1xf32>
    %sub3A_657 = vector.broadcast %div3A_647 : vector<2048x1xf32> to vector<2048x128xf32>
    %sub3A_658 = arith.subf %max3A_635, %sub3A_657 : vector<2048x128xf32>
    %add3A_659 = arith.constant 9.99999974E-6 : f32
    %add3A_660 = vector.broadcast %add3A_659 : f32 to vector<2048x1xf32>
    %add3A_661 = arith.addf %div3A_656, %add3A_660 : vector<2048x1xf32>
    %sqrt3A_662 = math.sqrt %add3A_661 : vector<2048x1xf32>
    %div3A_663 = vector.broadcast %sqrt3A_662 : vector<2048x1xf32> to vector<2048x128xf32>
    %div3A_664 = arith.divf %sub3A_658, %div3A_663 : vector<2048x128xf32>
    %mul3A_665 = vector.broadcast %get3A_638 : vector<1x128xf32> to vector<2048x128xf32>
    %mul3A_666 = arith.mulf %div3A_664, %mul3A_665 : vector<2048x128xf32>
    %add3A_667 = vector.broadcast %get3A_641 : vector<1x128xf32> to vector<2048x128xf32>
    %add3A_668 = arith.addf %mul3A_666, %add3A_667 : vector<2048x128xf32>
    %get3A_669 = arith.constant 0 : index
    %get3A_670 = arith.constant 0 : index
    %get3A_671 = vector.load %arg76[%get3A_669, %get3A_670] : memref<128x1xf32, #tpu.memory_space<vmem>>, vector<128x1xf32>
    %convert_element_type3A_672 = arith.truncf %add3A_668 : vector<2048x128xf32> to vector<2048x128xbf16>
    %convert_element_type3A_673 = arith.truncf %get3A_671 : vector<128x1xf32> to vector<128x1xbf16>
    %dot_general3A_674 = arith.constant dense<0.000000e+00> : vector<2048x1xf32>
    %dot_general3A_675 = tpu.matmul %convert_element_type3A_672, %convert_element_type3A_673, %dot_general3A_674 {dimension_numbers = #tpu.dot_dimension_numbers<[1], [0], [0], [1], [0, 0, 1, 1], [], []>, transpose_lhs_hint = false} : vector<2048x128xbf16>, vector<128x1xbf16>, vector<2048x1xf32> -> vector<2048x1xf32>
    %get3A_676 = arith.constant 0 : index
    %get3A_677 = arith.constant 0 : index
    %get3A_678 = vector.load %arg77[%get3A_676, %get3A_677] : memref<1x1xf32, #tpu.memory_space<vmem>>, vector<1x1xf32>
    %add3A_679 = vector.broadcast %get3A_678 : vector<1x1xf32> to vector<2048x1xf32>
    %add3A_680 = arith.addf %dot_general3A_675, %add3A_679 : vector<2048x1xf32>
    %swap3A_681 = arith.constant 0 : index
    %swap3A_682 = arith.constant 0 : index
    %swap3A_683 = vector.load %arg79[%swap3A_681, %swap3A_682] : memref<2048x1xf32, #tpu.memory_space<vmem>>, vector<2048x1xf32>
    tpu.vector_store %arg79[%swap3A_681, %swap3A_682], %add3A_680 {strides = array<i32>} : memref<2048x1xf32, #tpu.memory_space<vmem>>, vector<2048x1xf32>,
    return
  }
}

</mosaic_0001>

<sc_bundles>
// kernel: kernel.4.cloned.1.call-start
scs
__scs_entry_jumppad:
0x0: {  	(pc) =	sbr.rel $0x88, $3  }
0x1: {  	(tag) =	ssettag $0x0;
	lr =	simm.s32 $0x1  }
0x2: {  	[smem:$0x3F53] =	sst lr;
	_ =	strace $0xD0000000  }
0x3: {  	_ = 	snop  }
0x4: {  	_ = 	snop  }
0x5: {  	_ = 	snop  }
0x6: {  	_ = 	snop  }
0x7: {  	_ = 	snop  }
__scs_overlays_trampoline_lowered:
0x8: {  	[smem:$0x3F62] =	sst s0  }
0x9: {  	[smem:$0x3F63] =	sst s1  }
0xa: {  	[smem:$0x3F64] =	sst s2  }
0xb: {  	[smem:$0x3F65] =	sst s3  }
0xc: {  	[smem:$0x3F66] =	sst s4  }
0xd: {  	[smem:$0x3F67] =	sst s5  }
0xe: {  	[smem:$0x3F68] =	sst s6  }
0xf: {  	[smem:$0x3F69] =	sst s7  }
0x10: {  	[smem:$0x3F6A] =	sst s8  }
0x11: {  	[smem:$0x3F6B] =	sst s9;
	s0 =	simm.s32 @!p0 $0x0  }
0x12: {  	s1 =	sld [smem:$0x3F51];
	s0 =	simm.s32 @p0 $0x1  }
0x13: {  	[smem:$0x3F6C] =	sst s0;
	s0 =	simm.s32 @!p1 $0x0  }
0x14: {  	s2 =	sld [smem:$0x3F50];
	s0 =	simm.s32 @p1 $0x1  }
0x15: {  	[smem:$0x3F6D] =	sst s0;
	s0 =	simm.s32 @!p2 $0x0  }
0x16: {  	s3 =	sld [smem:$0x3FDB];
	s0 =	simm.s32 @p2 $0x1  }
0x17: {  	s4 =	simm.s32 $0x1BF5;
	[smem:$0x3F6F] =	sst s0  }
0x18: {  	s0 =	sld [smem:$0x3F52];
	_ =	swait.ge [sflag:s4], $0x0  }
0x19: {  	s7 =	sld [smem:$0x3F53]  }
0x1a: {  	s8 =	sadd.s32 $0xFFFFE003, lr  }
0x1b: {  	s9 =	sadd.s32 $0xFFFFFEF7, lr;
	s5 =	simm.s32 $0xFFFFFFFF;
	p2 =	slt.u32 s8, $0xFFFFF086  }
0x1c: {  	p1 =	slt.u32 s9, $0xF7A;
	s5 =	simm.s32 @!p2 $0x0  }
0x1d: {  	s5 =	simm.s32 @p1 $0x1;
	p0 =	seq.s32 s7, s2  }
0x1e: {  	s7 =	smul.u32 @!p0 $0xF7A, s2;
	p2 =	seq.s32 @!p0 s5, $0x0  }
0x1f: {  	s9 =	smul.u32 $0xF7A, s1;
	s8 =	simm.s32 @!p0 $0x1BF5;
	p2 =	por !p2, p0  }
0x20: {  	[sflag:s8] =	ssyncset.s32 @!p0 $0xFFFFF086;
	s6 =	sadd.s32 @!p0 s3, s7;
	s7 =	simm.s32 @!p0 $0x108  }
0x21: {  	s3 =	sadd.s32 s3, s9;
	s6 =	sadd.s32 @!p0 $0x88, s6;
	s7 =	simm.s32 @p2 $0x1082  }
0x22: {  	[simem:s7], [sflag:s8] =	dma.local @!p0 [hbm:s6], $0xF7A  }
0x23: {  	s9 =	sor.u32 $0xD0000000, s2;
	s6 =	simm.s32 $0x108;
	_ =	swait.ge @!p0 [sflag:s8], $0x0  }
0x24: {  	s3 =	sadd.s32 $0x88, s3;
	s6 =	simm.s32 @!p1 $0x1082;
	[sflag:s4] =	ssyncset.s32 $0xFFFFF086  }
0x25: {  	[simem:s6], [sflag:s4] =	dma.local [hbm:s3], $0xF7A  }
0x26: {  	[smem:$0x3F53] =	sst s1;
	(tag) =	ssettag s2;
	_ =	strace s9  }
0x27: {  	s1 =	sld [smem:$0x3F63]  }
0x28: {  	s2 =	sld [smem:$0x3F64]  }
0x29: {  	s4 =	sld [smem:$0x3F66]  }
0x2a: {  	p0 =	seq.s32 s5, $0x0;
	s5 =	sld [smem:$0x3F67]  }
0x2b: {  	s6 =	sld [smem:$0x3F68]  }
0x2c: {  	s7 =	sld [smem:$0x3F69]  }
0x2d: {  	s3 =	simm.s32 $0x108;
	s8 =	sld [smem:$0x3F6A]  }
0x2e: {  	s3 =	simm.s32 @!p0 $0x1082;
	s9 =	sld [smem:$0x3F6B]  }
0x2f: {  	lr =	sadd.s32 s0, s3;
	s0 =	sld [smem:$0x3F62]  }
0x30: {  	s3 =	sld [smem:$0x3F65]  }
0x31: {  	[smem:$0x3F6E] =	sst s10  }
0x32: {  	s10 =	sld [smem:$0x3F6C];
	_ =	sdelay $0x3  }
0x33: {  	p0 =	seq.s32 s10, $0x1;
	s10 =	sld [smem:$0x3F6E];
	_ =	sdelay $0x3  }
0x34: {  	[smem:$0x3F6E] =	sst s10  }
0x35: {  	s10 =	sld [smem:$0x3F6D];
	_ =	sdelay $0x3  }
0x36: {  	p1 =	seq.s32 s10, $0x1;
	s10 =	sld [smem:$0x3F6E];
	_ =	sdelay $0x3  }
0x37: {  	[smem:$0x3F6E] =	sst s10  }
0x38: {  	s10 =	sld [smem:$0x3F6F]  }
0x39: {  	_ = 	snop;
	(pc) =	sbr.ind lr, $3  }
0x3a: {  	_ = 	snop  }
0x3b: {  	_ = 	snop  }
0x3c: {  	p2 =	seq.s32 s10, $0x1;
	s10 =	sld [smem:$0x3F6E]  }
0x3d: {  	_ =	shalt  }
0x3e: {  	_ =	shalt  }
0x3f: {  	_ =	shalt  }
0x40: {  	_ =	shalt  }
0x41: {  	_ =	shalt  }
0x42: {  	_ =	shalt  }
0x43: {  	_ =	shalt  }
0x44: {  	_ =	shalt  }
0x45: {  	_ =	shalt  }
0x46: {  	_ =	shalt  }
0x47: {  	_ =	shalt  }
0x48: {  	_ =	shalt  }
0x49: {  	_ =	shalt  }
0x4a: {  	_ =	shalt  }
0x4b: {  	_ =	shalt  }
0x4c: {  	_ =	shalt  }
0x4d: {  	_ =	shalt  }
0x4e: {  	_ =	shalt  }
0x4f: {  	_ =	shalt  }
0x50: {  	_ =	shalt  }
0x51: {  	_ =	shalt  }
0x52: {  	_ =	shalt  }
0x53: {  	_ =	shalt  }
0x54: {  	_ =	shalt  }
0x55: {  	_ =	shalt  }
0x56: {  	_ =	shalt  }
0x57: {  	_ =	shalt  }
0x58: {  	_ =	shalt  }
0x59: {  	_ =	shalt  }
0x5a: {  	_ =	shalt  }
0x5b: {  	_ =	shalt  }
0x5c: {  	_ =	shalt  }
0x5d: {  	_ =	shalt  }
0x5e: {  	_ =	shalt  }
0x5f: {  	_ =	shalt  }
0x60: {  	_ =	shalt  }
0x61: {  	_ =	shalt  }
0x62: {  	_ =	shalt  }
0x63: {  	_ =	shalt  }
0x64: {  	_ =	shalt  }
0x65: {  	_ =	shalt  }
0x66: {  	_ =	shalt  }
0x67: {  	_ =	shalt  }
0x68: {  	_ =	shalt  }
0x69: {  	_ =	shalt  }
0x6a: {  	_ =	shalt  }
0x6b: {  	_ =	shalt  }
0x6c: {  	_ =	shalt  }
0x6d: {  	_ =	shalt  }
0x6e: {  	_ =	shalt  }
0x6f: {  	_ =	shalt  }
0x70: {  	_ =	shalt  }
0x71: {  	_ =	shalt  }
0x72: {  	_ =	shalt  }
0x73: {  	_ =	shalt  }
0x74: {  	_ =	shalt  }
0x75: {  	_ =	shalt  }
0x76: {  	_ =	shalt  }
0x77: {  	_ =	shalt  }
0x78: {  	_ =	shalt  }
0x79: {  	_ =	shalt  }
0x7a: {  	_ =	shalt  }
0x7b: {  	_ =	shalt  }
0x7c: {  	_ =	shalt  }
0x7d: {  	_ =	shalt  }
0x7e: {  	_ =	shalt  }
0x7f: {  	_ =	shalt  }
0x80: {  	_ =	shalt  }
0x81: {  	_ =	shalt  }
0x82: {  	_ =	shalt  }
0x83: {  	_ =	shalt  }
0x84: {  	_ =	shalt  }
0x85: {  	_ =	shalt  }
0x86: {  	_ =	shalt  }
0x87: {  	_ =	shalt  }
.Lfunc_end0:
.L_simem_size_0:
called_computation_lowered:
.L_overlay_start_0:
0x88: {  	s2 =	sld [smem:$0x3FD9]  }
0x89: {  	s3 =	sld [smem:$0x3FFE];
	_ =	sdelay $0x1  }
0x8a: {  	s1 =	srdreg.scid  }
0x8b: {  	s0 =	sand.u32 $0x1, s1  }
0x8c: {  	s14 =	sshll.u32 s0, $0xA;
	s2 =	sadd.s32 s3, s2  }
0x8d: {  	s2 =	sadd.s32 s2, s14  }
0x8e: {  	[smem:$0x3F7A] =	sst s2  }
0x8f: {  	_ = 	snop  }
0x90: {  	s2 =	sld [smem:$0x3FD0];
	_ =	sdelay $0x2  }
0x91: {  	s15 =	simm.s32 $0xA;
	s4 =	simm.s32 $0x10  }
0x92: {  	[smem:s4], [sflag:s15] =	dma.local [hbm:s2], $0x1  }
0x93: {  	_ =	swait.eq [sflag:s15], $0x1  }
0x94: {  	[sflag:s15] =	ssyncset.done $0x0  }
0x95: {  	[sflag:s15] =	ssyncadd.s32 $0xFFFFFFFF  }
0x96: {  	s16 =	sld [smem:$0x10];
	(tm) =	ssettm $0x1  }
0x97: {  	s17 =	sld [smem:$0x3FFB];
	_ =	sdelay $0x3  }
0x98: {  	_ =	strace s17  }
0x99: {  	s3 =	sld [smem:$0x3FFC];
	_ =	sdelay $0x3  }
0x9a: {  	_ =	strace s3  }
0x9b: {  	s3 =	sld [smem:$0x3FFD];
	_ =	sdelay $0x3  }
0x9c: {  	_ =	strace s3  }
0x9d: {  	_ =	strace $0x8FFFFFFF  }
0x9e: {  	s18 =	sld [smem:$0x3FDB];
	_ =	sdelay $0x1  }
0x9f: {  	s19 =	simm.s32 $_scs_section_size  }
0xa0: {  	s5 =	simm.s32 $_size__tile_overlayer_lowered;
	s6 =	simm.s32 $_tile_overlayer_lowered  }
0xa1: {  	s22 =	simm.s32 $0x1BFF;
	s21 =	sshll.u32 s6, $0x1;
	s3 =	sadd.s32 s19, s18  }
0xa2: {  	s7 =	simm.s32 $0x0;
	s20 =	sshll.u32 s5, $0x1;
	s5 =	sadd.s32 s21, s3  }
0xa3: {  	[timem:s7], [sflag:s22] =	dma.local [hbm:s5], s20  }
0xa4: {  	_ =	swait.ge [sflag:s22], s20  }
0xa5: {  	s4 =	ssub.s32 $0x0, s20;
	[sflag:s22] =	ssyncset.done $0x0  }
0xa6: {  	[sflag:s22] =	ssyncadd.s32 s4;
	_ =	sdelay $0x1  }
0xa7: {  	s23 =	simm.s32 $0x1B8B  }
0xa8: {  	_ =	swait.ge [sflag:s23], $0x1  }
0xa9: {  	[sflag:s23] =	ssyncset.done $0x0  }
0xaa: {  	s25 =	simm.s32 $0x1B8E;
	s24 =	sld [smem:$0x3FFE];
	[sflag:s23] =	ssyncadd.s32 $0xFFFFFFFF  }
0xab: {  	s26 =	simm.s32 $execute0_lowered;
	[smem:$0x3FD2] =	sst s25  }
0xac: {  	s5 =	sshll.u32 s26, $0x1;
	_ =	strace $0x80000046;
	[dreg:$0x1] =	wrdreg $0xFFFFFFFF  }
0xad: {  	s28 =	simm.s32 $_size_execute0_lowered;
	s3 =	sadd.s32 s3, s5;
	[dreg:$0x0] =	wrdreg $0x0  }
0xae: {  	s5 =	sshll.u32 s28, $0x1;
	[dreg:$0x2] =	wrdreg s3  }
0xaf: {  	[dreg:$0x3] =	wrdreg s5  }
0xb0: {  	[dreg:$0x4] =	wrdreg $0xC0  }
0xb1: {  	_ =	task [dreg:s7], $0x5FFFF  }
0xb2: {  	[dreg:$0x1] =	wrdreg $0xFFFFFFFF  }
0xb3: {  	[dreg:$0x0] =	wrdreg $0x60  }
0xb4: {  	[dreg:$0x2] =	wrdreg s24  }
0xb5: {  	[dreg:$0x3] =	wrdreg s16  }
0xb6: {  	[dreg:$0x4] =	wrdreg $0x9  }
0xb7: {  	_ =	task.clear_ibuf [dreg:s7], $0x5FFFF;
	_ =	strace $0x90000046  }
0xb8: {  	s29 =	simm.s32 $0x9;
	_ =	strace $0x80000048  }
0xb9: {  	_ =	swait.ge [sflag:s29], $0x1  }
0xba: {  	[sflag:s29] =	ssyncadd.s32 $0xFFFFFFFF  }
0xbb: {  	_ =	strace $0x90000048  }
0xbc: {  	_ =	sfence  }
0xbd: {  	s30 =	sld [smem:$0x0];
	_ =	sdelay $0x2  }
0xbe: {  	s31 =	sshll.u32 s1, $0xD;
	s1 =	sshrl.u32 s1, $0x2  }
0xbf: {  	s3 =	sand.u32 $0x4000, s31;
	s1 =	sadd.s32 s1, s30  }
0xc0: {  	s0 =	sor.u32 s3, s0;
	s1 =	sshll.u32 s1, $0x11  }
0xc1: {  	s0 =	sor.u32 s1, s0  }
0xc2: {  	s0 =	sadd.s32 $0x8F2B, s0  }
0xc3: {  	[sflag:s0] =	ssyncadd.remote.s32 $0x1  }
0xc4: {  	_ =	sfence.sel $0xFFFF  }
0xc5: {  	[dreg:$0x0] =	wrdreg $0xFFFFFFFF;
	(pc) =	sbr.abs _section_cstart, $3  }
0xc6: {  	[dreg:$0x1] =	wrdreg $0xFFFFFFFF  }
0xc7: {  	_ =	task.clear_ibuf [dreg:s7], $0x2FFFF;
	_ =	strace $0x9FFFFFFF  }
0xc8: {  	(tm) =	ssettm $0x7FFFFFFF  }
0xc9: {  	_ =	shalt  }
tec
execute0_lowered:
.L_overlay_start_1:
0x0: {  	(tag) =	ssettag $0x1  }
0x1: {  	s4 =	rddreg [dreg:$0x0]  }
0x2: {  	s6 =	rddreg [dreg:$0x1]  }
0x3: {  	s0 =	rddreg [dreg:$0x2];
	s3 =	srdreg.scid  }
0x4: {  	s1 =	stileid.u32;
	s2 =	simm.s32 $0x0;
	s11 =	simm.s32 $0x16000  }
0x5: {  	s12 =	simm.s32 $0x1;
	s14 =	simm.s32 $0x3;
	s15 =	simm.s32 $0x0  }
0x6: {  	s5 =	sand.u32 $0x1, s3;
	s31 =	sshll.u32 s1, $0x1;
	[smem:$0x7FF] =	sst s2  }
0x7: {  	s3 =	sadd.s32 $0x5E00, s4;
	s4 =	sadd.s32 $0x1E00, s4;
	s7 =	sor.u32 s5, s31  }
0x8: {  	_ =	strace $0x80000047;
	s5 =	ssub.s32 $0x2, s5;
	s10 =	sshll.u32 s7, $0x6  }
0x9: {  	s8 =	sshrl.u32 s5, $0x1;
	s7 =	sshll.u32 s7, $0xE;
	s13 =	sor.u32 $0x20, s10  }
0xa: {  	s8 =	ssub.s32 s5, s8;
	s5 =	sadd.s32 s6, s7;
	v0 =	vmov s10;
	s10 =	simm.s32 $0x14000  }
0xb: {  	s9 =	sshll.u32 s13, $0x8;
	s7 =	smax.u32 s8, $0x1;
	s8 =	simm.s32 $0x10000  }
0xc: {  	v2 =	vimm.f32 $0.0e+00;
	v3 =	vimm.f32 $1.000000000e+00;
	v1 =	vmov s13;
	s13 =	simm.s32 $0x2;
	s6 =	sadd.s32 s6, s9;
	s9 =	simm.s32 $0x12000  }
.LBB2_1:
0xd: {  	[tilespmem:s8], [sflag:$0x1] =	stream.linear.gather [hbm4b:s3+s2], $0x2000, $0x38;
	[tilespmem:$0x18000] =	vst v63  }
0xe: {  	s17 =	simm.s32 $0x0;
	s16 =	simm.s32 $0x2000  }
0xf: {  	[tilespmem:s9], [sflag:$0x1] =	stream.linear.gather [hbm4b:s4+s2], $0x2000, $0x38;
	[tilespmem:$0x18000] =	vst v63  }
.LBB2_2:
0x10: {  	p0 =	sne.s32 s16, $0x3E000;
	[tilespmem:s17+$0x7F0] =	vst v2  }
0x11: {  	[tilespmem:s17+$0x0] =	vst v2  }
0x12: {  	[tilespmem:s17+$0x10] =	vst v2  }
0x13: {  	[tilespmem:s17+$0x20] =	vst v2  }
0x14: {  	[tilespmem:s17+$0x30] =	vst v2  }
0x15: {  	[tilespmem:s17+$0x40] =	vst v2  }
0x16: {  	[tilespmem:s17+$0x50] =	vst v2  }
0x17: {  	[tilespmem:s17+$0x60] =	vst v2  }
0x18: {  	[tilespmem:s17+$0x70] =	vst v2  }
0x19: {  	[tilespmem:s17+$0x80] =	vst v2  }
0x1a: {  	[tilespmem:s17+$0x90] =	vst v2  }
0x1b: {  	[tilespmem:s17+$0xA0] =	vst v2  }
0x1c: {  	[tilespmem:s17+$0xB0] =	vst v2  }
0x1d: {  	[tilespmem:s17+$0xC0] =	vst v2  }
0x1e: {  	[tilespmem:s17+$0xD0] =	vst v2  }
0x1f: {  	[tilespmem:s17+$0xE0] =	vst v2  }
0x20: {  	[tilespmem:s17+$0xF0] =	vst v2  }
0x21: {  	[tilespmem:s17+$0x100] =	vst v2  }
0x22: {  	[tilespmem:s17+$0x110] =	vst v2  }
0x23: {  	[tilespmem:s17+$0x120] =	vst v2  }
0x24: {  	[tilespmem:s17+$0x130] =	vst v2  }
0x25: {  	[tilespmem:s17+$0x140] =	vst v2  }
0x26: {  	[tilespmem:s17+$0x150] =	vst v2  }
0x27: {  	[tilespmem:s17+$0x160] =	vst v2  }
0x28: {  	[tilespmem:s17+$0x170] =	vst v2  }
0x29: {  	[tilespmem:s17+$0x180] =	vst v2  }
0x2a: {  	[tilespmem:s17+$0x190] =	vst v2  }
0x2b: {  	[tilespmem:s17+$0x1A0] =	vst v2  }
0x2c: {  	[tilespmem:s17+$0x1B0] =	vst v2  }
0x2d: {  	[tilespmem:s17+$0x1C0] =	vst v2  }
0x2e: {  	[tilespmem:s17+$0x1D0] =	vst v2  }
0x2f: {  	[tilespmem:s17+$0x1E0] =	vst v2  }
0x30: {  	[tilespmem:s17+$0x1F0] =	vst v2  }
0x31: {  	[tilespmem:s17+$0x200] =	vst v2  }
0x32: {  	[tilespmem:s17+$0x210] =	vst v2  }
0x33: {  	[tilespmem:s17+$0x220] =	vst v2  }
0x34: {  	[tilespmem:s17+$0x230] =	vst v2  }
0x35: {  	[tilespmem:s17+$0x240] =	vst v2  }
0x36: {  	[tilespmem:s17+$0x250] =	vst v2  }
0x37: {  	[tilespmem:s17+$0x260] =	vst v2  }
0x38: {  	[tilespmem:s17+$0x270] =	vst v2  }
0x39: {  	[tilespmem:s17+$0x280] =	vst v2  }
0x3a: {  	[tilespmem:s17+$0x290] =	vst v2  }
0x3b: {  	[tilespmem:s17+$0x2A0] =	vst v2  }
0x3c: {  	[tilespmem:s17+$0x2B0] =	vst v2  }
0x3d: {  	[tilespmem:s17+$0x2C0] =	vst v2  }
0x3e: {  	[tilespmem:s17+$0x2D0] =	vst v2  }
0x3f: {  	[tilespmem:s17+$0x2E0] =	vst v2  }
0x40: {  	[tilespmem:s17+$0x2F0] =	vst v2  }
0x41: {  	[tilespmem:s17+$0x300] =	vst v2  }
0x42: {  	[tilespmem:s17+$0x310] =	vst v2  }
0x43: {  	[tilespmem:s17+$0x320] =	vst v2  }
0x44: {  	[tilespmem:s17+$0x330] =	vst v2  }
0x45: {  	[tilespmem:s17+$0x340] =	vst v2  }
0x46: {  	[tilespmem:s17+$0x350] =	vst v2  }
0x47: {  	[tilespmem:s17+$0x360] =	vst v2  }
0x48: {  	[tilespmem:s17+$0x370] =	vst v2  }
0x49: {  	[tilespmem:s17+$0x380] =	vst v2  }
0x4a: {  	[tilespmem:s17+$0x390] =	vst v2  }
0x4b: {  	[tilespmem:s17+$0x3A0] =	vst v2  }
0x4c: {  	[tilespmem:s17+$0x3B0] =	vst v2  }
0x4d: {  	[tilespmem:s17+$0x3C0] =	vst v2  }
0x4e: {  	[tilespmem:s17+$0x3D0] =	vst v2  }
0x4f: {  	[tilespmem:s17+$0x3E0] =	vst v2  }
0x50: {  	[tilespmem:s17+$0x3F0] =	vst v2  }
0x51: {  	[tilespmem:s17+$0x400] =	vst v2  }
0x52: {  	[tilespmem:s17+$0x410] =	vst v2  }
0x53: {  	[tilespmem:s17+$0x420] =	vst v2  }
0x54: {  	[tilespmem:s17+$0x430] =	vst v2  }
0x55: {  	[tilespmem:s17+$0x440] =	vst v2  }
0x56: {  	[tilespmem:s17+$0x450] =	vst v2  }
0x57: {  	[tilespmem:s17+$0x460] =	vst v2  }
0x58: {  	[tilespmem:s17+$0x470] =	vst v2  }
0x59: {  	[tilespmem:s17+$0x480] =	vst v2  }
0x5a: {  	[tilespmem:s17+$0x490] =	vst v2  }
0x5b: {  	[tilespmem:s17+$0x4A0] =	vst v2  }
0x5c: {  	[tilespmem:s17+$0x4B0] =	vst v2  }
0x5d: {  	[tilespmem:s17+$0x4C0] =	vst v2  }
0x5e: {  	[tilespmem:s17+$0x4D0] =	vst v2  }
0x5f: {  	[tilespmem:s17+$0x4E0] =	vst v2  }
0x60: {  	[tilespmem:s17+$0x4F0] =	vst v2  }
0x61: {  	[tilespmem:s17+$0x500] =	vst v2  }
0x62: {  	[tilespmem:s17+$0x510] =	vst v2  }
0x63: {  	[tilespmem:s17+$0x520] =	vst v2  }
0x64: {  	[tilespmem:s17+$0x530] =	vst v2  }
0x65: {  	[tilespmem:s17+$0x540] =	vst v2  }
0x66: {  	[tilespmem:s17+$0x550] =	vst v2  }
0x67: {  	[tilespmem:s17+$0x560] =	vst v2  }
0x68: {  	[tilespmem:s17+$0x570] =	vst v2  }
0x69: {  	[tilespmem:s17+$0x580] =	vst v2  }
0x6a: {  	[tilespmem:s17+$0x590] =	vst v2  }
0x6b: {  	[tilespmem:s17+$0x5A0] =	vst v2  }
0x6c: {  	[tilespmem:s17+$0x5B0] =	vst v2  }
0x6d: {  	[tilespmem:s17+$0x5C0] =	vst v2  }
0x6e: {  	[tilespmem:s17+$0x5D0] =	vst v2  }
0x6f: {  	[tilespmem:s17+$0x5E0] =	vst v2  }
0x70: {  	[tilespmem:s17+$0x5F0] =	vst v2  }
0x71: {  	[tilespmem:s17+$0x600] =	vst v2  }
0x72: {  	[tilespmem:s17+$0x610] =	vst v2  }
0x73: {  	[tilespmem:s17+$0x620] =	vst v2  }
0x74: {  	[tilespmem:s17+$0x630] =	vst v2  }
0x75: {  	[tilespmem:s17+$0x640] =	vst v2  }
0x76: {  	[tilespmem:s17+$0x650] =	vst v2  }
0x77: {  	[tilespmem:s17+$0x660] =	vst v2  }
0x78: {  	[tilespmem:s17+$0x670] =	vst v2  }
0x79: {  	[tilespmem:s17+$0x680] =	vst v2  }
0x7a: {  	[tilespmem:s17+$0x690] =	vst v2  }
0x7b: {  	[tilespmem:s17+$0x6A0] =	vst v2  }
0x7c: {  	[tilespmem:s17+$0x6B0] =	vst v2  }
0x7d: {  	[tilespmem:s17+$0x6C0] =	vst v2  }
0x7e: {  	[tilespmem:s17+$0x6D0] =	vst v2  }
0x7f: {  	[tilespmem:s17+$0x6E0] =	vst v2  }
0x80: {  	[tilespmem:s17+$0x6F0] =	vst v2  }
0x81: {  	[tilespmem:s17+$0x700] =	vst v2  }
0x82: {  	[tilespmem:s17+$0x710] =	vst v2  }
0x83: {  	[tilespmem:s17+$0x720] =	vst v2  }
0x84: {  	[tilespmem:s17+$0x730] =	vst v2  }
0x85: {  	[tilespmem:s17+$0x740] =	vst v2  }
0x86: {  	[tilespmem:s17+$0x750] =	vst v2  }
0x87: {  	[tilespmem:s17+$0x760] =	vst v2  }
0x88: {  	[tilespmem:s17+$0x770] =	vst v2  }
0x89: {  	[tilespmem:s17+$0x780] =	vst v2  }
0x8a: {  	[tilespmem:s17+$0x790] =	vst v2  }
.Ltmp0:
0x8b: {  	[tilespmem:s17+$0x7A0] =	vst v2;
	(pc) =	sbr.rel @p0 .LBB2_2-.Ltmp0, $4  }
0x8c: {  	[tilespmem:s17+$0x7B0] =	vst v2  }
0x8d: {  	[tilespmem:s17+$0x7C0] =	vst v2  }
0x8e: {  	[tilespmem:s17+$0x7D0] =	vst v2  }
0x8f: {  	[tilespmem:s17+$0x7E0] =	vst v2;
	s17 =	sshra.s32 s16, $0x2;
	s16 =	sadd.s32 $0x2000, s16  }
0x90: {  	[tilespmem:s17+$0x7F0] =	vst v2  }
0x91: {  	[tilespmem:s17+$0x0] =	vst v2  }
0x92: {  	[tilespmem:s17+$0x10] =	vst v2  }
0x93: {  	[tilespmem:s17+$0x20] =	vst v2  }
0x94: {  	[tilespmem:s17+$0x30] =	vst v2  }
0x95: {  	[tilespmem:s17+$0x40] =	vst v2  }
0x96: {  	[tilespmem:s17+$0x50] =	vst v2  }
0x97: {  	[tilespmem:s17+$0x60] =	vst v2  }
0x98: {  	[tilespmem:s17+$0x70] =	vst v2  }
0x99: {  	[tilespmem:s17+$0x80] =	vst v2  }
0x9a: {  	[tilespmem:s17+$0x90] =	vst v2  }
0x9b: {  	[tilespmem:s17+$0xA0] =	vst v2  }
0x9c: {  	[tilespmem:s17+$0xB0] =	vst v2  }
0x9d: {  	[tilespmem:s17+$0xC0] =	vst v2  }
0x9e: {  	[tilespmem:s17+$0xD0] =	vst v2  }
0x9f: {  	[tilespmem:s17+$0xE0] =	vst v2  }
0xa0: {  	[tilespmem:s17+$0xF0] =	vst v2  }
0xa1: {  	[tilespmem:s17+$0x100] =	vst v2  }
0xa2: {  	[tilespmem:s17+$0x110] =	vst v2  }
0xa3: {  	[tilespmem:s17+$0x120] =	vst v2  }
0xa4: {  	[tilespmem:s17+$0x130] =	vst v2  }
0xa5: {  	[tilespmem:s17+$0x140] =	vst v2  }
0xa6: {  	[tilespmem:s17+$0x150] =	vst v2  }
0xa7: {  	[tilespmem:s17+$0x160] =	vst v2  }
0xa8: {  	[tilespmem:s17+$0x170] =	vst v2  }
0xa9: {  	[tilespmem:s17+$0x180] =	vst v2  }
0xaa: {  	[tilespmem:s17+$0x190] =	vst v2  }
0xab: {  	[tilespmem:s17+$0x1A0] =	vst v2  }
0xac: {  	[tilespmem:s17+$0x1B0] =	vst v2  }
0xad: {  	[tilespmem:s17+$0x1C0] =	vst v2  }
0xae: {  	[tilespmem:s17+$0x1D0] =	vst v2  }
0xaf: {  	[tilespmem:s17+$0x1E0] =	vst v2  }
0xb0: {  	[tilespmem:s17+$0x1F0] =	vst v2  }
0xb1: {  	[tilespmem:s17+$0x200] =	vst v2  }
0xb2: {  	[tilespmem:s17+$0x210] =	vst v2  }
0xb3: {  	[tilespmem:s17+$0x220] =	vst v2  }
0xb4: {  	[tilespmem:s17+$0x230] =	vst v2  }
0xb5: {  	[tilespmem:s17+$0x240] =	vst v2  }
0xb6: {  	[tilespmem:s17+$0x250] =	vst v2  }
0xb7: {  	[tilespmem:s17+$0x260] =	vst v2  }
0xb8: {  	[tilespmem:s17+$0x270] =	vst v2  }
0xb9: {  	[tilespmem:s17+$0x280] =	vst v2  }
0xba: {  	[tilespmem:s17+$0x290] =	vst v2  }
0xbb: {  	[tilespmem:s17+$0x2A0] =	vst v2  }
0xbc: {  	[tilespmem:s17+$0x2B0] =	vst v2  }
0xbd: {  	[tilespmem:s17+$0x2C0] =	vst v2  }
0xbe: {  	[tilespmem:s17+$0x2D0] =	vst v2  }
0xbf: {  	[tilespmem:s17+$0x2E0] =	vst v2  }
0xc0: {  	[tilespmem:s17+$0x2F0] =	vst v2  }
0xc1: {  	[tilespmem:s17+$0x300] =	vst v2  }
0xc2: {  	[tilespmem:s17+$0x310] =	vst v2  }
0xc3: {  	[tilespmem:s17+$0x320] =	vst v2  }
0xc4: {  	[tilespmem:s17+$0x330] =	vst v2  }
0xc5: {  	[tilespmem:s17+$0x340] =	vst v2  }
0xc6: {  	[tilespmem:s17+$0x350] =	vst v2  }
0xc7: {  	[tilespmem:s17+$0x360] =	vst v2  }
0xc8: {  	[tilespmem:s17+$0x370] =	vst v2  }
0xc9: {  	[tilespmem:s17+$0x380] =	vst v2  }
0xca: {  	[tilespmem:s17+$0x390] =	vst v2  }
0xcb: {  	[tilespmem:s17+$0x3A0] =	vst v2  }
0xcc: {  	[tilespmem:s17+$0x3B0] =	vst v2  }
0xcd: {  	[tilespmem:s17+$0x3C0] =	vst v2  }
0xce: {  	[tilespmem:s17+$0x3D0] =	vst v2  }
0xcf: {  	[tilespmem:s17+$0x3E0] =	vst v2  }
0xd0: {  	[tilespmem:s17+$0x3F0] =	vst v2  }
0xd1: {  	[tilespmem:s17+$0x400] =	vst v2  }
0xd2: {  	[tilespmem:s17+$0x410] =	vst v2  }
0xd3: {  	[tilespmem:s17+$0x420] =	vst v2  }
0xd4: {  	[tilespmem:s17+$0x430] =	vst v2  }
0xd5: {  	[tilespmem:s17+$0x440] =	vst v2  }
0xd6: {  	[tilespmem:s17+$0x450] =	vst v2  }
0xd7: {  	[tilespmem:s17+$0x460] =	vst v2  }
0xd8: {  	[tilespmem:s17+$0x470] =	vst v2  }
0xd9: {  	[tilespmem:s17+$0x480] =	vst v2  }
0xda: {  	[tilespmem:s17+$0x490] =	vst v2  }
0xdb: {  	[tilespmem:s17+$0x4A0] =	vst v2  }
0xdc: {  	[tilespmem:s17+$0x4B0] =	vst v2  }
0xdd: {  	[tilespmem:s17+$0x4C0] =	vst v2  }
0xde: {  	[tilespmem:s17+$0x4D0] =	vst v2  }
0xdf: {  	[tilespmem:s17+$0x4E0] =	vst v2  }
0xe0: {  	[tilespmem:s17+$0x4F0] =	vst v2  }
0xe1: {  	[tilespmem:s17+$0x500] =	vst v2  }
0xe2: {  	[tilespmem:s17+$0x510] =	vst v2  }
0xe3: {  	[tilespmem:s17+$0x520] =	vst v2  }
0xe4: {  	[tilespmem:s17+$0x530] =	vst v2  }
0xe5: {  	[tilespmem:s17+$0x540] =	vst v2  }
0xe6: {  	[tilespmem:s17+$0x550] =	vst v2  }
0xe7: {  	[tilespmem:s17+$0x560] =	vst v2  }
0xe8: {  	[tilespmem:s17+$0x570] =	vst v2  }
0xe9: {  	[tilespmem:s17+$0x580] =	vst v2  }
0xea: {  	[tilespmem:s17+$0x590] =	vst v2  }
0xeb: {  	[tilespmem:s17+$0x5A0] =	vst v2  }
0xec: {  	[tilespmem:s17+$0x5B0] =	vst v2  }
0xed: {  	[tilespmem:s17+$0x5C0] =	vst v2  }
0xee: {  	[tilespmem:s17+$0x5D0] =	vst v2  }
0xef: {  	[tilespmem:s17+$0x5E0] =	vst v2  }
0xf0: {  	[tilespmem:s17+$0x5F0] =	vst v2  }
0xf1: {  	[tilespmem:s17+$0x600] =	vst v2  }
0xf2: {  	[tilespmem:s17+$0x610] =	vst v2  }
0xf3: {  	[tilespmem:s17+$0x620] =	vst v2  }
0xf4: {  	[tilespmem:s17+$0x630] =	vst v2  }
0xf5: {  	[tilespmem:s17+$0x640] =	vst v2  }
0xf6: {  	[tilespmem:s17+$0x650] =	vst v2  }
0xf7: {  	[tilespmem:s17+$0x660] =	vst v2  }
0xf8: {  	[tilespmem:s17+$0x670] =	vst v2  }
0xf9: {  	[tilespmem:s17+$0x680] =	vst v2  }
0xfa: {  	[tilespmem:s17+$0x690] =	vst v2  }
0xfb: {  	[tilespmem:s17+$0x6A0] =	vst v2  }
0xfc: {  	[tilespmem:s17+$0x6B0] =	vst v2  }
0xfd: {  	[tilespmem:s17+$0x6C0] =	vst v2  }
0xfe: {  	[tilespmem:s17+$0x6D0] =	vst v2  }
0xff: {  	[tilespmem:s17+$0x6E0] =	vst v2  }
0x100: {  	[tilespmem:s17+$0x6F0] =	vst v2  }
0x101: {  	[tilespmem:s17+$0x700] =	vst v2  }
0x102: {  	[tilespmem:s17+$0x710] =	vst v2  }
0x103: {  	[tilespmem:s17+$0x720] =	vst v2  }
0x104: {  	[tilespmem:s17+$0x730] =	vst v2  }
0x105: {  	[tilespmem:s17+$0x740] =	vst v2  }
0x106: {  	[tilespmem:s17+$0x750] =	vst v2  }
0x107: {  	[tilespmem:s17+$0x760] =	vst v2  }
0x108: {  	[tilespmem:s17+$0x770] =	vst v2  }
0x109: {  	[tilespmem:s17+$0x780] =	vst v2  }
0x10a: {  	[tilespmem:s17+$0x790] =	vst v2  }
0x10b: {  	[tilespmem:s17+$0x7A0] =	vst v2  }
0x10c: {  	[tilespmem:s17+$0x7B0] =	vst v2  }
0x10d: {  	[tilespmem:s17+$0x7C0] =	vst v2  }
0x10e: {  	[tilespmem:s17+$0x7D0] =	vst v2  }
0x10f: {  	s16 =	simm.s32 $0x0;
	[tilespmem:s17+$0x7E0] =	vst v2;
	s17 =	simm.s32 $0x0  }
.LBB2_4:
0x110: {  	s18 =	sshll.u32 s17, $0xB  }
0x111: {  	s19 =	sor.u32 $0x400, s18  }
0x112: {  	s20 =	sadd.s32 s3, s19  }
0x113: {  	[tilespmem:s10], [sflag:$0x2] =	stream.linear.gather [hbm4b:s20+s16], $0x2000, $0x38;
	[tilespmem:$0x18000] =	vst v63  }
0x114: {  	s19 =	sadd.s32 s4, s19  }
0x115: {  	[tilespmem:s11], [sflag:$0x2] =	stream.linear.gather [hbm4b:s19+s16], $0x2000, $0x38;
	[tilespmem:$0x18000] =	vst v63  }
0x116: {  	_ =	swait.ge [sflag:s12], $0x2000  }
0x117: {  	[sflag:s12] =	ssyncset.done $0x0  }
0x118: {  	[sflag:s12] =	ssyncadd.s32 $0xFFFFE000  }
0x119: {  	_ =	swait.ge [sflag:s12], $0x2000  }
0x11a: {  	[sflag:s12] =	ssyncset.done $0x0  }
0x11b: {  	s19 =	simm.s32 $0x0;
	[sflag:s12] =	ssyncadd.s32 $0xFFFFE000  }
0x11c: {  	v7 =	vld [tilespmem:s19+$0x10050]  }
0x11d: {  	v14 =	vld [tilespmem:s19+$0x12060]  }
0x11e: {  	v9 =	vld [tilespmem:s19+$0x10030]  }
0x11f: {  	v6 =	vld [tilespmem:s19+$0x120F0]  }
0x120: {  	v4 =	vld [tilespmem:s19+$0x100E0]  }
0x121: {  	v15 =	vld [tilespmem:s19+$0x12040]  }
0x122: {  	v16 =	vld [tilespmem:s19+$0x12030]  }
0x123: {  	v17 =	vld [tilespmem:s19+$0x100F0]  }
0x124: {  	v5 =	vld [tilespmem:s19+$0x120E0]  }
0x125: {  	v10 =	vld [tilespmem:s19+$0x10020]  }
0x126: {  	v8 =	vld [tilespmem:s19+$0x120A0]  }
0x127: {  	v13 =	vld [tilespmem:s19+$0x12020]  }
0x128: {  	v23 =	vld [tilespmem:s19+$0x12000]  }
0x129: {  	v21 =	vld [tilespmem:s19+$0x10010]  }
0x12a: {  	v11 =	vld [tilespmem:s19+$0x12050]  }
0x12b: {  	v18 =	vld [tilespmem:s19+$0x12010];
	v5 =	vsub.s32 v5, v0;
	v8 =	vsub.s32 v8, v0  }
0x12c: {  	v22 =	vld [tilespmem:s19+$0x10000];
	v25 =	vsub.s32 v6, v0;
	v19 =	vsub.s32 v13, v0;
	v16 =	vsub.s32 v16, v0  }
0x12d: {  	v28 =	vld [tilespmem:s19+$0x10040];
	v20 =	vsub.s32 v15, v0;
	v31 =	vsub.s32 v23, v0;
	v32 =	vsub.s32 v14, v0  }
0x12e: {  	v27 =	vld [tilespmem:s19+$0x12070];
	v12 =	vshll.u32 v5, $0xB;
	v6 =	vshll.u32 v25, $0xB;
	vm1 =	vlt.u32 v16, $0x20  }
0x12f: {  	v29 =	vld [tilespmem:s19+$0x10060];
	v24 =	vshll.u32 v16, $0xB;
	vm0 =	vlt.u32 v25, $0x20;
	v14 =	vshll.u32 v31, $0xB  }
0x130: {  	v30 =	vld [tilespmem:s19+$0x10070];
	vm5 =	vlt.u32 v31, $0x20;
	vm4 =	vlt.u32 v32, $0x20;
	v4 =	vadd.s32 v4, v12  }
0x131: {  	v26 =	vld [tilespmem:s19+$0x12080];
	v12 =	vsub.s32 v11, v0;
	v6 =	vadd.s32 v17, v6;
	v17 =	vsub.s32 v18, v0  }
0x132: {  	v15 =	vld [tilespmem:s19+$0x10090];
	v11 =	vshll.u32 v8, $0xB;
	v18 =	vshll.u32 v19, $0xB;
	v16 =	vshll.u32 v17, $0xB  }
0x133: {  	v22 =	vadd.s32 v22, v14;
	v21 =	vadd.s32 v21, v16;
	v16 =	vsub.s32 v27, v0;
	v27 =	vld [tilespmem:s19+$0x12090]  }
0x134: {  	v23 =	vld [tilespmem:s19+$0x100A0];
	vm3 =	vlt.u32 v17, $0x20;
	v17 =	vshll.u32 v20, $0xB;
	vm2 =	vlt.u32 v16, $0x20  }
0x135: {  	v25 =	vld [tilespmem:s19+$0x10080];
	v14 =	vshll.u32 v16, $0xB;
	v16 =	vadd.s32 v28, v17;
	v17 =	vshll.u32 v32, $0xB  }
0x136: {  	s20 =	simm.s32 $0x400;
	v13 =	vshll.u32 v12, $0xB;
	v28 =	vld [tilespmem:s19+$0x120B0];
	v14 =	vadd.s32 v30, v14;
	v17 =	vadd.s32 v29, v17  }
.LBB2_5:
0x137: {  	s21 =	sshra.s32 s20, $0x2;
	p0 =	sne.s32 s20, $0x7C00;
	s20 =	sadd.s32 $0x400, s20;
	vm8 =	vlt.u32 v19, $0x20;
	v9 =	vadd.s32 v9, v24;
	v19 =	vsub.s32 v26, v0;
	v24 =	vld [tilespmem:s19+$0x100B0]  }
0x138: {  	vm6 =	vlt.u32 v19, $0x20;
	v19 =	vshll.u32 v19, $0xB;
	v26 =	vsub.s32 v27, v0;
	v27 =	vld [tilespmem:s19+$0x100D0]  }
0x139: {  	v10 =	vadd.s32 v10, v18;
	vm7 =	vlt.u32 v26, $0x20;
	v18 =	vshll.u32 v26, $0xB;
	v26 =	vld [tilespmem:s19+$0x120D0]  }
0x13a: {  	vm9 =	vlt.u32 v20, $0x20;
	v19 =	vadd.s32 v25, v19;
	v15 =	vadd.s32 v15, v18;
	v18 =	vld [tilespmem:s19+$0x100C0]  }
0x13b: {  	vm10 =	vlt.u32 v12, $0x20;
	v7 =	vadd.s32 v7, v13;
	v12 =	vsub.s32 v28, v0;
	v13 =	vld [tilespmem:s19+$0x120C0];
	s19 =	smov.u32 s21  }
0x13c: {  	v11 =	vadd.s32 v23, v11;
	v20 =	vshll.u32 v12, $0xB;
	[tilespmem:v22+s2+$0x0] =	vst.idx.add.f32.msk vm5, v3  }
0x13d: {  	v20 =	vadd.s32 v24, v20;
	[tilespmem:v21+s2+$0x0] =	vst.idx.add.f32.msk vm3, v3  }
0x13e: {  	vm3 =	vlt.u32 v12, $0x20;
	v12 =	vsub.s32 v26, v0;
	[tilespmem:v10+s2+$0x0] =	vst.idx.add.f32.msk vm8, v3  }
0x13f: {  	v10 =	vshll.u32 v12, $0xB;
	[tilespmem:v9+s2+$0x0] =	vst.idx.add.f32.msk vm1, v3  }
0x140: {  	vm1 =	vlt.u32 v8, $0x20;
	v8 =	vsub.s32 v13, v0;
	v9 =	vadd.s32 v27, v10;
	[tilespmem:v16+s2+$0x0] =	vst.idx.add.f32.msk vm9, v3  }
0x141: {  	[tilespmem:v7+s2+$0x0] =	vst.idx.add.f32.msk vm10, v3  }
0x142: {  	vm5 =	vlt.u32 v8, $0x20;
	v7 =	vshll.u32 v8, $0xB;
	[tilespmem:v17+s2+$0x0] =	vst.idx.add.f32.msk vm4, v3  }
0x143: {  	v7 =	vadd.s32 v18, v7;
	vm4 =	vlt.u32 v12, $0x20;
	[tilespmem:v14+s2+$0x0] =	vst.idx.add.f32.msk vm2, v3  }
0x144: {  	vm2 =	vlt.u32 v5, $0x20;
	[tilespmem:v19+s2+$0x0] =	vst.idx.add.f32.msk vm6, v3  }
0x145: {  	[tilespmem:v15+s2+$0x0] =	vst.idx.add.f32.msk vm7, v3  }
0x146: {  	[tilespmem:v11+s2+$0x0] =	vst.idx.add.f32.msk vm1, v3  }
0x147: {  	[tilespmem:v20+s2+$0x0] =	vst.idx.add.f32.msk vm3, v3  }
0x148: {  	[tilespmem:v7+s2+$0x0] =	vst.idx.add.f32.msk vm5, v3  }
0x149: {  	[tilespmem:v9+s2+$0x0] =	vst.idx.add.f32.msk vm4, v3  }
0x14a: {  	[tilespmem:v4+s2+$0x0] =	vst.idx.add.f32.msk vm2, v3  }
0x14b: {  	[tilespmem:v6+s2+$0x0] =	vst.idx.add.f32.msk vm0, v3  }
0x14c: {  	v7 =	vld [tilespmem:s19+$0x10050]  }
0x14d: {  	v14 =	vld [tilespmem:s19+$0x12060]  }
0x14e: {  	v9 =	vld [tilespmem:s19+$0x10030]  }
0x14f: {  	v6 =	vld [tilespmem:s19+$0x120F0]  }
0x150: {  	v4 =	vld [tilespmem:s19+$0x100E0]  }
0x151: {  	v15 =	vld [tilespmem:s19+$0x12040]  }
0x152: {  	v16 =	vld [tilespmem:s19+$0x12030]  }
0x153: {  	v17 =	vld [tilespmem:s19+$0x100F0]  }
0x154: {  	v5 =	vld [tilespmem:s19+$0x120E0]  }
0x155: {  	v10 =	vld [tilespmem:s19+$0x10020]  }
0x156: {  	v8 =	vld [tilespmem:s19+$0x120A0]  }
0x157: {  	v21 =	vld [tilespmem:s19+$0x10010]  }
0x158: {  	v11 =	vld [tilespmem:s19+$0x12050]  }
0x159: {  	v13 =	vld [tilespmem:s19+$0x12020];
	v5 =	vsub.s32 v5, v0  }
0x15a: {  	v18 =	vld [tilespmem:s19+$0x12010];
	v12 =	vshll.u32 v5, $0xB  }
0x15b: {  	v22 =	vld [tilespmem:s19+$0x10000];
	v8 =	vsub.s32 v8, v0;
	v4 =	vadd.s32 v4, v12  }
0x15c: {  	v25 =	vsub.s32 v6, v0;
	v23 =	vld [tilespmem:s19+$0x12000]  }
0x15d: {  	v6 =	vshll.u32 v25, $0xB;
	v28 =	vld [tilespmem:s19+$0x10040];
	v12 =	vsub.s32 v11, v0;
	v11 =	vshll.u32 v8, $0xB  }
0x15e: {  	v6 =	vadd.s32 v17, v6;
	v19 =	vsub.s32 v13, v0;
	v13 =	vshll.u32 v12, $0xB;
	v27 =	vld [tilespmem:s19+$0x12070]  }
0x15f: {  	v16 =	vsub.s32 v16, v0;
	v17 =	vsub.s32 v18, v0;
	v18 =	vshll.u32 v19, $0xB;
	v29 =	vld [tilespmem:s19+$0x10060]  }
0x160: {  	v20 =	vsub.s32 v15, v0;
	vm1 =	vlt.u32 v16, $0x20;
	vm3 =	vlt.u32 v17, $0x20;
	v30 =	vld [tilespmem:s19+$0x10070]  }
0x161: {  	vm0 =	vlt.u32 v25, $0x20;
	v24 =	vshll.u32 v16, $0xB;
	v31 =	vsub.s32 v23, v0;
	v15 =	vld [tilespmem:s19+$0x10090]  }
.Ltmp1:
0x162: {  	v32 =	vsub.s32 v14, v0;
	v16 =	vshll.u32 v17, $0xB;
	v17 =	vshll.u32 v20, $0xB;
	v26 =	vld [tilespmem:s19+$0x12080];
	(pc) =	sbr.rel @p0 .LBB2_5-.Ltmp1, $4  }
0x163: {  	v21 =	vadd.s32 v21, v16;
	v14 =	vshll.u32 v31, $0xB;
	v16 =	vsub.s32 v27, v0;
	v27 =	vld [tilespmem:s19+$0x12090]  }
0x164: {  	v22 =	vadd.s32 v22, v14;
	vm2 =	vlt.u32 v16, $0x20;
	v14 =	vshll.u32 v16, $0xB;
	v25 =	vld [tilespmem:s19+$0x10080]  }
0x165: {  	v16 =	vadd.s32 v28, v17;
	v17 =	vshll.u32 v32, $0xB;
	v14 =	vadd.s32 v30, v14;
	v23 =	vld [tilespmem:s19+$0x100A0]  }
0x166: {  	vm4 =	vlt.u32 v32, $0x20;
	vm5 =	vlt.u32 v31, $0x20;
	v17 =	vadd.s32 v29, v17;
	v28 =	vld [tilespmem:s19+$0x120B0]  }
0x167: {  	v29 =	vld [tilespmem:s19+$0x100B0]  }
0x168: {  	vm6 =	vlt.u32 v19, $0x20;
	v19 =	vld [tilespmem:s19+$0x100D0]  }
0x169: {  	v10 =	vadd.s32 v10, v18;
	v18 =	vld [tilespmem:s19+$0x120D0]  }
0x16a: {  	v9 =	vadd.s32 v9, v24;
	vm7 =	vlt.u32 v20, $0x20;
	v20 =	vld [tilespmem:s19+$0x100C0]  }
0x16b: {  	vm8 =	vlt.u32 v12, $0x20;
	v12 =	vld [tilespmem:s19+$0x120C0]  }
0x16c: {  	v24 =	vsub.s32 v26, v0;
	v7 =	vadd.s32 v7, v13;
	[tilespmem:v22+s2+$0x0] =	vst.idx.add.f32.msk vm5, v3  }
0x16d: {  	v13 =	vshll.u32 v24, $0xB;
	v22 =	vsub.s32 v27, v0;
	[tilespmem:v21+s2+$0x0] =	vst.idx.add.f32.msk vm3, v3  }
0x16e: {  	vm3 =	vlt.u32 v24, $0x20;
	v21 =	vshll.u32 v22, $0xB;
	v13 =	vadd.s32 v25, v13;
	[tilespmem:v10+s2+$0x0] =	vst.idx.add.f32.msk vm6, v3  }
0x16f: {  	vm5 =	vlt.u32 v22, $0x20;
	v10 =	vadd.s32 v15, v21;
	v15 =	vsub.s32 v28, v0;
	[tilespmem:v9+s2+$0x0] =	vst.idx.add.f32.msk vm1, v3  }
0x170: {  	v9 =	vadd.s32 v23, v11;
	v11 =	vshll.u32 v15, $0xB;
	vm1 =	vlt.u32 v8, $0x20;
	[tilespmem:v16+s2+$0x0] =	vst.idx.add.f32.msk vm7, v3  }
0x171: {  	vm6 =	vlt.u32 v15, $0x20;
	v8 =	vadd.s32 v29, v11;
	v11 =	vsub.s32 v12, v0;
	[tilespmem:v7+s2+$0x0] =	vst.idx.add.f32.msk vm8, v3  }
0x172: {  	v7 =	vsub.s32 v18, v0;
	vm7 =	vlt.u32 v11, $0x20;
	v11 =	vshll.u32 v11, $0xB;
	[tilespmem:v17+s2+$0x0] =	vst.idx.add.f32.msk vm4, v3  }
0x173: {  	v12 =	vshll.u32 v7, $0xB;
	v11 =	vadd.s32 v20, v11;
	vm4 =	vlt.u32 v7, $0x20;
	[tilespmem:v14+s2+$0x0] =	vst.idx.add.f32.msk vm2, v3  }
0x174: {  	v7 =	vadd.s32 v19, v12;
	vm2 =	vlt.u32 v5, $0x20;
	[tilespmem:v13+s2+$0x0] =	vst.idx.add.f32.msk vm3, v3  }
0x175: {  	[tilespmem:v10+s2+$0x0] =	vst.idx.add.f32.msk vm5, v3  }
0x176: {  	[tilespmem:v9+s2+$0x0] =	vst.idx.add.f32.msk vm1, v3  }
0x177: {  	[tilespmem:v8+s2+$0x0] =	vst.idx.add.f32.msk vm6, v3  }
0x178: {  	[tilespmem:v11+s2+$0x0] =	vst.idx.add.f32.msk vm7, v3  }
0x179: {  	p0 =	seq.s32 s17, $0x7;
	[tilespmem:v7+s2+$0x0] =	vst.idx.add.f32.msk vm4, v3  }
0x17a: {  	s18 =	sadd.s32 @!p0 $0x800, s18;
	[tilespmem:v4+s2+$0x0] =	vst.idx.add.f32.msk vm2, v3  }
0x17b: {  	s20 =	simm.s32 @!p0 $0x0;
	s21 =	simm.s32 @!p0 $0x10000;
	s19 =	sadd.s32 @!p0 s3, s18;
	[tilespmem:v6+s2+$0x0] =	vst.idx.add.f32.msk vm0, v3  }
0x17c: {  	[tilespmem:s21], [sflag:$0x1] =	stream.linear.gather @!p0 [hbm4b:s19+s20], $0x2000, $0x38;
	[tilespmem:$0x18000] =	vst v63  }
0x17d: {  	s18 =	sadd.s32 @!p0 s4, s18;
	s19 =	simm.s32 @!p0 $0x12000  }
0x17e: {  	[tilespmem:s19], [sflag:$0x1] =	stream.linear.gather @!p0 [hbm4b:s18+s20], $0x2000, $0x38;
	[tilespmem:$0x18000] =	vst v63  }
0x17f: {  	_ =	swait.ge [sflag:s13], $0x2000  }
0x180: {  	[sflag:s13] =	ssyncset.done $0x0  }
0x181: {  	[sflag:s13] =	ssyncadd.s32 $0xFFFFE000  }
0x182: {  	_ =	swait.ge [sflag:s13], $0x2000  }
0x183: {  	[sflag:s13] =	ssyncset.done $0x0  }
0x184: {  	s18 =	simm.s32 $0x0;
	[sflag:s13] =	ssyncadd.s32 $0xFFFFE000  }
0x185: {  	v7 =	vld [tilespmem:s18+$0x14050]  }
0x186: {  	v14 =	vld [tilespmem:s18+$0x16060]  }
0x187: {  	v9 =	vld [tilespmem:s18+$0x14030]  }
0x188: {  	v6 =	vld [tilespmem:s18+$0x160F0]  }
0x189: {  	v4 =	vld [tilespmem:s18+$0x140E0]  }
0x18a: {  	v15 =	vld [tilespmem:s18+$0x16040]  }
0x18b: {  	v16 =	vld [tilespmem:s18+$0x16030]  }
0x18c: {  	v17 =	vld [tilespmem:s18+$0x140F0]  }
0x18d: {  	v5 =	vld [tilespmem:s18+$0x160E0]  }
0x18e: {  	v10 =	vld [tilespmem:s18+$0x14020]  }
0x18f: {  	v8 =	vld [tilespmem:s18+$0x160A0]  }
0x190: {  	v13 =	vld [tilespmem:s18+$0x16020]  }
0x191: {  	v23 =	vld [tilespmem:s18+$0x16000]  }
0x192: {  	v21 =	vld [tilespmem:s18+$0x14010]  }
0x193: {  	v11 =	vld [tilespmem:s18+$0x16050]  }
0x194: {  	v18 =	vld [tilespmem:s18+$0x16010];
	v5 =	vsub.s32 v5, v0;
	v8 =	vsub.s32 v8, v0  }
0x195: {  	v22 =	vld [tilespmem:s18+$0x14000];
	v25 =	vsub.s32 v6, v0;
	v19 =	vsub.s32 v13, v0;
	v16 =	vsub.s32 v16, v0  }
0x196: {  	v28 =	vld [tilespmem:s18+$0x14040];
	v20 =	vsub.s32 v15, v0;
	v31 =	vsub.s32 v23, v0;
	v32 =	vsub.s32 v14, v0  }
0x197: {  	v27 =	vld [tilespmem:s18+$0x16070];
	v12 =	vshll.u32 v5, $0xB;
	v6 =	vshll.u32 v25, $0xB;
	vm1 =	vlt.u32 v16, $0x20  }
0x198: {  	v29 =	vld [tilespmem:s18+$0x14060];
	v24 =	vshll.u32 v16, $0xB;
	vm0 =	vlt.u32 v25, $0x20;
	v14 =	vshll.u32 v31, $0xB  }
0x199: {  	v30 =	vld [tilespmem:s18+$0x14070];
	vm5 =	vlt.u32 v31, $0x20;
	vm4 =	vlt.u32 v32, $0x20;
	v4 =	vadd.s32 v4, v12  }
0x19a: {  	v26 =	vld [tilespmem:s18+$0x16080];
	v12 =	vsub.s32 v11, v0;
	v6 =	vadd.s32 v17, v6;
	v17 =	vsub.s32 v18, v0  }
0x19b: {  	v15 =	vld [tilespmem:s18+$0x14090];
	v11 =	vshll.u32 v8, $0xB;
	v18 =	vshll.u32 v19, $0xB;
	v16 =	vshll.u32 v17, $0xB  }
0x19c: {  	v22 =	vadd.s32 v22, v14;
	v21 =	vadd.s32 v21, v16;
	v16 =	vsub.s32 v27, v0;
	v27 =	vld [tilespmem:s18+$0x16090]  }
0x19d: {  	v23 =	vld [tilespmem:s18+$0x140A0];
	vm3 =	vlt.u32 v17, $0x20;
	v17 =	vshll.u32 v20, $0xB;
	vm2 =	vlt.u32 v16, $0x20  }
0x19e: {  	v25 =	vld [tilespmem:s18+$0x14080];
	v14 =	vshll.u32 v16, $0xB;
	v16 =	vadd.s32 v28, v17;
	v17 =	vshll.u32 v32, $0xB  }
0x19f: {  	s19 =	simm.s32 $0x400;
	v13 =	vshll.u32 v12, $0xB;
	v28 =	vld [tilespmem:s18+$0x160B0];
	v14 =	vadd.s32 v30, v14;
	v17 =	vadd.s32 v29, v17  }
.LBB2_7:
0x1a0: {  	s20 =	sshra.s32 s19, $0x2;
	p0 =	sne.s32 s19, $0x7C00;
	s19 =	sadd.s32 $0x400, s19;
	vm8 =	vlt.u32 v19, $0x20;
	v9 =	vadd.s32 v9, v24;
	v19 =	vsub.s32 v26, v0;
	v24 =	vld [tilespmem:s18+$0x140B0]  }
0x1a1: {  	vm6 =	vlt.u32 v19, $0x20;
	v19 =	vshll.u32 v19, $0xB;
	v26 =	vsub.s32 v27, v0;
	v27 =	vld [tilespmem:s18+$0x140D0]  }
0x1a2: {  	v10 =	vadd.s32 v10, v18;
	vm7 =	vlt.u32 v26, $0x20;
	v18 =	vshll.u32 v26, $0xB;
	v26 =	vld [tilespmem:s18+$0x160D0]  }
0x1a3: {  	vm9 =	vlt.u32 v20, $0x20;
	v19 =	vadd.s32 v25, v19;
	v15 =	vadd.s32 v15, v18;
	v18 =	vld [tilespmem:s18+$0x140C0]  }
0x1a4: {  	vm10 =	vlt.u32 v12, $0x20;
	v7 =	vadd.s32 v7, v13;
	v12 =	vsub.s32 v28, v0;
	v13 =	vld [tilespmem:s18+$0x160C0];
	s18 =	smov.u32 s20  }
0x1a5: {  	v11 =	vadd.s32 v23, v11;
	v20 =	vshll.u32 v12, $0xB;
	[tilespmem:v22+s2+$0x0] =	vst.idx.add.f32.msk vm5, v3  }
0x1a6: {  	v20 =	vadd.s32 v24, v20;
	[tilespmem:v21+s2+$0x0] =	vst.idx.add.f32.msk vm3, v3  }
0x1a7: {  	vm3 =	vlt.u32 v12, $0x20;
	v12 =	vsub.s32 v26, v0;
	[tilespmem:v10+s2+$0x0] =	vst.idx.add.f32.msk vm8, v3  }
0x1a8: {  	v10 =	vshll.u32 v12, $0xB;
	[tilespmem:v9+s2+$0x0] =	vst.idx.add.f32.msk vm1, v3  }
0x1a9: {  	vm1 =	vlt.u32 v8, $0x20;
	v8 =	vsub.s32 v13, v0;
	v9 =	vadd.s32 v27, v10;
	[tilespmem:v16+s2+$0x0] =	vst.idx.add.f32.msk vm9, v3  }
0x1aa: {  	[tilespmem:v7+s2+$0x0] =	vst.idx.add.f32.msk vm10, v3  }
0x1ab: {  	vm5 =	vlt.u32 v8, $0x20;
	v7 =	vshll.u32 v8, $0xB;
	[tilespmem:v17+s2+$0x0] =	vst.idx.add.f32.msk vm4, v3  }
0x1ac: {  	v7 =	vadd.s32 v18, v7;
	vm4 =	vlt.u32 v12, $0x20;
	[tilespmem:v14+s2+$0x0] =	vst.idx.add.f32.msk vm2, v3  }
0x1ad: {  	vm2 =	vlt.u32 v5, $0x20;
	[tilespmem:v19+s2+$0x0] =	vst.idx.add.f32.msk vm6, v3  }
0x1ae: {  	[tilespmem:v15+s2+$0x0] =	vst.idx.add.f32.msk vm7, v3  }
0x1af: {  	[tilespmem:v11+s2+$0x0] =	vst.idx.add.f32.msk vm1, v3  }
0x1b0: {  	[tilespmem:v20+s2+$0x0] =	vst.idx.add.f32.msk vm3, v3  }
0x1b1: {  	[tilespmem:v7+s2+$0x0] =	vst.idx.add.f32.msk vm5, v3  }
0x1b2: {  	[tilespmem:v9+s2+$0x0] =	vst.idx.add.f32.msk vm4, v3  }
0x1b3: {  	[tilespmem:v4+s2+$0x0] =	vst.idx.add.f32.msk vm2, v3  }
0x1b4: {  	[tilespmem:v6+s2+$0x0] =	vst.idx.add.f32.msk vm0, v3  }
0x1b5: {  	v7 =	vld [tilespmem:s18+$0x14050]  }
0x1b6: {  	v14 =	vld [tilespmem:s18+$0x16060]  }
0x1b7: {  	v9 =	vld [tilespmem:s18+$0x14030]  }
0x1b8: {  	v6 =	vld [tilespmem:s18+$0x160F0]  }
0x1b9: {  	v4 =	vld [tilespmem:s18+$0x140E0]  }
0x1ba: {  	v15 =	vld [tilespmem:s18+$0x16040]  }
0x1bb: {  	v16 =	vld [tilespmem:s18+$0x16030]  }
0x1bc: {  	v17 =	vld [tilespmem:s18+$0x140F0]  }
0x1bd: {  	v5 =	vld [tilespmem:s18+$0x160E0]  }
0x1be: {  	v10 =	vld [tilespmem:s18+$0x14020]  }
0x1bf: {  	v8 =	vld [tilespmem:s18+$0x160A0]  }
0x1c0: {  	v21 =	vld [tilespmem:s18+$0x14010]  }
0x1c1: {  	v11 =	vld [tilespmem:s18+$0x16050]  }
0x1c2: {  	v13 =	vld [tilespmem:s18+$0x16020];
	v5 =	vsub.s32 v5, v0  }
0x1c3: {  	v18 =	vld [tilespmem:s18+$0x16010];
	v12 =	vshll.u32 v5, $0xB  }
0x1c4: {  	v22 =	vld [tilespmem:s18+$0x14000];
	v8 =	vsub.s32 v8, v0;
	v4 =	vadd.s32 v4, v12  }
0x1c5: {  	v25 =	vsub.s32 v6, v0;
	v23 =	vld [tilespmem:s18+$0x16000]  }
0x1c6: {  	v6 =	vshll.u32 v25, $0xB;
	v28 =	vld [tilespmem:s18+$0x14040];
	v12 =	vsub.s32 v11, v0;
	v11 =	vshll.u32 v8, $0xB  }
0x1c7: {  	v6 =	vadd.s32 v17, v6;
	v19 =	vsub.s32 v13, v0;
	v13 =	vshll.u32 v12, $0xB;
	v27 =	vld [tilespmem:s18+$0x16070]  }
0x1c8: {  	v16 =	vsub.s32 v16, v0;
	v17 =	vsub.s32 v18, v0;
	v18 =	vshll.u32 v19, $0xB;
	v29 =	vld [tilespmem:s18+$0x14060]  }
0x1c9: {  	v20 =	vsub.s32 v15, v0;
	vm1 =	vlt.u32 v16, $0x20;
	vm3 =	vlt.u32 v17, $0x20;
	v30 =	vld [tilespmem:s18+$0x14070]  }
0x1ca: {  	vm0 =	vlt.u32 v25, $0x20;
	v24 =	vshll.u32 v16, $0xB;
	v31 =	vsub.s32 v23, v0;
	v15 =	vld [tilespmem:s18+$0x14090]  }
.Ltmp2:
0x1cb: {  	v32 =	vsub.s32 v14, v0;
	v16 =	vshll.u32 v17, $0xB;
	v17 =	vshll.u32 v20, $0xB;
	v26 =	vld [tilespmem:s18+$0x16080];
	(pc) =	sbr.rel @p0 .LBB2_7-.Ltmp2, $4  }
0x1cc: {  	v21 =	vadd.s32 v21, v16;
	v14 =	vshll.u32 v31, $0xB;
	v16 =	vsub.s32 v27, v0;
	v27 =	vld [tilespmem:s18+$0x16090]  }
0x1cd: {  	v22 =	vadd.s32 v22, v14;
	vm2 =	vlt.u32 v16, $0x20;
	v14 =	vshll.u32 v16, $0xB;
	v25 =	vld [tilespmem:s18+$0x14080]  }
0x1ce: {  	v16 =	vadd.s32 v28, v17;
	v17 =	vshll.u32 v32, $0xB;
	v14 =	vadd.s32 v30, v14;
	v23 =	vld [tilespmem:s18+$0x140A0]  }
0x1cf: {  	vm4 =	vlt.u32 v32, $0x20;
	vm5 =	vlt.u32 v31, $0x20;
	v17 =	vadd.s32 v29, v17;
	v28 =	vld [tilespmem:s18+$0x160B0]  }
0x1d0: {  	v29 =	vld [tilespmem:s18+$0x140B0]  }
0x1d1: {  	vm6 =	vlt.u32 v19, $0x20;
	v47 =	vld [tilespmem:s18+$0x140D0]  }
0x1d2: {  	v10 =	vadd.s32 v10, v18;
	v48 =	vld [tilespmem:s18+$0x160D0]  }
0x1d3: {  	v9 =	vadd.s32 v9, v24;
	vm7 =	vlt.u32 v20, $0x20;
	v49 =	vld [tilespmem:s18+$0x140C0]  }
0x1d4: {  	vm8 =	vlt.u32 v12, $0x20;
	v50 =	vld [tilespmem:s18+$0x160C0]  }
0x1d5: {  	v7 =	vadd.s32 v7, v13;
	[tilespmem:v22+s2+$0x0] =	vst.idx.add.f32.msk vm5, v3  }
0x1d6: {  	v51 =	vsub.s32 v26, v0;
	vm11 =	vlt.u32 v8, $0x20;
	v53 =	vsub.s32 v27, v0;
	[tilespmem:v21+s2+$0x0] =	vst.idx.add.f32.msk vm3, v3  }
0x1d7: {  	v52 =	vshll.u32 v51, $0xB;
	vm9 =	vlt.u32 v51, $0x20;
	v54 =	vshll.u32 v53, $0xB;
	[tilespmem:v10+s2+$0x0] =	vst.idx.add.f32.msk vm6, v3  }
0x1d8: {  	v13 =	vadd.s32 v25, v52;
	vm10 =	vlt.u32 v53, $0x20;
	v56 =	vsub.s32 v28, v0;
	[tilespmem:v9+s2+$0x0] =	vst.idx.add.f32.msk vm1, v3  }
0x1d9: {  	v55 =	vadd.s32 v15, v54;
	v57 =	vadd.s32 v23, v11;
	v58 =	vshll.u32 v56, $0xB;
	[tilespmem:v16+s2+$0x0] =	vst.idx.add.f32.msk vm7, v3  }
0x1da: {  	vm12 =	vlt.u32 v56, $0x20;
	v60 =	vsub.s32 v50, v0;
	v61 =	vsub.s32 v48, v0;
	[tilespmem:v7+s2+$0x0] =	vst.idx.add.f32.msk vm8, v3  }
0x1db: {  	v59 =	vadd.s32 v29, v58;
	vm13 =	vlt.u32 v60, $0x20;
	v11 =	vshll.u32 v60, $0xB;
	[tilespmem:v17+s2+$0x0] =	vst.idx.add.f32.msk vm4, v3  }
0x1dc: {  	v62 =	vshll.u32 v61, $0xB;
	vm14 =	vlt.u32 v61, $0x20;
	v11 =	vadd.s32 v49, v11;
	[tilespmem:v14+s2+$0x0] =	vst.idx.add.f32.msk vm2, v3  }
0x1dd: {  	vm15 =	vlt.u32 v5, $0x20;
	v63 =	vadd.s32 v47, v62;
	[tilespmem:v13+s2+$0x0] =	vst.idx.add.f32.msk vm9, v3  }
0x1de: {  	s17 =	sadd.s32 $0x1, s17;
	[tilespmem:v55+s2+$0x0] =	vst.idx.add.f32.msk vm10, v3  }
0x1df: {  	p0 =	sne.s32 s17, $0x8;
	[tilespmem:v57+s2+$0x0] =	vst.idx.add.f32.msk vm11, v3  }
.Ltmp3:
0x1e0: {  	[tilespmem:v59+s2+$0x0] =	vst.idx.add.f32.msk vm12, v3;
	(pc) =	sbr.rel @p0 .LBB2_4-.Ltmp3, $4  }
0x1e1: {  	[tilespmem:v11+s2+$0x0] =	vst.idx.add.f32.msk vm13, v3  }
0x1e2: {  	[tilespmem:v63+s2+$0x0] =	vst.idx.add.f32.msk vm14, v3  }
0x1e3: {  	[tilespmem:v4+s2+$0x0] =	vst.idx.add.f32.msk vm15, v3  }
0x1e4: {  	[tilespmem:v6+s2+$0x0] =	vst.idx.add.f32.msk vm0, v3  }
0x1e5: {  	s16 =	simm.s32 $0x0  }
0x1e6: {  	[hbm4b:s5+s16] =	stream.linear.scatter [tilespmem:s16], [sflag:$0x3], $0x10000, $0x38;
	[tilespmem:$0x18000] =	vst v63  }
0x1e7: {  	_ =	swait.ge [sflag:s14], $0x10000  }
0x1e8: {  	[sflag:s14] =	ssyncset.done $0x0  }
0x1e9: {  	[sflag:s14] =	ssyncadd.s32 $0xFFFF0000  }
0x1ea: {  	[tilespmem:s8], [sflag:$0x1] =	stream.linear.gather [hbm4b:s3+s16], $0x2000, $0x38;
	[tilespmem:$0x18000] =	vst v63  }
0x1eb: {  	s17 =	simm.s32 $0x0;
	s18 =	simm.s32 $0x2000  }
0x1ec: {  	[tilespmem:s9], [sflag:$0x1] =	stream.linear.gather [hbm4b:s4+s16], $0x2000, $0x38;
	[tilespmem:$0x18000] =	vst v63  }
.LBB2_10:
0x1ed: {  	p0 =	sne.s32 s18, $0x3E000;
	[tilespmem:s17+$0x7F0] =	vst v2  }
0x1ee: {  	[tilespmem:s17+$0x0] =	vst v2  }
0x1ef: {  	[tilespmem:s17+$0x10] =	vst v2  }
0x1f0: {  	[tilespmem:s17+$0x20] =	vst v2  }
0x1f1: {  	[tilespmem:s17+$0x30] =	vst v2  }
0x1f2: {  	[tilespmem:s17+$0x40] =	vst v2  }
0x1f3: {  	[tilespmem:s17+$0x50] =	vst v2  }
0x1f4: {  	[tilespmem:s17+$0x60] =	vst v2  }
0x1f5: {  	[tilespmem:s17+$0x70] =	vst v2  }
0x1f6: {  	[tilespmem:s17+$0x80] =	vst v2  }
0x1f7: {  	[tilespmem:s17+$0x90] =	vst v2  }
0x1f8: {  	[tilespmem:s17+$0xA0] =	vst v2  }
0x1f9: {  	[tilespmem:s17+$0xB0] =	vst v2  }
0x1fa: {  	[tilespmem:s17+$0xC0] =	vst v2  }
0x1fb: {  	[tilespmem:s17+$0xD0] =	vst v2  }
0x1fc: {  	[tilespmem:s17+$0xE0] =	vst v2  }
0x1fd: {  	[tilespmem:s17+$0xF0] =	vst v2  }
0x1fe: {  	[tilespmem:s17+$0x100] =	vst v2  }
0x1ff: {  	[tilespmem:s17+$0x110] =	vst v2  }
0x200: {  	[tilespmem:s17+$0x120] =	vst v2  }
0x201: {  	[tilespmem:s17+$0x130] =	vst v2  }
0x202: {  	[tilespmem:s17+$0x140] =	vst v2  }
0x203: {  	[tilespmem:s17+$0x150] =	vst v2  }
0x204: {  	[tilespmem:s17+$0x160] =	vst v2  }
0x205: {  	[tilespmem:s17+$0x170] =	vst v2  }
0x206: {  	[tilespmem:s17+$0x180] =	vst v2  }
0x207: {  	[tilespmem:s17+$0x190] =	vst v2  }
0x208: {  	[tilespmem:s17+$0x1A0] =	vst v2  }
0x209: {  	[tilespmem:s17+$0x1B0] =	vst v2  }
0x20a: {  	[tilespmem:s17+$0x1C0] =	vst v2  }
0x20b: {  	[tilespmem:s17+$0x1D0] =	vst v2  }
0x20c: {  	[tilespmem:s17+$0x1E0] =	vst v2  }
0x20d: {  	[tilespmem:s17+$0x1F0] =	vst v2  }
0x20e: {  	[tilespmem:s17+$0x200] =	vst v2  }
0x20f: {  	[tilespmem:s17+$0x210] =	vst v2  }
0x210: {  	[tilespmem:s17+$0x220] =	vst v2  }
0x211: {  	[tilespmem:s17+$0x230] =	vst v2  }
0x212: {  	[tilespmem:s17+$0x240] =	vst v2  }
0x213: {  	[tilespmem:s17+$0x250] =	vst v2  }
0x214: {  	[tilespmem:s17+$0x260] =	vst v2  }
0x215: {  	[tilespmem:s17+$0x270] =	vst v2  }
0x216: {  	[tilespmem:s17+$0x280] =	vst v2  }
0x217: {  	[tilespmem:s17+$0x290] =	vst v2  }
0x218: {  	[tilespmem:s17+$0x2A0] =	vst v2  }
0x219: {  	[tilespmem:s17+$0x2B0] =	vst v2  }
0x21a: {  	[tilespmem:s17+$0x2C0] =	vst v2  }
0x21b: {  	[tilespmem:s17+$0x2D0] =	vst v2  }
0x21c: {  	[tilespmem:s17+$0x2E0] =	vst v2  }
0x21d: {  	[tilespmem:s17+$0x2F0] =	vst v2  }
0x21e: {  	[tilespmem:s17+$0x300] =	vst v2  }
0x21f: {  	[tilespmem:s17+$0x310] =	vst v2  }
0x220: {  	[tilespmem:s17+$0x320] =	vst v2  }
0x221: {  	[tilespmem:s17+$0x330] =	vst v2  }
0x222: {  	[tilespmem:s17+$0x340] =	vst v2  }
0x223: {  	[tilespmem:s17+$0x350] =	vst v2  }
0x224: {  	[tilespmem:s17+$0x360] =	vst v2  }
0x225: {  	[tilespmem:s17+$0x370] =	vst v2  }
0x226: {  	[tilespmem:s17+$0x380] =	vst v2  }
0x227: {  	[tilespmem:s17+$0x390] =	vst v2  }
0x228: {  	[tilespmem:s17+$0x3A0] =	vst v2  }
0x229: {  	[tilespmem:s17+$0x3B0] =	vst v2  }
0x22a: {  	[tilespmem:s17+$0x3C0] =	vst v2  }
0x22b: {  	[tilespmem:s17+$0x3D0] =	vst v2  }
0x22c: {  	[tilespmem:s17+$0x3E0] =	vst v2  }
0x22d: {  	[tilespmem:s17+$0x3F0] =	vst v2  }
0x22e: {  	[tilespmem:s17+$0x400] =	vst v2  }
0x22f: {  	[tilespmem:s17+$0x410] =	vst v2  }
0x230: {  	[tilespmem:s17+$0x420] =	vst v2  }
0x231: {  	[tilespmem:s17+$0x430] =	vst v2  }
0x232: {  	[tilespmem:s17+$0x440] =	vst v2  }
0x233: {  	[tilespmem:s17+$0x450] =	vst v2  }
0x234: {  	[tilespmem:s17+$0x460] =	vst v2  }
0x235: {  	[tilespmem:s17+$0x470] =	vst v2  }
0x236: {  	[tilespmem:s17+$0x480] =	vst v2  }
0x237: {  	[tilespmem:s17+$0x490] =	vst v2  }
0x238: {  	[tilespmem:s17+$0x4A0] =	vst v2  }
0x239: {  	[tilespmem:s17+$0x4B0] =	vst v2  }
0x23a: {  	[tilespmem:s17+$0x4C0] =	vst v2  }
0x23b: {  	[tilespmem:s17+$0x4D0] =	vst v2  }
0x23c: {  	[tilespmem:s17+$0x4E0] =	vst v2  }
0x23d: {  	[tilespmem:s17+$0x4F0] =	vst v2  }
0x23e: {  	[tilespmem:s17+$0x500] =	vst v2  }
0x23f: {  	[tilespmem:s17+$0x510] =	vst v2  }
0x240: {  	[tilespmem:s17+$0x520] =	vst v2  }
0x241: {  	[tilespmem:s17+$0x530] =	vst v2  }
0x242: {  	[tilespmem:s17+$0x540] =	vst v2  }
0x243: {  	[tilespmem:s17+$0x550] =	vst v2  }
0x244: {  	[tilespmem:s17+$0x560] =	vst v2  }
0x245: {  	[tilespmem:s17+$0x570] =	vst v2  }
0x246: {  	[tilespmem:s17+$0x580] =	vst v2  }
0x247: {  	[tilespmem:s17+$0x590] =	vst v2  }
0x248: {  	[tilespmem:s17+$0x5A0] =	vst v2  }
0x249: {  	[tilespmem:s17+$0x5B0] =	vst v2  }
0x24a: {  	[tilespmem:s17+$0x5C0] =	vst v2  }
0x24b: {  	[tilespmem:s17+$0x5D0] =	vst v2  }
0x24c: {  	[tilespmem:s17+$0x5E0] =	vst v2  }
0x24d: {  	[tilespmem:s17+$0x5F0] =	vst v2  }
0x24e: {  	[tilespmem:s17+$0x600] =	vst v2  }
0x24f: {  	[tilespmem:s17+$0x610] =	vst v2  }
0x250: {  	[tilespmem:s17+$0x620] =	vst v2  }
0x251: {  	[tilespmem:s17+$0x630] =	vst v2  }
0x252: {  	[tilespmem:s17+$0x640] =	vst v2  }
0x253: {  	[tilespmem:s17+$0x650] =	vst v2  }
0x254: {  	[tilespmem:s17+$0x660] =	vst v2  }
0x255: {  	[tilespmem:s17+$0x670] =	vst v2  }
0x256: {  	[tilespmem:s17+$0x680] =	vst v2  }
0x257: {  	[tilespmem:s17+$0x690] =	vst v2  }
0x258: {  	[tilespmem:s17+$0x6A0] =	vst v2  }
0x259: {  	[tilespmem:s17+$0x6B0] =	vst v2  }
0x25a: {  	[tilespmem:s17+$0x6C0] =	vst v2  }
0x25b: {  	[tilespmem:s17+$0x6D0] =	vst v2  }
0x25c: {  	[tilespmem:s17+$0x6E0] =	vst v2  }
0x25d: {  	[tilespmem:s17+$0x6F0] =	vst v2  }
0x25e: {  	[tilespmem:s17+$0x700] =	vst v2  }
0x25f: {  	[tilespmem:s17+$0x710] =	vst v2  }
0x260: {  	[tilespmem:s17+$0x720] =	vst v2  }
0x261: {  	[tilespmem:s17+$0x730] =	vst v2  }
0x262: {  	[tilespmem:s17+$0x740] =	vst v2  }
0x263: {  	[tilespmem:s17+$0x750] =	vst v2  }
0x264: {  	[tilespmem:s17+$0x760] =	vst v2  }
0x265: {  	[tilespmem:s17+$0x770] =	vst v2  }
0x266: {  	[tilespmem:s17+$0x780] =	vst v2  }
0x267: {  	[tilespmem:s17+$0x790] =	vst v2  }
.Ltmp4:
0x268: {  	[tilespmem:s17+$0x7A0] =	vst v2;
	(pc) =	sbr.rel @p0 .LBB2_10-.Ltmp4, $4  }
0x269: {  	[tilespmem:s17+$0x7B0] =	vst v2  }
0x26a: {  	[tilespmem:s17+$0x7C0] =	vst v2  }
0x26b: {  	[tilespmem:s17+$0x7D0] =	vst v2  }
0x26c: {  	[tilespmem:s17+$0x7E0] =	vst v2;
	s17 =	sshra.s32 s18, $0x2;
	s18 =	sadd.s32 $0x2000, s18  }
0x26d: {  	[tilespmem:s17+$0x7F0] =	vst v2  }
0x26e: {  	[tilespmem:s17+$0x0] =	vst v2  }
0x26f: {  	[tilespmem:s17+$0x10] =	vst v2  }
0x270: {  	[tilespmem:s17+$0x20] =	vst v2  }
0x271: {  	[tilespmem:s17+$0x30] =	vst v2  }
0x272: {  	[tilespmem:s17+$0x40] =	vst v2  }
0x273: {  	[tilespmem:s17+$0x50] =	vst v2  }
0x274: {  	[tilespmem:s17+$0x60] =	vst v2  }
0x275: {  	[tilespmem:s17+$0x70] =	vst v2  }
0x276: {  	[tilespmem:s17+$0x80] =	vst v2  }
0x277: {  	[tilespmem:s17+$0x90] =	vst v2  }
0x278: {  	[tilespmem:s17+$0xA0] =	vst v2  }
0x279: {  	[tilespmem:s17+$0xB0] =	vst v2  }
0x27a: {  	[tilespmem:s17+$0xC0] =	vst v2  }
0x27b: {  	[tilespmem:s17+$0xD0] =	vst v2  }
0x27c: {  	[tilespmem:s17+$0xE0] =	vst v2  }
0x27d: {  	[tilespmem:s17+$0xF0] =	vst v2  }
0x27e: {  	[tilespmem:s17+$0x100] =	vst v2  }
0x27f: {  	[tilespmem:s17+$0x110] =	vst v2  }
0x280: {  	[tilespmem:s17+$0x120] =	vst v2  }
0x281: {  	[tilespmem:s17+$0x130] =	vst v2  }
0x282: {  	[tilespmem:s17+$0x140] =	vst v2  }
0x283: {  	[tilespmem:s17+$0x150] =	vst v2  }
0x284: {  	[tilespmem:s17+$0x160] =	vst v2  }
0x285: {  	[tilespmem:s17+$0x170] =	vst v2  }
0x286: {  	[tilespmem:s17+$0x180] =	vst v2  }
0x287: {  	[tilespmem:s17+$0x190] =	vst v2  }
0x288: {  	[tilespmem:s17+$0x1A0] =	vst v2  }
0x289: {  	[tilespmem:s17+$0x1B0] =	vst v2  }
0x28a: {  	[tilespmem:s17+$0x1C0] =	vst v2  }
0x28b: {  	[tilespmem:s17+$0x1D0] =	vst v2  }
0x28c: {  	[tilespmem:s17+$0x1E0] =	vst v2  }
0x28d: {  	[tilespmem:s17+$0x1F0] =	vst v2  }
0x28e: {  	[tilespmem:s17+$0x200] =	vst v2  }
0x28f: {  	[tilespmem:s17+$0x210] =	vst v2  }
0x290: {  	[tilespmem:s17+$0x220] =	vst v2  }
0x291: {  	[tilespmem:s17+$0x230] =	vst v2  }
0x292: {  	[tilespmem:s17+$0x240] =	vst v2  }
0x293: {  	[tilespmem:s17+$0x250] =	vst v2  }
0x294: {  	[tilespmem:s17+$0x260] =	vst v2  }
0x295: {  	[tilespmem:s17+$0x270] =	vst v2  }
0x296: {  	[tilespmem:s17+$0x280] =	vst v2  }
0x297: {  	[tilespmem:s17+$0x290] =	vst v2  }
0x298: {  	[tilespmem:s17+$0x2A0] =	vst v2  }
0x299: {  	[tilespmem:s17+$0x2B0] =	vst v2  }
0x29a: {  	[tilespmem:s17+$0x2C0] =	vst v2  }
0x29b: {  	[tilespmem:s17+$0x2D0] =	vst v2  }
0x29c: {  	[tilespmem:s17+$0x2E0] =	vst v2  }
0x29d: {  	[tilespmem:s17+$0x2F0] =	vst v2  }
0x29e: {  	[tilespmem:s17+$0x300] =	vst v2  }
0x29f: {  	[tilespmem:s17+$0x310] =	vst v2  }
0x2a0: {  	[tilespmem:s17+$0x320] =	vst v2  }
0x2a1: {  	[tilespmem:s17+$0x330] =	vst v2  }
0x2a2: {  	[tilespmem:s17+$0x340] =	vst v2  }
0x2a3: {  	[tilespmem:s17+$0x350] =	vst v2  }
0x2a4: {  	[tilespmem:s17+$0x360] =	vst v2  }
0x2a5: {  	[tilespmem:s17+$0x370] =	vst v2  }
0x2a6: {  	[tilespmem:s17+$0x380] =	vst v2  }
0x2a7: {  	[tilespmem:s17+$0x390] =	vst v2  }
0x2a8: {  	[tilespmem:s17+$0x3A0] =	vst v2  }
0x2a9: {  	[tilespmem:s17+$0x3B0] =	vst v2  }
0x2aa: {  	[tilespmem:s17+$0x3C0] =	vst v2  }
0x2ab: {  	[tilespmem:s17+$0x3D0] =	vst v2  }
0x2ac: {  	[tilespmem:s17+$0x3E0] =	vst v2  }
0x2ad: {  	[tilespmem:s17+$0x3F0] =	vst v2  }
0x2ae: {  	[tilespmem:s17+$0x400] =	vst v2  }
0x2af: {  	[tilespmem:s17+$0x410] =	vst v2  }
0x2b0: {  	[tilespmem:s17+$0x420] =	vst v2  }
0x2b1: {  	[tilespmem:s17+$0x430] =	vst v2  }
0x2b2: {  	[tilespmem:s17+$0x440] =	vst v2  }
0x2b3: {  	[tilespmem:s17+$0x450] =	vst v2  }
0x2b4: {  	[tilespmem:s17+$0x460] =	vst v2  }
0x2b5: {  	[tilespmem:s17+$0x470] =	vst v2  }
0x2b6: {  	[tilespmem:s17+$0x480] =	vst v2  }
0x2b7: {  	[tilespmem:s17+$0x490] =	vst v2  }
0x2b8: {  	[tilespmem:s17+$0x4A0] =	vst v2  }
0x2b9: {  	[tilespmem:s17+$0x4B0] =	vst v2  }
0x2ba: {  	[tilespmem:s17+$0x4C0] =	vst v2  }
0x2bb: {  	[tilespmem:s17+$0x4D0] =	vst v2  }
0x2bc: {  	[tilespmem:s17+$0x4E0] =	vst v2  }
0x2bd: {  	[tilespmem:s17+$0x4F0] =	vst v2  }
0x2be: {  	[tilespmem:s17+$0x500] =	vst v2  }
0x2bf: {  	[tilespmem:s17+$0x510] =	vst v2  }
0x2c0: {  	[tilespmem:s17+$0x520] =	vst v2  }
0x2c1: {  	[tilespmem:s17+$0x530] =	vst v2  }
0x2c2: {  	[tilespmem:s17+$0x540] =	vst v2  }
0x2c3: {  	[tilespmem:s17+$0x550] =	vst v2  }
0x2c4: {  	[tilespmem:s17+$0x560] =	vst v2  }
0x2c5: {  	[tilespmem:s17+$0x570] =	vst v2  }
0x2c6: {  	[tilespmem:s17+$0x580] =	vst v2  }
0x2c7: {  	[tilespmem:s17+$0x590] =	vst v2  }
0x2c8: {  	[tilespmem:s17+$0x5A0] =	vst v2  }
0x2c9: {  	[tilespmem:s17+$0x5B0] =	vst v2  }
0x2ca: {  	[tilespmem:s17+$0x5C0] =	vst v2  }
0x2cb: {  	[tilespmem:s17+$0x5D0] =	vst v2  }
0x2cc: {  	[tilespmem:s17+$0x5E0] =	vst v2  }
0x2cd: {  	[tilespmem:s17+$0x5F0] =	vst v2  }
0x2ce: {  	[tilespmem:s17+$0x600] =	vst v2  }
0x2cf: {  	[tilespmem:s17+$0x610] =	vst v2  }
0x2d0: {  	[tilespmem:s17+$0x620] =	vst v2  }
0x2d1: {  	[tilespmem:s17+$0x630] =	vst v2  }
0x2d2: {  	[tilespmem:s17+$0x640] =	vst v2  }
0x2d3: {  	[tilespmem:s17+$0x650] =	vst v2  }
0x2d4: {  	[tilespmem:s17+$0x660] =	vst v2  }
0x2d5: {  	[tilespmem:s17+$0x670] =	vst v2  }
0x2d6: {  	[tilespmem:s17+$0x680] =	vst v2  }
0x2d7: {  	[tilespmem:s17+$0x690] =	vst v2  }
0x2d8: {  	[tilespmem:s17+$0x6A0] =	vst v2  }
0x2d9: {  	[tilespmem:s17+$0x6B0] =	vst v2  }
0x2da: {  	[tilespmem:s17+$0x6C0] =	vst v2  }
0x2db: {  	[tilespmem:s17+$0x6D0] =	vst v2  }
0x2dc: {  	[tilespmem:s17+$0x6E0] =	vst v2  }
0x2dd: {  	[tilespmem:s17+$0x6F0] =	vst v2  }
0x2de: {  	[tilespmem:s17+$0x700] =	vst v2  }
0x2df: {  	[tilespmem:s17+$0x710] =	vst v2  }
0x2e0: {  	[tilespmem:s17+$0x720] =	vst v2  }
0x2e1: {  	[tilespmem:s17+$0x730] =	vst v2  }
0x2e2: {  	[tilespmem:s17+$0x740] =	vst v2  }
0x2e3: {  	[tilespmem:s17+$0x750] =	vst v2  }
0x2e4: {  	[tilespmem:s17+$0x760] =	vst v2  }
0x2e5: {  	[tilespmem:s17+$0x770] =	vst v2  }
0x2e6: {  	[tilespmem:s17+$0x780] =	vst v2  }
0x2e7: {  	[tilespmem:s17+$0x790] =	vst v2  }
0x2e8: {  	[tilespmem:s17+$0x7A0] =	vst v2  }
0x2e9: {  	[tilespmem:s17+$0x7B0] =	vst v2  }
0x2ea: {  	[tilespmem:s17+$0x7C0] =	vst v2  }
0x2eb: {  	[tilespmem:s17+$0x7D0] =	vst v2  }
0x2ec: {  	[tilespmem:s17+$0x7E0] =	vst v2  }
.LBB2_12:
0x2ed: {  	s17 =	sshll.u32 s16, $0xB  }
0x2ee: {  	s18 =	sor.u32 $0x400, s17  }
0x2ef: {  	s20 =	simm.s32 $0x0;
	s19 =	sadd.s32 s3, s18  }
0x2f0: {  	[tilespmem:s10], [sflag:$0x2] =	stream.linear.gather [hbm4b:s19+s20], $0x2000, $0x38;
	[tilespmem:$0x18000] =	vst v63  }
0x2f1: {  	s18 =	sadd.s32 s4, s18  }
0x2f2: {  	[tilespmem:s11], [sflag:$0x2] =	stream.linear.gather [hbm4b:s18+s20], $0x2000, $0x38;
	[tilespmem:$0x18000] =	vst v63  }
0x2f3: {  	_ =	swait.ge [sflag:s12], $0x2000  }
0x2f4: {  	[sflag:s12] =	ssyncset.done $0x0  }
0x2f5: {  	[sflag:s12] =	ssyncadd.s32 $0xFFFFE000  }
0x2f6: {  	_ =	swait.ge [sflag:s12], $0x2000  }
0x2f7: {  	[sflag:s12] =	ssyncset.done $0x0  }
0x2f8: {  	s18 =	simm.s32 $0x0;
	[sflag:s12] =	ssyncadd.s32 $0xFFFFE000  }
0x2f9: {  	v7 =	vld [tilespmem:s18+$0x10050]  }
0x2fa: {  	v14 =	vld [tilespmem:s18+$0x12060]  }
0x2fb: {  	v9 =	vld [tilespmem:s18+$0x10030]  }
0x2fc: {  	v6 =	vld [tilespmem:s18+$0x120F0]  }
0x2fd: {  	v4 =	vld [tilespmem:s18+$0x100E0]  }
0x2fe: {  	v15 =	vld [tilespmem:s18+$0x12040]  }
0x2ff: {  	v16 =	vld [tilespmem:s18+$0x12030]  }
0x300: {  	v17 =	vld [tilespmem:s18+$0x100F0]  }
0x301: {  	v5 =	vld [tilespmem:s18+$0x120E0]  }
0x302: {  	v10 =	vld [tilespmem:s18+$0x10020]  }
0x303: {  	v8 =	vld [tilespmem:s18+$0x120A0]  }
0x304: {  	v13 =	vld [tilespmem:s18+$0x12020]  }
0x305: {  	v23 =	vld [tilespmem:s18+$0x12000]  }
0x306: {  	v21 =	vld [tilespmem:s18+$0x10010]  }
0x307: {  	v11 =	vld [tilespmem:s18+$0x12050]  }
0x308: {  	v18 =	vld [tilespmem:s18+$0x12010];
	v5 =	vsub.s32 v5, v1;
	v8 =	vsub.s32 v8, v1  }
0x309: {  	v22 =	vld [tilespmem:s18+$0x10000];
	v25 =	vsub.s32 v6, v1;
	v19 =	vsub.s32 v13, v1;
	v16 =	vsub.s32 v16, v1  }
0x30a: {  	v28 =	vld [tilespmem:s18+$0x10040];
	v20 =	vsub.s32 v15, v1;
	v31 =	vsub.s32 v23, v1;
	v32 =	vsub.s32 v14, v1  }
0x30b: {  	v27 =	vld [tilespmem:s18+$0x12070];
	v12 =	vshll.u32 v5, $0xB;
	v6 =	vshll.u32 v25, $0xB;
	vm1 =	vlt.u32 v16, $0x20  }
0x30c: {  	v29 =	vld [tilespmem:s18+$0x10060];
	v24 =	vshll.u32 v16, $0xB;
	vm0 =	vlt.u32 v25, $0x20;
	v14 =	vshll.u32 v31, $0xB  }
0x30d: {  	v30 =	vld [tilespmem:s18+$0x10070];
	vm5 =	vlt.u32 v31, $0x20;
	vm4 =	vlt.u32 v32, $0x20;
	v4 =	vadd.s32 v4, v12  }
0x30e: {  	v26 =	vld [tilespmem:s18+$0x12080];
	v12 =	vsub.s32 v11, v1;
	v6 =	vadd.s32 v17, v6;
	v17 =	vsub.s32 v18, v1  }
0x30f: {  	v15 =	vld [tilespmem:s18+$0x10090];
	v11 =	vshll.u32 v8, $0xB;
	v18 =	vshll.u32 v19, $0xB;
	v16 =	vshll.u32 v17, $0xB  }
0x310: {  	v22 =	vadd.s32 v22, v14;
	v21 =	vadd.s32 v21, v16;
	v16 =	vsub.s32 v27, v1;
	v27 =	vld [tilespmem:s18+$0x12090]  }
0x311: {  	v23 =	vld [tilespmem:s18+$0x100A0];
	vm3 =	vlt.u32 v17, $0x20;
	v17 =	vshll.u32 v20, $0xB;
	vm2 =	vlt.u32 v16, $0x20  }
0x312: {  	v25 =	vld [tilespmem:s18+$0x10080];
	v14 =	vshll.u32 v16, $0xB;
	v16 =	vadd.s32 v28, v17;
	v17 =	vshll.u32 v32, $0xB  }
0x313: {  	s19 =	simm.s32 $0x400;
	v13 =	vshll.u32 v12, $0xB;
	v28 =	vld [tilespmem:s18+$0x120B0];
	v14 =	vadd.s32 v30, v14;
	v17 =	vadd.s32 v29, v17  }
.LBB2_13:
0x314: {  	s20 =	sshra.s32 s19, $0x2;
	p0 =	sne.s32 s19, $0x7C00;
	s19 =	sadd.s32 $0x400, s19;
	vm8 =	vlt.u32 v19, $0x20;
	v9 =	vadd.s32 v9, v24;
	v19 =	vsub.s32 v26, v1;
	v24 =	vld [tilespmem:s18+$0x100B0]  }
0x315: {  	vm6 =	vlt.u32 v19, $0x20;
	v19 =	vshll.u32 v19, $0xB;
	v26 =	vsub.s32 v27, v1;
	v27 =	vld [tilespmem:s18+$0x100D0]  }
0x316: {  	v10 =	vadd.s32 v10, v18;
	vm7 =	vlt.u32 v26, $0x20;
	v18 =	vshll.u32 v26, $0xB;
	v26 =	vld [tilespmem:s18+$0x120D0]  }
0x317: {  	vm9 =	vlt.u32 v20, $0x20;
	v19 =	vadd.s32 v25, v19;
	v15 =	vadd.s32 v15, v18;
	v18 =	vld [tilespmem:s18+$0x100C0]  }
0x318: {  	vm10 =	vlt.u32 v12, $0x20;
	v7 =	vadd.s32 v7, v13;
	v12 =	vsub.s32 v28, v1;
	v13 =	vld [tilespmem:s18+$0x120C0];
	s18 =	smov.u32 s20  }
0x319: {  	v11 =	vadd.s32 v23, v11;
	v20 =	vshll.u32 v12, $0xB;
	[tilespmem:v22+s2+$0x0] =	vst.idx.add.f32.msk vm5, v3  }
0x31a: {  	v20 =	vadd.s32 v24, v20;
	[tilespmem:v21+s2+$0x0] =	vst.idx.add.f32.msk vm3, v3  }
0x31b: {  	vm3 =	vlt.u32 v12, $0x20;
	v12 =	vsub.s32 v26, v1;
	[tilespmem:v10+s2+$0x0] =	vst.idx.add.f32.msk vm8, v3  }
0x31c: {  	v10 =	vshll.u32 v12, $0xB;
	[tilespmem:v9+s2+$0x0] =	vst.idx.add.f32.msk vm1, v3  }
0x31d: {  	vm1 =	vlt.u32 v8, $0x20;
	v8 =	vsub.s32 v13, v1;
	v9 =	vadd.s32 v27, v10;
	[tilespmem:v16+s2+$0x0] =	vst.idx.add.f32.msk vm9, v3  }
0x31e: {  	[tilespmem:v7+s2+$0x0] =	vst.idx.add.f32.msk vm10, v3  }
0x31f: {  	vm5 =	vlt.u32 v8, $0x20;
	v7 =	vshll.u32 v8, $0xB;
	[tilespmem:v17+s2+$0x0] =	vst.idx.add.f32.msk vm4, v3  }
0x320: {  	v7 =	vadd.s32 v18, v7;
	vm4 =	vlt.u32 v12, $0x20;
	[tilespmem:v14+s2+$0x0] =	vst.idx.add.f32.msk vm2, v3  }
0x321: {  	vm2 =	vlt.u32 v5, $0x20;
	[tilespmem:v19+s2+$0x0] =	vst.idx.add.f32.msk vm6, v3  }
0x322: {  	[tilespmem:v15+s2+$0x0] =	vst.idx.add.f32.msk vm7, v3  }
0x323: {  	[tilespmem:v11+s2+$0x0] =	vst.idx.add.f32.msk vm1, v3  }
0x324: {  	[tilespmem:v20+s2+$0x0] =	vst.idx.add.f32.msk vm3, v3  }
0x325: {  	[tilespmem:v7+s2+$0x0] =	vst.idx.add.f32.msk vm5, v3  }
0x326: {  	[tilespmem:v9+s2+$0x0] =	vst.idx.add.f32.msk vm4, v3  }
0x327: {  	[tilespmem:v4+s2+$0x0] =	vst.idx.add.f32.msk vm2, v3  }
0x328: {  	[tilespmem:v6+s2+$0x0] =	vst.idx.add.f32.msk vm0, v3  }
0x329: {  	v7 =	vld [tilespmem:s18+$0x10050]  }
0x32a: {  	v14 =	vld [tilespmem:s18+$0x12060]  }
0x32b: {  	v9 =	vld [tilespmem:s18+$0x10030]  }
0x32c: {  	v6 =	vld [tilespmem:s18+$0x120F0]  }
0x32d: {  	v4 =	vld [tilespmem:s18+$0x100E0]  }
0x32e: {  	v15 =	vld [tilespmem:s18+$0x12040]  }
0x32f: {  	v16 =	vld [tilespmem:s18+$0x12030]  }
0x330: {  	v17 =	vld [tilespmem:s18+$0x100F0]  }
0x331: {  	v5 =	vld [tilespmem:s18+$0x120E0]  }
0x332: {  	v10 =	vld [tilespmem:s18+$0x10020]  }
0x333: {  	v8 =	vld [tilespmem:s18+$0x120A0]  }
0x334: {  	v21 =	vld [tilespmem:s18+$0x10010]  }
0x335: {  	v11 =	vld [tilespmem:s18+$0x12050]  }
0x336: {  	v13 =	vld [tilespmem:s18+$0x12020];
	v5 =	vsub.s32 v5, v1  }
0x337: {  	v18 =	vld [tilespmem:s18+$0x12010];
	v12 =	vshll.u32 v5, $0xB  }
0x338: {  	v22 =	vld [tilespmem:s18+$0x10000];
	v8 =	vsub.s32 v8, v1;
	v4 =	vadd.s32 v4, v12  }
0x339: {  	v25 =	vsub.s32 v6, v1;
	v23 =	vld [tilespmem:s18+$0x12000]  }
0x33a: {  	v6 =	vshll.u32 v25, $0xB;
	v28 =	vld [tilespmem:s18+$0x10040];
	v12 =	vsub.s32 v11, v1;
	v11 =	vshll.u32 v8, $0xB  }
0x33b: {  	v6 =	vadd.s32 v17, v6;
	v19 =	vsub.s32 v13, v1;
	v13 =	vshll.u32 v12, $0xB;
	v27 =	vld [tilespmem:s18+$0x12070]  }
0x33c: {  	v16 =	vsub.s32 v16, v1;
	v17 =	vsub.s32 v18, v1;
	v18 =	vshll.u32 v19, $0xB;
	v29 =	vld [tilespmem:s18+$0x10060]  }
0x33d: {  	v20 =	vsub.s32 v15, v1;
	vm1 =	vlt.u32 v16, $0x20;
	vm3 =	vlt.u32 v17, $0x20;
	v30 =	vld [tilespmem:s18+$0x10070]  }
0x33e: {  	vm0 =	vlt.u32 v25, $0x20;
	v24 =	vshll.u32 v16, $0xB;
	v31 =	vsub.s32 v23, v1;
	v15 =	vld [tilespmem:s18+$0x10090]  }
.Ltmp5:
0x33f: {  	v32 =	vsub.s32 v14, v1;
	v16 =	vshll.u32 v17, $0xB;
	v17 =	vshll.u32 v20, $0xB;
	v26 =	vld [tilespmem:s18+$0x12080];
	(pc) =	sbr.rel @p0 .LBB2_13-.Ltmp5, $4  }
0x340: {  	v21 =	vadd.s32 v21, v16;
	v14 =	vshll.u32 v31, $0xB;
	v16 =	vsub.s32 v27, v1;
	v27 =	vld [tilespmem:s18+$0x12090]  }
0x341: {  	v22 =	vadd.s32 v22, v14;
	vm2 =	vlt.u32 v16, $0x20;
	v14 =	vshll.u32 v16, $0xB;
	v25 =	vld [tilespmem:s18+$0x10080]  }
0x342: {  	v16 =	vadd.s32 v28, v17;
	v17 =	vshll.u32 v32, $0xB;
	v14 =	vadd.s32 v30, v14;
	v23 =	vld [tilespmem:s18+$0x100A0]  }
0x343: {  	vm4 =	vlt.u32 v32, $0x20;
	vm5 =	vlt.u32 v31, $0x20;
	v17 =	vadd.s32 v29, v17;
	v28 =	vld [tilespmem:s18+$0x120B0]  }
0x344: {  	v29 =	vld [tilespmem:s18+$0x100B0]  }
0x345: {  	vm6 =	vlt.u32 v19, $0x20;
	v19 =	vld [tilespmem:s18+$0x100D0]  }
0x346: {  	v10 =	vadd.s32 v10, v18;
	v18 =	vld [tilespmem:s18+$0x120D0]  }
0x347: {  	v9 =	vadd.s32 v9, v24;
	vm7 =	vlt.u32 v20, $0x20;
	v20 =	vld [tilespmem:s18+$0x100C0]  }
0x348: {  	vm8 =	vlt.u32 v12, $0x20;
	v12 =	vld [tilespmem:s18+$0x120C0]  }
0x349: {  	v24 =	vsub.s32 v26, v1;
	v7 =	vadd.s32 v7, v13;
	[tilespmem:v22+s2+$0x0] =	vst.idx.add.f32.msk vm5, v3  }
0x34a: {  	v13 =	vshll.u32 v24, $0xB;
	v22 =	vsub.s32 v27, v1;
	[tilespmem:v21+s2+$0x0] =	vst.idx.add.f32.msk vm3, v3  }
0x34b: {  	vm3 =	vlt.u32 v24, $0x20;
	v21 =	vshll.u32 v22, $0xB;
	v13 =	vadd.s32 v25, v13;
	[tilespmem:v10+s2+$0x0] =	vst.idx.add.f32.msk vm6, v3  }
0x34c: {  	vm5 =	vlt.u32 v22, $0x20;
	v10 =	vadd.s32 v15, v21;
	v15 =	vsub.s32 v28, v1;
	[tilespmem:v9+s2+$0x0] =	vst.idx.add.f32.msk vm1, v3  }
0x34d: {  	v9 =	vadd.s32 v23, v11;
	v11 =	vshll.u32 v15, $0xB;
	vm1 =	vlt.u32 v8, $0x20;
	[tilespmem:v16+s2+$0x0] =	vst.idx.add.f32.msk vm7, v3  }
0x34e: {  	vm6 =	vlt.u32 v15, $0x20;
	v8 =	vadd.s32 v29, v11;
	v11 =	vsub.s32 v12, v1;
	[tilespmem:v7+s2+$0x0] =	vst.idx.add.f32.msk vm8, v3  }
0x34f: {  	v7 =	vsub.s32 v18, v1;
	vm7 =	vlt.u32 v11, $0x20;
	v11 =	vshll.u32 v11, $0xB;
	[tilespmem:v17+s2+$0x0] =	vst.idx.add.f32.msk vm4, v3  }
0x350: {  	v12 =	vshll.u32 v7, $0xB;
	v11 =	vadd.s32 v20, v11;
	vm4 =	vlt.u32 v7, $0x20;
	[tilespmem:v14+s2+$0x0] =	vst.idx.add.f32.msk vm2, v3  }
0x351: {  	v7 =	vadd.s32 v19, v12;
	vm2 =	vlt.u32 v5, $0x20;
	[tilespmem:v13+s2+$0x0] =	vst.idx.add.f32.msk vm3, v3  }
0x352: {  	[tilespmem:v10+s2+$0x0] =	vst.idx.add.f32.msk vm5, v3  }
0x353: {  	[tilespmem:v9+s2+$0x0] =	vst.idx.add.f32.msk vm1, v3  }
0x354: {  	[tilespmem:v8+s2+$0x0] =	vst.idx.add.f32.msk vm6, v3  }
0x355: {  	[tilespmem:v11+s2+$0x0] =	vst.idx.add.f32.msk vm7, v3  }
0x356: {  	p0 =	seq.s32 s16, $0x7;
	[tilespmem:v7+s2+$0x0] =	vst.idx.add.f32.msk vm4, v3  }
0x357: {  	s17 =	sadd.s32 @!p0 $0x800, s17;
	[tilespmem:v4+s2+$0x0] =	vst.idx.add.f32.msk vm2, v3  }
0x358: {  	s19 =	simm.s32 @!p0 $0x0;
	s20 =	simm.s32 @!p0 $0x10000;
	s18 =	sadd.s32 @!p0 s3, s17;
	[tilespmem:v6+s2+$0x0] =	vst.idx.add.f32.msk vm0, v3  }
0x359: {  	[tilespmem:s20], [sflag:$0x1] =	stream.linear.gather @!p0 [hbm4b:s18+s19], $0x2000, $0x38;
	[tilespmem:$0x18000] =	vst v63  }
0x35a: {  	s17 =	sadd.s32 @!p0 s4, s17;
	s18 =	simm.s32 @!p0 $0x12000  }
0x35b: {  	[tilespmem:s18], [sflag:$0x1] =	stream.linear.gather @!p0 [hbm4b:s17+s19], $0x2000, $0x38;
	[tilespmem:$0x18000] =	vst v63  }
0x35c: {  	_ =	swait.ge [sflag:s13], $0x2000  }
0x35d: {  	[sflag:s13] =	ssyncset.done $0x0  }
0x35e: {  	[sflag:s13] =	ssyncadd.s32 $0xFFFFE000  }
0x35f: {  	_ =	swait.ge [sflag:s13], $0x2000  }
0x360: {  	[sflag:s13] =	ssyncset.done $0x0  }
0x361: {  	s17 =	simm.s32 $0x0;
	[sflag:s13] =	ssyncadd.s32 $0xFFFFE000  }
0x362: {  	v7 =	vld [tilespmem:s17+$0x14050]  }
0x363: {  	v14 =	vld [tilespmem:s17+$0x16060]  }
0x364: {  	v9 =	vld [tilespmem:s17+$0x14030]  }
0x365: {  	v6 =	vld [tilespmem:s17+$0x160F0]  }
0x366: {  	v4 =	vld [tilespmem:s17+$0x140E0]  }
0x367: {  	v15 =	vld [tilespmem:s17+$0x16040]  }
0x368: {  	v16 =	vld [tilespmem:s17+$0x16030]  }
0x369: {  	v17 =	vld [tilespmem:s17+$0x140F0]  }
0x36a: {  	v5 =	vld [tilespmem:s17+$0x160E0]  }
0x36b: {  	v10 =	vld [tilespmem:s17+$0x14020]  }
0x36c: {  	v8 =	vld [tilespmem:s17+$0x160A0]  }
0x36d: {  	v13 =	vld [tilespmem:s17+$0x16020]  }
0x36e: {  	v23 =	vld [tilespmem:s17+$0x16000]  }
0x36f: {  	v21 =	vld [tilespmem:s17+$0x14010]  }
0x370: {  	v11 =	vld [tilespmem:s17+$0x16050]  }
0x371: {  	v18 =	vld [tilespmem:s17+$0x16010];
	v5 =	vsub.s32 v5, v1;
	v8 =	vsub.s32 v8, v1  }
0x372: {  	v22 =	vld [tilespmem:s17+$0x14000];
	v25 =	vsub.s32 v6, v1;
	v19 =	vsub.s32 v13, v1;
	v16 =	vsub.s32 v16, v1  }
0x373: {  	v28 =	vld [tilespmem:s17+$0x14040];
	v20 =	vsub.s32 v15, v1;
	v31 =	vsub.s32 v23, v1;
	v32 =	vsub.s32 v14, v1  }
0x374: {  	v27 =	vld [tilespmem:s17+$0x16070];
	v12 =	vshll.u32 v5, $0xB;
	v6 =	vshll.u32 v25, $0xB;
	vm1 =	vlt.u32 v16, $0x20  }
0x375: {  	v29 =	vld [tilespmem:s17+$0x14060];
	v24 =	vshll.u32 v16, $0xB;
	vm0 =	vlt.u32 v25, $0x20;
	v14 =	vshll.u32 v31, $0xB  }
0x376: {  	v30 =	vld [tilespmem:s17+$0x14070];
	vm5 =	vlt.u32 v31, $0x20;
	vm4 =	vlt.u32 v32, $0x20;
	v4 =	vadd.s32 v4, v12  }
0x377: {  	v26 =	vld [tilespmem:s17+$0x16080];
	v12 =	vsub.s32 v11, v1;
	v6 =	vadd.s32 v17, v6;
	v17 =	vsub.s32 v18, v1  }
0x378: {  	v15 =	vld [tilespmem:s17+$0x14090];
	v11 =	vshll.u32 v8, $0xB;
	v18 =	vshll.u32 v19, $0xB;
	v16 =	vshll.u32 v17, $0xB  }
0x379: {  	v22 =	vadd.s32 v22, v14;
	v21 =	vadd.s32 v21, v16;
	v16 =	vsub.s32 v27, v1;
	v27 =	vld [tilespmem:s17+$0x16090]  }
0x37a: {  	v23 =	vld [tilespmem:s17+$0x140A0];
	vm3 =	vlt.u32 v17, $0x20;
	v17 =	vshll.u32 v20, $0xB;
	vm2 =	vlt.u32 v16, $0x20  }
0x37b: {  	v25 =	vld [tilespmem:s17+$0x14080];
	v14 =	vshll.u32 v16, $0xB;
	v16 =	vadd.s32 v28, v17;
	v17 =	vshll.u32 v32, $0xB  }
0x37c: {  	s18 =	simm.s32 $0x400;
	v13 =	vshll.u32 v12, $0xB;
	v28 =	vld [tilespmem:s17+$0x160B0];
	v14 =	vadd.s32 v30, v14;
	v17 =	vadd.s32 v29, v17  }
.LBB2_15:
0x37d: {  	s19 =	sshra.s32 s18, $0x2;
	p0 =	sne.s32 s18, $0x7C00;
	s18 =	sadd.s32 $0x400, s18;
	vm8 =	vlt.u32 v19, $0x20;
	v9 =	vadd.s32 v9, v24;
	v19 =	vsub.s32 v26, v1;
	v24 =	vld [tilespmem:s17+$0x140B0]  }
0x37e: {  	vm6 =	vlt.u32 v19, $0x20;
	v19 =	vshll.u32 v19, $0xB;
	v26 =	vsub.s32 v27, v1;
	v27 =	vld [tilespmem:s17+$0x140D0]  }
0x37f: {  	v10 =	vadd.s32 v10, v18;
	vm7 =	vlt.u32 v26, $0x20;
	v18 =	vshll.u32 v26, $0xB;
	v26 =	vld [tilespmem:s17+$0x160D0]  }
0x380: {  	vm9 =	vlt.u32 v20, $0x20;
	v19 =	vadd.s32 v25, v19;
	v15 =	vadd.s32 v15, v18;
	v18 =	vld [tilespmem:s17+$0x140C0]  }
0x381: {  	vm10 =	vlt.u32 v12, $0x20;
	v7 =	vadd.s32 v7, v13;
	v12 =	vsub.s32 v28, v1;
	v13 =	vld [tilespmem:s17+$0x160C0];
	s17 =	smov.u32 s19  }
0x382: {  	v11 =	vadd.s32 v23, v11;
	v20 =	vshll.u32 v12, $0xB;
	[tilespmem:v22+s2+$0x0] =	vst.idx.add.f32.msk vm5, v3  }
0x383: {  	v20 =	vadd.s32 v24, v20;
	[tilespmem:v21+s2+$0x0] =	vst.idx.add.f32.msk vm3, v3  }
0x384: {  	vm3 =	vlt.u32 v12, $0x20;
	v12 =	vsub.s32 v26, v1;
	[tilespmem:v10+s2+$0x0] =	vst.idx.add.f32.msk vm8, v3  }
0x385: {  	v10 =	vshll.u32 v12, $0xB;
	[tilespmem:v9+s2+$0x0] =	vst.idx.add.f32.msk vm1, v3  }
0x386: {  	vm1 =	vlt.u32 v8, $0x20;
	v8 =	vsub.s32 v13, v1;
	v9 =	vadd.s32 v27, v10;
	[tilespmem:v16+s2+$0x0] =	vst.idx.add.f32.msk vm9, v3  }
0x387: {  	[tilespmem:v7+s2+$0x0] =	vst.idx.add.f32.msk vm10, v3  }
0x388: {  	vm5 =	vlt.u32 v8, $0x20;
	v7 =	vshll.u32 v8, $0xB;
	[tilespmem:v17+s2+$0x0] =	vst.idx.add.f32.msk vm4, v3  }
0x389: {  	v7 =	vadd.s32 v18, v7;
	vm4 =	vlt.u32 v12, $0x20;
	[tilespmem:v14+s2+$0x0] =	vst.idx.add.f32.msk vm2, v3  }
0x38a: {  	vm2 =	vlt.u32 v5, $0x20;
	[tilespmem:v19+s2+$0x0] =	vst.idx.add.f32.msk vm6, v3  }
0x38b: {  	[tilespmem:v15+s2+$0x0] =	vst.idx.add.f32.msk vm7, v3  }
0x38c: {  	[tilespmem:v11+s2+$0x0] =	vst.idx.add.f32.msk vm1, v3  }
0x38d: {  	[tilespmem:v20+s2+$0x0] =	vst.idx.add.f32.msk vm3, v3  }
0x38e: {  	[tilespmem:v7+s2+$0x0] =	vst.idx.add.f32.msk vm5, v3  }
0x38f: {  	[tilespmem:v9+s2+$0x0] =	vst.idx.add.f32.msk vm4, v3  }
0x390: {  	[tilespmem:v4+s2+$0x0] =	vst.idx.add.f32.msk vm2, v3  }
0x391: {  	[tilespmem:v6+s2+$0x0] =	vst.idx.add.f32.msk vm0, v3  }
0x392: {  	v7 =	vld [tilespmem:s17+$0x14050]  }
0x393: {  	v14 =	vld [tilespmem:s17+$0x16060]  }
0x394: {  	v9 =	vld [tilespmem:s17+$0x14030]  }
0x395: {  	v6 =	vld [tilespmem:s17+$0x160F0]  }
0x396: {  	v4 =	vld [tilespmem:s17+$0x140E0]  }
0x397: {  	v15 =	vld [tilespmem:s17+$0x16040]  }
0x398: {  	v16 =	vld [tilespmem:s17+$0x16030]  }
0x399: {  	v17 =	vld [tilespmem:s17+$0x140F0]  }
0x39a: {  	v5 =	vld [tilespmem:s17+$0x160E0]  }
0x39b: {  	v10 =	vld [tilespmem:s17+$0x14020]  }
0x39c: {  	v8 =	vld [tilespmem:s17+$0x160A0]  }
0x39d: {  	v21 =	vld [tilespmem:s17+$0x14010]  }
0x39e: {  	v11 =	vld [tilespmem:s17+$0x16050]  }
0x39f: {  	v13 =	vld [tilespmem:s17+$0x16020];
	v5 =	vsub.s32 v5, v1  }
0x3a0: {  	v18 =	vld [tilespmem:s17+$0x16010];
	v12 =	vshll.u32 v5, $0xB  }
0x3a1: {  	v22 =	vld [tilespmem:s17+$0x14000];
	v8 =	vsub.s32 v8, v1;
	v4 =	vadd.s32 v4, v12  }
0x3a2: {  	v25 =	vsub.s32 v6, v1;
	v23 =	vld [tilespmem:s17+$0x16000]  }
0x3a3: {  	v6 =	vshll.u32 v25, $0xB;
	v28 =	vld [tilespmem:s17+$0x14040];
	v12 =	vsub.s32 v11, v1;
	v11 =	vshll.u32 v8, $0xB  }
0x3a4: {  	v6 =	vadd.s32 v17, v6;
	v19 =	vsub.s32 v13, v1;
	v13 =	vshll.u32 v12, $0xB;
	v27 =	vld [tilespmem:s17+$0x16070]  }
0x3a5: {  	v16 =	vsub.s32 v16, v1;
	v17 =	vsub.s32 v18, v1;
	v18 =	vshll.u32 v19, $0xB;
	v29 =	vld [tilespmem:s17+$0x14060]  }
0x3a6: {  	v20 =	vsub.s32 v15, v1;
	vm1 =	vlt.u32 v16, $0x20;
	vm3 =	vlt.u32 v17, $0x20;
	v30 =	vld [tilespmem:s17+$0x14070]  }
0x3a7: {  	vm0 =	vlt.u32 v25, $0x20;
	v24 =	vshll.u32 v16, $0xB;
	v31 =	vsub.s32 v23, v1;
	v15 =	vld [tilespmem:s17+$0x14090]  }
.Ltmp6:
0x3a8: {  	v32 =	vsub.s32 v14, v1;
	v16 =	vshll.u32 v17, $0xB;
	v17 =	vshll.u32 v20, $0xB;
	v26 =	vld [tilespmem:s17+$0x16080];
	(pc) =	sbr.rel @p0 .LBB2_15-.Ltmp6, $4  }
0x3a9: {  	v21 =	vadd.s32 v21, v16;
	v14 =	vshll.u32 v31, $0xB;
	v16 =	vsub.s32 v27, v1;
	v27 =	vld [tilespmem:s17+$0x16090]  }
0x3aa: {  	v22 =	vadd.s32 v22, v14;
	vm2 =	vlt.u32 v16, $0x20;
	v14 =	vshll.u32 v16, $0xB;
	v25 =	vld [tilespmem:s17+$0x14080]  }
0x3ab: {  	v16 =	vadd.s32 v28, v17;
	v17 =	vshll.u32 v32, $0xB;
	v14 =	vadd.s32 v30, v14;
	v23 =	vld [tilespmem:s17+$0x140A0]  }
0x3ac: {  	vm4 =	vlt.u32 v32, $0x20;
	vm5 =	vlt.u32 v31, $0x20;
	v17 =	vadd.s32 v29, v17;
	v28 =	vld [tilespmem:s17+$0x160B0]  }
0x3ad: {  	v29 =	vld [tilespmem:s17+$0x140B0]  }
0x3ae: {  	vm6 =	vlt.u32 v19, $0x20;
	v47 =	vld [tilespmem:s17+$0x140D0]  }
0x3af: {  	v10 =	vadd.s32 v10, v18;
	v48 =	vld [tilespmem:s17+$0x160D0]  }
0x3b0: {  	v9 =	vadd.s32 v9, v24;
	vm7 =	vlt.u32 v20, $0x20;
	v49 =	vld [tilespmem:s17+$0x140C0]  }
0x3b1: {  	vm8 =	vlt.u32 v12, $0x20;
	v50 =	vld [tilespmem:s17+$0x160C0]  }
0x3b2: {  	v7 =	vadd.s32 v7, v13;
	[tilespmem:v22+s2+$0x0] =	vst.idx.add.f32.msk vm5, v3  }
0x3b3: {  	v51 =	vsub.s32 v26, v1;
	vm11 =	vlt.u32 v8, $0x20;
	v53 =	vsub.s32 v27, v1;
	[tilespmem:v21+s2+$0x0] =	vst.idx.add.f32.msk vm3, v3  }
0x3b4: {  	v52 =	vshll.u32 v51, $0xB;
	vm9 =	vlt.u32 v51, $0x20;
	v54 =	vshll.u32 v53, $0xB;
	[tilespmem:v10+s2+$0x0] =	vst.idx.add.f32.msk vm6, v3  }
0x3b5: {  	v13 =	vadd.s32 v25, v52;
	vm10 =	vlt.u32 v53, $0x20;
	v56 =	vsub.s32 v28, v1;
	[tilespmem:v9+s2+$0x0] =	vst.idx.add.f32.msk vm1, v3  }
0x3b6: {  	v55 =	vadd.s32 v15, v54;
	v57 =	vadd.s32 v23, v11;
	v58 =	vshll.u32 v56, $0xB;
	[tilespmem:v16+s2+$0x0] =	vst.idx.add.f32.msk vm7, v3  }
0x3b7: {  	vm12 =	vlt.u32 v56, $0x20;
	v60 =	vsub.s32 v50, v1;
	v61 =	vsub.s32 v48, v1;
	[tilespmem:v7+s2+$0x0] =	vst.idx.add.f32.msk vm8, v3  }
0x3b8: {  	v59 =	vadd.s32 v29, v58;
	vm13 =	vlt.u32 v60, $0x20;
	v11 =	vshll.u32 v60, $0xB;
	[tilespmem:v17+s2+$0x0] =	vst.idx.add.f32.msk vm4, v3  }
0x3b9: {  	v62 =	vshll.u32 v61, $0xB;
	vm14 =	vlt.u32 v61, $0x20;
	v11 =	vadd.s32 v49, v11;
	[tilespmem:v14+s2+$0x0] =	vst.idx.add.f32.msk vm2, v3  }
0x3ba: {  	vm15 =	vlt.u32 v5, $0x20;
	v63 =	vadd.s32 v47, v62;
	[tilespmem:v13+s2+$0x0] =	vst.idx.add.f32.msk vm9, v3  }
0x3bb: {  	s16 =	sadd.s32 $0x1, s16;
	[tilespmem:v55+s2+$0x0] =	vst.idx.add.f32.msk vm10, v3  }
0x3bc: {  	p0 =	sne.s32 s16, $0x8;
	[tilespmem:v57+s2+$0x0] =	vst.idx.add.f32.msk vm11, v3  }
.Ltmp7:
0x3bd: {  	[tilespmem:v59+s2+$0x0] =	vst.idx.add.f32.msk vm12, v3;
	(pc) =	sbr.rel @p0 .LBB2_12-.Ltmp7, $4  }
0x3be: {  	[tilespmem:v11+s2+$0x0] =	vst.idx.add.f32.msk vm13, v3  }
0x3bf: {  	[tilespmem:v63+s2+$0x0] =	vst.idx.add.f32.msk vm14, v3  }
0x3c0: {  	[tilespmem:v4+s2+$0x0] =	vst.idx.add.f32.msk vm15, v3  }
0x3c1: {  	[tilespmem:v6+s2+$0x0] =	vst.idx.add.f32.msk vm0, v3  }
0x3c2: {  	s15 =	sadd.s32 $0x1, s15  }
0x3c3: {  	p0 =	sne.s32 s15, s7  }
.Ltmp8:
0x3c4: {  	_ = 	snop;
	(pc) =	sbr.rel @p0 .LBB2_1-.Ltmp8, $4  }
0x3c5: {  	[hbm4b:s6+s2] =	stream.linear.scatter [tilespmem:s2], [sflag:$0x3], $0x10000, $0x38;
	[tilespmem:$0x18000] =	vst v63  }
0x3c6: {  	_ =	swait.ge [sflag:s14], $0x10000  }
0x3c7: {  	[sflag:s14] =	ssyncset.done $0x0  }
0x3c8: {  	[sflag:s14] =	ssyncadd.s32 $0xFFFF0000  }
0x3c9: {  	_ =	sfence.sel $0x180000  }
0x3ca: {  	[bflag:$0x0] =	sbarrier.arrive $0xFFFF  }
0x3cb: {  	p0 =	sne.s32 s1, $0x0;
	_ =	strace $0x90000047  }
0x3cc: {  	s0 =	sadd.s32 @!p0 $0x100000, s0;
	[bflag:$0x2] =	sbarrier.arrive $0xFFFF  }
0x3cd: {  	[sflag:s0] =	ssyncadd.tile.s32 @!p0 $0x1;
	_ =	shalt  }
.Lfunc_end2:
_tile_overlayer_lowered:
.L_overlay_start_2:
0x3ce: {  	(tag) =	ssettag $0x2  }
0x3cf: {  	s0 =	rddreg [dreg:$0x0];
	s2 =	stileid.u32  }
0x3d0: {  	s1 =	rddreg [dreg:$0x1];
	p0 =	sne.s32 s2, $0x0  }
0x3d1: {  	s3 =	rddreg [dreg:$0x2];
	[bflag:$0x3] =	sbarrier.arrive $0xFFFF;
	s2 =	simm.s32 @!p0 $0x1C03  }
0x3d2: {  	[timem:s3], [sflag:s2] =	dma.local @!p0 [hbm:s0], s1  }
0x3d3: {  	s0 =	simm.s32 @!p0 $0x3  }
0x3d4: {  	_ =	swait.ge @!p0 [sflag:s0], s1  }
0x3d5: {  	s1 =	ssub.s32 @!p0 $0x0, s1;
	[sflag:s0] =	ssyncset.done @!p0 $0x0  }
0x3d6: {  	[sflag:s0] =	ssyncadd.s32 @!p0 s1  }
0x3d7: {  	[bflag:$0x3] =	sbarrier.arrive $0xFFFF  }
0x3d8: {  	_ =	shalt  }

</sc_bundles>
